<compile_context>
chip_gen: v7x
topology: tpu7x:2x2x1
jax: 0.10.2.dev20260603
libtpu: 0.0.44.dev20260713+nightly
codegen_flags: <defaults>
</compile_context>

<pallas_src>
import functools

import jax
import jax.numpy as jnp
from jax import lax
from jax.experimental import pallas as pl
from jax.experimental.pallas import tpu as pltpu
from jax.experimental.pallas import tpu_sc as plsc

N = 10000
D = 128
M = 3
E = 320000

NP = 10240
NPA = 10272
HS = 10496
NW = 32
EPT = 10240
CHR = 64
NCH = EPT // CHR
BK = 1280
NB = NP // BK


def _mesh():
    return plsc.VectorSubcoreMesh(core_axis_name="c", subcore_axis_name="s")


def _deg_body(dstp, zeros1, ones, degp, dbuf, obuf, zbuf, hbuf, hist, sem):
    c = lax.axis_index("c")
    s = lax.axis_index("s")
    wid = s * 2 + c
    pltpu.async_copy(ones, obuf, sem).wait()
    pltpu.async_copy(zeros1, zbuf, sem).wait()
    for m in range(M):
        pltpu.async_copy(zbuf, hist.at[pl.ds(s * 656, 656)], sem).wait()
        pltpu.async_copy(dstp.at[m, wid], dbuf, sem).wait()
        plsc.subcore_barrier()

        @pl.loop(0, NCH)
        def _chunk(j):
            pltpu.sync_copy(obuf, hist.at[dbuf.at[j]], add=True)

        plsc.subcore_barrier()
        pltpu.async_copy(hist.at[pl.ds(s * 640, 640)], hbuf, sem).wait()
        pltpu.async_copy(hbuf,
                         degp.at[pl.ds((c * M + m) * NP + s * 640, 640)],
                         sem).wait()
        plsc.subcore_barrier()


def _deg_call(dstp, zeros1, ones):
    return pl.kernel(
        _deg_body,
        out_type=jax.ShapeDtypeStruct((2 * M * NP,), jnp.float32),
        mesh=_mesh(),
        scratch_types=[
            pltpu.VMEM((NCH, CHR), jnp.int32),
            pltpu.VMEM((CHR,), jnp.float32),
            pltpu.VMEM((656,), jnp.float32),
            pltpu.VMEM((640,), jnp.float32),
            pltpu.VMEM_SHARED((HS,), jnp.float32),
            pltpu.SemaphoreType.DMA,
        ],
    )(dstp, zeros1, ones)


def _agg_body(hpflat, srcp, dstp, zeros2, parts, sbuf, dbuf, rowsa, rowsb,
              acc, sem, semga, semgb):
    c = lax.axis_index("c")
    s = lax.axis_index("s")
    wid = s * 2 + c

    for m in range(M):
        pltpu.async_copy(zeros2, rowsa, sem).wait()
        for k in range(10):
            pltpu.async_copy(rowsa, acc.at[pl.ds(s * 642 + k * 64, 64)],
                             sem).wait()
        pltpu.async_copy(rowsa.at[pl.ds(0, 2)],
                         acc.at[pl.ds(s * 642 + 640, 2)], sem).wait()
        plsc.subcore_barrier()
        for half in range(2):
            pltpu.async_copy(srcp.at[m, wid, half], sbuf, sem).wait()
            pltpu.async_copy(dstp.at[m, wid, half], dbuf, sem).wait()

            def pair(h, _):
                j = h * 2
                da = pltpu.async_copy(hpflat.at[sbuf.at[j]], rowsa, semga)
                db = pltpu.async_copy(hpflat.at[sbuf.at[j + 1]], rowsb,
                                      semgb)
                da.wait()
                pltpu.sync_copy(rowsa, acc.at[dbuf.at[j]], add=True)
                db.wait()
                pltpu.sync_copy(rowsb, acc.at[dbuf.at[j + 1]], add=True)
                return 0

            lax.fori_loop(0, NCH // 4, pair, 0)
        plsc.subcore_barrier()
        for k in range(10):
            pltpu.async_copy(acc.at[pl.ds(s * 640 + k * 64, 64)], rowsa,
                             sem).wait()
            pltpu.async_copy(rowsa,
                             parts.at[c, m, pl.ds(s * 640 + k * 64, 64)],
                             sem).wait()
        plsc.subcore_barrier()


def _agg_call(hpflat, srcp, dstp, zeros2):
    return pl.kernel(
        _agg_body,
        out_type=jax.ShapeDtypeStruct((2, M, NP, D), jnp.float32),
        mesh=_mesh(),
        scratch_types=[
            pltpu.VMEM((NCH // 2, CHR), jnp.int32),
            pltpu.VMEM((NCH // 2, CHR), jnp.int32),
            pltpu.VMEM((CHR, D), jnp.float32),
            pltpu.VMEM((CHR, D), jnp.float32),
            pltpu.VMEM_SHARED((NPA, D), jnp.float32),
            pltpu.SemaphoreType.DMA,
            pltpu.SemaphoreType.DMA,
            pltpu.SemaphoreType.DMA,
        ],
    )(hpflat, srcp, dstp, zeros2)


def _hp_body(x_ref, w_ref, degp_ref, hp_ref):
    deg = degp_ref[0, :, 0] + degp_ref[0, :, 1] + 1.0
    dinv = lax.rsqrt(deg)
    h = jnp.dot(x_ref[...], w_ref[0], preferred_element_type=jnp.float32)
    hp_ref[0] = h * dinv[:, None]


def _hp_call(x_pad, W, degp_t):
    return pl.pallas_call(
        _hp_body,
        grid=(M, NB),
        in_specs=[
            pl.BlockSpec((BK, D), lambda m, i: (i, 0)),
            pl.BlockSpec((1, D, D), lambda m, i: (m, 0, 0)),
            pl.BlockSpec((1, BK, 2), lambda m, i: (m, i, 0)),
        ],
        out_specs=pl.BlockSpec((1, BK, D), lambda m, i: (m, i, 0)),
        out_shape=jax.ShapeDtypeStruct((M, NP, D), jnp.float32),
    )(x_pad, W, degp_t)


def _emb_body(parts_ref, hp_ref, degp_ref, b_ref, a_ref, wa_ref, ba_ref,
              e_ref, ssum_ref):
    i = pl.program_id(1)
    deg = degp_ref[0, :, 0] + degp_ref[0, :, 1] + 1.0
    dinv = lax.rsqrt(deg)
    o = (parts_ref[0, 0] + parts_ref[1, 0] + hp_ref[0]) * dinv[:, None] \
        + b_ref[0, 0][None, :]
    ee = jnp.maximum(o, 0.0) + a_ref[0, 0, 0] * jnp.minimum(o, 0.0)
    e_ref[0] = ee
    t = jnp.tanh(jnp.dot(ee, wa_ref[...], preferred_element_type=jnp.float32)
                 + ba_ref[0][None, :])
    rid = lax.broadcasted_iota(jnp.int32, (BK, D), 0) + i * BK
    t = jnp.where(rid < N, t, 0.0)
    ts = jnp.sum(t, axis=0)

    @pl.when(i == 0)
    def _():
        ssum_ref[0, 0] = ts

    @pl.when(i != 0)
    def _():
        ssum_ref[0, 0] = ssum_ref[0, 0] + ts


def _emb_call(parts, hp, degp_t, b, prelu_a, Wa, ba):
    return pl.pallas_call(
        _emb_body,
        grid=(M, NB),
        in_specs=[
            pl.BlockSpec((2, 1, BK, D), lambda m, i: (0, m, i, 0)),
            pl.BlockSpec((1, BK, D), lambda m, i: (m, i, 0)),
            pl.BlockSpec((1, BK, 2), lambda m, i: (m, i, 0)),
            pl.BlockSpec((1, 1, D), lambda m, i: (m, 0, 0)),
            pl.BlockSpec((1, 1, 1), lambda m, i: (m, 0, 0)),
            pl.BlockSpec((D, D), lambda m, i: (0, 0)),
            pl.BlockSpec((1, D), lambda m, i: (0, 0)),
        ],
        out_specs=[
            pl.BlockSpec((1, BK, D), lambda m, i: (m, i, 0)),
            pl.BlockSpec((1, 1, D), lambda m, i: (m, 0, 0)),
        ],
        out_shape=[
            jax.ShapeDtypeStruct((M, NP, D), jnp.float32),
            jax.ShapeDtypeStruct((M, 1, D), jnp.float32),
        ],
    )(parts, hp, degp_t, b.reshape(M, 1, D), prelu_a.reshape(M, 1, 1),
      Wa, ba.reshape(1, D))


def _comb_body(e_ref, ssum_ref, att_ref, z_ref):
    logits = jnp.sum(ssum_ref[:, 0, :] * att_ref[...], axis=1) / float(N)
    mx = jnp.max(logits)
    w = jnp.exp(logits - mx)
    beta = w / jnp.sum(w)
    z_ref[...] = (beta[0] * e_ref[0] + beta[1] * e_ref[1]
                  + beta[2] * e_ref[2])


def _comb_call(e, ssum, att):
    return pl.pallas_call(
        _comb_body,
        grid=(NB,),
        in_specs=[
            pl.BlockSpec((M, BK, D), lambda i: (0, i, 0)),
            pl.BlockSpec((M, 1, D), lambda i: (0, 0, 0)),
            pl.BlockSpec((1, D), lambda i: (0, 0)),
        ],
        out_specs=pl.BlockSpec((BK, D), lambda i: (i, 0)),
        out_shape=jax.ShapeDtypeStruct((NP, D), jnp.float32),
    )(e, ssum, att.reshape(1, D))


@jax.jit
def kernel(x, mp_edge_index, W, b, prelu_a, Wa, ba, att):
    src = mp_edge_index[:, 0, :].astype(jnp.int32)
    dst = mp_edge_index[:, 1, :].astype(jnp.int32)
    ept_real = E // NW
    src = src.reshape(M, NW, ept_real)
    dst = dst.reshape(M, NW, ept_real)
    pad = ((0, 0), (0, 0), (0, EPT - ept_real))
    srcp = jnp.pad(src, pad, constant_values=0)
    srcp = srcp + (jnp.arange(M, dtype=jnp.int32) * NP)[:, None, None]
    srcp = srcp.reshape(M, NW, NCH, CHR)
    dstp = jnp.pad(dst, pad, constant_values=NP).reshape(M, NW, NCH, CHR)
    srcp2 = srcp.reshape(M, NW, 2, NCH // 2, CHR)
    dstp2 = dstp.reshape(M, NW, 2, NCH // 2, CHR)

    zeros1 = jnp.zeros((656,), jnp.float32)
    zeros2 = jnp.zeros((CHR, D), jnp.float32)
    ones = jnp.ones((CHR,), jnp.float32)
    x_pad = jnp.pad(x, ((0, NP - N), (0, 0)))

    degp = _deg_call(dstp, zeros1, ones).reshape(2, M, NP)
    degp_t = jnp.transpose(degp, (1, 2, 0))
    hp = _hp_call(x_pad, W, degp_t)
    parts = _agg_call(hp.reshape(M * NP, D), srcp2, dstp2, zeros2)
    e, ssum = _emb_call(parts, hp, degp_t, b, prelu_a, Wa, ba)
    z = _comb_call(e, ssum, att)
    return z[:N]

# --- scband reference (transcript-rebuilt; emitter-appended) ---
"""Pipeline reference for scband-he-co-mp-encoder-38439957299978 (READ-ONLY COPY).

The authoritative reference and input builder live on the scoring server;
editing this copy changes nothing except your own understanding.
"""

import jax, jax.numpy as jnp
import numpy as np

N = 10000
D = 128
M = 3
E = 320000


def setup_inputs(seed: int = 0) -> dict:
    key = jax.random.key(seed)
    ks = jax.random.split(key, 8)
    x = jax.random.normal(ks[0], (N, D), dtype=jnp.float32)
    mp_edge_index = jax.random.randint(ks[1], (M, 2, E), 0, N)
    # GCN layer params (one per metapath), stacked
    W = jax.random.normal(ks[2], (M, D, D), dtype=jnp.float32) / np.sqrt(D)
    b = jnp.zeros((M, D), dtype=jnp.float32)
    prelu_a = jnp.full((M,), 0.25, dtype=jnp.float32)
    # inter-metapath (semantic) attention params
    Wa = jax.random.normal(ks[3], (D, D), dtype=jnp.float32) / np.sqrt(D)
    ba = jnp.zeros((D,), dtype=jnp.float32)
    att = jax.random.normal(ks[4], (D,), dtype=jnp.float32) * 0.1
    return {"x": x, "mp_edge_index": mp_edge_index, "W": W, "b": b,
            "prelu_a": prelu_a, "Wa": Wa, "ba": ba, "att": att}


def _gcn_conv(x, edge_index, W, b, a):
    # GCNConv with self-loops and symmetric deg^{-1/2} normalization, PReLU activation
    src = edge_index[0]
    dst = edge_index[1]
    n = x.shape[0]
    loop = jnp.arange(n)
    src = jnp.concatenate([src, loop])
    dst = jnp.concatenate([dst, loop])
    h = x @ W
    deg = jnp.zeros((n,), dtype=x.dtype).at[dst].add(1.0)
    dinv = jax.lax.rsqrt(deg)
    norm = dinv[src] * dinv[dst]
    msgs = h[src] * norm[:, None]
    out = jnp.zeros_like(h).at[dst].add(msgs) + b
    return jnp.maximum(out, 0.0) + a * jnp.minimum(out, 0.0)


def reference(x, mp_edge_index, W, b, prelu_a, Wa, ba, att):
    embeds = [_gcn_conv(x, mp_edge_index[i], W[i], b[i], prelu_a[i]) for i in range(M)]
    # HeCo inter-metapath attention (attn_drop=0 / eval)
    logits = []
    for e in embeds:
        sp = jnp.tanh(e @ Wa + ba).mean(axis=0)
        logits.append(jnp.dot(att, sp))
    beta = jax.nn.softmax(jnp.stack(logits))
    z_mp = beta[0] * embeds[0]
    for i in range(1, M):
        z_mp = z_mp + beta[i] * embeds[i]
    return z_mp

if __name__ == "__main__":
    import jax
    _d = setup_inputs()
    print(jax.jit(kernel)(*tuple(_d.values())))

</pallas_src>

<mosaic_0001>
#map = affine_map<(d0, d1) -> (0, 0)>
#map1 = affine_map<(d0, d1) -> (0, 0, 0, 0, 0)>
#map2 = affine_map<(d0, d1) -> (0, 0, 0, 0)>
module attributes {stable_mosaic.version = 14 : i64} {
  func.func @_agg_body(%arg0: i32, %arg1: i32, %arg2: memref<30720x128xf32, #tpu.memory_space<hbm>>, %arg3: memref<3x32x2x80x64xi32, #tpu.memory_space<hbm>>, %arg4: memref<3x32x2x80x64xi32, #tpu.memory_space<hbm>>, %arg5: memref<64x128xf32, #tpu.memory_space<hbm>>, %arg6: memref<2x3x10240x128xf32, #tpu.memory_space<hbm>>, %arg7: memref<80x64xi32, #tpu.memory_space<vmem>>, %arg8: memref<80x64xi32, #tpu.memory_space<vmem>>, %arg9: memref<64x128xf32, #tpu.memory_space<vmem>>, %arg10: memref<64x128xf32, #tpu.memory_space<vmem>>, %arg11: memref<10272x128xf32, #tpu.memory_space<vmem_shared>>, %arg12: memref<!tpu.dma_semaphore, #tpu.memory_space<semaphore_mem>>, %arg13: memref<!tpu.dma_semaphore, #tpu.memory_space<semaphore_mem>>, %arg14: memref<!tpu.dma_semaphore, #tpu.memory_space<semaphore_mem>>) attributes {dimension_semantics = [#tpu.dimension_semantics<core_parallel>, #tpu.dimension_semantics<subcore_parallel>], iteration_bounds = array<i64: 2, 16>, scalar_prefetch = 0 : i64, scratch_operands = 8 : i64, tpu.core_type = #tpu.core_type<sc_vector_subcore>, window_params = [{transform_indices = #map}, {transform_indices = #map1}, {transform_indices = #map1}, {transform_indices = #map}, {transform_indices = #map2}]} {
    %mul3A = arith.constant 2 : i32
    %mul3A_0 = arith.muli %arg1, %mul3A : i32
    %add3A = arith.addi %mul3A_0, %arg0 : i32
    tpu.enqueue_dma source(%arg5 : memref<64x128xf32, #tpu.memory_space<hbm>>) target(%arg9 : memref<64x128xf32, #tpu.memory_space<vmem>>) target_semaphore(%arg12 : memref<!tpu.dma_semaphore, #tpu.memory_space<semaphore_mem>>)
    tpu.wait_dma2 semaphore(%arg12 : memref<!tpu.dma_semaphore, #tpu.memory_space<semaphore_mem>>) src(%arg5 : memref<64x128xf32, #tpu.memory_space<hbm>>) dst(%arg9 : memref<64x128xf32, #tpu.memory_space<vmem>>)
    %mul3A_1 = arith.constant 642 : i32
    %mul3A_2 = arith.muli %arg1, %mul3A_1 : i32
    %add3A_3 = arith.constant 0 : i32
    %add3A_4 = arith.addi %mul3A_2, %add3A_3 : i32
    %dma_start3A = arith.constant 0 : i32
    %dma_start3A_5 = tpu.memref_slice %arg11[%add3A_4, %dma_start3A] : memref<10272x128xf32, #tpu.memory_space<vmem_shared>> -> memref<64x128xf32, #tpu.memory_space<vmem_shared>>
    %dma_start3A_6 = arith.constant 0 : i32
    %dma_start3A_7 = tpu.memref_slice %arg11[%add3A_4, %dma_start3A_6] : memref<10272x128xf32, #tpu.memory_space<vmem_shared>> -> memref<64x128xf32, #tpu.memory_space<vmem_shared>>
    tpu.enqueue_dma source(%arg9 : memref<64x128xf32, #tpu.memory_space<vmem>>) target(%dma_start3A_7 : memref<64x128xf32, #tpu.memory_space<vmem_shared>>) target_semaphore(%arg12 : memref<!tpu.dma_semaphore, #tpu.memory_space<semaphore_mem>>)
    %dma_wait3A = arith.constant 0 : i32
    %dma_wait3A_8 = tpu.memref_slice %arg11[%add3A_4, %dma_wait3A] : memref<10272x128xf32, #tpu.memory_space<vmem_shared>> -> memref<64x128xf32, #tpu.memory_space<vmem_shared>>
    %dma_wait3A_9 = arith.constant 0 : i32
    %dma_wait3A_10 = tpu.memref_slice %arg11[%add3A_4, %dma_wait3A_9] : memref<10272x128xf32, #tpu.memory_space<vmem_shared>> -> memref<64x128xf32, #tpu.memory_space<vmem_shared>>
    tpu.wait_dma2 semaphore(%arg12 : memref<!tpu.dma_semaphore, #tpu.memory_space<semaphore_mem>>) src(%arg9 : memref<64x128xf32, #tpu.memory_space<vmem>>) dst(%dma_wait3A_10 : memref<64x128xf32, #tpu.memory_space<vmem_shared>>)
    %mul3A_11 = arith.constant 642 : i32
    %mul3A_12 = arith.muli %arg1, %mul3A_11 : i32
    %add3A_13 = arith.constant 64 : i32
    %add3A_14 = arith.addi %mul3A_12, %add3A_13 : i32
    %dma_start3A_15 = arith.constant 0 : i32
    %dma_start3A_16 = tpu.memref_slice %arg11[%add3A_14, %dma_start3A_15] : memref<10272x128xf32, #tpu.memory_space<vmem_shared>> -> memref<64x128xf32, #tpu.memory_space<vmem_shared>>
    %dma_start3A_17 = arith.constant 0 : i32
    %dma_start3A_18 = tpu.memref_slice %arg11[%add3A_14, %dma_start3A_17] : memref<10272x128xf32, #tpu.memory_space<vmem_shared>> -> memref<64x128xf32, #tpu.memory_space<vmem_shared>>
    tpu.enqueue_dma source(%arg9 : memref<64x128xf32, #tpu.memory_space<vmem>>) target(%dma_start3A_18 : memref<64x128xf32, #tpu.memory_space<vmem_shared>>) target_semaphore(%arg12 : memref<!tpu.dma_semaphore, #tpu.memory_space<semaphore_mem>>)
    %dma_wait3A_19 = arith.constant 0 : i32
    %dma_wait3A_20 = tpu.memref_slice %arg11[%add3A_14, %dma_wait3A_19] : memref<10272x128xf32, #tpu.memory_space<vmem_shared>> -> memref<64x128xf32, #tpu.memory_space<vmem_shared>>
    %dma_wait3A_21 = arith.constant 0 : i32
    %dma_wait3A_22 = tpu.memref_slice %arg11[%add3A_14, %dma_wait3A_21] : memref<10272x128xf32, #tpu.memory_space<vmem_shared>> -> memref<64x128xf32, #tpu.memory_space<vmem_shared>>
    tpu.wait_dma2 semaphore(%arg12 : memref<!tpu.dma_semaphore, #tpu.memory_space<semaphore_mem>>) src(%arg9 : memref<64x128xf32, #tpu.memory_space<vmem>>) dst(%dma_wait3A_22 : memref<64x128xf32, #tpu.memory_space<vmem_shared>>)
    %mul3A_23 = arith.constant 642 : i32
    %mul3A_24 = arith.muli %arg1, %mul3A_23 : i32
    %add3A_25 = arith.constant 128 : i32
    %add3A_26 = arith.addi %mul3A_24, %add3A_25 : i32
    %dma_start3A_27 = arith.constant 0 : i32
    %dma_start3A_28 = tpu.memref_slice %arg11[%add3A_26, %dma_start3A_27] : memref<10272x128xf32, #tpu.memory_space<vmem_shared>> -> memref<64x128xf32, #tpu.memory_space<vmem_shared>>
    %dma_start3A_29 = arith.constant 0 : i32
    %dma_start3A_30 = tpu.memref_slice %arg11[%add3A_26, %dma_start3A_29] : memref<10272x128xf32, #tpu.memory_space<vmem_shared>> -> memref<64x128xf32, #tpu.memory_space<vmem_shared>>
    tpu.enqueue_dma source(%arg9 : memref<64x128xf32, #tpu.memory_space<vmem>>) target(%dma_start3A_30 : memref<64x128xf32, #tpu.memory_space<vmem_shared>>) target_semaphore(%arg12 : memref<!tpu.dma_semaphore, #tpu.memory_space<semaphore_mem>>)
    %dma_wait3A_31 = arith.constant 0 : i32
    %dma_wait3A_32 = tpu.memref_slice %arg11[%add3A_26, %dma_wait3A_31] : memref<10272x128xf32, #tpu.memory_space<vmem_shared>> -> memref<64x128xf32, #tpu.memory_space<vmem_shared>>
    %dma_wait3A_33 = arith.constant 0 : i32
    %dma_wait3A_34 = tpu.memref_slice %arg11[%add3A_26, %dma_wait3A_33] : memref<10272x128xf32, #tpu.memory_space<vmem_shared>> -> memref<64x128xf32, #tpu.memory_space<vmem_shared>>
    tpu.wait_dma2 semaphore(%arg12 : memref<!tpu.dma_semaphore, #tpu.memory_space<semaphore_mem>>) src(%arg9 : memref<64x128xf32, #tpu.memory_space<vmem>>) dst(%dma_wait3A_34 : memref<64x128xf32, #tpu.memory_space<vmem_shared>>)
    %mul3A_35 = arith.constant 642 : i32
    %mul3A_36 = arith.muli %arg1, %mul3A_35 : i32
    %add3A_37 = arith.constant 192 : i32
    %add3A_38 = arith.addi %mul3A_36, %add3A_37 : i32
    %dma_start3A_39 = arith.constant 0 : i32
    %dma_start3A_40 = tpu.memref_slice %arg11[%add3A_38, %dma_start3A_39] : memref<10272x128xf32, #tpu.memory_space<vmem_shared>> -> memref<64x128xf32, #tpu.memory_space<vmem_shared>>
    %dma_start3A_41 = arith.constant 0 : i32
    %dma_start3A_42 = tpu.memref_slice %arg11[%add3A_38, %dma_start3A_41] : memref<10272x128xf32, #tpu.memory_space<vmem_shared>> -> memref<64x128xf32, #tpu.memory_space<vmem_shared>>
    tpu.enqueue_dma source(%arg9 : memref<64x128xf32, #tpu.memory_space<vmem>>) target(%dma_start3A_42 : memref<64x128xf32, #tpu.memory_space<vmem_shared>>) target_semaphore(%arg12 : memref<!tpu.dma_semaphore, #tpu.memory_space<semaphore_mem>>)
    %dma_wait3A_43 = arith.constant 0 : i32
    %dma_wait3A_44 = tpu.memref_slice %arg11[%add3A_38, %dma_wait3A_43] : memref<10272x128xf32, #tpu.memory_space<vmem_shared>> -> memref<64x128xf32, #tpu.memory_space<vmem_shared>>
    %dma_wait3A_45 = arith.constant 0 : i32
    %dma_wait3A_46 = tpu.memref_slice %arg11[%add3A_38, %dma_wait3A_45] : memref<10272x128xf32, #tpu.memory_space<vmem_shared>> -> memref<64x128xf32, #tpu.memory_space<vmem_shared>>
    tpu.wait_dma2 semaphore(%arg12 : memref<!tpu.dma_semaphore, #tpu.memory_space<semaphore_mem>>) src(%arg9 : memref<64x128xf32, #tpu.memory_space<vmem>>) dst(%dma_wait3A_46 : memref<64x128xf32, #tpu.memory_space<vmem_shared>>)
    %mul3A_47 = arith.constant 642 : i32
    %mul3A_48 = arith.muli %arg1, %mul3A_47 : i32
    %add3A_49 = arith.constant 256 : i32
    %add3A_50 = arith.addi %mul3A_48, %add3A_49 : i32
    %dma_start3A_51 = arith.constant 0 : i32
    %dma_start3A_52 = tpu.memref_slice %arg11[%add3A_50, %dma_start3A_51] : memref<10272x128xf32, #tpu.memory_space<vmem_shared>> -> memref<64x128xf32, #tpu.memory_space<vmem_shared>>
    %dma_start3A_53 = arith.constant 0 : i32
    %dma_start3A_54 = tpu.memref_slice %arg11[%add3A_50, %dma_start3A_53] : memref<10272x128xf32, #tpu.memory_space<vmem_shared>> -> memref<64x128xf32, #tpu.memory_space<vmem_shared>>
    tpu.enqueue_dma source(%arg9 : memref<64x128xf32, #tpu.memory_space<vmem>>) target(%dma_start3A_54 : memref<64x128xf32, #tpu.memory_space<vmem_shared>>) target_semaphore(%arg12 : memref<!tpu.dma_semaphore, #tpu.memory_space<semaphore_mem>>)
    %dma_wait3A_55 = arith.constant 0 : i32
    %dma_wait3A_56 = tpu.memref_slice %arg11[%add3A_50, %dma_wait3A_55] : memref<10272x128xf32, #tpu.memory_space<vmem_shared>> -> memref<64x128xf32, #tpu.memory_space<vmem_shared>>
    %dma_wait3A_57 = arith.constant 0 : i32
    %dma_wait3A_58 = tpu.memref_slice %arg11[%add3A_50, %dma_wait3A_57] : memref<10272x128xf32, #tpu.memory_space<vmem_shared>> -> memref<64x128xf32, #tpu.memory_space<vmem_shared>>
    tpu.wait_dma2 semaphore(%arg12 : memref<!tpu.dma_semaphore, #tpu.memory_space<semaphore_mem>>) src(%arg9 : memref<64x128xf32, #tpu.memory_space<vmem>>) dst(%dma_wait3A_58 : memref<64x128xf32, #tpu.memory_space<vmem_shared>>)
    %mul3A_59 = arith.constant 642 : i32
    %mul3A_60 = arith.muli %arg1, %mul3A_59 : i32
    %add3A_61 = arith.constant 320 : i32
    %add3A_62 = arith.addi %mul3A_60, %add3A_61 : i32
    %dma_start3A_63 = arith.constant 0 : i32
    %dma_start3A_64 = tpu.memref_slice %arg11[%add3A_62, %dma_start3A_63] : memref<10272x128xf32, #tpu.memory_space<vmem_shared>> -> memref<64x128xf32, #tpu.memory_space<vmem_shared>>
    %dma_start3A_65 = arith.constant 0 : i32
    %dma_start3A_66 = tpu.memref_slice %arg11[%add3A_62, %dma_start3A_65] : memref<10272x128xf32, #tpu.memory_space<vmem_shared>> -> memref<64x128xf32, #tpu.memory_space<vmem_shared>>
    tpu.enqueue_dma source(%arg9 : memref<64x128xf32, #tpu.memory_space<vmem>>) target(%dma_start3A_66 : memref<64x128xf32, #tpu.memory_space<vmem_shared>>) target_semaphore(%arg12 : memref<!tpu.dma_semaphore, #tpu.memory_space<semaphore_mem>>)
    %dma_wait3A_67 = arith.constant 0 : i32
    %dma_wait3A_68 = tpu.memref_slice %arg11[%add3A_62, %dma_wait3A_67] : memref<10272x128xf32, #tpu.memory_space<vmem_shared>> -> memref<64x128xf32, #tpu.memory_space<vmem_shared>>
    %dma_wait3A_69 = arith.constant 0 : i32
    %dma_wait3A_70 = tpu.memref_slice %arg11[%add3A_62, %dma_wait3A_69] : memref<10272x128xf32, #tpu.memory_space<vmem_shared>> -> memref<64x128xf32, #tpu.memory_space<vmem_shared>>
    tpu.wait_dma2 semaphore(%arg12 : memref<!tpu.dma_semaphore, #tpu.memory_space<semaphore_mem>>) src(%arg9 : memref<64x128xf32, #tpu.memory_space<vmem>>) dst(%dma_wait3A_70 : memref<64x128xf32, #tpu.memory_space<vmem_shared>>)
    %mul3A_71 = arith.constant 642 : i32
    %mul3A_72 = arith.muli %arg1, %mul3A_71 : i32
    %add3A_73 = arith.constant 384 : i32
    %add3A_74 = arith.addi %mul3A_72, %add3A_73 : i32
    %dma_start3A_75 = arith.constant 0 : i32
    %dma_start3A_76 = tpu.memref_slice %arg11[%add3A_74, %dma_start3A_75] : memref<10272x128xf32, #tpu.memory_space<vmem_shared>> -> memref<64x128xf32, #tpu.memory_space<vmem_shared>>
    %dma_start3A_77 = arith.constant 0 : i32
    %dma_start3A_78 = tpu.memref_slice %arg11[%add3A_74, %dma_start3A_77] : memref<10272x128xf32, #tpu.memory_space<vmem_shared>> -> memref<64x128xf32, #tpu.memory_space<vmem_shared>>
    tpu.enqueue_dma source(%arg9 : memref<64x128xf32, #tpu.memory_space<vmem>>) target(%dma_start3A_78 : memref<64x128xf32, #tpu.memory_space<vmem_shared>>) target_semaphore(%arg12 : memref<!tpu.dma_semaphore, #tpu.memory_space<semaphore_mem>>)
    %dma_wait3A_79 = arith.constant 0 : i32
    %dma_wait3A_80 = tpu.memref_slice %arg11[%add3A_74, %dma_wait3A_79] : memref<10272x128xf32, #tpu.memory_space<vmem_shared>> -> memref<64x128xf32, #tpu.memory_space<vmem_shared>>
    %dma_wait3A_81 = arith.constant 0 : i32
    %dma_wait3A_82 = tpu.memref_slice %arg11[%add3A_74, %dma_wait3A_81] : memref<10272x128xf32, #tpu.memory_space<vmem_shared>> -> memref<64x128xf32, #tpu.memory_space<vmem_shared>>
    tpu.wait_dma2 semaphore(%arg12 : memref<!tpu.dma_semaphore, #tpu.memory_space<semaphore_mem>>) src(%arg9 : memref<64x128xf32, #tpu.memory_space<vmem>>) dst(%dma_wait3A_82 : memref<64x128xf32, #tpu.memory_space<vmem_shared>>)
    %mul3A_83 = arith.constant 642 : i32
    %mul3A_84 = arith.muli %arg1, %mul3A_83 : i32
    %add3A_85 = arith.constant 448 : i32
    %add3A_86 = arith.addi %mul3A_84, %add3A_85 : i32
    %dma_start3A_87 = arith.constant 0 : i32
    %dma_start3A_88 = tpu.memref_slice %arg11[%add3A_86, %dma_start3A_87] : memref<10272x128xf32, #tpu.memory_space<vmem_shared>> -> memref<64x128xf32, #tpu.memory_space<vmem_shared>>
    %dma_start3A_89 = arith.constant 0 : i32
    %dma_start3A_90 = tpu.memref_slice %arg11[%add3A_86, %dma_start3A_89] : memref<10272x128xf32, #tpu.memory_space<vmem_shared>> -> memref<64x128xf32, #tpu.memory_space<vmem_shared>>
    tpu.enqueue_dma source(%arg9 : memref<64x128xf32, #tpu.memory_space<vmem>>) target(%dma_start3A_90 : memref<64x128xf32, #tpu.memory_space<vmem_shared>>) target_semaphore(%arg12 : memref<!tpu.dma_semaphore, #tpu.memory_space<semaphore_mem>>)
    %dma_wait3A_91 = arith.constant 0 : i32
    %dma_wait3A_92 = tpu.memref_slice %arg11[%add3A_86, %dma_wait3A_91] : memref<10272x128xf32, #tpu.memory_space<vmem_shared>> -> memref<64x128xf32, #tpu.memory_space<vmem_shared>>
    %dma_wait3A_93 = arith.constant 0 : i32
    %dma_wait3A_94 = tpu.memref_slice %arg11[%add3A_86, %dma_wait3A_93] : memref<10272x128xf32, #tpu.memory_space<vmem_shared>> -> memref<64x128xf32, #tpu.memory_space<vmem_shared>>
    tpu.wait_dma2 semaphore(%arg12 : memref<!tpu.dma_semaphore, #tpu.memory_space<semaphore_mem>>) src(%arg9 : memref<64x128xf32, #tpu.memory_space<vmem>>) dst(%dma_wait3A_94 : memref<64x128xf32, #tpu.memory_space<vmem_shared>>)
    %mul3A_95 = arith.constant 642 : i32
    %mul3A_96 = arith.muli %arg1, %mul3A_95 : i32
    %add3A_97 = arith.constant 512 : i32
    %add3A_98 = arith.addi %mul3A_96, %add3A_97 : i32
    %dma_start3A_99 = arith.constant 0 : i32
    %dma_start3A_100 = tpu.memref_slice %arg11[%add3A_98, %dma_start3A_99] : memref<10272x128xf32, #tpu.memory_space<vmem_shared>> -> memref<64x128xf32, #tpu.memory_space<vmem_shared>>
    %dma_start3A_101 = arith.constant 0 : i32
    %dma_start3A_102 = tpu.memref_slice %arg11[%add3A_98, %dma_start3A_101] : memref<10272x128xf32, #tpu.memory_space<vmem_shared>> -> memref<64x128xf32, #tpu.memory_space<vmem_shared>>
    tpu.enqueue_dma source(%arg9 : memref<64x128xf32, #tpu.memory_space<vmem>>) target(%dma_start3A_102 : memref<64x128xf32, #tpu.memory_space<vmem_shared>>) target_semaphore(%arg12 : memref<!tpu.dma_semaphore, #tpu.memory_space<semaphore_mem>>)
    %dma_wait3A_103 = arith.constant 0 : i32
    %dma_wait3A_104 = tpu.memref_slice %arg11[%add3A_98, %dma_wait3A_103] : memref<10272x128xf32, #tpu.memory_space<vmem_shared>> -> memref<64x128xf32, #tpu.memory_space<vmem_shared>>
    %dma_wait3A_105 = arith.constant 0 : i32
    %dma_wait3A_106 = tpu.memref_slice %arg11[%add3A_98, %dma_wait3A_105] : memref<10272x128xf32, #tpu.memory_space<vmem_shared>> -> memref<64x128xf32, #tpu.memory_space<vmem_shared>>
    tpu.wait_dma2 semaphore(%arg12 : memref<!tpu.dma_semaphore, #tpu.memory_space<semaphore_mem>>) src(%arg9 : memref<64x128xf32, #tpu.memory_space<vmem>>) dst(%dma_wait3A_106 : memref<64x128xf32, #tpu.memory_space<vmem_shared>>)
    %mul3A_107 = arith.constant 642 : i32
    %mul3A_108 = arith.muli %arg1, %mul3A_107 : i32
    %add3A_109 = arith.constant 576 : i32
    %add3A_110 = arith.addi %mul3A_108, %add3A_109 : i32
    %dma_start3A_111 = arith.constant 0 : i32
    %dma_start3A_112 = tpu.memref_slice %arg11[%add3A_110, %dma_start3A_111] : memref<10272x128xf32, #tpu.memory_space<vmem_shared>> -> memref<64x128xf32, #tpu.memory_space<vmem_shared>>
    %dma_start3A_113 = arith.constant 0 : i32
    %dma_start3A_114 = tpu.memref_slice %arg11[%add3A_110, %dma_start3A_113] : memref<10272x128xf32, #tpu.memory_space<vmem_shared>> -> memref<64x128xf32, #tpu.memory_space<vmem_shared>>
    tpu.enqueue_dma source(%arg9 : memref<64x128xf32, #tpu.memory_space<vmem>>) target(%dma_start3A_114 : memref<64x128xf32, #tpu.memory_space<vmem_shared>>) target_semaphore(%arg12 : memref<!tpu.dma_semaphore, #tpu.memory_space<semaphore_mem>>)
    %dma_wait3A_115 = arith.constant 0 : i32
    %dma_wait3A_116 = tpu.memref_slice %arg11[%add3A_110, %dma_wait3A_115] : memref<10272x128xf32, #tpu.memory_space<vmem_shared>> -> memref<64x128xf32, #tpu.memory_space<vmem_shared>>
    %dma_wait3A_117 = arith.constant 0 : i32
    %dma_wait3A_118 = tpu.memref_slice %arg11[%add3A_110, %dma_wait3A_117] : memref<10272x128xf32, #tpu.memory_space<vmem_shared>> -> memref<64x128xf32, #tpu.memory_space<vmem_shared>>
    tpu.wait_dma2 semaphore(%arg12 : memref<!tpu.dma_semaphore, #tpu.memory_space<semaphore_mem>>) src(%arg9 : memref<64x128xf32, #tpu.memory_space<vmem>>) dst(%dma_wait3A_118 : memref<64x128xf32, #tpu.memory_space<vmem_shared>>)
    %mul3A_119 = arith.constant 642 : i32
    %mul3A_120 = arith.muli %arg1, %mul3A_119 : i32
    %add3A_121 = arith.constant 640 : i32
    %add3A_122 = arith.addi %mul3A_120, %add3A_121 : i32
    %dma_start3A_123 = arith.constant 0 : i32
    %dma_start3A_124 = arith.constant 0 : i32
    %dma_start3A_125 = tpu.memref_slice %arg9[%dma_start3A_123, %dma_start3A_124] : memref<64x128xf32, #tpu.memory_space<vmem>> -> memref<2x128xf32, #tpu.memory_space<vmem>>
    %dma_start3A_126 = arith.constant 0 : i32
    %dma_start3A_127 = tpu.memref_slice %arg11[%add3A_122, %dma_start3A_126] : memref<10272x128xf32, #tpu.memory_space<vmem_shared>> -> memref<2x128xf32, #tpu.memory_space<vmem_shared>>
    %dma_start3A_128 = arith.constant 0 : i32
    %dma_start3A_129 = tpu.memref_slice %arg11[%add3A_122, %dma_start3A_128] : memref<10272x128xf32, #tpu.memory_space<vmem_shared>> -> memref<2x128xf32, #tpu.memory_space<vmem_shared>>
    %dma_start3A_130 = arith.constant 0 : i32
    %dma_start3A_131 = arith.constant 0 : i32
    %dma_start3A_132 = tpu.memref_slice %arg9[%dma_start3A_130, %dma_start3A_131] : memref<64x128xf32, #tpu.memory_space<vmem>> -> memref<2x128xf32, #tpu.memory_space<vmem>>
    tpu.enqueue_dma source(%dma_start3A_132 : memref<2x128xf32, #tpu.memory_space<vmem>>) target(%dma_start3A_129 : memref<2x128xf32, #tpu.memory_space<vmem_shared>>) target_semaphore(%arg12 : memref<!tpu.dma_semaphore, #tpu.memory_space<semaphore_mem>>)
    %dma_wait3A_133 = arith.constant 0 : i32
    %dma_wait3A_134 = arith.constant 0 : i32
    %dma_wait3A_135 = tpu.memref_slice %arg9[%dma_wait3A_133, %dma_wait3A_134] : memref<64x128xf32, #tpu.memory_space<vmem>> -> memref<2x128xf32, #tpu.memory_space<vmem>>
    %dma_wait3A_136 = arith.constant 0 : i32
    %dma_wait3A_137 = tpu.memref_slice %arg11[%add3A_122, %dma_wait3A_136] : memref<10272x128xf32, #tpu.memory_space<vmem_shared>> -> memref<2x128xf32, #tpu.memory_space<vmem_shared>>
    %dma_wait3A_138 = arith.constant 0 : i32
    %dma_wait3A_139 = tpu.memref_slice %arg11[%add3A_122, %dma_wait3A_138] : memref<10272x128xf32, #tpu.memory_space<vmem_shared>> -> memref<2x128xf32, #tpu.memory_space<vmem_shared>>
    %dma_wait3A_140 = arith.constant 0 : i32
    %dma_wait3A_141 = arith.constant 0 : i32
    %dma_wait3A_142 = tpu.memref_slice %arg9[%dma_wait3A_140, %dma_wait3A_141] : memref<64x128xf32, #tpu.memory_space<vmem>> -> memref<2x128xf32, #tpu.memory_space<vmem>>
    tpu.wait_dma2 semaphore(%arg12 : memref<!tpu.dma_semaphore, #tpu.memory_space<semaphore_mem>>) src(%dma_wait3A_142 : memref<2x128xf32, #tpu.memory_space<vmem>>) dst(%dma_wait3A_139 : memref<2x128xf32, #tpu.memory_space<vmem_shared>>)
    %barrier3A = arith.constant 0 : index
    tpu.barrier barrier_id(%barrier3A)
    %dma_start3A_143 = arith.constant 0 : i32
    %dma_start3A_144 = arith.constant 0 : i32
    %dma_start3A_145 = arith.constant 0 : i32
    %dma_start3A_146 = arith.constant 0 : i32
    %dma_start3A_147 = tpu.memref_slice %arg3[%dma_start3A_143, %add3A, %dma_start3A_144, %dma_start3A_145, %dma_start3A_146] : memref<3x32x2x80x64xi32, #tpu.memory_space<hbm>> -> memref<1x1x1x80x64xi32, #tpu.memory_space<hbm>>
    %dma_start3A_148 = tpu.memref_squeeze %dma_start3A_147 : memref<1x1x1x80x64xi32, #tpu.memory_space<hbm>> -> memref<80x64xi32, #tpu.memory_space<hbm>>
    %dma_start3A_149 = arith.constant 0 : i32
    %dma_start3A_150 = arith.constant 0 : i32
    %dma_start3A_151 = tpu.memref_slice %arg3[%dma_start3A_143, %add3A, %dma_start3A_144, %dma_start3A_149, %dma_start3A_150] : memref<3x32x2x80x64xi32, #tpu.memory_space<hbm>> -> memref<1x1x1x80x64xi32, #tpu.memory_space<hbm>>
    %dma_start3A_152 = tpu.memref_squeeze %dma_start3A_151 : memref<1x1x1x80x64xi32, #tpu.memory_space<hbm>> -> memref<80x64xi32, #tpu.memory_space<hbm>>
    tpu.enqueue_dma source(%dma_start3A_152 : memref<80x64xi32, #tpu.memory_space<hbm>>) target(%arg7 : memref<80x64xi32, #tpu.memory_space<vmem>>) target_semaphore(%arg12 : memref<!tpu.dma_semaphore, #tpu.memory_space<semaphore_mem>>)
    %dma_wait3A_153 = arith.constant 0 : i32
    %dma_wait3A_154 = arith.constant 0 : i32
    %dma_wait3A_155 = arith.constant 0 : i32
    %dma_wait3A_156 = arith.constant 0 : i32
    %dma_wait3A_157 = tpu.memref_slice %arg3[%dma_wait3A_153, %add3A, %dma_wait3A_154, %dma_wait3A_155, %dma_wait3A_156] : memref<3x32x2x80x64xi32, #tpu.memory_space<hbm>> -> memref<1x1x1x80x64xi32, #tpu.memory_space<hbm>>
    %dma_wait3A_158 = tpu.memref_squeeze %dma_wait3A_157 : memref<1x1x1x80x64xi32, #tpu.memory_space<hbm>> -> memref<80x64xi32, #tpu.memory_space<hbm>>
    %dma_wait3A_159 = arith.constant 0 : i32
    %dma_wait3A_160 = arith.constant 0 : i32
    %dma_wait3A_161 = tpu.memref_slice %arg3[%dma_wait3A_153, %add3A, %dma_wait3A_154, %dma_wait3A_159, %dma_wait3A_160] : memref<3x32x2x80x64xi32, #tpu.memory_space<hbm>> -> memref<1x1x1x80x64xi32, #tpu.memory_space<hbm>>
    %dma_wait3A_162 = tpu.memref_squeeze %dma_wait3A_161 : memref<1x1x1x80x64xi32, #tpu.memory_space<hbm>> -> memref<80x64xi32, #tpu.memory_space<hbm>>
    tpu.wait_dma2 semaphore(%arg12 : memref<!tpu.dma_semaphore, #tpu.memory_space<semaphore_mem>>) src(%dma_wait3A_162 : memref<80x64xi32, #tpu.memory_space<hbm>>) dst(%arg7 : memref<80x64xi32, #tpu.memory_space<vmem>>)
    %dma_start3A_163 = arith.constant 0 : i32
    %dma_start3A_164 = arith.constant 0 : i32
    %dma_start3A_165 = arith.constant 0 : i32
    %dma_start3A_166 = arith.constant 0 : i32
    %dma_start3A_167 = tpu.memref_slice %arg4[%dma_start3A_163, %add3A, %dma_start3A_164, %dma_start3A_165, %dma_start3A_166] : memref<3x32x2x80x64xi32, #tpu.memory_space<hbm>> -> memref<1x1x1x80x64xi32, #tpu.memory_space<hbm>>
    %dma_start3A_168 = tpu.memref_squeeze %dma_start3A_167 : memref<1x1x1x80x64xi32, #tpu.memory_space<hbm>> -> memref<80x64xi32, #tpu.memory_space<hbm>>
    %dma_start3A_169 = arith.constant 0 : i32
    %dma_start3A_170 = arith.constant 0 : i32
    %dma_start3A_171 = tpu.memref_slice %arg4[%dma_start3A_163, %add3A, %dma_start3A_164, %dma_start3A_169, %dma_start3A_170] : memref<3x32x2x80x64xi32, #tpu.memory_space<hbm>> -> memref<1x1x1x80x64xi32, #tpu.memory_space<hbm>>
    %dma_start3A_172 = tpu.memref_squeeze %dma_start3A_171 : memref<1x1x1x80x64xi32, #tpu.memory_space<hbm>> -> memref<80x64xi32, #tpu.memory_space<hbm>>
    tpu.enqueue_dma source(%dma_start3A_172 : memref<80x64xi32, #tpu.memory_space<hbm>>) target(%arg8 : memref<80x64xi32, #tpu.memory_space<vmem>>) target_semaphore(%arg12 : memref<!tpu.dma_semaphore, #tpu.memory_space<semaphore_mem>>)
    %dma_wait3A_173 = arith.constant 0 : i32
    %dma_wait3A_174 = arith.constant 0 : i32
    %dma_wait3A_175 = arith.constant 0 : i32
    %dma_wait3A_176 = arith.constant 0 : i32
    %dma_wait3A_177 = tpu.memref_slice %arg4[%dma_wait3A_173, %add3A, %dma_wait3A_174, %dma_wait3A_175, %dma_wait3A_176] : memref<3x32x2x80x64xi32, #tpu.memory_space<hbm>> -> memref<1x1x1x80x64xi32, #tpu.memory_space<hbm>>
    %dma_wait3A_178 = tpu.memref_squeeze %dma_wait3A_177 : memref<1x1x1x80x64xi32, #tpu.memory_space<hbm>> -> memref<80x64xi32, #tpu.memory_space<hbm>>
    %dma_wait3A_179 = arith.constant 0 : i32
    %dma_wait3A_180 = arith.constant 0 : i32
    %dma_wait3A_181 = tpu.memref_slice %arg4[%dma_wait3A_173, %add3A, %dma_wait3A_174, %dma_wait3A_179, %dma_wait3A_180] : memref<3x32x2x80x64xi32, #tpu.memory_space<hbm>> -> memref<1x1x1x80x64xi32, #tpu.memory_space<hbm>>
    %dma_wait3A_182 = tpu.memref_squeeze %dma_wait3A_181 : memref<1x1x1x80x64xi32, #tpu.memory_space<hbm>> -> memref<80x64xi32, #tpu.memory_space<hbm>>
    tpu.wait_dma2 semaphore(%arg12 : memref<!tpu.dma_semaphore, #tpu.memory_space<semaphore_mem>>) src(%dma_wait3A_182 : memref<80x64xi32, #tpu.memory_space<hbm>>) dst(%arg8 : memref<80x64xi32, #tpu.memory_space<vmem>>)
    %scan3A = arith.constant 0 : i32
    %scan3A_183 = arith.constant 0 : i32
    %scan3A_184 = arith.constant 40 : i32
    %scan3A_185 = arith.addi %scan3A_183, %scan3A_184 : i32
    %scan3A_186 = arith.constant 1 : i32
    %scan3A_187 = scf.for %scan3A_1620 = %scan3A_183 to %scan3A_185 step %scan3A_186 iter_args(%scan3A_1621 = %scan3A) -> (i32)  : i32 {
      %mul3A_1622 = arith.constant 2 : i32
      %mul3A_1623 = arith.muli %scan3A_1620, %mul3A_1622 : i32
      %dma_start3A_1624 = arith.constant 0 : i32
      %dma_start3A_1625 = tpu.memref_slice %arg7[%mul3A_1623, %dma_start3A_1624] : memref<80x64xi32, #tpu.memory_space<vmem>> -> memref<1x64xi32, #tpu.memory_space<vmem>>
      %dma_start3A_1626 = tpu.memref_squeeze %dma_start3A_1625 : memref<1x64xi32, #tpu.memory_space<vmem>> -> memref<64xi32, #tpu.memory_space<vmem>>
      %dma_start3A_1627 = arith.constant 0 : i32
      %dma_start3A_1628 = arith.constant 0 : i32
      %dma_start3A_1629 = tpu.memref_slice %arg2[%dma_start3A_1627, %dma_start3A_1628] : memref<30720x128xf32, #tpu.memory_space<hbm>> -> memref<30720x128xf32, #tpu.memory_space<hbm>>
      tpu.enqueue_indirect_dma source(%dma_start3A_1629 : memref<30720x128xf32, #tpu.memory_space<hbm>>) target(%arg9 : memref<64x128xf32, #tpu.memory_space<vmem>>) offsets(%dma_start3A_1626 : memref<64xi32, #tpu.memory_space<vmem>>) semaphore(%arg13 : memref<!tpu.dma_semaphore, #tpu.memory_space<semaphore_mem>>)
      %add3A_1630 = arith.constant 1 : i32
      %add3A_1631 = arith.addi %mul3A_1623, %add3A_1630 : i32
      %dma_start3A_1632 = arith.constant 0 : i32
      %dma_start3A_1633 = tpu.memref_slice %arg7[%add3A_1631, %dma_start3A_1632] : memref<80x64xi32, #tpu.memory_space<vmem>> -> memref<1x64xi32, #tpu.memory_space<vmem>>
      %dma_start3A_1634 = tpu.memref_squeeze %dma_start3A_1633 : memref<1x64xi32, #tpu.memory_space<vmem>> -> memref<64xi32, #tpu.memory_space<vmem>>
      %dma_start3A_1635 = arith.constant 0 : i32
      %dma_start3A_1636 = arith.constant 0 : i32
      %dma_start3A_1637 = tpu.memref_slice %arg2[%dma_start3A_1635, %dma_start3A_1636] : memref<30720x128xf32, #tpu.memory_space<hbm>> -> memref<30720x128xf32, #tpu.memory_space<hbm>>
      tpu.enqueue_indirect_dma source(%dma_start3A_1637 : memref<30720x128xf32, #tpu.memory_space<hbm>>) target(%arg10 : memref<64x128xf32, #tpu.memory_space<vmem>>) offsets(%dma_start3A_1634 : memref<64xi32, #tpu.memory_space<vmem>>) semaphore(%arg14 : memref<!tpu.dma_semaphore, #tpu.memory_space<semaphore_mem>>)
      %dma_wait3A_1638 = arith.constant 0 : i32
      %dma_wait3A_1639 = tpu.memref_slice %arg7[%mul3A_1623, %dma_wait3A_1638] : memref<80x64xi32, #tpu.memory_space<vmem>> -> memref<1x64xi32, #tpu.memory_space<vmem>>
      %dma_wait3A_1640 = tpu.memref_squeeze %dma_wait3A_1639 : memref<1x64xi32, #tpu.memory_space<vmem>> -> memref<64xi32, #tpu.memory_space<vmem>>
      %dma_wait3A_1641 = arith.constant 0 : i32
      %dma_wait3A_1642 = arith.constant 0 : i32
      %dma_wait3A_1643 = tpu.memref_slice %arg2[%dma_wait3A_1641, %dma_wait3A_1642] : memref<30720x128xf32, #tpu.memory_space<hbm>> -> memref<30720x128xf32, #tpu.memory_space<hbm>>
      tpu.wait_indirect_dma semaphore(%arg13 : memref<!tpu.dma_semaphore, #tpu.memory_space<semaphore_mem>>) src(%dma_wait3A_1643 : memref<30720x128xf32, #tpu.memory_space<hbm>>) dst(%arg9 : memref<64x128xf32, #tpu.memory_space<vmem>>)
      "tpu.region"() ({
        %run_scoped3A = tpu.sem_alloc : memref<!tpu.dma_semaphore, #tpu.memory_space<semaphore_mem>>
        %dma_start3A_1653 = arith.constant 0 : i32
        %dma_start3A_1654 = tpu.memref_slice %arg8[%mul3A_1623, %dma_start3A_1653] : memref<80x64xi32, #tpu.memory_space<vmem>> -> memref<1x64xi32, #tpu.memory_space<vmem>>
        %dma_start3A_1655 = tpu.memref_squeeze %dma_start3A_1654 : memref<1x64xi32, #tpu.memory_space<vmem>> -> memref<64xi32, #tpu.memory_space<vmem>>
        %dma_start3A_1656 = arith.constant 0 : i32
        %dma_start3A_1657 = arith.constant 0 : i32
        %dma_start3A_1658 = tpu.memref_slice %arg11[%dma_start3A_1656, %dma_start3A_1657] : memref<10272x128xf32, #tpu.memory_space<vmem_shared>> -> memref<10272x128xf32, #tpu.memory_space<vmem_shared>>
        tpu.enqueue_indirect_dma source(%arg9 : memref<64x128xf32, #tpu.memory_space<vmem>>) target(%dma_start3A_1658 : memref<10272x128xf32, #tpu.memory_space<vmem_shared>>) offsets(%dma_start3A_1655 : memref<64xi32, #tpu.memory_space<vmem>>) semaphore(%run_scoped3A : memref<!tpu.dma_semaphore, #tpu.memory_space<semaphore_mem>>) {add = true}
        %dma_wait3A_1659 = arith.constant 0 : i32
        %dma_wait3A_1660 = tpu.memref_slice %arg8[%mul3A_1623, %dma_wait3A_1659] : memref<80x64xi32, #tpu.memory_space<vmem>> -> memref<1x64xi32, #tpu.memory_space<vmem>>
        %dma_wait3A_1661 = tpu.memref_squeeze %dma_wait3A_1660 : memref<1x64xi32, #tpu.memory_space<vmem>> -> memref<64xi32, #tpu.memory_space<vmem>>
        %dma_wait3A_1662 = arith.constant 0 : i32
        %dma_wait3A_1663 = arith.constant 0 : i32
        %dma_wait3A_1664 = tpu.memref_slice %arg11[%dma_wait3A_1662, %dma_wait3A_1663] : memref<10272x128xf32, #tpu.memory_space<vmem_shared>> -> memref<10272x128xf32, #tpu.memory_space<vmem_shared>>
        tpu.wait_indirect_dma semaphore(%run_scoped3A : memref<!tpu.dma_semaphore, #tpu.memory_space<semaphore_mem>>) src(%arg9 : memref<64x128xf32, #tpu.memory_space<vmem>>) dst(%dma_wait3A_1664 : memref<10272x128xf32, #tpu.memory_space<vmem_shared>>)
        tpu.yield
      }) : () -> ()
      %dma_wait3A_1644 = arith.constant 0 : i32
      %dma_wait3A_1645 = tpu.memref_slice %arg7[%add3A_1631, %dma_wait3A_1644] : memref<80x64xi32, #tpu.memory_space<vmem>> -> memref<1x64xi32, #tpu.memory_space<vmem>>
      %dma_wait3A_1646 = tpu.memref_squeeze %dma_wait3A_1645 : memref<1x64xi32, #tpu.memory_space<vmem>> -> memref<64xi32, #tpu.memory_space<vmem>>
      %dma_wait3A_1647 = arith.constant 0 : i32
      %dma_wait3A_1648 = arith.constant 0 : i32
      %dma_wait3A_1649 = tpu.memref_slice %arg2[%dma_wait3A_1647, %dma_wait3A_1648] : memref<30720x128xf32, #tpu.memory_space<hbm>> -> memref<30720x128xf32, #tpu.memory_space<hbm>>
      tpu.wait_indirect_dma semaphore(%arg14 : memref<!tpu.dma_semaphore, #tpu.memory_space<semaphore_mem>>) src(%dma_wait3A_1649 : memref<30720x128xf32, #tpu.memory_space<hbm>>) dst(%arg10 : memref<64x128xf32, #tpu.memory_space<vmem>>)
      %add3A_1650 = arith.constant 1 : i32
      %add3A_1651 = arith.addi %mul3A_1623, %add3A_1650 : i32
      "tpu.region"() ({
        %run_scoped3A = tpu.sem_alloc : memref<!tpu.dma_semaphore, #tpu.memory_space<semaphore_mem>>
        %dma_start3A_1653 = arith.constant 0 : i32
        %dma_start3A_1654 = tpu.memref_slice %arg8[%add3A_1651, %dma_start3A_1653] : memref<80x64xi32, #tpu.memory_space<vmem>> -> memref<1x64xi32, #tpu.memory_space<vmem>>
        %dma_start3A_1655 = tpu.memref_squeeze %dma_start3A_1654 : memref<1x64xi32, #tpu.memory_space<vmem>> -> memref<64xi32, #tpu.memory_space<vmem>>
        %dma_start3A_1656 = arith.constant 0 : i32
        %dma_start3A_1657 = arith.constant 0 : i32
        %dma_start3A_1658 = tpu.memref_slice %arg11[%dma_start3A_1656, %dma_start3A_1657] : memref<10272x128xf32, #tpu.memory_space<vmem_shared>> -> memref<10272x128xf32, #tpu.memory_space<vmem_shared>>
        tpu.enqueue_indirect_dma source(%arg10 : memref<64x128xf32, #tpu.memory_space<vmem>>) target(%dma_start3A_1658 : memref<10272x128xf32, #tpu.memory_space<vmem_shared>>) offsets(%dma_start3A_1655 : memref<64xi32, #tpu.memory_space<vmem>>) semaphore(%run_scoped3A : memref<!tpu.dma_semaphore, #tpu.memory_space<semaphore_mem>>) {add = true}
        %dma_wait3A_1659 = arith.constant 0 : i32
        %dma_wait3A_1660 = tpu.memref_slice %arg8[%add3A_1651, %dma_wait3A_1659] : memref<80x64xi32, #tpu.memory_space<vmem>> -> memref<1x64xi32, #tpu.memory_space<vmem>>
        %dma_wait3A_1661 = tpu.memref_squeeze %dma_wait3A_1660 : memref<1x64xi32, #tpu.memory_space<vmem>> -> memref<64xi32, #tpu.memory_space<vmem>>
        %dma_wait3A_1662 = arith.constant 0 : i32
        %dma_wait3A_1663 = arith.constant 0 : i32
        %dma_wait3A_1664 = tpu.memref_slice %arg11[%dma_wait3A_1662, %dma_wait3A_1663] : memref<10272x128xf32, #tpu.memory_space<vmem_shared>> -> memref<10272x128xf32, #tpu.memory_space<vmem_shared>>
        tpu.wait_indirect_dma semaphore(%run_scoped3A : memref<!tpu.dma_semaphore, #tpu.memory_space<semaphore_mem>>) src(%arg10 : memref<64x128xf32, #tpu.memory_space<vmem>>) dst(%dma_wait3A_1664 : memref<10272x128xf32, #tpu.memory_space<vmem_shared>>)
        tpu.yield
      }) : () -> ()
      %scan3A_1652 = arith.constant 0 : i32
      scf.yield %scan3A_1652 : i32
    }
    %scan3A_188 = arith.constant 40 : i32
    %dma_start3A_189 = arith.constant 0 : i32
    %dma_start3A_190 = arith.constant 1 : i32
    %dma_start3A_191 = arith.constant 0 : i32
    %dma_start3A_192 = arith.constant 0 : i32
    %dma_start3A_193 = tpu.memref_slice %arg3[%dma_start3A_189, %add3A, %dma_start3A_190, %dma_start3A_191, %dma_start3A_192] : memref<3x32x2x80x64xi32, #tpu.memory_space<hbm>> -> memref<1x1x1x80x64xi32, #tpu.memory_space<hbm>>
    %dma_start3A_194 = tpu.memref_squeeze %dma_start3A_193 : memref<1x1x1x80x64xi32, #tpu.memory_space<hbm>> -> memref<80x64xi32, #tpu.memory_space<hbm>>
    %dma_start3A_195 = arith.constant 0 : i32
    %dma_start3A_196 = arith.constant 0 : i32
    %dma_start3A_197 = tpu.memref_slice %arg3[%dma_start3A_189, %add3A, %dma_start3A_190, %dma_start3A_195, %dma_start3A_196] : memref<3x32x2x80x64xi32, #tpu.memory_space<hbm>> -> memref<1x1x1x80x64xi32, #tpu.memory_space<hbm>>
    %dma_start3A_198 = tpu.memref_squeeze %dma_start3A_197 : memref<1x1x1x80x64xi32, #tpu.memory_space<hbm>> -> memref<80x64xi32, #tpu.memory_space<hbm>>
    tpu.enqueue_dma source(%dma_start3A_198 : memref<80x64xi32, #tpu.memory_space<hbm>>) target(%arg7 : memref<80x64xi32, #tpu.memory_space<vmem>>) target_semaphore(%arg12 : memref<!tpu.dma_semaphore, #tpu.memory_space<semaphore_mem>>)
    %dma_wait3A_199 = arith.constant 0 : i32
    %dma_wait3A_200 = arith.constant 1 : i32
    %dma_wait3A_201 = arith.constant 0 : i32
    %dma_wait3A_202 = arith.constant 0 : i32
    %dma_wait3A_203 = tpu.memref_slice %arg3[%dma_wait3A_199, %add3A, %dma_wait3A_200, %dma_wait3A_201, %dma_wait3A_202] : memref<3x32x2x80x64xi32, #tpu.memory_space<hbm>> -> memref<1x1x1x80x64xi32, #tpu.memory_space<hbm>>
    %dma_wait3A_204 = tpu.memref_squeeze %dma_wait3A_203 : memref<1x1x1x80x64xi32, #tpu.memory_space<hbm>> -> memref<80x64xi32, #tpu.memory_space<hbm>>
    %dma_wait3A_205 = arith.constant 0 : i32
    %dma_wait3A_206 = arith.constant 0 : i32
    %dma_wait3A_207 = tpu.memref_slice %arg3[%dma_wait3A_199, %add3A, %dma_wait3A_200, %dma_wait3A_205, %dma_wait3A_206] : memref<3x32x2x80x64xi32, #tpu.memory_space<hbm>> -> memref<1x1x1x80x64xi32, #tpu.memory_space<hbm>>
    %dma_wait3A_208 = tpu.memref_squeeze %dma_wait3A_207 : memref<1x1x1x80x64xi32, #tpu.memory_space<hbm>> -> memref<80x64xi32, #tpu.memory_space<hbm>>
    tpu.wait_dma2 semaphore(%arg12 : memref<!tpu.dma_semaphore, #tpu.memory_space<semaphore_mem>>) src(%dma_wait3A_208 : memref<80x64xi32, #tpu.memory_space<hbm>>) dst(%arg7 : memref<80x64xi32, #tpu.memory_space<vmem>>)
    %dma_start3A_209 = arith.constant 0 : i32
    %dma_start3A_210 = arith.constant 1 : i32
    %dma_start3A_211 = arith.constant 0 : i32
    %dma_start3A_212 = arith.constant 0 : i32
    %dma_start3A_213 = tpu.memref_slice %arg4[%dma_start3A_209, %add3A, %dma_start3A_210, %dma_start3A_211, %dma_start3A_212] : memref<3x32x2x80x64xi32, #tpu.memory_space<hbm>> -> memref<1x1x1x80x64xi32, #tpu.memory_space<hbm>>
    %dma_start3A_214 = tpu.memref_squeeze %dma_start3A_213 : memref<1x1x1x80x64xi32, #tpu.memory_space<hbm>> -> memref<80x64xi32, #tpu.memory_space<hbm>>
    %dma_start3A_215 = arith.constant 0 : i32
    %dma_start3A_216 = arith.constant 0 : i32
    %dma_start3A_217 = tpu.memref_slice %arg4[%dma_start3A_209, %add3A, %dma_start3A_210, %dma_start3A_215, %dma_start3A_216] : memref<3x32x2x80x64xi32, #tpu.memory_space<hbm>> -> memref<1x1x1x80x64xi32, #tpu.memory_space<hbm>>
    %dma_start3A_218 = tpu.memref_squeeze %dma_start3A_217 : memref<1x1x1x80x64xi32, #tpu.memory_space<hbm>> -> memref<80x64xi32, #tpu.memory_space<hbm>>
    tpu.enqueue_dma source(%dma_start3A_218 : memref<80x64xi32, #tpu.memory_space<hbm>>) target(%arg8 : memref<80x64xi32, #tpu.memory_space<vmem>>) target_semaphore(%arg12 : memref<!tpu.dma_semaphore, #tpu.memory_space<semaphore_mem>>)
    %dma_wait3A_219 = arith.constant 0 : i32
    %dma_wait3A_220 = arith.constant 1 : i32
    %dma_wait3A_221 = arith.constant 0 : i32
    %dma_wait3A_222 = arith.constant 0 : i32
    %dma_wait3A_223 = tpu.memref_slice %arg4[%dma_wait3A_219, %add3A, %dma_wait3A_220, %dma_wait3A_221, %dma_wait3A_222] : memref<3x32x2x80x64xi32, #tpu.memory_space<hbm>> -> memref<1x1x1x80x64xi32, #tpu.memory_space<hbm>>
    %dma_wait3A_224 = tpu.memref_squeeze %dma_wait3A_223 : memref<1x1x1x80x64xi32, #tpu.memory_space<hbm>> -> memref<80x64xi32, #tpu.memory_space<hbm>>
    %dma_wait3A_225 = arith.constant 0 : i32
    %dma_wait3A_226 = arith.constant 0 : i32
    %dma_wait3A_227 = tpu.memref_slice %arg4[%dma_wait3A_219, %add3A, %dma_wait3A_220, %dma_wait3A_225, %dma_wait3A_226] : memref<3x32x2x80x64xi32, #tpu.memory_space<hbm>> -> memref<1x1x1x80x64xi32, #tpu.memory_space<hbm>>
    %dma_wait3A_228 = tpu.memref_squeeze %dma_wait3A_227 : memref<1x1x1x80x64xi32, #tpu.memory_space<hbm>> -> memref<80x64xi32, #tpu.memory_space<hbm>>
    tpu.wait_dma2 semaphore(%arg12 : memref<!tpu.dma_semaphore, #tpu.memory_space<semaphore_mem>>) src(%dma_wait3A_228 : memref<80x64xi32, #tpu.memory_space<hbm>>) dst(%arg8 : memref<80x64xi32, #tpu.memory_space<vmem>>)
    %scan3A_229 = arith.constant 0 : i32
    %scan3A_230 = arith.constant 0 : i32
    %scan3A_231 = arith.constant 40 : i32
    %scan3A_232 = arith.addi %scan3A_230, %scan3A_231 : i32
    %scan3A_233 = arith.constant 1 : i32
    %scan3A_234 = scf.for %scan3A_1620 = %scan3A_230 to %scan3A_232 step %scan3A_233 iter_args(%scan3A_1621 = %scan3A_229) -> (i32)  : i32 {
      %mul3A_1622 = arith.constant 2 : i32
      %mul3A_1623 = arith.muli %scan3A_1620, %mul3A_1622 : i32
      %dma_start3A_1624 = arith.constant 0 : i32
      %dma_start3A_1625 = tpu.memref_slice %arg7[%mul3A_1623, %dma_start3A_1624] : memref<80x64xi32, #tpu.memory_space<vmem>> -> memref<1x64xi32, #tpu.memory_space<vmem>>
      %dma_start3A_1626 = tpu.memref_squeeze %dma_start3A_1625 : memref<1x64xi32, #tpu.memory_space<vmem>> -> memref<64xi32, #tpu.memory_space<vmem>>
      %dma_start3A_1627 = arith.constant 0 : i32
      %dma_start3A_1628 = arith.constant 0 : i32
      %dma_start3A_1629 = tpu.memref_slice %arg2[%dma_start3A_1627, %dma_start3A_1628] : memref<30720x128xf32, #tpu.memory_space<hbm>> -> memref<30720x128xf32, #tpu.memory_space<hbm>>
      tpu.enqueue_indirect_dma source(%dma_start3A_1629 : memref<30720x128xf32, #tpu.memory_space<hbm>>) target(%arg9 : memref<64x128xf32, #tpu.memory_space<vmem>>) offsets(%dma_start3A_1626 : memref<64xi32, #tpu.memory_space<vmem>>) semaphore(%arg13 : memref<!tpu.dma_semaphore, #tpu.memory_space<semaphore_mem>>)
      %add3A_1630 = arith.constant 1 : i32
      %add3A_1631 = arith.addi %mul3A_1623, %add3A_1630 : i32
      %dma_start3A_1632 = arith.constant 0 : i32
      %dma_start3A_1633 = tpu.memref_slice %arg7[%add3A_1631, %dma_start3A_1632] : memref<80x64xi32, #tpu.memory_space<vmem>> -> memref<1x64xi32, #tpu.memory_space<vmem>>
      %dma_start3A_1634 = tpu.memref_squeeze %dma_start3A_1633 : memref<1x64xi32, #tpu.memory_space<vmem>> -> memref<64xi32, #tpu.memory_space<vmem>>
      %dma_start3A_1635 = arith.constant 0 : i32
      %dma_start3A_1636 = arith.constant 0 : i32
      %dma_start3A_1637 = tpu.memref_slice %arg2[%dma_start3A_1635, %dma_start3A_1636] : memref<30720x128xf32, #tpu.memory_space<hbm>> -> memref<30720x128xf32, #tpu.memory_space<hbm>>
      tpu.enqueue_indirect_dma source(%dma_start3A_1637 : memref<30720x128xf32, #tpu.memory_space<hbm>>) target(%arg10 : memref<64x128xf32, #tpu.memory_space<vmem>>) offsets(%dma_start3A_1634 : memref<64xi32, #tpu.memory_space<vmem>>) semaphore(%arg14 : memref<!tpu.dma_semaphore, #tpu.memory_space<semaphore_mem>>)
      %dma_wait3A_1638 = arith.constant 0 : i32
      %dma_wait3A_1639 = tpu.memref_slice %arg7[%mul3A_1623, %dma_wait3A_1638] : memref<80x64xi32, #tpu.memory_space<vmem>> -> memref<1x64xi32, #tpu.memory_space<vmem>>
      %dma_wait3A_1640 = tpu.memref_squeeze %dma_wait3A_1639 : memref<1x64xi32, #tpu.memory_space<vmem>> -> memref<64xi32, #tpu.memory_space<vmem>>
      %dma_wait3A_1641 = arith.constant 0 : i32
      %dma_wait3A_1642 = arith.constant 0 : i32
      %dma_wait3A_1643 = tpu.memref_slice %arg2[%dma_wait3A_1641, %dma_wait3A_1642] : memref<30720x128xf32, #tpu.memory_space<hbm>> -> memref<30720x128xf32, #tpu.memory_space<hbm>>
      tpu.wait_indirect_dma semaphore(%arg13 : memref<!tpu.dma_semaphore, #tpu.memory_space<semaphore_mem>>) src(%dma_wait3A_1643 : memref<30720x128xf32, #tpu.memory_space<hbm>>) dst(%arg9 : memref<64x128xf32, #tpu.memory_space<vmem>>)
      "tpu.region"() ({
        %run_scoped3A = tpu.sem_alloc : memref<!tpu.dma_semaphore, #tpu.memory_space<semaphore_mem>>
        %dma_start3A_1653 = arith.constant 0 : i32
        %dma_start3A_1654 = tpu.memref_slice %arg8[%mul3A_1623, %dma_start3A_1653] : memref<80x64xi32, #tpu.memory_space<vmem>> -> memref<1x64xi32, #tpu.memory_space<vmem>>
        %dma_start3A_1655 = tpu.memref_squeeze %dma_start3A_1654 : memref<1x64xi32, #tpu.memory_space<vmem>> -> memref<64xi32, #tpu.memory_space<vmem>>
        %dma_start3A_1656 = arith.constant 0 : i32
        %dma_start3A_1657 = arith.constant 0 : i32
        %dma_start3A_1658 = tpu.memref_slice %arg11[%dma_start3A_1656, %dma_start3A_1657] : memref<10272x128xf32, #tpu.memory_space<vmem_shared>> -> memref<10272x128xf32, #tpu.memory_space<vmem_shared>>
        tpu.enqueue_indirect_dma source(%arg9 : memref<64x128xf32, #tpu.memory_space<vmem>>) target(%dma_start3A_1658 : memref<10272x128xf32, #tpu.memory_space<vmem_shared>>) offsets(%dma_start3A_1655 : memref<64xi32, #tpu.memory_space<vmem>>) semaphore(%run_scoped3A : memref<!tpu.dma_semaphore, #tpu.memory_space<semaphore_mem>>) {add = true}
        %dma_wait3A_1659 = arith.constant 0 : i32
        %dma_wait3A_1660 = tpu.memref_slice %arg8[%mul3A_1623, %dma_wait3A_1659] : memref<80x64xi32, #tpu.memory_space<vmem>> -> memref<1x64xi32, #tpu.memory_space<vmem>>
        %dma_wait3A_1661 = tpu.memref_squeeze %dma_wait3A_1660 : memref<1x64xi32, #tpu.memory_space<vmem>> -> memref<64xi32, #tpu.memory_space<vmem>>
        %dma_wait3A_1662 = arith.constant 0 : i32
        %dma_wait3A_1663 = arith.constant 0 : i32
        %dma_wait3A_1664 = tpu.memref_slice %arg11[%dma_wait3A_1662, %dma_wait3A_1663] : memref<10272x128xf32, #tpu.memory_space<vmem_shared>> -> memref<10272x128xf32, #tpu.memory_space<vmem_shared>>
        tpu.wait_indirect_dma semaphore(%run_scoped3A : memref<!tpu.dma_semaphore, #tpu.memory_space<semaphore_mem>>) src(%arg9 : memref<64x128xf32, #tpu.memory_space<vmem>>) dst(%dma_wait3A_1664 : memref<10272x128xf32, #tpu.memory_space<vmem_shared>>)
        tpu.yield
      }) : () -> ()
      %dma_wait3A_1644 = arith.constant 0 : i32
      %dma_wait3A_1645 = tpu.memref_slice %arg7[%add3A_1631, %dma_wait3A_1644] : memref<80x64xi32, #tpu.memory_space<vmem>> -> memref<1x64xi32, #tpu.memory_space<vmem>>
      %dma_wait3A_1646 = tpu.memref_squeeze %dma_wait3A_1645 : memref<1x64xi32, #tpu.memory_space<vmem>> -> memref<64xi32, #tpu.memory_space<vmem>>
      %dma_wait3A_1647 = arith.constant 0 : i32
      %dma_wait3A_1648 = arith.constant 0 : i32
      %dma_wait3A_1649 = tpu.memref_slice %arg2[%dma_wait3A_1647, %dma_wait3A_1648] : memref<30720x128xf32, #tpu.memory_space<hbm>> -> memref<30720x128xf32, #tpu.memory_space<hbm>>
      tpu.wait_indirect_dma semaphore(%arg14 : memref<!tpu.dma_semaphore, #tpu.memory_space<semaphore_mem>>) src(%dma_wait3A_1649 : memref<30720x128xf32, #tpu.memory_space<hbm>>) dst(%arg10 : memref<64x128xf32, #tpu.memory_space<vmem>>)
      %add3A_1650 = arith.constant 1 : i32
      %add3A_1651 = arith.addi %mul3A_1623, %add3A_1650 : i32
      "tpu.region"() ({
        %run_scoped3A = tpu.sem_alloc : memref<!tpu.dma_semaphore, #tpu.memory_space<semaphore_mem>>
        %dma_start3A_1653 = arith.constant 0 : i32
        %dma_start3A_1654 = tpu.memref_slice %arg8[%add3A_1651, %dma_start3A_1653] : memref<80x64xi32, #tpu.memory_space<vmem>> -> memref<1x64xi32, #tpu.memory_space<vmem>>
        %dma_start3A_1655 = tpu.memref_squeeze %dma_start3A_1654 : memref<1x64xi32, #tpu.memory_space<vmem>> -> memref<64xi32, #tpu.memory_space<vmem>>
        %dma_start3A_1656 = arith.constant 0 : i32
        %dma_start3A_1657 = arith.constant 0 : i32
        %dma_start3A_1658 = tpu.memref_slice %arg11[%dma_start3A_1656, %dma_start3A_1657] : memref<10272x128xf32, #tpu.memory_space<vmem_shared>> -> memref<10272x128xf32, #tpu.memory_space<vmem_shared>>
        tpu.enqueue_indirect_dma source(%arg10 : memref<64x128xf32, #tpu.memory_space<vmem>>) target(%dma_start3A_1658 : memref<10272x128xf32, #tpu.memory_space<vmem_shared>>) offsets(%dma_start3A_1655 : memref<64xi32, #tpu.memory_space<vmem>>) semaphore(%run_scoped3A : memref<!tpu.dma_semaphore, #tpu.memory_space<semaphore_mem>>) {add = true}
        %dma_wait3A_1659 = arith.constant 0 : i32
        %dma_wait3A_1660 = tpu.memref_slice %arg8[%add3A_1651, %dma_wait3A_1659] : memref<80x64xi32, #tpu.memory_space<vmem>> -> memref<1x64xi32, #tpu.memory_space<vmem>>
        %dma_wait3A_1661 = tpu.memref_squeeze %dma_wait3A_1660 : memref<1x64xi32, #tpu.memory_space<vmem>> -> memref<64xi32, #tpu.memory_space<vmem>>
        %dma_wait3A_1662 = arith.constant 0 : i32
        %dma_wait3A_1663 = arith.constant 0 : i32
        %dma_wait3A_1664 = tpu.memref_slice %arg11[%dma_wait3A_1662, %dma_wait3A_1663] : memref<10272x128xf32, #tpu.memory_space<vmem_shared>> -> memref<10272x128xf32, #tpu.memory_space<vmem_shared>>
        tpu.wait_indirect_dma semaphore(%run_scoped3A : memref<!tpu.dma_semaphore, #tpu.memory_space<semaphore_mem>>) src(%arg10 : memref<64x128xf32, #tpu.memory_space<vmem>>) dst(%dma_wait3A_1664 : memref<10272x128xf32, #tpu.memory_space<vmem_shared>>)
        tpu.yield
      }) : () -> ()
      %scan3A_1652 = arith.constant 0 : i32
      scf.yield %scan3A_1652 : i32
    }
    %scan3A_235 = arith.constant 40 : i32
    %barrier3A_236 = arith.constant 0 : index
    tpu.barrier barrier_id(%barrier3A_236)
    %mul3A_237 = arith.constant 640 : i32
    %mul3A_238 = arith.muli %arg1, %mul3A_237 : i32
    %add3A_239 = arith.constant 0 : i32
    %add3A_240 = arith.addi %mul3A_238, %add3A_239 : i32
    %dma_start3A_241 = arith.constant 0 : i32
    %dma_start3A_242 = tpu.memref_slice %arg11[%add3A_240, %dma_start3A_241] : memref<10272x128xf32, #tpu.memory_space<vmem_shared>> -> memref<64x128xf32, #tpu.memory_space<vmem_shared>>
    %dma_start3A_243 = arith.constant 0 : i32
    %dma_start3A_244 = tpu.memref_slice %arg11[%add3A_240, %dma_start3A_243] : memref<10272x128xf32, #tpu.memory_space<vmem_shared>> -> memref<64x128xf32, #tpu.memory_space<vmem_shared>>
    tpu.enqueue_dma source(%dma_start3A_244 : memref<64x128xf32, #tpu.memory_space<vmem_shared>>) target(%arg9 : memref<64x128xf32, #tpu.memory_space<vmem>>) target_semaphore(%arg12 : memref<!tpu.dma_semaphore, #tpu.memory_space<semaphore_mem>>)
    %dma_wait3A_245 = arith.constant 0 : i32
    %dma_wait3A_246 = tpu.memref_slice %arg11[%add3A_240, %dma_wait3A_245] : memref<10272x128xf32, #tpu.memory_space<vmem_shared>> -> memref<64x128xf32, #tpu.memory_space<vmem_shared>>
    %dma_wait3A_247 = arith.constant 0 : i32
    %dma_wait3A_248 = tpu.memref_slice %arg11[%add3A_240, %dma_wait3A_247] : memref<10272x128xf32, #tpu.memory_space<vmem_shared>> -> memref<64x128xf32, #tpu.memory_space<vmem_shared>>
    tpu.wait_dma2 semaphore(%arg12 : memref<!tpu.dma_semaphore, #tpu.memory_space<semaphore_mem>>) src(%dma_wait3A_248 : memref<64x128xf32, #tpu.memory_space<vmem_shared>>) dst(%arg9 : memref<64x128xf32, #tpu.memory_space<vmem>>)
    %mul3A_249 = arith.constant 640 : i32
    %mul3A_250 = arith.muli %arg1, %mul3A_249 : i32
    %add3A_251 = arith.constant 0 : i32
    %add3A_252 = arith.addi %mul3A_250, %add3A_251 : i32
    %dma_start3A_253 = arith.constant 0 : i32
    %dma_start3A_254 = arith.constant 0 : i32
    %dma_start3A_255 = tpu.memref_slice %arg6[%arg0, %dma_start3A_253, %add3A_252, %dma_start3A_254] : memref<2x3x10240x128xf32, #tpu.memory_space<hbm>> -> memref<1x1x64x128xf32, #tpu.memory_space<hbm>>
    %dma_start3A_256 = tpu.memref_squeeze %dma_start3A_255 : memref<1x1x64x128xf32, #tpu.memory_space<hbm>> -> memref<64x128xf32, #tpu.memory_space<hbm>>
    %dma_start3A_257 = arith.constant 0 : i32
    %dma_start3A_258 = tpu.memref_slice %arg6[%arg0, %dma_start3A_253, %add3A_252, %dma_start3A_257] : memref<2x3x10240x128xf32, #tpu.memory_space<hbm>> -> memref<1x1x64x128xf32, #tpu.memory_space<hbm>>
    %dma_start3A_259 = tpu.memref_squeeze %dma_start3A_258 : memref<1x1x64x128xf32, #tpu.memory_space<hbm>> -> memref<64x128xf32, #tpu.memory_space<hbm>>
    tpu.enqueue_dma source(%arg9 : memref<64x128xf32, #tpu.memory_space<vmem>>) target(%dma_start3A_259 : memref<64x128xf32, #tpu.memory_space<hbm>>) target_semaphore(%arg12 : memref<!tpu.dma_semaphore, #tpu.memory_space<semaphore_mem>>)
    %dma_wait3A_260 = arith.constant 0 : i32
    %dma_wait3A_261 = arith.constant 0 : i32
    %dma_wait3A_262 = tpu.memref_slice %arg6[%arg0, %dma_wait3A_260, %add3A_252, %dma_wait3A_261] : memref<2x3x10240x128xf32, #tpu.memory_space<hbm>> -> memref<1x1x64x128xf32, #tpu.memory_space<hbm>>
    %dma_wait3A_263 = tpu.memref_squeeze %dma_wait3A_262 : memref<1x1x64x128xf32, #tpu.memory_space<hbm>> -> memref<64x128xf32, #tpu.memory_space<hbm>>
    %dma_wait3A_264 = arith.constant 0 : i32
    %dma_wait3A_265 = tpu.memref_slice %arg6[%arg0, %dma_wait3A_260, %add3A_252, %dma_wait3A_264] : memref<2x3x10240x128xf32, #tpu.memory_space<hbm>> -> memref<1x1x64x128xf32, #tpu.memory_space<hbm>>
    %dma_wait3A_266 = tpu.memref_squeeze %dma_wait3A_265 : memref<1x1x64x128xf32, #tpu.memory_space<hbm>> -> memref<64x128xf32, #tpu.memory_space<hbm>>
    tpu.wait_dma2 semaphore(%arg12 : memref<!tpu.dma_semaphore, #tpu.memory_space<semaphore_mem>>) src(%arg9 : memref<64x128xf32, #tpu.memory_space<vmem>>) dst(%dma_wait3A_266 : memref<64x128xf32, #tpu.memory_space<hbm>>)
    %mul3A_267 = arith.constant 640 : i32
    %mul3A_268 = arith.muli %arg1, %mul3A_267 : i32
    %add3A_269 = arith.constant 64 : i32
    %add3A_270 = arith.addi %mul3A_268, %add3A_269 : i32
    %dma_start3A_271 = arith.constant 0 : i32
    %dma_start3A_272 = tpu.memref_slice %arg11[%add3A_270, %dma_start3A_271] : memref<10272x128xf32, #tpu.memory_space<vmem_shared>> -> memref<64x128xf32, #tpu.memory_space<vmem_shared>>
    %dma_start3A_273 = arith.constant 0 : i32
    %dma_start3A_274 = tpu.memref_slice %arg11[%add3A_270, %dma_start3A_273] : memref<10272x128xf32, #tpu.memory_space<vmem_shared>> -> memref<64x128xf32, #tpu.memory_space<vmem_shared>>
    tpu.enqueue_dma source(%dma_start3A_274 : memref<64x128xf32, #tpu.memory_space<vmem_shared>>) target(%arg9 : memref<64x128xf32, #tpu.memory_space<vmem>>) target_semaphore(%arg12 : memref<!tpu.dma_semaphore, #tpu.memory_space<semaphore_mem>>)
    %dma_wait3A_275 = arith.constant 0 : i32
    %dma_wait3A_276 = tpu.memref_slice %arg11[%add3A_270, %dma_wait3A_275] : memref<10272x128xf32, #tpu.memory_space<vmem_shared>> -> memref<64x128xf32, #tpu.memory_space<vmem_shared>>
    %dma_wait3A_277 = arith.constant 0 : i32
    %dma_wait3A_278 = tpu.memref_slice %arg11[%add3A_270, %dma_wait3A_277] : memref<10272x128xf32, #tpu.memory_space<vmem_shared>> -> memref<64x128xf32, #tpu.memory_space<vmem_shared>>
    tpu.wait_dma2 semaphore(%arg12 : memref<!tpu.dma_semaphore, #tpu.memory_space<semaphore_mem>>) src(%dma_wait3A_278 : memref<64x128xf32, #tpu.memory_space<vmem_shared>>) dst(%arg9 : memref<64x128xf32, #tpu.memory_space<vmem>>)
    %mul3A_279 = arith.constant 640 : i32
    %mul3A_280 = arith.muli %arg1, %mul3A_279 : i32
    %add3A_281 = arith.constant 64 : i32
    %add3A_282 = arith.addi %mul3A_280, %add3A_281 : i32
    %dma_start3A_283 = arith.constant 0 : i32
    %dma_start3A_284 = arith.constant 0 : i32
    %dma_start3A_285 = tpu.memref_slice %arg6[%arg0, %dma_start3A_283, %add3A_282, %dma_start3A_284] : memref<2x3x10240x128xf32, #tpu.memory_space<hbm>> -> memref<1x1x64x128xf32, #tpu.memory_space<hbm>>
    %dma_start3A_286 = tpu.memref_squeeze %dma_start3A_285 : memref<1x1x64x128xf32, #tpu.memory_space<hbm>> -> memref<64x128xf32, #tpu.memory_space<hbm>>
    %dma_start3A_287 = arith.constant 0 : i32
    %dma_start3A_288 = tpu.memref_slice %arg6[%arg0, %dma_start3A_283, %add3A_282, %dma_start3A_287] : memref<2x3x10240x128xf32, #tpu.memory_space<hbm>> -> memref<1x1x64x128xf32, #tpu.memory_space<hbm>>
    %dma_start3A_289 = tpu.memref_squeeze %dma_start3A_288 : memref<1x1x64x128xf32, #tpu.memory_space<hbm>> -> memref<64x128xf32, #tpu.memory_space<hbm>>
    tpu.enqueue_dma source(%arg9 : memref<64x128xf32, #tpu.memory_space<vmem>>) target(%dma_start3A_289 : memref<64x128xf32, #tpu.memory_space<hbm>>) target_semaphore(%arg12 : memref<!tpu.dma_semaphore, #tpu.memory_space<semaphore_mem>>)
    %dma_wait3A_290 = arith.constant 0 : i32
    %dma_wait3A_291 = arith.constant 0 : i32
    %dma_wait3A_292 = tpu.memref_slice %arg6[%arg0, %dma_wait3A_290, %add3A_282, %dma_wait3A_291] : memref<2x3x10240x128xf32, #tpu.memory_space<hbm>> -> memref<1x1x64x128xf32, #tpu.memory_space<hbm>>
    %dma_wait3A_293 = tpu.memref_squeeze %dma_wait3A_292 : memref<1x1x64x128xf32, #tpu.memory_space<hbm>> -> memref<64x128xf32, #tpu.memory_space<hbm>>
    %dma_wait3A_294 = arith.constant 0 : i32
    %dma_wait3A_295 = tpu.memref_slice %arg6[%arg0, %dma_wait3A_290, %add3A_282, %dma_wait3A_294] : memref<2x3x10240x128xf32, #tpu.memory_space<hbm>> -> memref<1x1x64x128xf32, #tpu.memory_space<hbm>>
    %dma_wait3A_296 = tpu.memref_squeeze %dma_wait3A_295 : memref<1x1x64x128xf32, #tpu.memory_space<hbm>> -> memref<64x128xf32, #tpu.memory_space<hbm>>
    tpu.wait_dma2 semaphore(%arg12 : memref<!tpu.dma_semaphore, #tpu.memory_space<semaphore_mem>>) src(%arg9 : memref<64x128xf32, #tpu.memory_space<vmem>>) dst(%dma_wait3A_296 : memref<64x128xf32, #tpu.memory_space<hbm>>)
    %mul3A_297 = arith.constant 640 : i32
    %mul3A_298 = arith.muli %arg1, %mul3A_297 : i32
    %add3A_299 = arith.constant 128 : i32
    %add3A_300 = arith.addi %mul3A_298, %add3A_299 : i32
    %dma_start3A_301 = arith.constant 0 : i32
    %dma_start3A_302 = tpu.memref_slice %arg11[%add3A_300, %dma_start3A_301] : memref<10272x128xf32, #tpu.memory_space<vmem_shared>> -> memref<64x128xf32, #tpu.memory_space<vmem_shared>>
    %dma_start3A_303 = arith.constant 0 : i32
    %dma_start3A_304 = tpu.memref_slice %arg11[%add3A_300, %dma_start3A_303] : memref<10272x128xf32, #tpu.memory_space<vmem_shared>> -> memref<64x128xf32, #tpu.memory_space<vmem_shared>>
    tpu.enqueue_dma source(%dma_start3A_304 : memref<64x128xf32, #tpu.memory_space<vmem_shared>>) target(%arg9 : memref<64x128xf32, #tpu.memory_space<vmem>>) target_semaphore(%arg12 : memref<!tpu.dma_semaphore, #tpu.memory_space<semaphore_mem>>)
    %dma_wait3A_305 = arith.constant 0 : i32
    %dma_wait3A_306 = tpu.memref_slice %arg11[%add3A_300, %dma_wait3A_305] : memref<10272x128xf32, #tpu.memory_space<vmem_shared>> -> memref<64x128xf32, #tpu.memory_space<vmem_shared>>
    %dma_wait3A_307 = arith.constant 0 : i32
    %dma_wait3A_308 = tpu.memref_slice %arg11[%add3A_300, %dma_wait3A_307] : memref<10272x128xf32, #tpu.memory_space<vmem_shared>> -> memref<64x128xf32, #tpu.memory_space<vmem_shared>>
    tpu.wait_dma2 semaphore(%arg12 : memref<!tpu.dma_semaphore, #tpu.memory_space<semaphore_mem>>) src(%dma_wait3A_308 : memref<64x128xf32, #tpu.memory_space<vmem_shared>>) dst(%arg9 : memref<64x128xf32, #tpu.memory_space<vmem>>)
    %mul3A_309 = arith.constant 640 : i32
    %mul3A_310 = arith.muli %arg1, %mul3A_309 : i32
    %add3A_311 = arith.constant 128 : i32
    %add3A_312 = arith.addi %mul3A_310, %add3A_311 : i32
    %dma_start3A_313 = arith.constant 0 : i32
    %dma_start3A_314 = arith.constant 0 : i32
    %dma_start3A_315 = tpu.memref_slice %arg6[%arg0, %dma_start3A_313, %add3A_312, %dma_start3A_314] : memref<2x3x10240x128xf32, #tpu.memory_space<hbm>> -> memref<1x1x64x128xf32, #tpu.memory_space<hbm>>
    %dma_start3A_316 = tpu.memref_squeeze %dma_start3A_315 : memref<1x1x64x128xf32, #tpu.memory_space<hbm>> -> memref<64x128xf32, #tpu.memory_space<hbm>>
    %dma_start3A_317 = arith.constant 0 : i32
    %dma_start3A_318 = tpu.memref_slice %arg6[%arg0, %dma_start3A_313, %add3A_312, %dma_start3A_317] : memref<2x3x10240x128xf32, #tpu.memory_space<hbm>> -> memref<1x1x64x128xf32, #tpu.memory_space<hbm>>
    %dma_start3A_319 = tpu.memref_squeeze %dma_start3A_318 : memref<1x1x64x128xf32, #tpu.memory_space<hbm>> -> memref<64x128xf32, #tpu.memory_space<hbm>>
    tpu.enqueue_dma source(%arg9 : memref<64x128xf32, #tpu.memory_space<vmem>>) target(%dma_start3A_319 : memref<64x128xf32, #tpu.memory_space<hbm>>) target_semaphore(%arg12 : memref<!tpu.dma_semaphore, #tpu.memory_space<semaphore_mem>>)
    %dma_wait3A_320 = arith.constant 0 : i32
    %dma_wait3A_321 = arith.constant 0 : i32
    %dma_wait3A_322 = tpu.memref_slice %arg6[%arg0, %dma_wait3A_320, %add3A_312, %dma_wait3A_321] : memref<2x3x10240x128xf32, #tpu.memory_space<hbm>> -> memref<1x1x64x128xf32, #tpu.memory_space<hbm>>
    %dma_wait3A_323 = tpu.memref_squeeze %dma_wait3A_322 : memref<1x1x64x128xf32, #tpu.memory_space<hbm>> -> memref<64x128xf32, #tpu.memory_space<hbm>>
    %dma_wait3A_324 = arith.constant 0 : i32
    %dma_wait3A_325 = tpu.memref_slice %arg6[%arg0, %dma_wait3A_320, %add3A_312, %dma_wait3A_324] : memref<2x3x10240x128xf32, #tpu.memory_space<hbm>> -> memref<1x1x64x128xf32, #tpu.memory_space<hbm>>
    %dma_wait3A_326 = tpu.memref_squeeze %dma_wait3A_325 : memref<1x1x64x128xf32, #tpu.memory_space<hbm>> -> memref<64x128xf32, #tpu.memory_space<hbm>>
    tpu.wait_dma2 semaphore(%arg12 : memref<!tpu.dma_semaphore, #tpu.memory_space<semaphore_mem>>) src(%arg9 : memref<64x128xf32, #tpu.memory_space<vmem>>) dst(%dma_wait3A_326 : memref<64x128xf32, #tpu.memory_space<hbm>>)
    %mul3A_327 = arith.constant 640 : i32
    %mul3A_328 = arith.muli %arg1, %mul3A_327 : i32
    %add3A_329 = arith.constant 192 : i32
    %add3A_330 = arith.addi %mul3A_328, %add3A_329 : i32
    %dma_start3A_331 = arith.constant 0 : i32
    %dma_start3A_332 = tpu.memref_slice %arg11[%add3A_330, %dma_start3A_331] : memref<10272x128xf32, #tpu.memory_space<vmem_shared>> -> memref<64x128xf32, #tpu.memory_space<vmem_shared>>
    %dma_start3A_333 = arith.constant 0 : i32
    %dma_start3A_334 = tpu.memref_slice %arg11[%add3A_330, %dma_start3A_333] : memref<10272x128xf32, #tpu.memory_space<vmem_shared>> -> memref<64x128xf32, #tpu.memory_space<vmem_shared>>
    tpu.enqueue_dma source(%dma_start3A_334 : memref<64x128xf32, #tpu.memory_space<vmem_shared>>) target(%arg9 : memref<64x128xf32, #tpu.memory_space<vmem>>) target_semaphore(%arg12 : memref<!tpu.dma_semaphore, #tpu.memory_space<semaphore_mem>>)
    %dma_wait3A_335 = arith.constant 0 : i32
    %dma_wait3A_336 = tpu.memref_slice %arg11[%add3A_330, %dma_wait3A_335] : memref<10272x128xf32, #tpu.memory_space<vmem_shared>> -> memref<64x128xf32, #tpu.memory_space<vmem_shared>>
    %dma_wait3A_337 = arith.constant 0 : i32
    %dma_wait3A_338 = tpu.memref_slice %arg11[%add3A_330, %dma_wait3A_337] : memref<10272x128xf32, #tpu.memory_space<vmem_shared>> -> memref<64x128xf32, #tpu.memory_space<vmem_shared>>
    tpu.wait_dma2 semaphore(%arg12 : memref<!tpu.dma_semaphore, #tpu.memory_space<semaphore_mem>>) src(%dma_wait3A_338 : memref<64x128xf32, #tpu.memory_space<vmem_shared>>) dst(%arg9 : memref<64x128xf32, #tpu.memory_space<vmem>>)
    %mul3A_339 = arith.constant 640 : i32
    %mul3A_340 = arith.muli %arg1, %mul3A_339 : i32
    %add3A_341 = arith.constant 192 : i32
    %add3A_342 = arith.addi %mul3A_340, %add3A_341 : i32
    %dma_start3A_343 = arith.constant 0 : i32
    %dma_start3A_344 = arith.constant 0 : i32
    %dma_start3A_345 = tpu.memref_slice %arg6[%arg0, %dma_start3A_343, %add3A_342, %dma_start3A_344] : memref<2x3x10240x128xf32, #tpu.memory_space<hbm>> -> memref<1x1x64x128xf32, #tpu.memory_space<hbm>>
    %dma_start3A_346 = tpu.memref_squeeze %dma_start3A_345 : memref<1x1x64x128xf32, #tpu.memory_space<hbm>> -> memref<64x128xf32, #tpu.memory_space<hbm>>
    %dma_start3A_347 = arith.constant 0 : i32
    %dma_start3A_348 = tpu.memref_slice %arg6[%arg0, %dma_start3A_343, %add3A_342, %dma_start3A_347] : memref<2x3x10240x128xf32, #tpu.memory_space<hbm>> -> memref<1x1x64x128xf32, #tpu.memory_space<hbm>>
    %dma_start3A_349 = tpu.memref_squeeze %dma_start3A_348 : memref<1x1x64x128xf32, #tpu.memory_space<hbm>> -> memref<64x128xf32, #tpu.memory_space<hbm>>
    tpu.enqueue_dma source(%arg9 : memref<64x128xf32, #tpu.memory_space<vmem>>) target(%dma_start3A_349 : memref<64x128xf32, #tpu.memory_space<hbm>>) target_semaphore(%arg12 : memref<!tpu.dma_semaphore, #tpu.memory_space<semaphore_mem>>)
    %dma_wait3A_350 = arith.constant 0 : i32
    %dma_wait3A_351 = arith.constant 0 : i32
    %dma_wait3A_352 = tpu.memref_slice %arg6[%arg0, %dma_wait3A_350, %add3A_342, %dma_wait3A_351] : memref<2x3x10240x128xf32, #tpu.memory_space<hbm>> -> memref<1x1x64x128xf32, #tpu.memory_space<hbm>>
    %dma_wait3A_353 = tpu.memref_squeeze %dma_wait3A_352 : memref<1x1x64x128xf32, #tpu.memory_space<hbm>> -> memref<64x128xf32, #tpu.memory_space<hbm>>
    %dma_wait3A_354 = arith.constant 0 : i32
    %dma_wait3A_355 = tpu.memref_slice %arg6[%arg0, %dma_wait3A_350, %add3A_342, %dma_wait3A_354] : memref<2x3x10240x128xf32, #tpu.memory_space<hbm>> -> memref<1x1x64x128xf32, #tpu.memory_space<hbm>>
    %dma_wait3A_356 = tpu.memref_squeeze %dma_wait3A_355 : memref<1x1x64x128xf32, #tpu.memory_space<hbm>> -> memref<64x128xf32, #tpu.memory_space<hbm>>
    tpu.wait_dma2 semaphore(%arg12 : memref<!tpu.dma_semaphore, #tpu.memory_space<semaphore_mem>>) src(%arg9 : memref<64x128xf32, #tpu.memory_space<vmem>>) dst(%dma_wait3A_356 : memref<64x128xf32, #tpu.memory_space<hbm>>)
    %mul3A_357 = arith.constant 640 : i32
    %mul3A_358 = arith.muli %arg1, %mul3A_357 : i32
    %add3A_359 = arith.constant 256 : i32
    %add3A_360 = arith.addi %mul3A_358, %add3A_359 : i32
    %dma_start3A_361 = arith.constant 0 : i32
    %dma_start3A_362 = tpu.memref_slice %arg11[%add3A_360, %dma_start3A_361] : memref<10272x128xf32, #tpu.memory_space<vmem_shared>> -> memref<64x128xf32, #tpu.memory_space<vmem_shared>>
    %dma_start3A_363 = arith.constant 0 : i32
    %dma_start3A_364 = tpu.memref_slice %arg11[%add3A_360, %dma_start3A_363] : memref<10272x128xf32, #tpu.memory_space<vmem_shared>> -> memref<64x128xf32, #tpu.memory_space<vmem_shared>>
    tpu.enqueue_dma source(%dma_start3A_364 : memref<64x128xf32, #tpu.memory_space<vmem_shared>>) target(%arg9 : memref<64x128xf32, #tpu.memory_space<vmem>>) target_semaphore(%arg12 : memref<!tpu.dma_semaphore, #tpu.memory_space<semaphore_mem>>)
    %dma_wait3A_365 = arith.constant 0 : i32
    %dma_wait3A_366 = tpu.memref_slice %arg11[%add3A_360, %dma_wait3A_365] : memref<10272x128xf32, #tpu.memory_space<vmem_shared>> -> memref<64x128xf32, #tpu.memory_space<vmem_shared>>
    %dma_wait3A_367 = arith.constant 0 : i32
    %dma_wait3A_368 = tpu.memref_slice %arg11[%add3A_360, %dma_wait3A_367] : memref<10272x128xf32, #tpu.memory_space<vmem_shared>> -> memref<64x128xf32, #tpu.memory_space<vmem_shared>>
    tpu.wait_dma2 semaphore(%arg12 : memref<!tpu.dma_semaphore, #tpu.memory_space<semaphore_mem>>) src(%dma_wait3A_368 : memref<64x128xf32, #tpu.memory_space<vmem_shared>>) dst(%arg9 : memref<64x128xf32, #tpu.memory_space<vmem>>)
    %mul3A_369 = arith.constant 640 : i32
    %mul3A_370 = arith.muli %arg1, %mul3A_369 : i32
    %add3A_371 = arith.constant 256 : i32
    %add3A_372 = arith.addi %mul3A_370, %add3A_371 : i32
    %dma_start3A_373 = arith.constant 0 : i32
    %dma_start3A_374 = arith.constant 0 : i32
    %dma_start3A_375 = tpu.memref_slice %arg6[%arg0, %dma_start3A_373, %add3A_372, %dma_start3A_374] : memref<2x3x10240x128xf32, #tpu.memory_space<hbm>> -> memref<1x1x64x128xf32, #tpu.memory_space<hbm>>
    %dma_start3A_376 = tpu.memref_squeeze %dma_start3A_375 : memref<1x1x64x128xf32, #tpu.memory_space<hbm>> -> memref<64x128xf32, #tpu.memory_space<hbm>>
    %dma_start3A_377 = arith.constant 0 : i32
    %dma_start3A_378 = tpu.memref_slice %arg6[%arg0, %dma_start3A_373, %add3A_372, %dma_start3A_377] : memref<2x3x10240x128xf32, #tpu.memory_space<hbm>> -> memref<1x1x64x128xf32, #tpu.memory_space<hbm>>
    %dma_start3A_379 = tpu.memref_squeeze %dma_start3A_378 : memref<1x1x64x128xf32, #tpu.memory_space<hbm>> -> memref<64x128xf32, #tpu.memory_space<hbm>>
    tpu.enqueue_dma source(%arg9 : memref<64x128xf32, #tpu.memory_space<vmem>>) target(%dma_start3A_379 : memref<64x128xf32, #tpu.memory_space<hbm>>) target_semaphore(%arg12 : memref<!tpu.dma_semaphore, #tpu.memory_space<semaphore_mem>>)
    %dma_wait3A_380 = arith.constant 0 : i32
    %dma_wait3A_381 = arith.constant 0 : i32
    %dma_wait3A_382 = tpu.memref_slice %arg6[%arg0, %dma_wait3A_380, %add3A_372, %dma_wait3A_381] : memref<2x3x10240x128xf32, #tpu.memory_space<hbm>> -> memref<1x1x64x128xf32, #tpu.memory_space<hbm>>
    %dma_wait3A_383 = tpu.memref_squeeze %dma_wait3A_382 : memref<1x1x64x128xf32, #tpu.memory_space<hbm>> -> memref<64x128xf32, #tpu.memory_space<hbm>>
    %dma_wait3A_384 = arith.constant 0 : i32
    %dma_wait3A_385 = tpu.memref_slice %arg6[%arg0, %dma_wait3A_380, %add3A_372, %dma_wait3A_384] : memref<2x3x10240x128xf32, #tpu.memory_space<hbm>> -> memref<1x1x64x128xf32, #tpu.memory_space<hbm>>
    %dma_wait3A_386 = tpu.memref_squeeze %dma_wait3A_385 : memref<1x1x64x128xf32, #tpu.memory_space<hbm>> -> memref<64x128xf32, #tpu.memory_space<hbm>>
    tpu.wait_dma2 semaphore(%arg12 : memref<!tpu.dma_semaphore, #tpu.memory_space<semaphore_mem>>) src(%arg9 : memref<64x128xf32, #tpu.memory_space<vmem>>) dst(%dma_wait3A_386 : memref<64x128xf32, #tpu.memory_space<hbm>>)
    %mul3A_387 = arith.constant 640 : i32
    %mul3A_388 = arith.muli %arg1, %mul3A_387 : i32
    %add3A_389 = arith.constant 320 : i32
    %add3A_390 = arith.addi %mul3A_388, %add3A_389 : i32
    %dma_start3A_391 = arith.constant 0 : i32
    %dma_start3A_392 = tpu.memref_slice %arg11[%add3A_390, %dma_start3A_391] : memref<10272x128xf32, #tpu.memory_space<vmem_shared>> -> memref<64x128xf32, #tpu.memory_space<vmem_shared>>
    %dma_start3A_393 = arith.constant 0 : i32
    %dma_start3A_394 = tpu.memref_slice %arg11[%add3A_390, %dma_start3A_393] : memref<10272x128xf32, #tpu.memory_space<vmem_shared>> -> memref<64x128xf32, #tpu.memory_space<vmem_shared>>
    tpu.enqueue_dma source(%dma_start3A_394 : memref<64x128xf32, #tpu.memory_space<vmem_shared>>) target(%arg9 : memref<64x128xf32, #tpu.memory_space<vmem>>) target_semaphore(%arg12 : memref<!tpu.dma_semaphore, #tpu.memory_space<semaphore_mem>>)
    %dma_wait3A_395 = arith.constant 0 : i32
    %dma_wait3A_396 = tpu.memref_slice %arg11[%add3A_390, %dma_wait3A_395] : memref<10272x128xf32, #tpu.memory_space<vmem_shared>> -> memref<64x128xf32, #tpu.memory_space<vmem_shared>>
    %dma_wait3A_397 = arith.constant 0 : i32
    %dma_wait3A_398 = tpu.memref_slice %arg11[%add3A_390, %dma_wait3A_397] : memref<10272x128xf32, #tpu.memory_space<vmem_shared>> -> memref<64x128xf32, #tpu.memory_space<vmem_shared>>
    tpu.wait_dma2 semaphore(%arg12 : memref<!tpu.dma_semaphore, #tpu.memory_space<semaphore_mem>>) src(%dma_wait3A_398 : memref<64x128xf32, #tpu.memory_space<vmem_shared>>) dst(%arg9 : memref<64x128xf32, #tpu.memory_space<vmem>>)
    %mul3A_399 = arith.constant 640 : i32
    %mul3A_400 = arith.muli %arg1, %mul3A_399 : i32
    %add3A_401 = arith.constant 320 : i32
    %add3A_402 = arith.addi %mul3A_400, %add3A_401 : i32
    %dma_start3A_403 = arith.constant 0 : i32
    %dma_start3A_404 = arith.constant 0 : i32
    %dma_start3A_405 = tpu.memref_slice %arg6[%arg0, %dma_start3A_403, %add3A_402, %dma_start3A_404] : memref<2x3x10240x128xf32, #tpu.memory_space<hbm>> -> memref<1x1x64x128xf32, #tpu.memory_space<hbm>>
    %dma_start3A_406 = tpu.memref_squeeze %dma_start3A_405 : memref<1x1x64x128xf32, #tpu.memory_space<hbm>> -> memref<64x128xf32, #tpu.memory_space<hbm>>
    %dma_start3A_407 = arith.constant 0 : i32
    %dma_start3A_408 = tpu.memref_slice %arg6[%arg0, %dma_start3A_403, %add3A_402, %dma_start3A_407] : memref<2x3x10240x128xf32, #tpu.memory_space<hbm>> -> memref<1x1x64x128xf32, #tpu.memory_space<hbm>>
    %dma_start3A_409 = tpu.memref_squeeze %dma_start3A_408 : memref<1x1x64x128xf32, #tpu.memory_space<hbm>> -> memref<64x128xf32, #tpu.memory_space<hbm>>
    tpu.enqueue_dma source(%arg9 : memref<64x128xf32, #tpu.memory_space<vmem>>) target(%dma_start3A_409 : memref<64x128xf32, #tpu.memory_space<hbm>>) target_semaphore(%arg12 : memref<!tpu.dma_semaphore, #tpu.memory_space<semaphore_mem>>)
    %dma_wait3A_410 = arith.constant 0 : i32
    %dma_wait3A_411 = arith.constant 0 : i32
    %dma_wait3A_412 = tpu.memref_slice %arg6[%arg0, %dma_wait3A_410, %add3A_402, %dma_wait3A_411] : memref<2x3x10240x128xf32, #tpu.memory_space<hbm>> -> memref<1x1x64x128xf32, #tpu.memory_space<hbm>>
    %dma_wait3A_413 = tpu.memref_squeeze %dma_wait3A_412 : memref<1x1x64x128xf32, #tpu.memory_space<hbm>> -> memref<64x128xf32, #tpu.memory_space<hbm>>
    %dma_wait3A_414 = arith.constant 0 : i32
    %dma_wait3A_415 = tpu.memref_slice %arg6[%arg0, %dma_wait3A_410, %add3A_402, %dma_wait3A_414] : memref<2x3x10240x128xf32, #tpu.memory_space<hbm>> -> memref<1x1x64x128xf32, #tpu.memory_space<hbm>>
    %dma_wait3A_416 = tpu.memref_squeeze %dma_wait3A_415 : memref<1x1x64x128xf32, #tpu.memory_space<hbm>> -> memref<64x128xf32, #tpu.memory_space<hbm>>
    tpu.wait_dma2 semaphore(%arg12 : memref<!tpu.dma_semaphore, #tpu.memory_space<semaphore_mem>>) src(%arg9 : memref<64x128xf32, #tpu.memory_space<vmem>>) dst(%dma_wait3A_416 : memref<64x128xf32, #tpu.memory_space<hbm>>)
    %mul3A_417 = arith.constant 640 : i32
    %mul3A_418 = arith.muli %arg1, %mul3A_417 : i32
    %add3A_419 = arith.constant 384 : i32
    %add3A_420 = arith.addi %mul3A_418, %add3A_419 : i32
    %dma_start3A_421 = arith.constant 0 : i32
    %dma_start3A_422 = tpu.memref_slice %arg11[%add3A_420, %dma_start3A_421] : memref<10272x128xf32, #tpu.memory_space<vmem_shared>> -> memref<64x128xf32, #tpu.memory_space<vmem_shared>>
    %dma_start3A_423 = arith.constant 0 : i32
    %dma_start3A_424 = tpu.memref_slice %arg11[%add3A_420, %dma_start3A_423] : memref<10272x128xf32, #tpu.memory_space<vmem_shared>> -> memref<64x128xf32, #tpu.memory_space<vmem_shared>>
    tpu.enqueue_dma source(%dma_start3A_424 : memref<64x128xf32, #tpu.memory_space<vmem_shared>>) target(%arg9 : memref<64x128xf32, #tpu.memory_space<vmem>>) target_semaphore(%arg12 : memref<!tpu.dma_semaphore, #tpu.memory_space<semaphore_mem>>)
    %dma_wait3A_425 = arith.constant 0 : i32
    %dma_wait3A_426 = tpu.memref_slice %arg11[%add3A_420, %dma_wait3A_425] : memref<10272x128xf32, #tpu.memory_space<vmem_shared>> -> memref<64x128xf32, #tpu.memory_space<vmem_shared>>
    %dma_wait3A_427 = arith.constant 0 : i32
    %dma_wait3A_428 = tpu.memref_slice %arg11[%add3A_420, %dma_wait3A_427] : memref<10272x128xf32, #tpu.memory_space<vmem_shared>> -> memref<64x128xf32, #tpu.memory_space<vmem_shared>>
    tpu.wait_dma2 semaphore(%arg12 : memref<!tpu.dma_semaphore, #tpu.memory_space<semaphore_mem>>) src(%dma_wait3A_428 : memref<64x128xf32, #tpu.memory_space<vmem_shared>>) dst(%arg9 : memref<64x128xf32, #tpu.memory_space<vmem>>)
    %mul3A_429 = arith.constant 640 : i32
    %mul3A_430 = arith.muli %arg1, %mul3A_429 : i32
    %add3A_431 = arith.constant 384 : i32
    %add3A_432 = arith.addi %mul3A_430, %add3A_431 : i32
    %dma_start3A_433 = arith.constant 0 : i32
    %dma_start3A_434 = arith.constant 0 : i32
    %dma_start3A_435 = tpu.memref_slice %arg6[%arg0, %dma_start3A_433, %add3A_432, %dma_start3A_434] : memref<2x3x10240x128xf32, #tpu.memory_space<hbm>> -> memref<1x1x64x128xf32, #tpu.memory_space<hbm>>
    %dma_start3A_436 = tpu.memref_squeeze %dma_start3A_435 : memref<1x1x64x128xf32, #tpu.memory_space<hbm>> -> memref<64x128xf32, #tpu.memory_space<hbm>>
    %dma_start3A_437 = arith.constant 0 : i32
    %dma_start3A_438 = tpu.memref_slice %arg6[%arg0, %dma_start3A_433, %add3A_432, %dma_start3A_437] : memref<2x3x10240x128xf32, #tpu.memory_space<hbm>> -> memref<1x1x64x128xf32, #tpu.memory_space<hbm>>
    %dma_start3A_439 = tpu.memref_squeeze %dma_start3A_438 : memref<1x1x64x128xf32, #tpu.memory_space<hbm>> -> memref<64x128xf32, #tpu.memory_space<hbm>>
    tpu.enqueue_dma source(%arg9 : memref<64x128xf32, #tpu.memory_space<vmem>>) target(%dma_start3A_439 : memref<64x128xf32, #tpu.memory_space<hbm>>) target_semaphore(%arg12 : memref<!tpu.dma_semaphore, #tpu.memory_space<semaphore_mem>>)
    %dma_wait3A_440 = arith.constant 0 : i32
    %dma_wait3A_441 = arith.constant 0 : i32
    %dma_wait3A_442 = tpu.memref_slice %arg6[%arg0, %dma_wait3A_440, %add3A_432, %dma_wait3A_441] : memref<2x3x10240x128xf32, #tpu.memory_space<hbm>> -> memref<1x1x64x128xf32, #tpu.memory_space<hbm>>
    %dma_wait3A_443 = tpu.memref_squeeze %dma_wait3A_442 : memref<1x1x64x128xf32, #tpu.memory_space<hbm>> -> memref<64x128xf32, #tpu.memory_space<hbm>>
    %dma_wait3A_444 = arith.constant 0 : i32
    %dma_wait3A_445 = tpu.memref_slice %arg6[%arg0, %dma_wait3A_440, %add3A_432, %dma_wait3A_444] : memref<2x3x10240x128xf32, #tpu.memory_space<hbm>> -> memref<1x1x64x128xf32, #tpu.memory_space<hbm>>
    %dma_wait3A_446 = tpu.memref_squeeze %dma_wait3A_445 : memref<1x1x64x128xf32, #tpu.memory_space<hbm>> -> memref<64x128xf32, #tpu.memory_space<hbm>>
    tpu.wait_dma2 semaphore(%arg12 : memref<!tpu.dma_semaphore, #tpu.memory_space<semaphore_mem>>) src(%arg9 : memref<64x128xf32, #tpu.memory_space<vmem>>) dst(%dma_wait3A_446 : memref<64x128xf32, #tpu.memory_space<hbm>>)
    %mul3A_447 = arith.constant 640 : i32
    %mul3A_448 = arith.muli %arg1, %mul3A_447 : i32
    %add3A_449 = arith.constant 448 : i32
    %add3A_450 = arith.addi %mul3A_448, %add3A_449 : i32
    %dma_start3A_451 = arith.constant 0 : i32
    %dma_start3A_452 = tpu.memref_slice %arg11[%add3A_450, %dma_start3A_451] : memref<10272x128xf32, #tpu.memory_space<vmem_shared>> -> memref<64x128xf32, #tpu.memory_space<vmem_shared>>
    %dma_start3A_453 = arith.constant 0 : i32
    %dma_start3A_454 = tpu.memref_slice %arg11[%add3A_450, %dma_start3A_453] : memref<10272x128xf32, #tpu.memory_space<vmem_shared>> -> memref<64x128xf32, #tpu.memory_space<vmem_shared>>
    tpu.enqueue_dma source(%dma_start3A_454 : memref<64x128xf32, #tpu.memory_space<vmem_shared>>) target(%arg9 : memref<64x128xf32, #tpu.memory_space<vmem>>) target_semaphore(%arg12 : memref<!tpu.dma_semaphore, #tpu.memory_space<semaphore_mem>>)
    %dma_wait3A_455 = arith.constant 0 : i32
    %dma_wait3A_456 = tpu.memref_slice %arg11[%add3A_450, %dma_wait3A_455] : memref<10272x128xf32, #tpu.memory_space<vmem_shared>> -> memref<64x128xf32, #tpu.memory_space<vmem_shared>>
    %dma_wait3A_457 = arith.constant 0 : i32
    %dma_wait3A_458 = tpu.memref_slice %arg11[%add3A_450, %dma_wait3A_457] : memref<10272x128xf32, #tpu.memory_space<vmem_shared>> -> memref<64x128xf32, #tpu.memory_space<vmem_shared>>
    tpu.wait_dma2 semaphore(%arg12 : memref<!tpu.dma_semaphore, #tpu.memory_space<semaphore_mem>>) src(%dma_wait3A_458 : memref<64x128xf32, #tpu.memory_space<vmem_shared>>) dst(%arg9 : memref<64x128xf32, #tpu.memory_space<vmem>>)
    %mul3A_459 = arith.constant 640 : i32
    %mul3A_460 = arith.muli %arg1, %mul3A_459 : i32
    %add3A_461 = arith.constant 448 : i32
    %add3A_462 = arith.addi %mul3A_460, %add3A_461 : i32
    %dma_start3A_463 = arith.constant 0 : i32
    %dma_start3A_464 = arith.constant 0 : i32
    %dma_start3A_465 = tpu.memref_slice %arg6[%arg0, %dma_start3A_463, %add3A_462, %dma_start3A_464] : memref<2x3x10240x128xf32, #tpu.memory_space<hbm>> -> memref<1x1x64x128xf32, #tpu.memory_space<hbm>>
    %dma_start3A_466 = tpu.memref_squeeze %dma_start3A_465 : memref<1x1x64x128xf32, #tpu.memory_space<hbm>> -> memref<64x128xf32, #tpu.memory_space<hbm>>
    %dma_start3A_467 = arith.constant 0 : i32
    %dma_start3A_468 = tpu.memref_slice %arg6[%arg0, %dma_start3A_463, %add3A_462, %dma_start3A_467] : memref<2x3x10240x128xf32, #tpu.memory_space<hbm>> -> memref<1x1x64x128xf32, #tpu.memory_space<hbm>>
    %dma_start3A_469 = tpu.memref_squeeze %dma_start3A_468 : memref<1x1x64x128xf32, #tpu.memory_space<hbm>> -> memref<64x128xf32, #tpu.memory_space<hbm>>
    tpu.enqueue_dma source(%arg9 : memref<64x128xf32, #tpu.memory_space<vmem>>) target(%dma_start3A_469 : memref<64x128xf32, #tpu.memory_space<hbm>>) target_semaphore(%arg12 : memref<!tpu.dma_semaphore, #tpu.memory_space<semaphore_mem>>)
    %dma_wait3A_470 = arith.constant 0 : i32
    %dma_wait3A_471 = arith.constant 0 : i32
    %dma_wait3A_472 = tpu.memref_slice %arg6[%arg0, %dma_wait3A_470, %add3A_462, %dma_wait3A_471] : memref<2x3x10240x128xf32, #tpu.memory_space<hbm>> -> memref<1x1x64x128xf32, #tpu.memory_space<hbm>>
    %dma_wait3A_473 = tpu.memref_squeeze %dma_wait3A_472 : memref<1x1x64x128xf32, #tpu.memory_space<hbm>> -> memref<64x128xf32, #tpu.memory_space<hbm>>
    %dma_wait3A_474 = arith.constant 0 : i32
    %dma_wait3A_475 = tpu.memref_slice %arg6[%arg0, %dma_wait3A_470, %add3A_462, %dma_wait3A_474] : memref<2x3x10240x128xf32, #tpu.memory_space<hbm>> -> memref<1x1x64x128xf32, #tpu.memory_space<hbm>>
    %dma_wait3A_476 = tpu.memref_squeeze %dma_wait3A_475 : memref<1x1x64x128xf32, #tpu.memory_space<hbm>> -> memref<64x128xf32, #tpu.memory_space<hbm>>
    tpu.wait_dma2 semaphore(%arg12 : memref<!tpu.dma_semaphore, #tpu.memory_space<semaphore_mem>>) src(%arg9 : memref<64x128xf32, #tpu.memory_space<vmem>>) dst(%dma_wait3A_476 : memref<64x128xf32, #tpu.memory_space<hbm>>)
    %mul3A_477 = arith.constant 640 : i32
    %mul3A_478 = arith.muli %arg1, %mul3A_477 : i32
    %add3A_479 = arith.constant 512 : i32
    %add3A_480 = arith.addi %mul3A_478, %add3A_479 : i32
    %dma_start3A_481 = arith.constant 0 : i32
    %dma_start3A_482 = tpu.memref_slice %arg11[%add3A_480, %dma_start3A_481] : memref<10272x128xf32, #tpu.memory_space<vmem_shared>> -> memref<64x128xf32, #tpu.memory_space<vmem_shared>>
    %dma_start3A_483 = arith.constant 0 : i32
    %dma_start3A_484 = tpu.memref_slice %arg11[%add3A_480, %dma_start3A_483] : memref<10272x128xf32, #tpu.memory_space<vmem_shared>> -> memref<64x128xf32, #tpu.memory_space<vmem_shared>>
    tpu.enqueue_dma source(%dma_start3A_484 : memref<64x128xf32, #tpu.memory_space<vmem_shared>>) target(%arg9 : memref<64x128xf32, #tpu.memory_space<vmem>>) target_semaphore(%arg12 : memref<!tpu.dma_semaphore, #tpu.memory_space<semaphore_mem>>)
    %dma_wait3A_485 = arith.constant 0 : i32
    %dma_wait3A_486 = tpu.memref_slice %arg11[%add3A_480, %dma_wait3A_485] : memref<10272x128xf32, #tpu.memory_space<vmem_shared>> -> memref<64x128xf32, #tpu.memory_space<vmem_shared>>
    %dma_wait3A_487 = arith.constant 0 : i32
    %dma_wait3A_488 = tpu.memref_slice %arg11[%add3A_480, %dma_wait3A_487] : memref<10272x128xf32, #tpu.memory_space<vmem_shared>> -> memref<64x128xf32, #tpu.memory_space<vmem_shared>>
    tpu.wait_dma2 semaphore(%arg12 : memref<!tpu.dma_semaphore, #tpu.memory_space<semaphore_mem>>) src(%dma_wait3A_488 : memref<64x128xf32, #tpu.memory_space<vmem_shared>>) dst(%arg9 : memref<64x128xf32, #tpu.memory_space<vmem>>)
    %mul3A_489 = arith.constant 640 : i32
    %mul3A_490 = arith.muli %arg1, %mul3A_489 : i32
    %add3A_491 = arith.constant 512 : i32
    %add3A_492 = arith.addi %mul3A_490, %add3A_491 : i32
    %dma_start3A_493 = arith.constant 0 : i32
    %dma_start3A_494 = arith.constant 0 : i32
    %dma_start3A_495 = tpu.memref_slice %arg6[%arg0, %dma_start3A_493, %add3A_492, %dma_start3A_494] : memref<2x3x10240x128xf32, #tpu.memory_space<hbm>> -> memref<1x1x64x128xf32, #tpu.memory_space<hbm>>
    %dma_start3A_496 = tpu.memref_squeeze %dma_start3A_495 : memref<1x1x64x128xf32, #tpu.memory_space<hbm>> -> memref<64x128xf32, #tpu.memory_space<hbm>>
    %dma_start3A_497 = arith.constant 0 : i32
    %dma_start3A_498 = tpu.memref_slice %arg6[%arg0, %dma_start3A_493, %add3A_492, %dma_start3A_497] : memref<2x3x10240x128xf32, #tpu.memory_space<hbm>> -> memref<1x1x64x128xf32, #tpu.memory_space<hbm>>
    %dma_start3A_499 = tpu.memref_squeeze %dma_start3A_498 : memref<1x1x64x128xf32, #tpu.memory_space<hbm>> -> memref<64x128xf32, #tpu.memory_space<hbm>>
    tpu.enqueue_dma source(%arg9 : memref<64x128xf32, #tpu.memory_space<vmem>>) target(%dma_start3A_499 : memref<64x128xf32, #tpu.memory_space<hbm>>) target_semaphore(%arg12 : memref<!tpu.dma_semaphore, #tpu.memory_space<semaphore_mem>>)
    %dma_wait3A_500 = arith.constant 0 : i32
    %dma_wait3A_501 = arith.constant 0 : i32
    %dma_wait3A_502 = tpu.memref_slice %arg6[%arg0, %dma_wait3A_500, %add3A_492, %dma_wait3A_501] : memref<2x3x10240x128xf32, #tpu.memory_space<hbm>> -> memref<1x1x64x128xf32, #tpu.memory_space<hbm>>
    %dma_wait3A_503 = tpu.memref_squeeze %dma_wait3A_502 : memref<1x1x64x128xf32, #tpu.memory_space<hbm>> -> memref<64x128xf32, #tpu.memory_space<hbm>>
    %dma_wait3A_504 = arith.constant 0 : i32
    %dma_wait3A_505 = tpu.memref_slice %arg6[%arg0, %dma_wait3A_500, %add3A_492, %dma_wait3A_504] : memref<2x3x10240x128xf32, #tpu.memory_space<hbm>> -> memref<1x1x64x128xf32, #tpu.memory_space<hbm>>
    %dma_wait3A_506 = tpu.memref_squeeze %dma_wait3A_505 : memref<1x1x64x128xf32, #tpu.memory_space<hbm>> -> memref<64x128xf32, #tpu.memory_space<hbm>>
    tpu.wait_dma2 semaphore(%arg12 : memref<!tpu.dma_semaphore, #tpu.memory_space<semaphore_mem>>) src(%arg9 : memref<64x128xf32, #tpu.memory_space<vmem>>) dst(%dma_wait3A_506 : memref<64x128xf32, #tpu.memory_space<hbm>>)
    %mul3A_507 = arith.constant 640 : i32
    %mul3A_508 = arith.muli %arg1, %mul3A_507 : i32
    %add3A_509 = arith.constant 576 : i32
    %add3A_510 = arith.addi %mul3A_508, %add3A_509 : i32
    %dma_start3A_511 = arith.constant 0 : i32
    %dma_start3A_512 = tpu.memref_slice %arg11[%add3A_510, %dma_start3A_511] : memref<10272x128xf32, #tpu.memory_space<vmem_shared>> -> memref<64x128xf32, #tpu.memory_space<vmem_shared>>
    %dma_start3A_513 = arith.constant 0 : i32
    %dma_start3A_514 = tpu.memref_slice %arg11[%add3A_510, %dma_start3A_513] : memref<10272x128xf32, #tpu.memory_space<vmem_shared>> -> memref<64x128xf32, #tpu.memory_space<vmem_shared>>
    tpu.enqueue_dma source(%dma_start3A_514 : memref<64x128xf32, #tpu.memory_space<vmem_shared>>) target(%arg9 : memref<64x128xf32, #tpu.memory_space<vmem>>) target_semaphore(%arg12 : memref<!tpu.dma_semaphore, #tpu.memory_space<semaphore_mem>>)
    %dma_wait3A_515 = arith.constant 0 : i32
    %dma_wait3A_516 = tpu.memref_slice %arg11[%add3A_510, %dma_wait3A_515] : memref<10272x128xf32, #tpu.memory_space<vmem_shared>> -> memref<64x128xf32, #tpu.memory_space<vmem_shared>>
    %dma_wait3A_517 = arith.constant 0 : i32
    %dma_wait3A_518 = tpu.memref_slice %arg11[%add3A_510, %dma_wait3A_517] : memref<10272x128xf32, #tpu.memory_space<vmem_shared>> -> memref<64x128xf32, #tpu.memory_space<vmem_shared>>
    tpu.wait_dma2 semaphore(%arg12 : memref<!tpu.dma_semaphore, #tpu.memory_space<semaphore_mem>>) src(%dma_wait3A_518 : memref<64x128xf32, #tpu.memory_space<vmem_shared>>) dst(%arg9 : memref<64x128xf32, #tpu.memory_space<vmem>>)
    %mul3A_519 = arith.constant 640 : i32
    %mul3A_520 = arith.muli %arg1, %mul3A_519 : i32
    %add3A_521 = arith.constant 576 : i32
    %add3A_522 = arith.addi %mul3A_520, %add3A_521 : i32
    %dma_start3A_523 = arith.constant 0 : i32
    %dma_start3A_524 = arith.constant 0 : i32
    %dma_start3A_525 = tpu.memref_slice %arg6[%arg0, %dma_start3A_523, %add3A_522, %dma_start3A_524] : memref<2x3x10240x128xf32, #tpu.memory_space<hbm>> -> memref<1x1x64x128xf32, #tpu.memory_space<hbm>>
    %dma_start3A_526 = tpu.memref_squeeze %dma_start3A_525 : memref<1x1x64x128xf32, #tpu.memory_space<hbm>> -> memref<64x128xf32, #tpu.memory_space<hbm>>
    %dma_start3A_527 = arith.constant 0 : i32
    %dma_start3A_528 = tpu.memref_slice %arg6[%arg0, %dma_start3A_523, %add3A_522, %dma_start3A_527] : memref<2x3x10240x128xf32, #tpu.memory_space<hbm>> -> memref<1x1x64x128xf32, #tpu.memory_space<hbm>>
    %dma_start3A_529 = tpu.memref_squeeze %dma_start3A_528 : memref<1x1x64x128xf32, #tpu.memory_space<hbm>> -> memref<64x128xf32, #tpu.memory_space<hbm>>
    tpu.enqueue_dma source(%arg9 : memref<64x128xf32, #tpu.memory_space<vmem>>) target(%dma_start3A_529 : memref<64x128xf32, #tpu.memory_space<hbm>>) target_semaphore(%arg12 : memref<!tpu.dma_semaphore, #tpu.memory_space<semaphore_mem>>)
    %dma_wait3A_530 = arith.constant 0 : i32
    %dma_wait3A_531 = arith.constant 0 : i32
    %dma_wait3A_532 = tpu.memref_slice %arg6[%arg0, %dma_wait3A_530, %add3A_522, %dma_wait3A_531] : memref<2x3x10240x128xf32, #tpu.memory_space<hbm>> -> memref<1x1x64x128xf32, #tpu.memory_space<hbm>>
    %dma_wait3A_533 = tpu.memref_squeeze %dma_wait3A_532 : memref<1x1x64x128xf32, #tpu.memory_space<hbm>> -> memref<64x128xf32, #tpu.memory_space<hbm>>
    %dma_wait3A_534 = arith.constant 0 : i32
    %dma_wait3A_535 = tpu.memref_slice %arg6[%arg0, %dma_wait3A_530, %add3A_522, %dma_wait3A_534] : memref<2x3x10240x128xf32, #tpu.memory_space<hbm>> -> memref<1x1x64x128xf32, #tpu.memory_space<hbm>>
    %dma_wait3A_536 = tpu.memref_squeeze %dma_wait3A_535 : memref<1x1x64x128xf32, #tpu.memory_space<hbm>> -> memref<64x128xf32, #tpu.memory_space<hbm>>
    tpu.wait_dma2 semaphore(%arg12 : memref<!tpu.dma_semaphore, #tpu.memory_space<semaphore_mem>>) src(%arg9 : memref<64x128xf32, #tpu.memory_space<vmem>>) dst(%dma_wait3A_536 : memref<64x128xf32, #tpu.memory_space<hbm>>)
    %barrier3A_537 = arith.constant 0 : index
    tpu.barrier barrier_id(%barrier3A_537)
    tpu.enqueue_dma source(%arg5 : memref<64x128xf32, #tpu.memory_space<hbm>>) target(%arg9 : memref<64x128xf32, #tpu.memory_space<vmem>>) target_semaphore(%arg12 : memref<!tpu.dma_semaphore, #tpu.memory_space<semaphore_mem>>)
    tpu.wait_dma2 semaphore(%arg12 : memref<!tpu.dma_semaphore, #tpu.memory_space<semaphore_mem>>) src(%arg5 : memref<64x128xf32, #tpu.memory_space<hbm>>) dst(%arg9 : memref<64x128xf32, #tpu.memory_space<vmem>>)
    %mul3A_538 = arith.constant 642 : i32
    %mul3A_539 = arith.muli %arg1, %mul3A_538 : i32
    %add3A_540 = arith.constant 0 : i32
    %add3A_541 = arith.addi %mul3A_539, %add3A_540 : i32
    %dma_start3A_542 = arith.constant 0 : i32
    %dma_start3A_543 = tpu.memref_slice %arg11[%add3A_541, %dma_start3A_542] : memref<10272x128xf32, #tpu.memory_space<vmem_shared>> -> memref<64x128xf32, #tpu.memory_space<vmem_shared>>
    %dma_start3A_544 = arith.constant 0 : i32
    %dma_start3A_545 = tpu.memref_slice %arg11[%add3A_541, %dma_start3A_544] : memref<10272x128xf32, #tpu.memory_space<vmem_shared>> -> memref<64x128xf32, #tpu.memory_space<vmem_shared>>
    tpu.enqueue_dma source(%arg9 : memref<64x128xf32, #tpu.memory_space<vmem>>) target(%dma_start3A_545 : memref<64x128xf32, #tpu.memory_space<vmem_shared>>) target_semaphore(%arg12 : memref<!tpu.dma_semaphore, #tpu.memory_space<semaphore_mem>>)
    %dma_wait3A_546 = arith.constant 0 : i32
    %dma_wait3A_547 = tpu.memref_slice %arg11[%add3A_541, %dma_wait3A_546] : memref<10272x128xf32, #tpu.memory_space<vmem_shared>> -> memref<64x128xf32, #tpu.memory_space<vmem_shared>>
    %dma_wait3A_548 = arith.constant 0 : i32
    %dma_wait3A_549 = tpu.memref_slice %arg11[%add3A_541, %dma_wait3A_548] : memref<10272x128xf32, #tpu.memory_space<vmem_shared>> -> memref<64x128xf32, #tpu.memory_space<vmem_shared>>
    tpu.wait_dma2 semaphore(%arg12 : memref<!tpu.dma_semaphore, #tpu.memory_space<semaphore_mem>>) src(%arg9 : memref<64x128xf32, #tpu.memory_space<vmem>>) dst(%dma_wait3A_549 : memref<64x128xf32, #tpu.memory_space<vmem_shared>>)
    %mul3A_550 = arith.constant 642 : i32
    %mul3A_551 = arith.muli %arg1, %mul3A_550 : i32
    %add3A_552 = arith.constant 64 : i32
    %add3A_553 = arith.addi %mul3A_551, %add3A_552 : i32
    %dma_start3A_554 = arith.constant 0 : i32
    %dma_start3A_555 = tpu.memref_slice %arg11[%add3A_553, %dma_start3A_554] : memref<10272x128xf32, #tpu.memory_space<vmem_shared>> -> memref<64x128xf32, #tpu.memory_space<vmem_shared>>
    %dma_start3A_556 = arith.constant 0 : i32
    %dma_start3A_557 = tpu.memref_slice %arg11[%add3A_553, %dma_start3A_556] : memref<10272x128xf32, #tpu.memory_space<vmem_shared>> -> memref<64x128xf32, #tpu.memory_space<vmem_shared>>
    tpu.enqueue_dma source(%arg9 : memref<64x128xf32, #tpu.memory_space<vmem>>) target(%dma_start3A_557 : memref<64x128xf32, #tpu.memory_space<vmem_shared>>) target_semaphore(%arg12 : memref<!tpu.dma_semaphore, #tpu.memory_space<semaphore_mem>>)
    %dma_wait3A_558 = arith.constant 0 : i32
    %dma_wait3A_559 = tpu.memref_slice %arg11[%add3A_553, %dma_wait3A_558] : memref<10272x128xf32, #tpu.memory_space<vmem_shared>> -> memref<64x128xf32, #tpu.memory_space<vmem_shared>>
    %dma_wait3A_560 = arith.constant 0 : i32
    %dma_wait3A_561 = tpu.memref_slice %arg11[%add3A_553, %dma_wait3A_560] : memref<10272x128xf32, #tpu.memory_space<vmem_shared>> -> memref<64x128xf32, #tpu.memory_space<vmem_shared>>
    tpu.wait_dma2 semaphore(%arg12 : memref<!tpu.dma_semaphore, #tpu.memory_space<semaphore_mem>>) src(%arg9 : memref<64x128xf32, #tpu.memory_space<vmem>>) dst(%dma_wait3A_561 : memref<64x128xf32, #tpu.memory_space<vmem_shared>>)
    %mul3A_562 = arith.constant 642 : i32
    %mul3A_563 = arith.muli %arg1, %mul3A_562 : i32
    %add3A_564 = arith.constant 128 : i32
    %add3A_565 = arith.addi %mul3A_563, %add3A_564 : i32
    %dma_start3A_566 = arith.constant 0 : i32
    %dma_start3A_567 = tpu.memref_slice %arg11[%add3A_565, %dma_start3A_566] : memref<10272x128xf32, #tpu.memory_space<vmem_shared>> -> memref<64x128xf32, #tpu.memory_space<vmem_shared>>
    %dma_start3A_568 = arith.constant 0 : i32
    %dma_start3A_569 = tpu.memref_slice %arg11[%add3A_565, %dma_start3A_568] : memref<10272x128xf32, #tpu.memory_space<vmem_shared>> -> memref<64x128xf32, #tpu.memory_space<vmem_shared>>
    tpu.enqueue_dma source(%arg9 : memref<64x128xf32, #tpu.memory_space<vmem>>) target(%dma_start3A_569 : memref<64x128xf32, #tpu.memory_space<vmem_shared>>) target_semaphore(%arg12 : memref<!tpu.dma_semaphore, #tpu.memory_space<semaphore_mem>>)
    %dma_wait3A_570 = arith.constant 0 : i32
    %dma_wait3A_571 = tpu.memref_slice %arg11[%add3A_565, %dma_wait3A_570] : memref<10272x128xf32, #tpu.memory_space<vmem_shared>> -> memref<64x128xf32, #tpu.memory_space<vmem_shared>>
    %dma_wait3A_572 = arith.constant 0 : i32
    %dma_wait3A_573 = tpu.memref_slice %arg11[%add3A_565, %dma_wait3A_572] : memref<10272x128xf32, #tpu.memory_space<vmem_shared>> -> memref<64x128xf32, #tpu.memory_space<vmem_shared>>
    tpu.wait_dma2 semaphore(%arg12 : memref<!tpu.dma_semaphore, #tpu.memory_space<semaphore_mem>>) src(%arg9 : memref<64x128xf32, #tpu.memory_space<vmem>>) dst(%dma_wait3A_573 : memref<64x128xf32, #tpu.memory_space<vmem_shared>>)
    %mul3A_574 = arith.constant 642 : i32
    %mul3A_575 = arith.muli %arg1, %mul3A_574 : i32
    %add3A_576 = arith.constant 192 : i32
    %add3A_577 = arith.addi %mul3A_575, %add3A_576 : i32
    %dma_start3A_578 = arith.constant 0 : i32
    %dma_start3A_579 = tpu.memref_slice %arg11[%add3A_577, %dma_start3A_578] : memref<10272x128xf32, #tpu.memory_space<vmem_shared>> -> memref<64x128xf32, #tpu.memory_space<vmem_shared>>
    %dma_start3A_580 = arith.constant 0 : i32
    %dma_start3A_581 = tpu.memref_slice %arg11[%add3A_577, %dma_start3A_580] : memref<10272x128xf32, #tpu.memory_space<vmem_shared>> -> memref<64x128xf32, #tpu.memory_space<vmem_shared>>
    tpu.enqueue_dma source(%arg9 : memref<64x128xf32, #tpu.memory_space<vmem>>) target(%dma_start3A_581 : memref<64x128xf32, #tpu.memory_space<vmem_shared>>) target_semaphore(%arg12 : memref<!tpu.dma_semaphore, #tpu.memory_space<semaphore_mem>>)
    %dma_wait3A_582 = arith.constant 0 : i32
    %dma_wait3A_583 = tpu.memref_slice %arg11[%add3A_577, %dma_wait3A_582] : memref<10272x128xf32, #tpu.memory_space<vmem_shared>> -> memref<64x128xf32, #tpu.memory_space<vmem_shared>>
    %dma_wait3A_584 = arith.constant 0 : i32
    %dma_wait3A_585 = tpu.memref_slice %arg11[%add3A_577, %dma_wait3A_584] : memref<10272x128xf32, #tpu.memory_space<vmem_shared>> -> memref<64x128xf32, #tpu.memory_space<vmem_shared>>
    tpu.wait_dma2 semaphore(%arg12 : memref<!tpu.dma_semaphore, #tpu.memory_space<semaphore_mem>>) src(%arg9 : memref<64x128xf32, #tpu.memory_space<vmem>>) dst(%dma_wait3A_585 : memref<64x128xf32, #tpu.memory_space<vmem_shared>>)
    %mul3A_586 = arith.constant 642 : i32
    %mul3A_587 = arith.muli %arg1, %mul3A_586 : i32
    %add3A_588 = arith.constant 256 : i32
    %add3A_589 = arith.addi %mul3A_587, %add3A_588 : i32
    %dma_start3A_590 = arith.constant 0 : i32
    %dma_start3A_591 = tpu.memref_slice %arg11[%add3A_589, %dma_start3A_590] : memref<10272x128xf32, #tpu.memory_space<vmem_shared>> -> memref<64x128xf32, #tpu.memory_space<vmem_shared>>
    %dma_start3A_592 = arith.constant 0 : i32
    %dma_start3A_593 = tpu.memref_slice %arg11[%add3A_589, %dma_start3A_592] : memref<10272x128xf32, #tpu.memory_space<vmem_shared>> -> memref<64x128xf32, #tpu.memory_space<vmem_shared>>
    tpu.enqueue_dma source(%arg9 : memref<64x128xf32, #tpu.memory_space<vmem>>) target(%dma_start3A_593 : memref<64x128xf32, #tpu.memory_space<vmem_shared>>) target_semaphore(%arg12 : memref<!tpu.dma_semaphore, #tpu.memory_space<semaphore_mem>>)
    %dma_wait3A_594 = arith.constant 0 : i32
    %dma_wait3A_595 = tpu.memref_slice %arg11[%add3A_589, %dma_wait3A_594] : memref<10272x128xf32, #tpu.memory_space<vmem_shared>> -> memref<64x128xf32, #tpu.memory_space<vmem_shared>>
    %dma_wait3A_596 = arith.constant 0 : i32
    %dma_wait3A_597 = tpu.memref_slice %arg11[%add3A_589, %dma_wait3A_596] : memref<10272x128xf32, #tpu.memory_space<vmem_shared>> -> memref<64x128xf32, #tpu.memory_space<vmem_shared>>
    tpu.wait_dma2 semaphore(%arg12 : memref<!tpu.dma_semaphore, #tpu.memory_space<semaphore_mem>>) src(%arg9 : memref<64x128xf32, #tpu.memory_space<vmem>>) dst(%dma_wait3A_597 : memref<64x128xf32, #tpu.memory_space<vmem_shared>>)
    %mul3A_598 = arith.constant 642 : i32
    %mul3A_599 = arith.muli %arg1, %mul3A_598 : i32
    %add3A_600 = arith.constant 320 : i32
    %add3A_601 = arith.addi %mul3A_599, %add3A_600 : i32
    %dma_start3A_602 = arith.constant 0 : i32
    %dma_start3A_603 = tpu.memref_slice %arg11[%add3A_601, %dma_start3A_602] : memref<10272x128xf32, #tpu.memory_space<vmem_shared>> -> memref<64x128xf32, #tpu.memory_space<vmem_shared>>
    %dma_start3A_604 = arith.constant 0 : i32
    %dma_start3A_605 = tpu.memref_slice %arg11[%add3A_601, %dma_start3A_604] : memref<10272x128xf32, #tpu.memory_space<vmem_shared>> -> memref<64x128xf32, #tpu.memory_space<vmem_shared>>
    tpu.enqueue_dma source(%arg9 : memref<64x128xf32, #tpu.memory_space<vmem>>) target(%dma_start3A_605 : memref<64x128xf32, #tpu.memory_space<vmem_shared>>) target_semaphore(%arg12 : memref<!tpu.dma_semaphore, #tpu.memory_space<semaphore_mem>>)
    %dma_wait3A_606 = arith.constant 0 : i32
    %dma_wait3A_607 = tpu.memref_slice %arg11[%add3A_601, %dma_wait3A_606] : memref<10272x128xf32, #tpu.memory_space<vmem_shared>> -> memref<64x128xf32, #tpu.memory_space<vmem_shared>>
    %dma_wait3A_608 = arith.constant 0 : i32
    %dma_wait3A_609 = tpu.memref_slice %arg11[%add3A_601, %dma_wait3A_608] : memref<10272x128xf32, #tpu.memory_space<vmem_shared>> -> memref<64x128xf32, #tpu.memory_space<vmem_shared>>
    tpu.wait_dma2 semaphore(%arg12 : memref<!tpu.dma_semaphore, #tpu.memory_space<semaphore_mem>>) src(%arg9 : memref<64x128xf32, #tpu.memory_space<vmem>>) dst(%dma_wait3A_609 : memref<64x128xf32, #tpu.memory_space<vmem_shared>>)
    %mul3A_610 = arith.constant 642 : i32
    %mul3A_611 = arith.muli %arg1, %mul3A_610 : i32
    %add3A_612 = arith.constant 384 : i32
    %add3A_613 = arith.addi %mul3A_611, %add3A_612 : i32
    %dma_start3A_614 = arith.constant 0 : i32
    %dma_start3A_615 = tpu.memref_slice %arg11[%add3A_613, %dma_start3A_614] : memref<10272x128xf32, #tpu.memory_space<vmem_shared>> -> memref<64x128xf32, #tpu.memory_space<vmem_shared>>
    %dma_start3A_616 = arith.constant 0 : i32
    %dma_start3A_617 = tpu.memref_slice %arg11[%add3A_613, %dma_start3A_616] : memref<10272x128xf32, #tpu.memory_space<vmem_shared>> -> memref<64x128xf32, #tpu.memory_space<vmem_shared>>
    tpu.enqueue_dma source(%arg9 : memref<64x128xf32, #tpu.memory_space<vmem>>) target(%dma_start3A_617 : memref<64x128xf32, #tpu.memory_space<vmem_shared>>) target_semaphore(%arg12 : memref<!tpu.dma_semaphore, #tpu.memory_space<semaphore_mem>>)
    %dma_wait3A_618 = arith.constant 0 : i32
    %dma_wait3A_619 = tpu.memref_slice %arg11[%add3A_613, %dma_wait3A_618] : memref<10272x128xf32, #tpu.memory_space<vmem_shared>> -> memref<64x128xf32, #tpu.memory_space<vmem_shared>>
    %dma_wait3A_620 = arith.constant 0 : i32
    %dma_wait3A_621 = tpu.memref_slice %arg11[%add3A_613, %dma_wait3A_620] : memref<10272x128xf32, #tpu.memory_space<vmem_shared>> -> memref<64x128xf32, #tpu.memory_space<vmem_shared>>
    tpu.wait_dma2 semaphore(%arg12 : memref<!tpu.dma_semaphore, #tpu.memory_space<semaphore_mem>>) src(%arg9 : memref<64x128xf32, #tpu.memory_space<vmem>>) dst(%dma_wait3A_621 : memref<64x128xf32, #tpu.memory_space<vmem_shared>>)
    %mul3A_622 = arith.constant 642 : i32
    %mul3A_623 = arith.muli %arg1, %mul3A_622 : i32
    %add3A_624 = arith.constant 448 : i32
    %add3A_625 = arith.addi %mul3A_623, %add3A_624 : i32
    %dma_start3A_626 = arith.constant 0 : i32
    %dma_start3A_627 = tpu.memref_slice %arg11[%add3A_625, %dma_start3A_626] : memref<10272x128xf32, #tpu.memory_space<vmem_shared>> -> memref<64x128xf32, #tpu.memory_space<vmem_shared>>
    %dma_start3A_628 = arith.constant 0 : i32
    %dma_start3A_629 = tpu.memref_slice %arg11[%add3A_625, %dma_start3A_628] : memref<10272x128xf32, #tpu.memory_space<vmem_shared>> -> memref<64x128xf32, #tpu.memory_space<vmem_shared>>
    tpu.enqueue_dma source(%arg9 : memref<64x128xf32, #tpu.memory_space<vmem>>) target(%dma_start3A_629 : memref<64x128xf32, #tpu.memory_space<vmem_shared>>) target_semaphore(%arg12 : memref<!tpu.dma_semaphore, #tpu.memory_space<semaphore_mem>>)
    %dma_wait3A_630 = arith.constant 0 : i32
    %dma_wait3A_631 = tpu.memref_slice %arg11[%add3A_625, %dma_wait3A_630] : memref<10272x128xf32, #tpu.memory_space<vmem_shared>> -> memref<64x128xf32, #tpu.memory_space<vmem_shared>>
    %dma_wait3A_632 = arith.constant 0 : i32
    %dma_wait3A_633 = tpu.memref_slice %arg11[%add3A_625, %dma_wait3A_632] : memref<10272x128xf32, #tpu.memory_space<vmem_shared>> -> memref<64x128xf32, #tpu.memory_space<vmem_shared>>
    tpu.wait_dma2 semaphore(%arg12 : memref<!tpu.dma_semaphore, #tpu.memory_space<semaphore_mem>>) src(%arg9 : memref<64x128xf32, #tpu.memory_space<vmem>>) dst(%dma_wait3A_633 : memref<64x128xf32, #tpu.memory_space<vmem_shared>>)
    %mul3A_634 = arith.constant 642 : i32
    %mul3A_635 = arith.muli %arg1, %mul3A_634 : i32
    %add3A_636 = arith.constant 512 : i32
    %add3A_637 = arith.addi %mul3A_635, %add3A_636 : i32
    %dma_start3A_638 = arith.constant 0 : i32
    %dma_start3A_639 = tpu.memref_slice %arg11[%add3A_637, %dma_start3A_638] : memref<10272x128xf32, #tpu.memory_space<vmem_shared>> -> memref<64x128xf32, #tpu.memory_space<vmem_shared>>
    %dma_start3A_640 = arith.constant 0 : i32
    %dma_start3A_641 = tpu.memref_slice %arg11[%add3A_637, %dma_start3A_640] : memref<10272x128xf32, #tpu.memory_space<vmem_shared>> -> memref<64x128xf32, #tpu.memory_space<vmem_shared>>
    tpu.enqueue_dma source(%arg9 : memref<64x128xf32, #tpu.memory_space<vmem>>) target(%dma_start3A_641 : memref<64x128xf32, #tpu.memory_space<vmem_shared>>) target_semaphore(%arg12 : memref<!tpu.dma_semaphore, #tpu.memory_space<semaphore_mem>>)
    %dma_wait3A_642 = arith.constant 0 : i32
    %dma_wait3A_643 = tpu.memref_slice %arg11[%add3A_637, %dma_wait3A_642] : memref<10272x128xf32, #tpu.memory_space<vmem_shared>> -> memref<64x128xf32, #tpu.memory_space<vmem_shared>>
    %dma_wait3A_644 = arith.constant 0 : i32
    %dma_wait3A_645 = tpu.memref_slice %arg11[%add3A_637, %dma_wait3A_644] : memref<10272x128xf32, #tpu.memory_space<vmem_shared>> -> memref<64x128xf32, #tpu.memory_space<vmem_shared>>
    tpu.wait_dma2 semaphore(%arg12 : memref<!tpu.dma_semaphore, #tpu.memory_space<semaphore_mem>>) src(%arg9 : memref<64x128xf32, #tpu.memory_space<vmem>>) dst(%dma_wait3A_645 : memref<64x128xf32, #tpu.memory_space<vmem_shared>>)
    %mul3A_646 = arith.constant 642 : i32
    %mul3A_647 = arith.muli %arg1, %mul3A_646 : i32
    %add3A_648 = arith.constant 576 : i32
    %add3A_649 = arith.addi %mul3A_647, %add3A_648 : i32
    %dma_start3A_650 = arith.constant 0 : i32
    %dma_start3A_651 = tpu.memref_slice %arg11[%add3A_649, %dma_start3A_650] : memref<10272x128xf32, #tpu.memory_space<vmem_shared>> -> memref<64x128xf32, #tpu.memory_space<vmem_shared>>
    %dma_start3A_652 = arith.constant 0 : i32
    %dma_start3A_653 = tpu.memref_slice %arg11[%add3A_649, %dma_start3A_652] : memref<10272x128xf32, #tpu.memory_space<vmem_shared>> -> memref<64x128xf32, #tpu.memory_space<vmem_shared>>
    tpu.enqueue_dma source(%arg9 : memref<64x128xf32, #tpu.memory_space<vmem>>) target(%dma_start3A_653 : memref<64x128xf32, #tpu.memory_space<vmem_shared>>) target_semaphore(%arg12 : memref<!tpu.dma_semaphore, #tpu.memory_space<semaphore_mem>>)
    %dma_wait3A_654 = arith.constant 0 : i32
    %dma_wait3A_655 = tpu.memref_slice %arg11[%add3A_649, %dma_wait3A_654] : memref<10272x128xf32, #tpu.memory_space<vmem_shared>> -> memref<64x128xf32, #tpu.memory_space<vmem_shared>>
    %dma_wait3A_656 = arith.constant 0 : i32
    %dma_wait3A_657 = tpu.memref_slice %arg11[%add3A_649, %dma_wait3A_656] : memref<10272x128xf32, #tpu.memory_space<vmem_shared>> -> memref<64x128xf32, #tpu.memory_space<vmem_shared>>
    tpu.wait_dma2 semaphore(%arg12 : memref<!tpu.dma_semaphore, #tpu.memory_space<semaphore_mem>>) src(%arg9 : memref<64x128xf32, #tpu.memory_space<vmem>>) dst(%dma_wait3A_657 : memref<64x128xf32, #tpu.memory_space<vmem_shared>>)
    %mul3A_658 = arith.constant 642 : i32
    %mul3A_659 = arith.muli %arg1, %mul3A_658 : i32
    %add3A_660 = arith.constant 640 : i32
    %add3A_661 = arith.addi %mul3A_659, %add3A_660 : i32
    %dma_start3A_662 = arith.constant 0 : i32
    %dma_start3A_663 = arith.constant 0 : i32
    %dma_start3A_664 = tpu.memref_slice %arg9[%dma_start3A_662, %dma_start3A_663] : memref<64x128xf32, #tpu.memory_space<vmem>> -> memref<2x128xf32, #tpu.memory_space<vmem>>
    %dma_start3A_665 = arith.constant 0 : i32
    %dma_start3A_666 = tpu.memref_slice %arg11[%add3A_661, %dma_start3A_665] : memref<10272x128xf32, #tpu.memory_space<vmem_shared>> -> memref<2x128xf32, #tpu.memory_space<vmem_shared>>
    %dma_start3A_667 = arith.constant 0 : i32
    %dma_start3A_668 = tpu.memref_slice %arg11[%add3A_661, %dma_start3A_667] : memref<10272x128xf32, #tpu.memory_space<vmem_shared>> -> memref<2x128xf32, #tpu.memory_space<vmem_shared>>
    %dma_start3A_669 = arith.constant 0 : i32
    %dma_start3A_670 = arith.constant 0 : i32
    %dma_start3A_671 = tpu.memref_slice %arg9[%dma_start3A_669, %dma_start3A_670] : memref<64x128xf32, #tpu.memory_space<vmem>> -> memref<2x128xf32, #tpu.memory_space<vmem>>
    tpu.enqueue_dma source(%dma_start3A_671 : memref<2x128xf32, #tpu.memory_space<vmem>>) target(%dma_start3A_668 : memref<2x128xf32, #tpu.memory_space<vmem_shared>>) target_semaphore(%arg12 : memref<!tpu.dma_semaphore, #tpu.memory_space<semaphore_mem>>)
    %dma_wait3A_672 = arith.constant 0 : i32
    %dma_wait3A_673 = arith.constant 0 : i32
    %dma_wait3A_674 = tpu.memref_slice %arg9[%dma_wait3A_672, %dma_wait3A_673] : memref<64x128xf32, #tpu.memory_space<vmem>> -> memref<2x128xf32, #tpu.memory_space<vmem>>
    %dma_wait3A_675 = arith.constant 0 : i32
    %dma_wait3A_676 = tpu.memref_slice %arg11[%add3A_661, %dma_wait3A_675] : memref<10272x128xf32, #tpu.memory_space<vmem_shared>> -> memref<2x128xf32, #tpu.memory_space<vmem_shared>>
    %dma_wait3A_677 = arith.constant 0 : i32
    %dma_wait3A_678 = tpu.memref_slice %arg11[%add3A_661, %dma_wait3A_677] : memref<10272x128xf32, #tpu.memory_space<vmem_shared>> -> memref<2x128xf32, #tpu.memory_space<vmem_shared>>
    %dma_wait3A_679 = arith.constant 0 : i32
    %dma_wait3A_680 = arith.constant 0 : i32
    %dma_wait3A_681 = tpu.memref_slice %arg9[%dma_wait3A_679, %dma_wait3A_680] : memref<64x128xf32, #tpu.memory_space<vmem>> -> memref<2x128xf32, #tpu.memory_space<vmem>>
    tpu.wait_dma2 semaphore(%arg12 : memref<!tpu.dma_semaphore, #tpu.memory_space<semaphore_mem>>) src(%dma_wait3A_681 : memref<2x128xf32, #tpu.memory_space<vmem>>) dst(%dma_wait3A_678 : memref<2x128xf32, #tpu.memory_space<vmem_shared>>)
    %barrier3A_682 = arith.constant 0 : index
    tpu.barrier barrier_id(%barrier3A_682)
    %dma_start3A_683 = arith.constant 1 : i32
    %dma_start3A_684 = arith.constant 0 : i32
    %dma_start3A_685 = arith.constant 0 : i32
    %dma_start3A_686 = arith.constant 0 : i32
    %dma_start3A_687 = tpu.memref_slice %arg3[%dma_start3A_683, %add3A, %dma_start3A_684, %dma_start3A_685, %dma_start3A_686] : memref<3x32x2x80x64xi32, #tpu.memory_space<hbm>> -> memref<1x1x1x80x64xi32, #tpu.memory_space<hbm>>
    %dma_start3A_688 = tpu.memref_squeeze %dma_start3A_687 : memref<1x1x1x80x64xi32, #tpu.memory_space<hbm>> -> memref<80x64xi32, #tpu.memory_space<hbm>>
    %dma_start3A_689 = arith.constant 0 : i32
    %dma_start3A_690 = arith.constant 0 : i32
    %dma_start3A_691 = tpu.memref_slice %arg3[%dma_start3A_683, %add3A, %dma_start3A_684, %dma_start3A_689, %dma_start3A_690] : memref<3x32x2x80x64xi32, #tpu.memory_space<hbm>> -> memref<1x1x1x80x64xi32, #tpu.memory_space<hbm>>
    %dma_start3A_692 = tpu.memref_squeeze %dma_start3A_691 : memref<1x1x1x80x64xi32, #tpu.memory_space<hbm>> -> memref<80x64xi32, #tpu.memory_space<hbm>>
    tpu.enqueue_dma source(%dma_start3A_692 : memref<80x64xi32, #tpu.memory_space<hbm>>) target(%arg7 : memref<80x64xi32, #tpu.memory_space<vmem>>) target_semaphore(%arg12 : memref<!tpu.dma_semaphore, #tpu.memory_space<semaphore_mem>>)
    %dma_wait3A_693 = arith.constant 1 : i32
    %dma_wait3A_694 = arith.constant 0 : i32
    %dma_wait3A_695 = arith.constant 0 : i32
    %dma_wait3A_696 = arith.constant 0 : i32
    %dma_wait3A_697 = tpu.memref_slice %arg3[%dma_wait3A_693, %add3A, %dma_wait3A_694, %dma_wait3A_695, %dma_wait3A_696] : memref<3x32x2x80x64xi32, #tpu.memory_space<hbm>> -> memref<1x1x1x80x64xi32, #tpu.memory_space<hbm>>
    %dma_wait3A_698 = tpu.memref_squeeze %dma_wait3A_697 : memref<1x1x1x80x64xi32, #tpu.memory_space<hbm>> -> memref<80x64xi32, #tpu.memory_space<hbm>>
    %dma_wait3A_699 = arith.constant 0 : i32
    %dma_wait3A_700 = arith.constant 0 : i32
    %dma_wait3A_701 = tpu.memref_slice %arg3[%dma_wait3A_693, %add3A, %dma_wait3A_694, %dma_wait3A_699, %dma_wait3A_700] : memref<3x32x2x80x64xi32, #tpu.memory_space<hbm>> -> memref<1x1x1x80x64xi32, #tpu.memory_space<hbm>>
    %dma_wait3A_702 = tpu.memref_squeeze %dma_wait3A_701 : memref<1x1x1x80x64xi32, #tpu.memory_space<hbm>> -> memref<80x64xi32, #tpu.memory_space<hbm>>
    tpu.wait_dma2 semaphore(%arg12 : memref<!tpu.dma_semaphore, #tpu.memory_space<semaphore_mem>>) src(%dma_wait3A_702 : memref<80x64xi32, #tpu.memory_space<hbm>>) dst(%arg7 : memref<80x64xi32, #tpu.memory_space<vmem>>)
    %dma_start3A_703 = arith.constant 1 : i32
    %dma_start3A_704 = arith.constant 0 : i32
    %dma_start3A_705 = arith.constant 0 : i32
    %dma_start3A_706 = arith.constant 0 : i32
    %dma_start3A_707 = tpu.memref_slice %arg4[%dma_start3A_703, %add3A, %dma_start3A_704, %dma_start3A_705, %dma_start3A_706] : memref<3x32x2x80x64xi32, #tpu.memory_space<hbm>> -> memref<1x1x1x80x64xi32, #tpu.memory_space<hbm>>
    %dma_start3A_708 = tpu.memref_squeeze %dma_start3A_707 : memref<1x1x1x80x64xi32, #tpu.memory_space<hbm>> -> memref<80x64xi32, #tpu.memory_space<hbm>>
    %dma_start3A_709 = arith.constant 0 : i32
    %dma_start3A_710 = arith.constant 0 : i32
    %dma_start3A_711 = tpu.memref_slice %arg4[%dma_start3A_703, %add3A, %dma_start3A_704, %dma_start3A_709, %dma_start3A_710] : memref<3x32x2x80x64xi32, #tpu.memory_space<hbm>> -> memref<1x1x1x80x64xi32, #tpu.memory_space<hbm>>
    %dma_start3A_712 = tpu.memref_squeeze %dma_start3A_711 : memref<1x1x1x80x64xi32, #tpu.memory_space<hbm>> -> memref<80x64xi32, #tpu.memory_space<hbm>>
    tpu.enqueue_dma source(%dma_start3A_712 : memref<80x64xi32, #tpu.memory_space<hbm>>) target(%arg8 : memref<80x64xi32, #tpu.memory_space<vmem>>) target_semaphore(%arg12 : memref<!tpu.dma_semaphore, #tpu.memory_space<semaphore_mem>>)
    %dma_wait3A_713 = arith.constant 1 : i32
    %dma_wait3A_714 = arith.constant 0 : i32
    %dma_wait3A_715 = arith.constant 0 : i32
    %dma_wait3A_716 = arith.constant 0 : i32
    %dma_wait3A_717 = tpu.memref_slice %arg4[%dma_wait3A_713, %add3A, %dma_wait3A_714, %dma_wait3A_715, %dma_wait3A_716] : memref<3x32x2x80x64xi32, #tpu.memory_space<hbm>> -> memref<1x1x1x80x64xi32, #tpu.memory_space<hbm>>
    %dma_wait3A_718 = tpu.memref_squeeze %dma_wait3A_717 : memref<1x1x1x80x64xi32, #tpu.memory_space<hbm>> -> memref<80x64xi32, #tpu.memory_space<hbm>>
    %dma_wait3A_719 = arith.constant 0 : i32
    %dma_wait3A_720 = arith.constant 0 : i32
    %dma_wait3A_721 = tpu.memref_slice %arg4[%dma_wait3A_713, %add3A, %dma_wait3A_714, %dma_wait3A_719, %dma_wait3A_720] : memref<3x32x2x80x64xi32, #tpu.memory_space<hbm>> -> memref<1x1x1x80x64xi32, #tpu.memory_space<hbm>>
    %dma_wait3A_722 = tpu.memref_squeeze %dma_wait3A_721 : memref<1x1x1x80x64xi32, #tpu.memory_space<hbm>> -> memref<80x64xi32, #tpu.memory_space<hbm>>
    tpu.wait_dma2 semaphore(%arg12 : memref<!tpu.dma_semaphore, #tpu.memory_space<semaphore_mem>>) src(%dma_wait3A_722 : memref<80x64xi32, #tpu.memory_space<hbm>>) dst(%arg8 : memref<80x64xi32, #tpu.memory_space<vmem>>)
    %scan3A_723 = arith.constant 0 : i32
    %scan3A_724 = arith.constant 0 : i32
    %scan3A_725 = arith.constant 40 : i32
    %scan3A_726 = arith.addi %scan3A_724, %scan3A_725 : i32
    %scan3A_727 = arith.constant 1 : i32
    %scan3A_728 = scf.for %scan3A_1620 = %scan3A_724 to %scan3A_726 step %scan3A_727 iter_args(%scan3A_1621 = %scan3A_723) -> (i32)  : i32 {
      %mul3A_1622 = arith.constant 2 : i32
      %mul3A_1623 = arith.muli %scan3A_1620, %mul3A_1622 : i32
      %dma_start3A_1624 = arith.constant 0 : i32
      %dma_start3A_1625 = tpu.memref_slice %arg7[%mul3A_1623, %dma_start3A_1624] : memref<80x64xi32, #tpu.memory_space<vmem>> -> memref<1x64xi32, #tpu.memory_space<vmem>>
      %dma_start3A_1626 = tpu.memref_squeeze %dma_start3A_1625 : memref<1x64xi32, #tpu.memory_space<vmem>> -> memref<64xi32, #tpu.memory_space<vmem>>
      %dma_start3A_1627 = arith.constant 0 : i32
      %dma_start3A_1628 = arith.constant 0 : i32
      %dma_start3A_1629 = tpu.memref_slice %arg2[%dma_start3A_1627, %dma_start3A_1628] : memref<30720x128xf32, #tpu.memory_space<hbm>> -> memref<30720x128xf32, #tpu.memory_space<hbm>>
      tpu.enqueue_indirect_dma source(%dma_start3A_1629 : memref<30720x128xf32, #tpu.memory_space<hbm>>) target(%arg9 : memref<64x128xf32, #tpu.memory_space<vmem>>) offsets(%dma_start3A_1626 : memref<64xi32, #tpu.memory_space<vmem>>) semaphore(%arg13 : memref<!tpu.dma_semaphore, #tpu.memory_space<semaphore_mem>>)
      %add3A_1630 = arith.constant 1 : i32
      %add3A_1631 = arith.addi %mul3A_1623, %add3A_1630 : i32
      %dma_start3A_1632 = arith.constant 0 : i32
      %dma_start3A_1633 = tpu.memref_slice %arg7[%add3A_1631, %dma_start3A_1632] : memref<80x64xi32, #tpu.memory_space<vmem>> -> memref<1x64xi32, #tpu.memory_space<vmem>>
      %dma_start3A_1634 = tpu.memref_squeeze %dma_start3A_1633 : memref<1x64xi32, #tpu.memory_space<vmem>> -> memref<64xi32, #tpu.memory_space<vmem>>
      %dma_start3A_1635 = arith.constant 0 : i32
      %dma_start3A_1636 = arith.constant 0 : i32
      %dma_start3A_1637 = tpu.memref_slice %arg2[%dma_start3A_1635, %dma_start3A_1636] : memref<30720x128xf32, #tpu.memory_space<hbm>> -> memref<30720x128xf32, #tpu.memory_space<hbm>>
      tpu.enqueue_indirect_dma source(%dma_start3A_1637 : memref<30720x128xf32, #tpu.memory_space<hbm>>) target(%arg10 : memref<64x128xf32, #tpu.memory_space<vmem>>) offsets(%dma_start3A_1634 : memref<64xi32, #tpu.memory_space<vmem>>) semaphore(%arg14 : memref<!tpu.dma_semaphore, #tpu.memory_space<semaphore_mem>>)
      %dma_wait3A_1638 = arith.constant 0 : i32
      %dma_wait3A_1639 = tpu.memref_slice %arg7[%mul3A_1623, %dma_wait3A_1638] : memref<80x64xi32, #tpu.memory_space<vmem>> -> memref<1x64xi32, #tpu.memory_space<vmem>>
      %dma_wait3A_1640 = tpu.memref_squeeze %dma_wait3A_1639 : memref<1x64xi32, #tpu.memory_space<vmem>> -> memref<64xi32, #tpu.memory_space<vmem>>
      %dma_wait3A_1641 = arith.constant 0 : i32
      %dma_wait3A_1642 = arith.constant 0 : i32
      %dma_wait3A_1643 = tpu.memref_slice %arg2[%dma_wait3A_1641, %dma_wait3A_1642] : memref<30720x128xf32, #tpu.memory_space<hbm>> -> memref<30720x128xf32, #tpu.memory_space<hbm>>
      tpu.wait_indirect_dma semaphore(%arg13 : memref<!tpu.dma_semaphore, #tpu.memory_space<semaphore_mem>>) src(%dma_wait3A_1643 : memref<30720x128xf32, #tpu.memory_space<hbm>>) dst(%arg9 : memref<64x128xf32, #tpu.memory_space<vmem>>)
      "tpu.region"() ({
        %run_scoped3A = tpu.sem_alloc : memref<!tpu.dma_semaphore, #tpu.memory_space<semaphore_mem>>
        %dma_start3A_1653 = arith.constant 0 : i32
        %dma_start3A_1654 = tpu.memref_slice %arg8[%mul3A_1623, %dma_start3A_1653] : memref<80x64xi32, #tpu.memory_space<vmem>> -> memref<1x64xi32, #tpu.memory_space<vmem>>
        %dma_start3A_1655 = tpu.memref_squeeze %dma_start3A_1654 : memref<1x64xi32, #tpu.memory_space<vmem>> -> memref<64xi32, #tpu.memory_space<vmem>>
        %dma_start3A_1656 = arith.constant 0 : i32
        %dma_start3A_1657 = arith.constant 0 : i32
        %dma_start3A_1658 = tpu.memref_slice %arg11[%dma_start3A_1656, %dma_start3A_1657] : memref<10272x128xf32, #tpu.memory_space<vmem_shared>> -> memref<10272x128xf32, #tpu.memory_space<vmem_shared>>
        tpu.enqueue_indirect_dma source(%arg9 : memref<64x128xf32, #tpu.memory_space<vmem>>) target(%dma_start3A_1658 : memref<10272x128xf32, #tpu.memory_space<vmem_shared>>) offsets(%dma_start3A_1655 : memref<64xi32, #tpu.memory_space<vmem>>) semaphore(%run_scoped3A : memref<!tpu.dma_semaphore, #tpu.memory_space<semaphore_mem>>) {add = true}
        %dma_wait3A_1659 = arith.constant 0 : i32
        %dma_wait3A_1660 = tpu.memref_slice %arg8[%mul3A_1623, %dma_wait3A_1659] : memref<80x64xi32, #tpu.memory_space<vmem>> -> memref<1x64xi32, #tpu.memory_space<vmem>>
        %dma_wait3A_1661 = tpu.memref_squeeze %dma_wait3A_1660 : memref<1x64xi32, #tpu.memory_space<vmem>> -> memref<64xi32, #tpu.memory_space<vmem>>
        %dma_wait3A_1662 = arith.constant 0 : i32
        %dma_wait3A_1663 = arith.constant 0 : i32
        %dma_wait3A_1664 = tpu.memref_slice %arg11[%dma_wait3A_1662, %dma_wait3A_1663] : memref<10272x128xf32, #tpu.memory_space<vmem_shared>> -> memref<10272x128xf32, #tpu.memory_space<vmem_shared>>
        tpu.wait_indirect_dma semaphore(%run_scoped3A : memref<!tpu.dma_semaphore, #tpu.memory_space<semaphore_mem>>) src(%arg9 : memref<64x128xf32, #tpu.memory_space<vmem>>) dst(%dma_wait3A_1664 : memref<10272x128xf32, #tpu.memory_space<vmem_shared>>)
        tpu.yield
      }) : () -> ()
      %dma_wait3A_1644 = arith.constant 0 : i32
      %dma_wait3A_1645 = tpu.memref_slice %arg7[%add3A_1631, %dma_wait3A_1644] : memref<80x64xi32, #tpu.memory_space<vmem>> -> memref<1x64xi32, #tpu.memory_space<vmem>>
      %dma_wait3A_1646 = tpu.memref_squeeze %dma_wait3A_1645 : memref<1x64xi32, #tpu.memory_space<vmem>> -> memref<64xi32, #tpu.memory_space<vmem>>
      %dma_wait3A_1647 = arith.constant 0 : i32
      %dma_wait3A_1648 = arith.constant 0 : i32
      %dma_wait3A_1649 = tpu.memref_slice %arg2[%dma_wait3A_1647, %dma_wait3A_1648] : memref<30720x128xf32, #tpu.memory_space<hbm>> -> memref<30720x128xf32, #tpu.memory_space<hbm>>
      tpu.wait_indirect_dma semaphore(%arg14 : memref<!tpu.dma_semaphore, #tpu.memory_space<semaphore_mem>>) src(%dma_wait3A_1649 : memref<30720x128xf32, #tpu.memory_space<hbm>>) dst(%arg10 : memref<64x128xf32, #tpu.memory_space<vmem>>)
      %add3A_1650 = arith.constant 1 : i32
      %add3A_1651 = arith.addi %mul3A_1623, %add3A_1650 : i32
      "tpu.region"() ({
        %run_scoped3A = tpu.sem_alloc : memref<!tpu.dma_semaphore, #tpu.memory_space<semaphore_mem>>
        %dma_start3A_1653 = arith.constant 0 : i32
        %dma_start3A_1654 = tpu.memref_slice %arg8[%add3A_1651, %dma_start3A_1653] : memref<80x64xi32, #tpu.memory_space<vmem>> -> memref<1x64xi32, #tpu.memory_space<vmem>>
        %dma_start3A_1655 = tpu.memref_squeeze %dma_start3A_1654 : memref<1x64xi32, #tpu.memory_space<vmem>> -> memref<64xi32, #tpu.memory_space<vmem>>
        %dma_start3A_1656 = arith.constant 0 : i32
        %dma_start3A_1657 = arith.constant 0 : i32
        %dma_start3A_1658 = tpu.memref_slice %arg11[%dma_start3A_1656, %dma_start3A_1657] : memref<10272x128xf32, #tpu.memory_space<vmem_shared>> -> memref<10272x128xf32, #tpu.memory_space<vmem_shared>>
        tpu.enqueue_indirect_dma source(%arg10 : memref<64x128xf32, #tpu.memory_space<vmem>>) target(%dma_start3A_1658 : memref<10272x128xf32, #tpu.memory_space<vmem_shared>>) offsets(%dma_start3A_1655 : memref<64xi32, #tpu.memory_space<vmem>>) semaphore(%run_scoped3A : memref<!tpu.dma_semaphore, #tpu.memory_space<semaphore_mem>>) {add = true}
        %dma_wait3A_1659 = arith.constant 0 : i32
        %dma_wait3A_1660 = tpu.memref_slice %arg8[%add3A_1651, %dma_wait3A_1659] : memref<80x64xi32, #tpu.memory_space<vmem>> -> memref<1x64xi32, #tpu.memory_space<vmem>>
        %dma_wait3A_1661 = tpu.memref_squeeze %dma_wait3A_1660 : memref<1x64xi32, #tpu.memory_space<vmem>> -> memref<64xi32, #tpu.memory_space<vmem>>
        %dma_wait3A_1662 = arith.constant 0 : i32
        %dma_wait3A_1663 = arith.constant 0 : i32
        %dma_wait3A_1664 = tpu.memref_slice %arg11[%dma_wait3A_1662, %dma_wait3A_1663] : memref<10272x128xf32, #tpu.memory_space<vmem_shared>> -> memref<10272x128xf32, #tpu.memory_space<vmem_shared>>
        tpu.wait_indirect_dma semaphore(%run_scoped3A : memref<!tpu.dma_semaphore, #tpu.memory_space<semaphore_mem>>) src(%arg10 : memref<64x128xf32, #tpu.memory_space<vmem>>) dst(%dma_wait3A_1664 : memref<10272x128xf32, #tpu.memory_space<vmem_shared>>)
        tpu.yield
      }) : () -> ()
      %scan3A_1652 = arith.constant 0 : i32
      scf.yield %scan3A_1652 : i32
    }
    %scan3A_729 = arith.constant 40 : i32
    %dma_start3A_730 = arith.constant 1 : i32
    %dma_start3A_731 = arith.constant 1 : i32
    %dma_start3A_732 = arith.constant 0 : i32
    %dma_start3A_733 = arith.constant 0 : i32
    %dma_start3A_734 = tpu.memref_slice %arg3[%dma_start3A_730, %add3A, %dma_start3A_731, %dma_start3A_732, %dma_start3A_733] : memref<3x32x2x80x64xi32, #tpu.memory_space<hbm>> -> memref<1x1x1x80x64xi32, #tpu.memory_space<hbm>>
    %dma_start3A_735 = tpu.memref_squeeze %dma_start3A_734 : memref<1x1x1x80x64xi32, #tpu.memory_space<hbm>> -> memref<80x64xi32, #tpu.memory_space<hbm>>
    %dma_start3A_736 = arith.constant 0 : i32
    %dma_start3A_737 = arith.constant 0 : i32
    %dma_start3A_738 = tpu.memref_slice %arg3[%dma_start3A_730, %add3A, %dma_start3A_731, %dma_start3A_736, %dma_start3A_737] : memref<3x32x2x80x64xi32, #tpu.memory_space<hbm>> -> memref<1x1x1x80x64xi32, #tpu.memory_space<hbm>>
    %dma_start3A_739 = tpu.memref_squeeze %dma_start3A_738 : memref<1x1x1x80x64xi32, #tpu.memory_space<hbm>> -> memref<80x64xi32, #tpu.memory_space<hbm>>
    tpu.enqueue_dma source(%dma_start3A_739 : memref<80x64xi32, #tpu.memory_space<hbm>>) target(%arg7 : memref<80x64xi32, #tpu.memory_space<vmem>>) target_semaphore(%arg12 : memref<!tpu.dma_semaphore, #tpu.memory_space<semaphore_mem>>)
    %dma_wait3A_740 = arith.constant 1 : i32
    %dma_wait3A_741 = arith.constant 1 : i32
    %dma_wait3A_742 = arith.constant 0 : i32
    %dma_wait3A_743 = arith.constant 0 : i32
    %dma_wait3A_744 = tpu.memref_slice %arg3[%dma_wait3A_740, %add3A, %dma_wait3A_741, %dma_wait3A_742, %dma_wait3A_743] : memref<3x32x2x80x64xi32, #tpu.memory_space<hbm>> -> memref<1x1x1x80x64xi32, #tpu.memory_space<hbm>>
    %dma_wait3A_745 = tpu.memref_squeeze %dma_wait3A_744 : memref<1x1x1x80x64xi32, #tpu.memory_space<hbm>> -> memref<80x64xi32, #tpu.memory_space<hbm>>
    %dma_wait3A_746 = arith.constant 0 : i32
    %dma_wait3A_747 = arith.constant 0 : i32
    %dma_wait3A_748 = tpu.memref_slice %arg3[%dma_wait3A_740, %add3A, %dma_wait3A_741, %dma_wait3A_746, %dma_wait3A_747] : memref<3x32x2x80x64xi32, #tpu.memory_space<hbm>> -> memref<1x1x1x80x64xi32, #tpu.memory_space<hbm>>
    %dma_wait3A_749 = tpu.memref_squeeze %dma_wait3A_748 : memref<1x1x1x80x64xi32, #tpu.memory_space<hbm>> -> memref<80x64xi32, #tpu.memory_space<hbm>>
    tpu.wait_dma2 semaphore(%arg12 : memref<!tpu.dma_semaphore, #tpu.memory_space<semaphore_mem>>) src(%dma_wait3A_749 : memref<80x64xi32, #tpu.memory_space<hbm>>) dst(%arg7 : memref<80x64xi32, #tpu.memory_space<vmem>>)
    %dma_start3A_750 = arith.constant 1 : i32
    %dma_start3A_751 = arith.constant 1 : i32
    %dma_start3A_752 = arith.constant 0 : i32
    %dma_start3A_753 = arith.constant 0 : i32
    %dma_start3A_754 = tpu.memref_slice %arg4[%dma_start3A_750, %add3A, %dma_start3A_751, %dma_start3A_752, %dma_start3A_753] : memref<3x32x2x80x64xi32, #tpu.memory_space<hbm>> -> memref<1x1x1x80x64xi32, #tpu.memory_space<hbm>>
    %dma_start3A_755 = tpu.memref_squeeze %dma_start3A_754 : memref<1x1x1x80x64xi32, #tpu.memory_space<hbm>> -> memref<80x64xi32, #tpu.memory_space<hbm>>
    %dma_start3A_756 = arith.constant 0 : i32
    %dma_start3A_757 = arith.constant 0 : i32
    %dma_start3A_758 = tpu.memref_slice %arg4[%dma_start3A_750, %add3A, %dma_start3A_751, %dma_start3A_756, %dma_start3A_757] : memref<3x32x2x80x64xi32, #tpu.memory_space<hbm>> -> memref<1x1x1x80x64xi32, #tpu.memory_space<hbm>>
    %dma_start3A_759 = tpu.memref_squeeze %dma_start3A_758 : memref<1x1x1x80x64xi32, #tpu.memory_space<hbm>> -> memref<80x64xi32, #tpu.memory_space<hbm>>
    tpu.enqueue_dma source(%dma_start3A_759 : memref<80x64xi32, #tpu.memory_space<hbm>>) target(%arg8 : memref<80x64xi32, #tpu.memory_space<vmem>>) target_semaphore(%arg12 : memref<!tpu.dma_semaphore, #tpu.memory_space<semaphore_mem>>)
    %dma_wait3A_760 = arith.constant 1 : i32
    %dma_wait3A_761 = arith.constant 1 : i32
    %dma_wait3A_762 = arith.constant 0 : i32
    %dma_wait3A_763 = arith.constant 0 : i32
    %dma_wait3A_764 = tpu.memref_slice %arg4[%dma_wait3A_760, %add3A, %dma_wait3A_761, %dma_wait3A_762, %dma_wait3A_763] : memref<3x32x2x80x64xi32, #tpu.memory_space<hbm>> -> memref<1x1x1x80x64xi32, #tpu.memory_space<hbm>>
    %dma_wait3A_765 = tpu.memref_squeeze %dma_wait3A_764 : memref<1x1x1x80x64xi32, #tpu.memory_space<hbm>> -> memref<80x64xi32, #tpu.memory_space<hbm>>
    %dma_wait3A_766 = arith.constant 0 : i32
    %dma_wait3A_767 = arith.constant 0 : i32
    %dma_wait3A_768 = tpu.memref_slice %arg4[%dma_wait3A_760, %add3A, %dma_wait3A_761, %dma_wait3A_766, %dma_wait3A_767] : memref<3x32x2x80x64xi32, #tpu.memory_space<hbm>> -> memref<1x1x1x80x64xi32, #tpu.memory_space<hbm>>
    %dma_wait3A_769 = tpu.memref_squeeze %dma_wait3A_768 : memref<1x1x1x80x64xi32, #tpu.memory_space<hbm>> -> memref<80x64xi32, #tpu.memory_space<hbm>>
    tpu.wait_dma2 semaphore(%arg12 : memref<!tpu.dma_semaphore, #tpu.memory_space<semaphore_mem>>) src(%dma_wait3A_769 : memref<80x64xi32, #tpu.memory_space<hbm>>) dst(%arg8 : memref<80x64xi32, #tpu.memory_space<vmem>>)
    %scan3A_770 = arith.constant 0 : i32
    %scan3A_771 = arith.constant 0 : i32
    %scan3A_772 = arith.constant 40 : i32
    %scan3A_773 = arith.addi %scan3A_771, %scan3A_772 : i32
    %scan3A_774 = arith.constant 1 : i32
    %scan3A_775 = scf.for %scan3A_1620 = %scan3A_771 to %scan3A_773 step %scan3A_774 iter_args(%scan3A_1621 = %scan3A_770) -> (i32)  : i32 {
      %mul3A_1622 = arith.constant 2 : i32
      %mul3A_1623 = arith.muli %scan3A_1620, %mul3A_1622 : i32
      %dma_start3A_1624 = arith.constant 0 : i32
      %dma_start3A_1625 = tpu.memref_slice %arg7[%mul3A_1623, %dma_start3A_1624] : memref<80x64xi32, #tpu.memory_space<vmem>> -> memref<1x64xi32, #tpu.memory_space<vmem>>
      %dma_start3A_1626 = tpu.memref_squeeze %dma_start3A_1625 : memref<1x64xi32, #tpu.memory_space<vmem>> -> memref<64xi32, #tpu.memory_space<vmem>>
      %dma_start3A_1627 = arith.constant 0 : i32
      %dma_start3A_1628 = arith.constant 0 : i32
      %dma_start3A_1629 = tpu.memref_slice %arg2[%dma_start3A_1627, %dma_start3A_1628] : memref<30720x128xf32, #tpu.memory_space<hbm>> -> memref<30720x128xf32, #tpu.memory_space<hbm>>
      tpu.enqueue_indirect_dma source(%dma_start3A_1629 : memref<30720x128xf32, #tpu.memory_space<hbm>>) target(%arg9 : memref<64x128xf32, #tpu.memory_space<vmem>>) offsets(%dma_start3A_1626 : memref<64xi32, #tpu.memory_space<vmem>>) semaphore(%arg13 : memref<!tpu.dma_semaphore, #tpu.memory_space<semaphore_mem>>)
      %add3A_1630 = arith.constant 1 : i32
      %add3A_1631 = arith.addi %mul3A_1623, %add3A_1630 : i32
      %dma_start3A_1632 = arith.constant 0 : i32
      %dma_start3A_1633 = tpu.memref_slice %arg7[%add3A_1631, %dma_start3A_1632] : memref<80x64xi32, #tpu.memory_space<vmem>> -> memref<1x64xi32, #tpu.memory_space<vmem>>
      %dma_start3A_1634 = tpu.memref_squeeze %dma_start3A_1633 : memref<1x64xi32, #tpu.memory_space<vmem>> -> memref<64xi32, #tpu.memory_space<vmem>>
      %dma_start3A_1635 = arith.constant 0 : i32
      %dma_start3A_1636 = arith.constant 0 : i32
      %dma_start3A_1637 = tpu.memref_slice %arg2[%dma_start3A_1635, %dma_start3A_1636] : memref<30720x128xf32, #tpu.memory_space<hbm>> -> memref<30720x128xf32, #tpu.memory_space<hbm>>
      tpu.enqueue_indirect_dma source(%dma_start3A_1637 : memref<30720x128xf32, #tpu.memory_space<hbm>>) target(%arg10 : memref<64x128xf32, #tpu.memory_space<vmem>>) offsets(%dma_start3A_1634 : memref<64xi32, #tpu.memory_space<vmem>>) semaphore(%arg14 : memref<!tpu.dma_semaphore, #tpu.memory_space<semaphore_mem>>)
      %dma_wait3A_1638 = arith.constant 0 : i32
      %dma_wait3A_1639 = tpu.memref_slice %arg7[%mul3A_1623, %dma_wait3A_1638] : memref<80x64xi32, #tpu.memory_space<vmem>> -> memref<1x64xi32, #tpu.memory_space<vmem>>
      %dma_wait3A_1640 = tpu.memref_squeeze %dma_wait3A_1639 : memref<1x64xi32, #tpu.memory_space<vmem>> -> memref<64xi32, #tpu.memory_space<vmem>>
      %dma_wait3A_1641 = arith.constant 0 : i32
      %dma_wait3A_1642 = arith.constant 0 : i32
      %dma_wait3A_1643 = tpu.memref_slice %arg2[%dma_wait3A_1641, %dma_wait3A_1642] : memref<30720x128xf32, #tpu.memory_space<hbm>> -> memref<30720x128xf32, #tpu.memory_space<hbm>>
      tpu.wait_indirect_dma semaphore(%arg13 : memref<!tpu.dma_semaphore, #tpu.memory_space<semaphore_mem>>) src(%dma_wait3A_1643 : memref<30720x128xf32, #tpu.memory_space<hbm>>) dst(%arg9 : memref<64x128xf32, #tpu.memory_space<vmem>>)
      "tpu.region"() ({
        %run_scoped3A = tpu.sem_alloc : memref<!tpu.dma_semaphore, #tpu.memory_space<semaphore_mem>>
        %dma_start3A_1653 = arith.constant 0 : i32
        %dma_start3A_1654 = tpu.memref_slice %arg8[%mul3A_1623, %dma_start3A_1653] : memref<80x64xi32, #tpu.memory_space<vmem>> -> memref<1x64xi32, #tpu.memory_space<vmem>>
        %dma_start3A_1655 = tpu.memref_squeeze %dma_start3A_1654 : memref<1x64xi32, #tpu.memory_space<vmem>> -> memref<64xi32, #tpu.memory_space<vmem>>
        %dma_start3A_1656 = arith.constant 0 : i32
        %dma_start3A_1657 = arith.constant 0 : i32
        %dma_start3A_1658 = tpu.memref_slice %arg11[%dma_start3A_1656, %dma_start3A_1657] : memref<10272x128xf32, #tpu.memory_space<vmem_shared>> -> memref<10272x128xf32, #tpu.memory_space<vmem_shared>>
        tpu.enqueue_indirect_dma source(%arg9 : memref<64x128xf32, #tpu.memory_space<vmem>>) target(%dma_start3A_1658 : memref<10272x128xf32, #tpu.memory_space<vmem_shared>>) offsets(%dma_start3A_1655 : memref<64xi32, #tpu.memory_space<vmem>>) semaphore(%run_scoped3A : memref<!tpu.dma_semaphore, #tpu.memory_space<semaphore_mem>>) {add = true}
        %dma_wait3A_1659 = arith.constant 0 : i32
        %dma_wait3A_1660 = tpu.memref_slice %arg8[%mul3A_1623, %dma_wait3A_1659] : memref<80x64xi32, #tpu.memory_space<vmem>> -> memref<1x64xi32, #tpu.memory_space<vmem>>
        %dma_wait3A_1661 = tpu.memref_squeeze %dma_wait3A_1660 : memref<1x64xi32, #tpu.memory_space<vmem>> -> memref<64xi32, #tpu.memory_space<vmem>>
        %dma_wait3A_1662 = arith.constant 0 : i32
        %dma_wait3A_1663 = arith.constant 0 : i32
        %dma_wait3A_1664 = tpu.memref_slice %arg11[%dma_wait3A_1662, %dma_wait3A_1663] : memref<10272x128xf32, #tpu.memory_space<vmem_shared>> -> memref<10272x128xf32, #tpu.memory_space<vmem_shared>>
        tpu.wait_indirect_dma semaphore(%run_scoped3A : memref<!tpu.dma_semaphore, #tpu.memory_space<semaphore_mem>>) src(%arg9 : memref<64x128xf32, #tpu.memory_space<vmem>>) dst(%dma_wait3A_1664 : memref<10272x128xf32, #tpu.memory_space<vmem_shared>>)
        tpu.yield
      }) : () -> ()
      %dma_wait3A_1644 = arith.constant 0 : i32
      %dma_wait3A_1645 = tpu.memref_slice %arg7[%add3A_1631, %dma_wait3A_1644] : memref<80x64xi32, #tpu.memory_space<vmem>> -> memref<1x64xi32, #tpu.memory_space<vmem>>
      %dma_wait3A_1646 = tpu.memref_squeeze %dma_wait3A_1645 : memref<1x64xi32, #tpu.memory_space<vmem>> -> memref<64xi32, #tpu.memory_space<vmem>>
      %dma_wait3A_1647 = arith.constant 0 : i32
      %dma_wait3A_1648 = arith.constant 0 : i32
      %dma_wait3A_1649 = tpu.memref_slice %arg2[%dma_wait3A_1647, %dma_wait3A_1648] : memref<30720x128xf32, #tpu.memory_space<hbm>> -> memref<30720x128xf32, #tpu.memory_space<hbm>>
      tpu.wait_indirect_dma semaphore(%arg14 : memref<!tpu.dma_semaphore, #tpu.memory_space<semaphore_mem>>) src(%dma_wait3A_1649 : memref<30720x128xf32, #tpu.memory_space<hbm>>) dst(%arg10 : memref<64x128xf32, #tpu.memory_space<vmem>>)
      %add3A_1650 = arith.constant 1 : i32
      %add3A_1651 = arith.addi %mul3A_1623, %add3A_1650 : i32
      "tpu.region"() ({
        %run_scoped3A = tpu.sem_alloc : memref<!tpu.dma_semaphore, #tpu.memory_space<semaphore_mem>>
        %dma_start3A_1653 = arith.constant 0 : i32
        %dma_start3A_1654 = tpu.memref_slice %arg8[%add3A_1651, %dma_start3A_1653] : memref<80x64xi32, #tpu.memory_space<vmem>> -> memref<1x64xi32, #tpu.memory_space<vmem>>
        %dma_start3A_1655 = tpu.memref_squeeze %dma_start3A_1654 : memref<1x64xi32, #tpu.memory_space<vmem>> -> memref<64xi32, #tpu.memory_space<vmem>>
        %dma_start3A_1656 = arith.constant 0 : i32
        %dma_start3A_1657 = arith.constant 0 : i32
        %dma_start3A_1658 = tpu.memref_slice %arg11[%dma_start3A_1656, %dma_start3A_1657] : memref<10272x128xf32, #tpu.memory_space<vmem_shared>> -> memref<10272x128xf32, #tpu.memory_space<vmem_shared>>
        tpu.enqueue_indirect_dma source(%arg10 : memref<64x128xf32, #tpu.memory_space<vmem>>) target(%dma_start3A_1658 : memref<10272x128xf32, #tpu.memory_space<vmem_shared>>) offsets(%dma_start3A_1655 : memref<64xi32, #tpu.memory_space<vmem>>) semaphore(%run_scoped3A : memref<!tpu.dma_semaphore, #tpu.memory_space<semaphore_mem>>) {add = true}
        %dma_wait3A_1659 = arith.constant 0 : i32
        %dma_wait3A_1660 = tpu.memref_slice %arg8[%add3A_1651, %dma_wait3A_1659] : memref<80x64xi32, #tpu.memory_space<vmem>> -> memref<1x64xi32, #tpu.memory_space<vmem>>
        %dma_wait3A_1661 = tpu.memref_squeeze %dma_wait3A_1660 : memref<1x64xi32, #tpu.memory_space<vmem>> -> memref<64xi32, #tpu.memory_space<vmem>>
        %dma_wait3A_1662 = arith.constant 0 : i32
        %dma_wait3A_1663 = arith.constant 0 : i32
        %dma_wait3A_1664 = tpu.memref_slice %arg11[%dma_wait3A_1662, %dma_wait3A_1663] : memref<10272x128xf32, #tpu.memory_space<vmem_shared>> -> memref<10272x128xf32, #tpu.memory_space<vmem_shared>>
        tpu.wait_indirect_dma semaphore(%run_scoped3A : memref<!tpu.dma_semaphore, #tpu.memory_space<semaphore_mem>>) src(%arg10 : memref<64x128xf32, #tpu.memory_space<vmem>>) dst(%dma_wait3A_1664 : memref<10272x128xf32, #tpu.memory_space<vmem_shared>>)
        tpu.yield
      }) : () -> ()
      %scan3A_1652 = arith.constant 0 : i32
      scf.yield %scan3A_1652 : i32
    }
    %scan3A_776 = arith.constant 40 : i32
    %barrier3A_777 = arith.constant 0 : index
    tpu.barrier barrier_id(%barrier3A_777)
    %mul3A_778 = arith.constant 640 : i32
    %mul3A_779 = arith.muli %arg1, %mul3A_778 : i32
    %add3A_780 = arith.constant 0 : i32
    %add3A_781 = arith.addi %mul3A_779, %add3A_780 : i32
    %dma_start3A_782 = arith.constant 0 : i32
    %dma_start3A_783 = tpu.memref_slice %arg11[%add3A_781, %dma_start3A_782] : memref<10272x128xf32, #tpu.memory_space<vmem_shared>> -> memref<64x128xf32, #tpu.memory_space<vmem_shared>>
    %dma_start3A_784 = arith.constant 0 : i32
    %dma_start3A_785 = tpu.memref_slice %arg11[%add3A_781, %dma_start3A_784] : memref<10272x128xf32, #tpu.memory_space<vmem_shared>> -> memref<64x128xf32, #tpu.memory_space<vmem_shared>>
    tpu.enqueue_dma source(%dma_start3A_785 : memref<64x128xf32, #tpu.memory_space<vmem_shared>>) target(%arg9 : memref<64x128xf32, #tpu.memory_space<vmem>>) target_semaphore(%arg12 : memref<!tpu.dma_semaphore, #tpu.memory_space<semaphore_mem>>)
    %dma_wait3A_786 = arith.constant 0 : i32
    %dma_wait3A_787 = tpu.memref_slice %arg11[%add3A_781, %dma_wait3A_786] : memref<10272x128xf32, #tpu.memory_space<vmem_shared>> -> memref<64x128xf32, #tpu.memory_space<vmem_shared>>
    %dma_wait3A_788 = arith.constant 0 : i32
    %dma_wait3A_789 = tpu.memref_slice %arg11[%add3A_781, %dma_wait3A_788] : memref<10272x128xf32, #tpu.memory_space<vmem_shared>> -> memref<64x128xf32, #tpu.memory_space<vmem_shared>>
    tpu.wait_dma2 semaphore(%arg12 : memref<!tpu.dma_semaphore, #tpu.memory_space<semaphore_mem>>) src(%dma_wait3A_789 : memref<64x128xf32, #tpu.memory_space<vmem_shared>>) dst(%arg9 : memref<64x128xf32, #tpu.memory_space<vmem>>)
    %mul3A_790 = arith.constant 640 : i32
    %mul3A_791 = arith.muli %arg1, %mul3A_790 : i32
    %add3A_792 = arith.constant 0 : i32
    %add3A_793 = arith.addi %mul3A_791, %add3A_792 : i32
    %dma_start3A_794 = arith.constant 1 : i32
    %dma_start3A_795 = arith.constant 0 : i32
    %dma_start3A_796 = tpu.memref_slice %arg6[%arg0, %dma_start3A_794, %add3A_793, %dma_start3A_795] : memref<2x3x10240x128xf32, #tpu.memory_space<hbm>> -> memref<1x1x64x128xf32, #tpu.memory_space<hbm>>
    %dma_start3A_797 = tpu.memref_squeeze %dma_start3A_796 : memref<1x1x64x128xf32, #tpu.memory_space<hbm>> -> memref<64x128xf32, #tpu.memory_space<hbm>>
    %dma_start3A_798 = arith.constant 0 : i32
    %dma_start3A_799 = tpu.memref_slice %arg6[%arg0, %dma_start3A_794, %add3A_793, %dma_start3A_798] : memref<2x3x10240x128xf32, #tpu.memory_space<hbm>> -> memref<1x1x64x128xf32, #tpu.memory_space<hbm>>
    %dma_start3A_800 = tpu.memref_squeeze %dma_start3A_799 : memref<1x1x64x128xf32, #tpu.memory_space<hbm>> -> memref<64x128xf32, #tpu.memory_space<hbm>>
    tpu.enqueue_dma source(%arg9 : memref<64x128xf32, #tpu.memory_space<vmem>>) target(%dma_start3A_800 : memref<64x128xf32, #tpu.memory_space<hbm>>) target_semaphore(%arg12 : memref<!tpu.dma_semaphore, #tpu.memory_space<semaphore_mem>>)
    %dma_wait3A_801 = arith.constant 1 : i32
    %dma_wait3A_802 = arith.constant 0 : i32
    %dma_wait3A_803 = tpu.memref_slice %arg6[%arg0, %dma_wait3A_801, %add3A_793, %dma_wait3A_802] : memref<2x3x10240x128xf32, #tpu.memory_space<hbm>> -> memref<1x1x64x128xf32, #tpu.memory_space<hbm>>
    %dma_wait3A_804 = tpu.memref_squeeze %dma_wait3A_803 : memref<1x1x64x128xf32, #tpu.memory_space<hbm>> -> memref<64x128xf32, #tpu.memory_space<hbm>>
    %dma_wait3A_805 = arith.constant 0 : i32
    %dma_wait3A_806 = tpu.memref_slice %arg6[%arg0, %dma_wait3A_801, %add3A_793, %dma_wait3A_805] : memref<2x3x10240x128xf32, #tpu.memory_space<hbm>> -> memref<1x1x64x128xf32, #tpu.memory_space<hbm>>
    %dma_wait3A_807 = tpu.memref_squeeze %dma_wait3A_806 : memref<1x1x64x128xf32, #tpu.memory_space<hbm>> -> memref<64x128xf32, #tpu.memory_space<hbm>>
    tpu.wait_dma2 semaphore(%arg12 : memref<!tpu.dma_semaphore, #tpu.memory_space<semaphore_mem>>) src(%arg9 : memref<64x128xf32, #tpu.memory_space<vmem>>) dst(%dma_wait3A_807 : memref<64x128xf32, #tpu.memory_space<hbm>>)
    %mul3A_808 = arith.constant 640 : i32
    %mul3A_809 = arith.muli %arg1, %mul3A_808 : i32
    %add3A_810 = arith.constant 64 : i32
    %add3A_811 = arith.addi %mul3A_809, %add3A_810 : i32
    %dma_start3A_812 = arith.constant 0 : i32
    %dma_start3A_813 = tpu.memref_slice %arg11[%add3A_811, %dma_start3A_812] : memref<10272x128xf32, #tpu.memory_space<vmem_shared>> -> memref<64x128xf32, #tpu.memory_space<vmem_shared>>
    %dma_start3A_814 = arith.constant 0 : i32
    %dma_start3A_815 = tpu.memref_slice %arg11[%add3A_811, %dma_start3A_814] : memref<10272x128xf32, #tpu.memory_space<vmem_shared>> -> memref<64x128xf32, #tpu.memory_space<vmem_shared>>
    tpu.enqueue_dma source(%dma_start3A_815 : memref<64x128xf32, #tpu.memory_space<vmem_shared>>) target(%arg9 : memref<64x128xf32, #tpu.memory_space<vmem>>) target_semaphore(%arg12 : memref<!tpu.dma_semaphore, #tpu.memory_space<semaphore_mem>>)
    %dma_wait3A_816 = arith.constant 0 : i32
    %dma_wait3A_817 = tpu.memref_slice %arg11[%add3A_811, %dma_wait3A_816] : memref<10272x128xf32, #tpu.memory_space<vmem_shared>> -> memref<64x128xf32, #tpu.memory_space<vmem_shared>>
    %dma_wait3A_818 = arith.constant 0 : i32
    %dma_wait3A_819 = tpu.memref_slice %arg11[%add3A_811, %dma_wait3A_818] : memref<10272x128xf32, #tpu.memory_space<vmem_shared>> -> memref<64x128xf32, #tpu.memory_space<vmem_shared>>
    tpu.wait_dma2 semaphore(%arg12 : memref<!tpu.dma_semaphore, #tpu.memory_space<semaphore_mem>>) src(%dma_wait3A_819 : memref<64x128xf32, #tpu.memory_space<vmem_shared>>) dst(%arg9 : memref<64x128xf32, #tpu.memory_space<vmem>>)
    %mul3A_820 = arith.constant 640 : i32
    %mul3A_821 = arith.muli %arg1, %mul3A_820 : i32
    %add3A_822 = arith.constant 64 : i32
    %add3A_823 = arith.addi %mul3A_821, %add3A_822 : i32
    %dma_start3A_824 = arith.constant 1 : i32
    %dma_start3A_825 = arith.constant 0 : i32
    %dma_start3A_826 = tpu.memref_slice %arg6[%arg0, %dma_start3A_824, %add3A_823, %dma_start3A_825] : memref<2x3x10240x128xf32, #tpu.memory_space<hbm>> -> memref<1x1x64x128xf32, #tpu.memory_space<hbm>>
    %dma_start3A_827 = tpu.memref_squeeze %dma_start3A_826 : memref<1x1x64x128xf32, #tpu.memory_space<hbm>> -> memref<64x128xf32, #tpu.memory_space<hbm>>
    %dma_start3A_828 = arith.constant 0 : i32
    %dma_start3A_829 = tpu.memref_slice %arg6[%arg0, %dma_start3A_824, %add3A_823, %dma_start3A_828] : memref<2x3x10240x128xf32, #tpu.memory_space<hbm>> -> memref<1x1x64x128xf32, #tpu.memory_space<hbm>>
    %dma_start3A_830 = tpu.memref_squeeze %dma_start3A_829 : memref<1x1x64x128xf32, #tpu.memory_space<hbm>> -> memref<64x128xf32, #tpu.memory_space<hbm>>
    tpu.enqueue_dma source(%arg9 : memref<64x128xf32, #tpu.memory_space<vmem>>) target(%dma_start3A_830 : memref<64x128xf32, #tpu.memory_space<hbm>>) target_semaphore(%arg12 : memref<!tpu.dma_semaphore, #tpu.memory_space<semaphore_mem>>)
    %dma_wait3A_831 = arith.constant 1 : i32
    %dma_wait3A_832 = arith.constant 0 : i32
    %dma_wait3A_833 = tpu.memref_slice %arg6[%arg0, %dma_wait3A_831, %add3A_823, %dma_wait3A_832] : memref<2x3x10240x128xf32, #tpu.memory_space<hbm>> -> memref<1x1x64x128xf32, #tpu.memory_space<hbm>>
    %dma_wait3A_834 = tpu.memref_squeeze %dma_wait3A_833 : memref<1x1x64x128xf32, #tpu.memory_space<hbm>> -> memref<64x128xf32, #tpu.memory_space<hbm>>
    %dma_wait3A_835 = arith.constant 0 : i32
    %dma_wait3A_836 = tpu.memref_slice %arg6[%arg0, %dma_wait3A_831, %add3A_823, %dma_wait3A_835] : memref<2x3x10240x128xf32, #tpu.memory_space<hbm>> -> memref<1x1x64x128xf32, #tpu.memory_space<hbm>>
    %dma_wait3A_837 = tpu.memref_squeeze %dma_wait3A_836 : memref<1x1x64x128xf32, #tpu.memory_space<hbm>> -> memref<64x128xf32, #tpu.memory_space<hbm>>
    tpu.wait_dma2 semaphore(%arg12 : memref<!tpu.dma_semaphore, #tpu.memory_space<semaphore_mem>>) src(%arg9 : memref<64x128xf32, #tpu.memory_space<vmem>>) dst(%dma_wait3A_837 : memref<64x128xf32, #tpu.memory_space<hbm>>)
    %mul3A_838 = arith.constant 640 : i32
    %mul3A_839 = arith.muli %arg1, %mul3A_838 : i32
    %add3A_840 = arith.constant 128 : i32
    %add3A_841 = arith.addi %mul3A_839, %add3A_840 : i32
    %dma_start3A_842 = arith.constant 0 : i32
    %dma_start3A_843 = tpu.memref_slice %arg11[%add3A_841, %dma_start3A_842] : memref<10272x128xf32, #tpu.memory_space<vmem_shared>> -> memref<64x128xf32, #tpu.memory_space<vmem_shared>>
    %dma_start3A_844 = arith.constant 0 : i32
    %dma_start3A_845 = tpu.memref_slice %arg11[%add3A_841, %dma_start3A_844] : memref<10272x128xf32, #tpu.memory_space<vmem_shared>> -> memref<64x128xf32, #tpu.memory_space<vmem_shared>>
    tpu.enqueue_dma source(%dma_start3A_845 : memref<64x128xf32, #tpu.memory_space<vmem_shared>>) target(%arg9 : memref<64x128xf32, #tpu.memory_space<vmem>>) target_semaphore(%arg12 : memref<!tpu.dma_semaphore, #tpu.memory_space<semaphore_mem>>)
    %dma_wait3A_846 = arith.constant 0 : i32
    %dma_wait3A_847 = tpu.memref_slice %arg11[%add3A_841, %dma_wait3A_846] : memref<10272x128xf32, #tpu.memory_space<vmem_shared>> -> memref<64x128xf32, #tpu.memory_space<vmem_shared>>
    %dma_wait3A_848 = arith.constant 0 : i32
    %dma_wait3A_849 = tpu.memref_slice %arg11[%add3A_841, %dma_wait3A_848] : memref<10272x128xf32, #tpu.memory_space<vmem_shared>> -> memref<64x128xf32, #tpu.memory_space<vmem_shared>>
    tpu.wait_dma2 semaphore(%arg12 : memref<!tpu.dma_semaphore, #tpu.memory_space<semaphore_mem>>) src(%dma_wait3A_849 : memref<64x128xf32, #tpu.memory_space<vmem_shared>>) dst(%arg9 : memref<64x128xf32, #tpu.memory_space<vmem>>)
    %mul3A_850 = arith.constant 640 : i32
    %mul3A_851 = arith.muli %arg1, %mul3A_850 : i32
    %add3A_852 = arith.constant 128 : i32
    %add3A_853 = arith.addi %mul3A_851, %add3A_852 : i32
    %dma_start3A_854 = arith.constant 1 : i32
    %dma_start3A_855 = arith.constant 0 : i32
    %dma_start3A_856 = tpu.memref_slice %arg6[%arg0, %dma_start3A_854, %add3A_853, %dma_start3A_855] : memref<2x3x10240x128xf32, #tpu.memory_space<hbm>> -> memref<1x1x64x128xf32, #tpu.memory_space<hbm>>
    %dma_start3A_857 = tpu.memref_squeeze %dma_start3A_856 : memref<1x1x64x128xf32, #tpu.memory_space<hbm>> -> memref<64x128xf32, #tpu.memory_space<hbm>>
    %dma_start3A_858 = arith.constant 0 : i32
    %dma_start3A_859 = tpu.memref_slice %arg6[%arg0, %dma_start3A_854, %add3A_853, %dma_start3A_858] : memref<2x3x10240x128xf32, #tpu.memory_space<hbm>> -> memref<1x1x64x128xf32, #tpu.memory_space<hbm>>
    %dma_start3A_860 = tpu.memref_squeeze %dma_start3A_859 : memref<1x1x64x128xf32, #tpu.memory_space<hbm>> -> memref<64x128xf32, #tpu.memory_space<hbm>>
    tpu.enqueue_dma source(%arg9 : memref<64x128xf32, #tpu.memory_space<vmem>>) target(%dma_start3A_860 : memref<64x128xf32, #tpu.memory_space<hbm>>) target_semaphore(%arg12 : memref<!tpu.dma_semaphore, #tpu.memory_space<semaphore_mem>>)
    %dma_wait3A_861 = arith.constant 1 : i32
    %dma_wait3A_862 = arith.constant 0 : i32
    %dma_wait3A_863 = tpu.memref_slice %arg6[%arg0, %dma_wait3A_861, %add3A_853, %dma_wait3A_862] : memref<2x3x10240x128xf32, #tpu.memory_space<hbm>> -> memref<1x1x64x128xf32, #tpu.memory_space<hbm>>
    %dma_wait3A_864 = tpu.memref_squeeze %dma_wait3A_863 : memref<1x1x64x128xf32, #tpu.memory_space<hbm>> -> memref<64x128xf32, #tpu.memory_space<hbm>>
    %dma_wait3A_865 = arith.constant 0 : i32
    %dma_wait3A_866 = tpu.memref_slice %arg6[%arg0, %dma_wait3A_861, %add3A_853, %dma_wait3A_865] : memref<2x3x10240x128xf32, #tpu.memory_space<hbm>> -> memref<1x1x64x128xf32, #tpu.memory_space<hbm>>
    %dma_wait3A_867 = tpu.memref_squeeze %dma_wait3A_866 : memref<1x1x64x128xf32, #tpu.memory_space<hbm>> -> memref<64x128xf32, #tpu.memory_space<hbm>>
    tpu.wait_dma2 semaphore(%arg12 : memref<!tpu.dma_semaphore, #tpu.memory_space<semaphore_mem>>) src(%arg9 : memref<64x128xf32, #tpu.memory_space<vmem>>) dst(%dma_wait3A_867 : memref<64x128xf32, #tpu.memory_space<hbm>>)
    %mul3A_868 = arith.constant 640 : i32
    %mul3A_869 = arith.muli %arg1, %mul3A_868 : i32
    %add3A_870 = arith.constant 192 : i32
    %add3A_871 = arith.addi %mul3A_869, %add3A_870 : i32
    %dma_start3A_872 = arith.constant 0 : i32
    %dma_start3A_873 = tpu.memref_slice %arg11[%add3A_871, %dma_start3A_872] : memref<10272x128xf32, #tpu.memory_space<vmem_shared>> -> memref<64x128xf32, #tpu.memory_space<vmem_shared>>
    %dma_start3A_874 = arith.constant 0 : i32
    %dma_start3A_875 = tpu.memref_slice %arg11[%add3A_871, %dma_start3A_874] : memref<10272x128xf32, #tpu.memory_space<vmem_shared>> -> memref<64x128xf32, #tpu.memory_space<vmem_shared>>
    tpu.enqueue_dma source(%dma_start3A_875 : memref<64x128xf32, #tpu.memory_space<vmem_shared>>) target(%arg9 : memref<64x128xf32, #tpu.memory_space<vmem>>) target_semaphore(%arg12 : memref<!tpu.dma_semaphore, #tpu.memory_space<semaphore_mem>>)
    %dma_wait3A_876 = arith.constant 0 : i32
    %dma_wait3A_877 = tpu.memref_slice %arg11[%add3A_871, %dma_wait3A_876] : memref<10272x128xf32, #tpu.memory_space<vmem_shared>> -> memref<64x128xf32, #tpu.memory_space<vmem_shared>>
    %dma_wait3A_878 = arith.constant 0 : i32
    %dma_wait3A_879 = tpu.memref_slice %arg11[%add3A_871, %dma_wait3A_878] : memref<10272x128xf32, #tpu.memory_space<vmem_shared>> -> memref<64x128xf32, #tpu.memory_space<vmem_shared>>
    tpu.wait_dma2 semaphore(%arg12 : memref<!tpu.dma_semaphore, #tpu.memory_space<semaphore_mem>>) src(%dma_wait3A_879 : memref<64x128xf32, #tpu.memory_space<vmem_shared>>) dst(%arg9 : memref<64x128xf32, #tpu.memory_space<vmem>>)
    %mul3A_880 = arith.constant 640 : i32
    %mul3A_881 = arith.muli %arg1, %mul3A_880 : i32
    %add3A_882 = arith.constant 192 : i32
    %add3A_883 = arith.addi %mul3A_881, %add3A_882 : i32
    %dma_start3A_884 = arith.constant 1 : i32
    %dma_start3A_885 = arith.constant 0 : i32
    %dma_start3A_886 = tpu.memref_slice %arg6[%arg0, %dma_start3A_884, %add3A_883, %dma_start3A_885] : memref<2x3x10240x128xf32, #tpu.memory_space<hbm>> -> memref<1x1x64x128xf32, #tpu.memory_space<hbm>>
    %dma_start3A_887 = tpu.memref_squeeze %dma_start3A_886 : memref<1x1x64x128xf32, #tpu.memory_space<hbm>> -> memref<64x128xf32, #tpu.memory_space<hbm>>
    %dma_start3A_888 = arith.constant 0 : i32
    %dma_start3A_889 = tpu.memref_slice %arg6[%arg0, %dma_start3A_884, %add3A_883, %dma_start3A_888] : memref<2x3x10240x128xf32, #tpu.memory_space<hbm>> -> memref<1x1x64x128xf32, #tpu.memory_space<hbm>>
    %dma_start3A_890 = tpu.memref_squeeze %dma_start3A_889 : memref<1x1x64x128xf32, #tpu.memory_space<hbm>> -> memref<64x128xf32, #tpu.memory_space<hbm>>
    tpu.enqueue_dma source(%arg9 : memref<64x128xf32, #tpu.memory_space<vmem>>) target(%dma_start3A_890 : memref<64x128xf32, #tpu.memory_space<hbm>>) target_semaphore(%arg12 : memref<!tpu.dma_semaphore, #tpu.memory_space<semaphore_mem>>)
    %dma_wait3A_891 = arith.constant 1 : i32
    %dma_wait3A_892 = arith.constant 0 : i32
    %dma_wait3A_893 = tpu.memref_slice %arg6[%arg0, %dma_wait3A_891, %add3A_883, %dma_wait3A_892] : memref<2x3x10240x128xf32, #tpu.memory_space<hbm>> -> memref<1x1x64x128xf32, #tpu.memory_space<hbm>>
    %dma_wait3A_894 = tpu.memref_squeeze %dma_wait3A_893 : memref<1x1x64x128xf32, #tpu.memory_space<hbm>> -> memref<64x128xf32, #tpu.memory_space<hbm>>
    %dma_wait3A_895 = arith.constant 0 : i32
    %dma_wait3A_896 = tpu.memref_slice %arg6[%arg0, %dma_wait3A_891, %add3A_883, %dma_wait3A_895] : memref<2x3x10240x128xf32, #tpu.memory_space<hbm>> -> memref<1x1x64x128xf32, #tpu.memory_space<hbm>>
    %dma_wait3A_897 = tpu.memref_squeeze %dma_wait3A_896 : memref<1x1x64x128xf32, #tpu.memory_space<hbm>> -> memref<64x128xf32, #tpu.memory_space<hbm>>
    tpu.wait_dma2 semaphore(%arg12 : memref<!tpu.dma_semaphore, #tpu.memory_space<semaphore_mem>>) src(%arg9 : memref<64x128xf32, #tpu.memory_space<vmem>>) dst(%dma_wait3A_897 : memref<64x128xf32, #tpu.memory_space<hbm>>)
    %mul3A_898 = arith.constant 640 : i32
    %mul3A_899 = arith.muli %arg1, %mul3A_898 : i32
    %add3A_900 = arith.constant 256 : i32
    %add3A_901 = arith.addi %mul3A_899, %add3A_900 : i32
    %dma_start3A_902 = arith.constant 0 : i32
    %dma_start3A_903 = tpu.memref_slice %arg11[%add3A_901, %dma_start3A_902] : memref<10272x128xf32, #tpu.memory_space<vmem_shared>> -> memref<64x128xf32, #tpu.memory_space<vmem_shared>>
    %dma_start3A_904 = arith.constant 0 : i32
    %dma_start3A_905 = tpu.memref_slice %arg11[%add3A_901, %dma_start3A_904] : memref<10272x128xf32, #tpu.memory_space<vmem_shared>> -> memref<64x128xf32, #tpu.memory_space<vmem_shared>>
    tpu.enqueue_dma source(%dma_start3A_905 : memref<64x128xf32, #tpu.memory_space<vmem_shared>>) target(%arg9 : memref<64x128xf32, #tpu.memory_space<vmem>>) target_semaphore(%arg12 : memref<!tpu.dma_semaphore, #tpu.memory_space<semaphore_mem>>)
    %dma_wait3A_906 = arith.constant 0 : i32
    %dma_wait3A_907 = tpu.memref_slice %arg11[%add3A_901, %dma_wait3A_906] : memref<10272x128xf32, #tpu.memory_space<vmem_shared>> -> memref<64x128xf32, #tpu.memory_space<vmem_shared>>
    %dma_wait3A_908 = arith.constant 0 : i32
    %dma_wait3A_909 = tpu.memref_slice %arg11[%add3A_901, %dma_wait3A_908] : memref<10272x128xf32, #tpu.memory_space<vmem_shared>> -> memref<64x128xf32, #tpu.memory_space<vmem_shared>>
    tpu.wait_dma2 semaphore(%arg12 : memref<!tpu.dma_semaphore, #tpu.memory_space<semaphore_mem>>) src(%dma_wait3A_909 : memref<64x128xf32, #tpu.memory_space<vmem_shared>>) dst(%arg9 : memref<64x128xf32, #tpu.memory_space<vmem>>)
    %mul3A_910 = arith.constant 640 : i32
    %mul3A_911 = arith.muli %arg1, %mul3A_910 : i32
    %add3A_912 = arith.constant 256 : i32
    %add3A_913 = arith.addi %mul3A_911, %add3A_912 : i32
    %dma_start3A_914 = arith.constant 1 : i32
    %dma_start3A_915 = arith.constant 0 : i32
    %dma_start3A_916 = tpu.memref_slice %arg6[%arg0, %dma_start3A_914, %add3A_913, %dma_start3A_915] : memref<2x3x10240x128xf32, #tpu.memory_space<hbm>> -> memref<1x1x64x128xf32, #tpu.memory_space<hbm>>
    %dma_start3A_917 = tpu.memref_squeeze %dma_start3A_916 : memref<1x1x64x128xf32, #tpu.memory_space<hbm>> -> memref<64x128xf32, #tpu.memory_space<hbm>>
    %dma_start3A_918 = arith.constant 0 : i32
    %dma_start3A_919 = tpu.memref_slice %arg6[%arg0, %dma_start3A_914, %add3A_913, %dma_start3A_918] : memref<2x3x10240x128xf32, #tpu.memory_space<hbm>> -> memref<1x1x64x128xf32, #tpu.memory_space<hbm>>
    %dma_start3A_920 = tpu.memref_squeeze %dma_start3A_919 : memref<1x1x64x128xf32, #tpu.memory_space<hbm>> -> memref<64x128xf32, #tpu.memory_space<hbm>>
    tpu.enqueue_dma source(%arg9 : memref<64x128xf32, #tpu.memory_space<vmem>>) target(%dma_start3A_920 : memref<64x128xf32, #tpu.memory_space<hbm>>) target_semaphore(%arg12 : memref<!tpu.dma_semaphore, #tpu.memory_space<semaphore_mem>>)
    %dma_wait3A_921 = arith.constant 1 : i32
    %dma_wait3A_922 = arith.constant 0 : i32
    %dma_wait3A_923 = tpu.memref_slice %arg6[%arg0, %dma_wait3A_921, %add3A_913, %dma_wait3A_922] : memref<2x3x10240x128xf32, #tpu.memory_space<hbm>> -> memref<1x1x64x128xf32, #tpu.memory_space<hbm>>
    %dma_wait3A_924 = tpu.memref_squeeze %dma_wait3A_923 : memref<1x1x64x128xf32, #tpu.memory_space<hbm>> -> memref<64x128xf32, #tpu.memory_space<hbm>>
    %dma_wait3A_925 = arith.constant 0 : i32
    %dma_wait3A_926 = tpu.memref_slice %arg6[%arg0, %dma_wait3A_921, %add3A_913, %dma_wait3A_925] : memref<2x3x10240x128xf32, #tpu.memory_space<hbm>> -> memref<1x1x64x128xf32, #tpu.memory_space<hbm>>
    %dma_wait3A_927 = tpu.memref_squeeze %dma_wait3A_926 : memref<1x1x64x128xf32, #tpu.memory_space<hbm>> -> memref<64x128xf32, #tpu.memory_space<hbm>>
    tpu.wait_dma2 semaphore(%arg12 : memref<!tpu.dma_semaphore, #tpu.memory_space<semaphore_mem>>) src(%arg9 : memref<64x128xf32, #tpu.memory_space<vmem>>) dst(%dma_wait3A_927 : memref<64x128xf32, #tpu.memory_space<hbm>>)
    %mul3A_928 = arith.constant 640 : i32
    %mul3A_929 = arith.muli %arg1, %mul3A_928 : i32
    %add3A_930 = arith.constant 320 : i32
    %add3A_931 = arith.addi %mul3A_929, %add3A_930 : i32
    %dma_start3A_932 = arith.constant 0 : i32
    %dma_start3A_933 = tpu.memref_slice %arg11[%add3A_931, %dma_start3A_932] : memref<10272x128xf32, #tpu.memory_space<vmem_shared>> -> memref<64x128xf32, #tpu.memory_space<vmem_shared>>
    %dma_start3A_934 = arith.constant 0 : i32
    %dma_start3A_935 = tpu.memref_slice %arg11[%add3A_931, %dma_start3A_934] : memref<10272x128xf32, #tpu.memory_space<vmem_shared>> -> memref<64x128xf32, #tpu.memory_space<vmem_shared>>
    tpu.enqueue_dma source(%dma_start3A_935 : memref<64x128xf32, #tpu.memory_space<vmem_shared>>) target(%arg9 : memref<64x128xf32, #tpu.memory_space<vmem>>) target_semaphore(%arg12 : memref<!tpu.dma_semaphore, #tpu.memory_space<semaphore_mem>>)
    %dma_wait3A_936 = arith.constant 0 : i32
    %dma_wait3A_937 = tpu.memref_slice %arg11[%add3A_931, %dma_wait3A_936] : memref<10272x128xf32, #tpu.memory_space<vmem_shared>> -> memref<64x128xf32, #tpu.memory_space<vmem_shared>>
    %dma_wait3A_938 = arith.constant 0 : i32
    %dma_wait3A_939 = tpu.memref_slice %arg11[%add3A_931, %dma_wait3A_938] : memref<10272x128xf32, #tpu.memory_space<vmem_shared>> -> memref<64x128xf32, #tpu.memory_space<vmem_shared>>
    tpu.wait_dma2 semaphore(%arg12 : memref<!tpu.dma_semaphore, #tpu.memory_space<semaphore_mem>>) src(%dma_wait3A_939 : memref<64x128xf32, #tpu.memory_space<vmem_shared>>) dst(%arg9 : memref<64x128xf32, #tpu.memory_space<vmem>>)
    %mul3A_940 = arith.constant 640 : i32
    %mul3A_941 = arith.muli %arg1, %mul3A_940 : i32
    %add3A_942 = arith.constant 320 : i32
    %add3A_943 = arith.addi %mul3A_941, %add3A_942 : i32
    %dma_start3A_944 = arith.constant 1 : i32
    %dma_start3A_945 = arith.constant 0 : i32
    %dma_start3A_946 = tpu.memref_slice %arg6[%arg0, %dma_start3A_944, %add3A_943, %dma_start3A_945] : memref<2x3x10240x128xf32, #tpu.memory_space<hbm>> -> memref<1x1x64x128xf32, #tpu.memory_space<hbm>>
    %dma_start3A_947 = tpu.memref_squeeze %dma_start3A_946 : memref<1x1x64x128xf32, #tpu.memory_space<hbm>> -> memref<64x128xf32, #tpu.memory_space<hbm>>
    %dma_start3A_948 = arith.constant 0 : i32
    %dma_start3A_949 = tpu.memref_slice %arg6[%arg0, %dma_start3A_944, %add3A_943, %dma_start3A_948] : memref<2x3x10240x128xf32, #tpu.memory_space<hbm>> -> memref<1x1x64x128xf32, #tpu.memory_space<hbm>>
    %dma_start3A_950 = tpu.memref_squeeze %dma_start3A_949 : memref<1x1x64x128xf32, #tpu.memory_space<hbm>> -> memref<64x128xf32, #tpu.memory_space<hbm>>
    tpu.enqueue_dma source(%arg9 : memref<64x128xf32, #tpu.memory_space<vmem>>) target(%dma_start3A_950 : memref<64x128xf32, #tpu.memory_space<hbm>>) target_semaphore(%arg12 : memref<!tpu.dma_semaphore, #tpu.memory_space<semaphore_mem>>)
    %dma_wait3A_951 = arith.constant 1 : i32
    %dma_wait3A_952 = arith.constant 0 : i32
    %dma_wait3A_953 = tpu.memref_slice %arg6[%arg0, %dma_wait3A_951, %add3A_943, %dma_wait3A_952] : memref<2x3x10240x128xf32, #tpu.memory_space<hbm>> -> memref<1x1x64x128xf32, #tpu.memory_space<hbm>>
    %dma_wait3A_954 = tpu.memref_squeeze %dma_wait3A_953 : memref<1x1x64x128xf32, #tpu.memory_space<hbm>> -> memref<64x128xf32, #tpu.memory_space<hbm>>
    %dma_wait3A_955 = arith.constant 0 : i32
    %dma_wait3A_956 = tpu.memref_slice %arg6[%arg0, %dma_wait3A_951, %add3A_943, %dma_wait3A_955] : memref<2x3x10240x128xf32, #tpu.memory_space<hbm>> -> memref<1x1x64x128xf32, #tpu.memory_space<hbm>>
    %dma_wait3A_957 = tpu.memref_squeeze %dma_wait3A_956 : memref<1x1x64x128xf32, #tpu.memory_space<hbm>> -> memref<64x128xf32, #tpu.memory_space<hbm>>
    tpu.wait_dma2 semaphore(%arg12 : memref<!tpu.dma_semaphore, #tpu.memory_space<semaphore_mem>>) src(%arg9 : memref<64x128xf32, #tpu.memory_space<vmem>>) dst(%dma_wait3A_957 : memref<64x128xf32, #tpu.memory_space<hbm>>)
    %mul3A_958 = arith.constant 640 : i32
    %mul3A_959 = arith.muli %arg1, %mul3A_958 : i32
    %add3A_960 = arith.constant 384 : i32
    %add3A_961 = arith.addi %mul3A_959, %add3A_960 : i32
    %dma_start3A_962 = arith.constant 0 : i32
    %dma_start3A_963 = tpu.memref_slice %arg11[%add3A_961, %dma_start3A_962] : memref<10272x128xf32, #tpu.memory_space<vmem_shared>> -> memref<64x128xf32, #tpu.memory_space<vmem_shared>>
    %dma_start3A_964 = arith.constant 0 : i32
    %dma_start3A_965 = tpu.memref_slice %arg11[%add3A_961, %dma_start3A_964] : memref<10272x128xf32, #tpu.memory_space<vmem_shared>> -> memref<64x128xf32, #tpu.memory_space<vmem_shared>>
    tpu.enqueue_dma source(%dma_start3A_965 : memref<64x128xf32, #tpu.memory_space<vmem_shared>>) target(%arg9 : memref<64x128xf32, #tpu.memory_space<vmem>>) target_semaphore(%arg12 : memref<!tpu.dma_semaphore, #tpu.memory_space<semaphore_mem>>)
    %dma_wait3A_966 = arith.constant 0 : i32
    %dma_wait3A_967 = tpu.memref_slice %arg11[%add3A_961, %dma_wait3A_966] : memref<10272x128xf32, #tpu.memory_space<vmem_shared>> -> memref<64x128xf32, #tpu.memory_space<vmem_shared>>
    %dma_wait3A_968 = arith.constant 0 : i32
    %dma_wait3A_969 = tpu.memref_slice %arg11[%add3A_961, %dma_wait3A_968] : memref<10272x128xf32, #tpu.memory_space<vmem_shared>> -> memref<64x128xf32, #tpu.memory_space<vmem_shared>>
    tpu.wait_dma2 semaphore(%arg12 : memref<!tpu.dma_semaphore, #tpu.memory_space<semaphore_mem>>) src(%dma_wait3A_969 : memref<64x128xf32, #tpu.memory_space<vmem_shared>>) dst(%arg9 : memref<64x128xf32, #tpu.memory_space<vmem>>)
    %mul3A_970 = arith.constant 640 : i32
    %mul3A_971 = arith.muli %arg1, %mul3A_970 : i32
    %add3A_972 = arith.constant 384 : i32
    %add3A_973 = arith.addi %mul3A_971, %add3A_972 : i32
    %dma_start3A_974 = arith.constant 1 : i32
    %dma_start3A_975 = arith.constant 0 : i32
    %dma_start3A_976 = tpu.memref_slice %arg6[%arg0, %dma_start3A_974, %add3A_973, %dma_start3A_975] : memref<2x3x10240x128xf32, #tpu.memory_space<hbm>> -> memref<1x1x64x128xf32, #tpu.memory_space<hbm>>
    %dma_start3A_977 = tpu.memref_squeeze %dma_start3A_976 : memref<1x1x64x128xf32, #tpu.memory_space<hbm>> -> memref<64x128xf32, #tpu.memory_space<hbm>>
    %dma_start3A_978 = arith.constant 0 : i32
    %dma_start3A_979 = tpu.memref_slice %arg6[%arg0, %dma_start3A_974, %add3A_973, %dma_start3A_978] : memref<2x3x10240x128xf32, #tpu.memory_space<hbm>> -> memref<1x1x64x128xf32, #tpu.memory_space<hbm>>
    %dma_start3A_980 = tpu.memref_squeeze %dma_start3A_979 : memref<1x1x64x128xf32, #tpu.memory_space<hbm>> -> memref<64x128xf32, #tpu.memory_space<hbm>>
    tpu.enqueue_dma source(%arg9 : memref<64x128xf32, #tpu.memory_space<vmem>>) target(%dma_start3A_980 : memref<64x128xf32, #tpu.memory_space<hbm>>) target_semaphore(%arg12 : memref<!tpu.dma_semaphore, #tpu.memory_space<semaphore_mem>>)
    %dma_wait3A_981 = arith.constant 1 : i32
    %dma_wait3A_982 = arith.constant 0 : i32
    %dma_wait3A_983 = tpu.memref_slice %arg6[%arg0, %dma_wait3A_981, %add3A_973, %dma_wait3A_982] : memref<2x3x10240x128xf32, #tpu.memory_space<hbm>> -> memref<1x1x64x128xf32, #tpu.memory_space<hbm>>
    %dma_wait3A_984 = tpu.memref_squeeze %dma_wait3A_983 : memref<1x1x64x128xf32, #tpu.memory_space<hbm>> -> memref<64x128xf32, #tpu.memory_space<hbm>>
    %dma_wait3A_985 = arith.constant 0 : i32
    %dma_wait3A_986 = tpu.memref_slice %arg6[%arg0, %dma_wait3A_981, %add3A_973, %dma_wait3A_985] : memref<2x3x10240x128xf32, #tpu.memory_space<hbm>> -> memref<1x1x64x128xf32, #tpu.memory_space<hbm>>
    %dma_wait3A_987 = tpu.memref_squeeze %dma_wait3A_986 : memref<1x1x64x128xf32, #tpu.memory_space<hbm>> -> memref<64x128xf32, #tpu.memory_space<hbm>>
    tpu.wait_dma2 semaphore(%arg12 : memref<!tpu.dma_semaphore, #tpu.memory_space<semaphore_mem>>) src(%arg9 : memref<64x128xf32, #tpu.memory_space<vmem>>) dst(%dma_wait3A_987 : memref<64x128xf32, #tpu.memory_space<hbm>>)
    %mul3A_988 = arith.constant 640 : i32
    %mul3A_989 = arith.muli %arg1, %mul3A_988 : i32
    %add3A_990 = arith.constant 448 : i32
    %add3A_991 = arith.addi %mul3A_989, %add3A_990 : i32
    %dma_start3A_992 = arith.constant 0 : i32
    %dma_start3A_993 = tpu.memref_slice %arg11[%add3A_991, %dma_start3A_992] : memref<10272x128xf32, #tpu.memory_space<vmem_shared>> -> memref<64x128xf32, #tpu.memory_space<vmem_shared>>
    %dma_start3A_994 = arith.constant 0 : i32
    %dma_start3A_995 = tpu.memref_slice %arg11[%add3A_991, %dma_start3A_994] : memref<10272x128xf32, #tpu.memory_space<vmem_shared>> -> memref<64x128xf32, #tpu.memory_space<vmem_shared>>
    tpu.enqueue_dma source(%dma_start3A_995 : memref<64x128xf32, #tpu.memory_space<vmem_shared>>) target(%arg9 : memref<64x128xf32, #tpu.memory_space<vmem>>) target_semaphore(%arg12 : memref<!tpu.dma_semaphore, #tpu.memory_space<semaphore_mem>>)
    %dma_wait3A_996 = arith.constant 0 : i32
    %dma_wait3A_997 = tpu.memref_slice %arg11[%add3A_991, %dma_wait3A_996] : memref<10272x128xf32, #tpu.memory_space<vmem_shared>> -> memref<64x128xf32, #tpu.memory_space<vmem_shared>>
    %dma_wait3A_998 = arith.constant 0 : i32
    %dma_wait3A_999 = tpu.memref_slice %arg11[%add3A_991, %dma_wait3A_998] : memref<10272x128xf32, #tpu.memory_space<vmem_shared>> -> memref<64x128xf32, #tpu.memory_space<vmem_shared>>
    tpu.wait_dma2 semaphore(%arg12 : memref<!tpu.dma_semaphore, #tpu.memory_space<semaphore_mem>>) src(%dma_wait3A_999 : memref<64x128xf32, #tpu.memory_space<vmem_shared>>) dst(%arg9 : memref<64x128xf32, #tpu.memory_space<vmem>>)
    %mul3A_1000 = arith.constant 640 : i32
    %mul3A_1001 = arith.muli %arg1, %mul3A_1000 : i32
    %add3A_1002 = arith.constant 448 : i32
    %add3A_1003 = arith.addi %mul3A_1001, %add3A_1002 : i32
    %dma_start3A_1004 = arith.constant 1 : i32
    %dma_start3A_1005 = arith.constant 0 : i32
    %dma_start3A_1006 = tpu.memref_slice %arg6[%arg0, %dma_start3A_1004, %add3A_1003, %dma_start3A_1005] : memref<2x3x10240x128xf32, #tpu.memory_space<hbm>> -> memref<1x1x64x128xf32, #tpu.memory_space<hbm>>
    %dma_start3A_1007 = tpu.memref_squeeze %dma_start3A_1006 : memref<1x1x64x128xf32, #tpu.memory_space<hbm>> -> memref<64x128xf32, #tpu.memory_space<hbm>>
    %dma_start3A_1008 = arith.constant 0 : i32
    %dma_start3A_1009 = tpu.memref_slice %arg6[%arg0, %dma_start3A_1004, %add3A_1003, %dma_start3A_1008] : memref<2x3x10240x128xf32, #tpu.memory_space<hbm>> -> memref<1x1x64x128xf32, #tpu.memory_space<hbm>>
    %dma_start3A_1010 = tpu.memref_squeeze %dma_start3A_1009 : memref<1x1x64x128xf32, #tpu.memory_space<hbm>> -> memref<64x128xf32, #tpu.memory_space<hbm>>
    tpu.enqueue_dma source(%arg9 : memref<64x128xf32, #tpu.memory_space<vmem>>) target(%dma_start3A_1010 : memref<64x128xf32, #tpu.memory_space<hbm>>) target_semaphore(%arg12 : memref<!tpu.dma_semaphore, #tpu.memory_space<semaphore_mem>>)
    %dma_wait3A_1011 = arith.constant 1 : i32
    %dma_wait3A_1012 = arith.constant 0 : i32
    %dma_wait3A_1013 = tpu.memref_slice %arg6[%arg0, %dma_wait3A_1011, %add3A_1003, %dma_wait3A_1012] : memref<2x3x10240x128xf32, #tpu.memory_space<hbm>> -> memref<1x1x64x128xf32, #tpu.memory_space<hbm>>
    %dma_wait3A_1014 = tpu.memref_squeeze %dma_wait3A_1013 : memref<1x1x64x128xf32, #tpu.memory_space<hbm>> -> memref<64x128xf32, #tpu.memory_space<hbm>>
    %dma_wait3A_1015 = arith.constant 0 : i32
    %dma_wait3A_1016 = tpu.memref_slice %arg6[%arg0, %dma_wait3A_1011, %add3A_1003, %dma_wait3A_1015] : memref<2x3x10240x128xf32, #tpu.memory_space<hbm>> -> memref<1x1x64x128xf32, #tpu.memory_space<hbm>>
    %dma_wait3A_1017 = tpu.memref_squeeze %dma_wait3A_1016 : memref<1x1x64x128xf32, #tpu.memory_space<hbm>> -> memref<64x128xf32, #tpu.memory_space<hbm>>
    tpu.wait_dma2 semaphore(%arg12 : memref<!tpu.dma_semaphore, #tpu.memory_space<semaphore_mem>>) src(%arg9 : memref<64x128xf32, #tpu.memory_space<vmem>>) dst(%dma_wait3A_1017 : memref<64x128xf32, #tpu.memory_space<hbm>>)
    %mul3A_1018 = arith.constant 640 : i32
    %mul3A_1019 = arith.muli %arg1, %mul3A_1018 : i32
    %add3A_1020 = arith.constant 512 : i32
    %add3A_1021 = arith.addi %mul3A_1019, %add3A_1020 : i32
    %dma_start3A_1022 = arith.constant 0 : i32
    %dma_start3A_1023 = tpu.memref_slice %arg11[%add3A_1021, %dma_start3A_1022] : memref<10272x128xf32, #tpu.memory_space<vmem_shared>> -> memref<64x128xf32, #tpu.memory_space<vmem_shared>>
    %dma_start3A_1024 = arith.constant 0 : i32
    %dma_start3A_1025 = tpu.memref_slice %arg11[%add3A_1021, %dma_start3A_1024] : memref<10272x128xf32, #tpu.memory_space<vmem_shared>> -> memref<64x128xf32, #tpu.memory_space<vmem_shared>>
    tpu.enqueue_dma source(%dma_start3A_1025 : memref<64x128xf32, #tpu.memory_space<vmem_shared>>) target(%arg9 : memref<64x128xf32, #tpu.memory_space<vmem>>) target_semaphore(%arg12 : memref<!tpu.dma_semaphore, #tpu.memory_space<semaphore_mem>>)
    %dma_wait3A_1026 = arith.constant 0 : i32
    %dma_wait3A_1027 = tpu.memref_slice %arg11[%add3A_1021, %dma_wait3A_1026] : memref<10272x128xf32, #tpu.memory_space<vmem_shared>> -> memref<64x128xf32, #tpu.memory_space<vmem_shared>>
    %dma_wait3A_1028 = arith.constant 0 : i32
    %dma_wait3A_1029 = tpu.memref_slice %arg11[%add3A_1021, %dma_wait3A_1028] : memref<10272x128xf32, #tpu.memory_space<vmem_shared>> -> memref<64x128xf32, #tpu.memory_space<vmem_shared>>
    tpu.wait_dma2 semaphore(%arg12 : memref<!tpu.dma_semaphore, #tpu.memory_space<semaphore_mem>>) src(%dma_wait3A_1029 : memref<64x128xf32, #tpu.memory_space<vmem_shared>>) dst(%arg9 : memref<64x128xf32, #tpu.memory_space<vmem>>)
    %mul3A_1030 = arith.constant 640 : i32
    %mul3A_1031 = arith.muli %arg1, %mul3A_1030 : i32
    %add3A_1032 = arith.constant 512 : i32
    %add3A_1033 = arith.addi %mul3A_1031, %add3A_1032 : i32
    %dma_start3A_1034 = arith.constant 1 : i32
    %dma_start3A_1035 = arith.constant 0 : i32
    %dma_start3A_1036 = tpu.memref_slice %arg6[%arg0, %dma_start3A_1034, %add3A_1033, %dma_start3A_1035] : memref<2x3x10240x128xf32, #tpu.memory_space<hbm>> -> memref<1x1x64x128xf32, #tpu.memory_space<hbm>>
    %dma_start3A_1037 = tpu.memref_squeeze %dma_start3A_1036 : memref<1x1x64x128xf32, #tpu.memory_space<hbm>> -> memref<64x128xf32, #tpu.memory_space<hbm>>
    %dma_start3A_1038 = arith.constant 0 : i32
    %dma_start3A_1039 = tpu.memref_slice %arg6[%arg0, %dma_start3A_1034, %add3A_1033, %dma_start3A_1038] : memref<2x3x10240x128xf32, #tpu.memory_space<hbm>> -> memref<1x1x64x128xf32, #tpu.memory_space<hbm>>
    %dma_start3A_1040 = tpu.memref_squeeze %dma_start3A_1039 : memref<1x1x64x128xf32, #tpu.memory_space<hbm>> -> memref<64x128xf32, #tpu.memory_space<hbm>>
    tpu.enqueue_dma source(%arg9 : memref<64x128xf32, #tpu.memory_space<vmem>>) target(%dma_start3A_1040 : memref<64x128xf32, #tpu.memory_space<hbm>>) target_semaphore(%arg12 : memref<!tpu.dma_semaphore, #tpu.memory_space<semaphore_mem>>)
    %dma_wait3A_1041 = arith.constant 1 : i32
    %dma_wait3A_1042 = arith.constant 0 : i32
    %dma_wait3A_1043 = tpu.memref_slice %arg6[%arg0, %dma_wait3A_1041, %add3A_1033, %dma_wait3A_1042] : memref<2x3x10240x128xf32, #tpu.memory_space<hbm>> -> memref<1x1x64x128xf32, #tpu.memory_space<hbm>>
    %dma_wait3A_1044 = tpu.memref_squeeze %dma_wait3A_1043 : memref<1x1x64x128xf32, #tpu.memory_space<hbm>> -> memref<64x128xf32, #tpu.memory_space<hbm>>
    %dma_wait3A_1045 = arith.constant 0 : i32
    %dma_wait3A_1046 = tpu.memref_slice %arg6[%arg0, %dma_wait3A_1041, %add3A_1033, %dma_wait3A_1045] : memref<2x3x10240x128xf32, #tpu.memory_space<hbm>> -> memref<1x1x64x128xf32, #tpu.memory_space<hbm>>
    %dma_wait3A_1047 = tpu.memref_squeeze %dma_wait3A_1046 : memref<1x1x64x128xf32, #tpu.memory_space<hbm>> -> memref<64x128xf32, #tpu.memory_space<hbm>>
    tpu.wait_dma2 semaphore(%arg12 : memref<!tpu.dma_semaphore, #tpu.memory_space<semaphore_mem>>) src(%arg9 : memref<64x128xf32, #tpu.memory_space<vmem>>) dst(%dma_wait3A_1047 : memref<64x128xf32, #tpu.memory_space<hbm>>)
    %mul3A_1048 = arith.constant 640 : i32
    %mul3A_1049 = arith.muli %arg1, %mul3A_1048 : i32
    %add3A_1050 = arith.constant 576 : i32
    %add3A_1051 = arith.addi %mul3A_1049, %add3A_1050 : i32
    %dma_start3A_1052 = arith.constant 0 : i32
    %dma_start3A_1053 = tpu.memref_slice %arg11[%add3A_1051, %dma_start3A_1052] : memref<10272x128xf32, #tpu.memory_space<vmem_shared>> -> memref<64x128xf32, #tpu.memory_space<vmem_shared>>
    %dma_start3A_1054 = arith.constant 0 : i32
    %dma_start3A_1055 = tpu.memref_slice %arg11[%add3A_1051, %dma_start3A_1054] : memref<10272x128xf32, #tpu.memory_space<vmem_shared>> -> memref<64x128xf32, #tpu.memory_space<vmem_shared>>
    tpu.enqueue_dma source(%dma_start3A_1055 : memref<64x128xf32, #tpu.memory_space<vmem_shared>>) target(%arg9 : memref<64x128xf32, #tpu.memory_space<vmem>>) target_semaphore(%arg12 : memref<!tpu.dma_semaphore, #tpu.memory_space<semaphore_mem>>)
    %dma_wait3A_1056 = arith.constant 0 : i32
    %dma_wait3A_1057 = tpu.memref_slice %arg11[%add3A_1051, %dma_wait3A_1056] : memref<10272x128xf32, #tpu.memory_space<vmem_shared>> -> memref<64x128xf32, #tpu.memory_space<vmem_shared>>
    %dma_wait3A_1058 = arith.constant 0 : i32
    %dma_wait3A_1059 = tpu.memref_slice %arg11[%add3A_1051, %dma_wait3A_1058] : memref<10272x128xf32, #tpu.memory_space<vmem_shared>> -> memref<64x128xf32, #tpu.memory_space<vmem_shared>>
    tpu.wait_dma2 semaphore(%arg12 : memref<!tpu.dma_semaphore, #tpu.memory_space<semaphore_mem>>) src(%dma_wait3A_1059 : memref<64x128xf32, #tpu.memory_space<vmem_shared>>) dst(%arg9 : memref<64x128xf32, #tpu.memory_space<vmem>>)
    %mul3A_1060 = arith.constant 640 : i32
    %mul3A_1061 = arith.muli %arg1, %mul3A_1060 : i32
    %add3A_1062 = arith.constant 576 : i32
    %add3A_1063 = arith.addi %mul3A_1061, %add3A_1062 : i32
    %dma_start3A_1064 = arith.constant 1 : i32
    %dma_start3A_1065 = arith.constant 0 : i32
    %dma_start3A_1066 = tpu.memref_slice %arg6[%arg0, %dma_start3A_1064, %add3A_1063, %dma_start3A_1065] : memref<2x3x10240x128xf32, #tpu.memory_space<hbm>> -> memref<1x1x64x128xf32, #tpu.memory_space<hbm>>
    %dma_start3A_1067 = tpu.memref_squeeze %dma_start3A_1066 : memref<1x1x64x128xf32, #tpu.memory_space<hbm>> -> memref<64x128xf32, #tpu.memory_space<hbm>>
    %dma_start3A_1068 = arith.constant 0 : i32
    %dma_start3A_1069 = tpu.memref_slice %arg6[%arg0, %dma_start3A_1064, %add3A_1063, %dma_start3A_1068] : memref<2x3x10240x128xf32, #tpu.memory_space<hbm>> -> memref<1x1x64x128xf32, #tpu.memory_space<hbm>>
    %dma_start3A_1070 = tpu.memref_squeeze %dma_start3A_1069 : memref<1x1x64x128xf32, #tpu.memory_space<hbm>> -> memref<64x128xf32, #tpu.memory_space<hbm>>
    tpu.enqueue_dma source(%arg9 : memref<64x128xf32, #tpu.memory_space<vmem>>) target(%dma_start3A_1070 : memref<64x128xf32, #tpu.memory_space<hbm>>) target_semaphore(%arg12 : memref<!tpu.dma_semaphore, #tpu.memory_space<semaphore_mem>>)
    %dma_wait3A_1071 = arith.constant 1 : i32
    %dma_wait3A_1072 = arith.constant 0 : i32
    %dma_wait3A_1073 = tpu.memref_slice %arg6[%arg0, %dma_wait3A_1071, %add3A_1063, %dma_wait3A_1072] : memref<2x3x10240x128xf32, #tpu.memory_space<hbm>> -> memref<1x1x64x128xf32, #tpu.memory_space<hbm>>
    %dma_wait3A_1074 = tpu.memref_squeeze %dma_wait3A_1073 : memref<1x1x64x128xf32, #tpu.memory_space<hbm>> -> memref<64x128xf32, #tpu.memory_space<hbm>>
    %dma_wait3A_1075 = arith.constant 0 : i32
    %dma_wait3A_1076 = tpu.memref_slice %arg6[%arg0, %dma_wait3A_1071, %add3A_1063, %dma_wait3A_1075] : memref<2x3x10240x128xf32, #tpu.memory_space<hbm>> -> memref<1x1x64x128xf32, #tpu.memory_space<hbm>>
    %dma_wait3A_1077 = tpu.memref_squeeze %dma_wait3A_1076 : memref<1x1x64x128xf32, #tpu.memory_space<hbm>> -> memref<64x128xf32, #tpu.memory_space<hbm>>
    tpu.wait_dma2 semaphore(%arg12 : memref<!tpu.dma_semaphore, #tpu.memory_space<semaphore_mem>>) src(%arg9 : memref<64x128xf32, #tpu.memory_space<vmem>>) dst(%dma_wait3A_1077 : memref<64x128xf32, #tpu.memory_space<hbm>>)
    %barrier3A_1078 = arith.constant 0 : index
    tpu.barrier barrier_id(%barrier3A_1078)
    tpu.enqueue_dma source(%arg5 : memref<64x128xf32, #tpu.memory_space<hbm>>) target(%arg9 : memref<64x128xf32, #tpu.memory_space<vmem>>) target_semaphore(%arg12 : memref<!tpu.dma_semaphore, #tpu.memory_space<semaphore_mem>>)
    tpu.wait_dma2 semaphore(%arg12 : memref<!tpu.dma_semaphore, #tpu.memory_space<semaphore_mem>>) src(%arg5 : memref<64x128xf32, #tpu.memory_space<hbm>>) dst(%arg9 : memref<64x128xf32, #tpu.memory_space<vmem>>)
    %mul3A_1079 = arith.constant 642 : i32
    %mul3A_1080 = arith.muli %arg1, %mul3A_1079 : i32
    %add3A_1081 = arith.constant 0 : i32
    %add3A_1082 = arith.addi %mul3A_1080, %add3A_1081 : i32
    %dma_start3A_1083 = arith.constant 0 : i32
    %dma_start3A_1084 = tpu.memref_slice %arg11[%add3A_1082, %dma_start3A_1083] : memref<10272x128xf32, #tpu.memory_space<vmem_shared>> -> memref<64x128xf32, #tpu.memory_space<vmem_shared>>
    %dma_start3A_1085 = arith.constant 0 : i32
    %dma_start3A_1086 = tpu.memref_slice %arg11[%add3A_1082, %dma_start3A_1085] : memref<10272x128xf32, #tpu.memory_space<vmem_shared>> -> memref<64x128xf32, #tpu.memory_space<vmem_shared>>
    tpu.enqueue_dma source(%arg9 : memref<64x128xf32, #tpu.memory_space<vmem>>) target(%dma_start3A_1086 : memref<64x128xf32, #tpu.memory_space<vmem_shared>>) target_semaphore(%arg12 : memref<!tpu.dma_semaphore, #tpu.memory_space<semaphore_mem>>)
    %dma_wait3A_1087 = arith.constant 0 : i32
    %dma_wait3A_1088 = tpu.memref_slice %arg11[%add3A_1082, %dma_wait3A_1087] : memref<10272x128xf32, #tpu.memory_space<vmem_shared>> -> memref<64x128xf32, #tpu.memory_space<vmem_shared>>
    %dma_wait3A_1089 = arith.constant 0 : i32
    %dma_wait3A_1090 = tpu.memref_slice %arg11[%add3A_1082, %dma_wait3A_1089] : memref<10272x128xf32, #tpu.memory_space<vmem_shared>> -> memref<64x128xf32, #tpu.memory_space<vmem_shared>>
    tpu.wait_dma2 semaphore(%arg12 : memref<!tpu.dma_semaphore, #tpu.memory_space<semaphore_mem>>) src(%arg9 : memref<64x128xf32, #tpu.memory_space<vmem>>) dst(%dma_wait3A_1090 : memref<64x128xf32, #tpu.memory_space<vmem_shared>>)
    %mul3A_1091 = arith.constant 642 : i32
    %mul3A_1092 = arith.muli %arg1, %mul3A_1091 : i32
    %add3A_1093 = arith.constant 64 : i32
    %add3A_1094 = arith.addi %mul3A_1092, %add3A_1093 : i32
    %dma_start3A_1095 = arith.constant 0 : i32
    %dma_start3A_1096 = tpu.memref_slice %arg11[%add3A_1094, %dma_start3A_1095] : memref<10272x128xf32, #tpu.memory_space<vmem_shared>> -> memref<64x128xf32, #tpu.memory_space<vmem_shared>>
    %dma_start3A_1097 = arith.constant 0 : i32
    %dma_start3A_1098 = tpu.memref_slice %arg11[%add3A_1094, %dma_start3A_1097] : memref<10272x128xf32, #tpu.memory_space<vmem_shared>> -> memref<64x128xf32, #tpu.memory_space<vmem_shared>>
    tpu.enqueue_dma source(%arg9 : memref<64x128xf32, #tpu.memory_space<vmem>>) target(%dma_start3A_1098 : memref<64x128xf32, #tpu.memory_space<vmem_shared>>) target_semaphore(%arg12 : memref<!tpu.dma_semaphore, #tpu.memory_space<semaphore_mem>>)
    %dma_wait3A_1099 = arith.constant 0 : i32
    %dma_wait3A_1100 = tpu.memref_slice %arg11[%add3A_1094, %dma_wait3A_1099] : memref<10272x128xf32, #tpu.memory_space<vmem_shared>> -> memref<64x128xf32, #tpu.memory_space<vmem_shared>>
    %dma_wait3A_1101 = arith.constant 0 : i32
    %dma_wait3A_1102 = tpu.memref_slice %arg11[%add3A_1094, %dma_wait3A_1101] : memref<10272x128xf32, #tpu.memory_space<vmem_shared>> -> memref<64x128xf32, #tpu.memory_space<vmem_shared>>
    tpu.wait_dma2 semaphore(%arg12 : memref<!tpu.dma_semaphore, #tpu.memory_space<semaphore_mem>>) src(%arg9 : memref<64x128xf32, #tpu.memory_space<vmem>>) dst(%dma_wait3A_1102 : memref<64x128xf32, #tpu.memory_space<vmem_shared>>)
    %mul3A_1103 = arith.constant 642 : i32
    %mul3A_1104 = arith.muli %arg1, %mul3A_1103 : i32
    %add3A_1105 = arith.constant 128 : i32
    %add3A_1106 = arith.addi %mul3A_1104, %add3A_1105 : i32
    %dma_start3A_1107 = arith.constant 0 : i32
    %dma_start3A_1108 = tpu.memref_slice %arg11[%add3A_1106, %dma_start3A_1107] : memref<10272x128xf32, #tpu.memory_space<vmem_shared>> -> memref<64x128xf32, #tpu.memory_space<vmem_shared>>
    %dma_start3A_1109 = arith.constant 0 : i32
    %dma_start3A_1110 = tpu.memref_slice %arg11[%add3A_1106, %dma_start3A_1109] : memref<10272x128xf32, #tpu.memory_space<vmem_shared>> -> memref<64x128xf32, #tpu.memory_space<vmem_shared>>
    tpu.enqueue_dma source(%arg9 : memref<64x128xf32, #tpu.memory_space<vmem>>) target(%dma_start3A_1110 : memref<64x128xf32, #tpu.memory_space<vmem_shared>>) target_semaphore(%arg12 : memref<!tpu.dma_semaphore, #tpu.memory_space<semaphore_mem>>)
    %dma_wait3A_1111 = arith.constant 0 : i32
    %dma_wait3A_1112 = tpu.memref_slice %arg11[%add3A_1106, %dma_wait3A_1111] : memref<10272x128xf32, #tpu.memory_space<vmem_shared>> -> memref<64x128xf32, #tpu.memory_space<vmem_shared>>
    %dma_wait3A_1113 = arith.constant 0 : i32
    %dma_wait3A_1114 = tpu.memref_slice %arg11[%add3A_1106, %dma_wait3A_1113] : memref<10272x128xf32, #tpu.memory_space<vmem_shared>> -> memref<64x128xf32, #tpu.memory_space<vmem_shared>>
    tpu.wait_dma2 semaphore(%arg12 : memref<!tpu.dma_semaphore, #tpu.memory_space<semaphore_mem>>) src(%arg9 : memref<64x128xf32, #tpu.memory_space<vmem>>) dst(%dma_wait3A_1114 : memref<64x128xf32, #tpu.memory_space<vmem_shared>>)
    %mul3A_1115 = arith.constant 642 : i32
    %mul3A_1116 = arith.muli %arg1, %mul3A_1115 : i32
    %add3A_1117 = arith.constant 192 : i32
    %add3A_1118 = arith.addi %mul3A_1116, %add3A_1117 : i32
    %dma_start3A_1119 = arith.constant 0 : i32
    %dma_start3A_1120 = tpu.memref_slice %arg11[%add3A_1118, %dma_start3A_1119] : memref<10272x128xf32, #tpu.memory_space<vmem_shared>> -> memref<64x128xf32, #tpu.memory_space<vmem_shared>>
    %dma_start3A_1121 = arith.constant 0 : i32
    %dma_start3A_1122 = tpu.memref_slice %arg11[%add3A_1118, %dma_start3A_1121] : memref<10272x128xf32, #tpu.memory_space<vmem_shared>> -> memref<64x128xf32, #tpu.memory_space<vmem_shared>>
    tpu.enqueue_dma source(%arg9 : memref<64x128xf32, #tpu.memory_space<vmem>>) target(%dma_start3A_1122 : memref<64x128xf32, #tpu.memory_space<vmem_shared>>) target_semaphore(%arg12 : memref<!tpu.dma_semaphore, #tpu.memory_space<semaphore_mem>>)
    %dma_wait3A_1123 = arith.constant 0 : i32
    %dma_wait3A_1124 = tpu.memref_slice %arg11[%add3A_1118, %dma_wait3A_1123] : memref<10272x128xf32, #tpu.memory_space<vmem_shared>> -> memref<64x128xf32, #tpu.memory_space<vmem_shared>>
    %dma_wait3A_1125 = arith.constant 0 : i32
    %dma_wait3A_1126 = tpu.memref_slice %arg11[%add3A_1118, %dma_wait3A_1125] : memref<10272x128xf32, #tpu.memory_space<vmem_shared>> -> memref<64x128xf32, #tpu.memory_space<vmem_shared>>
    tpu.wait_dma2 semaphore(%arg12 : memref<!tpu.dma_semaphore, #tpu.memory_space<semaphore_mem>>) src(%arg9 : memref<64x128xf32, #tpu.memory_space<vmem>>) dst(%dma_wait3A_1126 : memref<64x128xf32, #tpu.memory_space<vmem_shared>>)
    %mul3A_1127 = arith.constant 642 : i32
    %mul3A_1128 = arith.muli %arg1, %mul3A_1127 : i32
    %add3A_1129 = arith.constant 256 : i32
    %add3A_1130 = arith.addi %mul3A_1128, %add3A_1129 : i32
    %dma_start3A_1131 = arith.constant 0 : i32
    %dma_start3A_1132 = tpu.memref_slice %arg11[%add3A_1130, %dma_start3A_1131] : memref<10272x128xf32, #tpu.memory_space<vmem_shared>> -> memref<64x128xf32, #tpu.memory_space<vmem_shared>>
    %dma_start3A_1133 = arith.constant 0 : i32
    %dma_start3A_1134 = tpu.memref_slice %arg11[%add3A_1130, %dma_start3A_1133] : memref<10272x128xf32, #tpu.memory_space<vmem_shared>> -> memref<64x128xf32, #tpu.memory_space<vmem_shared>>
    tpu.enqueue_dma source(%arg9 : memref<64x128xf32, #tpu.memory_space<vmem>>) target(%dma_start3A_1134 : memref<64x128xf32, #tpu.memory_space<vmem_shared>>) target_semaphore(%arg12 : memref<!tpu.dma_semaphore, #tpu.memory_space<semaphore_mem>>)
    %dma_wait3A_1135 = arith.constant 0 : i32
    %dma_wait3A_1136 = tpu.memref_slice %arg11[%add3A_1130, %dma_wait3A_1135] : memref<10272x128xf32, #tpu.memory_space<vmem_shared>> -> memref<64x128xf32, #tpu.memory_space<vmem_shared>>
    %dma_wait3A_1137 = arith.constant 0 : i32
    %dma_wait3A_1138 = tpu.memref_slice %arg11[%add3A_1130, %dma_wait3A_1137] : memref<10272x128xf32, #tpu.memory_space<vmem_shared>> -> memref<64x128xf32, #tpu.memory_space<vmem_shared>>
    tpu.wait_dma2 semaphore(%arg12 : memref<!tpu.dma_semaphore, #tpu.memory_space<semaphore_mem>>) src(%arg9 : memref<64x128xf32, #tpu.memory_space<vmem>>) dst(%dma_wait3A_1138 : memref<64x128xf32, #tpu.memory_space<vmem_shared>>)
    %mul3A_1139 = arith.constant 642 : i32
    %mul3A_1140 = arith.muli %arg1, %mul3A_1139 : i32
    %add3A_1141 = arith.constant 320 : i32
    %add3A_1142 = arith.addi %mul3A_1140, %add3A_1141 : i32
    %dma_start3A_1143 = arith.constant 0 : i32
    %dma_start3A_1144 = tpu.memref_slice %arg11[%add3A_1142, %dma_start3A_1143] : memref<10272x128xf32, #tpu.memory_space<vmem_shared>> -> memref<64x128xf32, #tpu.memory_space<vmem_shared>>
    %dma_start3A_1145 = arith.constant 0 : i32
    %dma_start3A_1146 = tpu.memref_slice %arg11[%add3A_1142, %dma_start3A_1145] : memref<10272x128xf32, #tpu.memory_space<vmem_shared>> -> memref<64x128xf32, #tpu.memory_space<vmem_shared>>
    tpu.enqueue_dma source(%arg9 : memref<64x128xf32, #tpu.memory_space<vmem>>) target(%dma_start3A_1146 : memref<64x128xf32, #tpu.memory_space<vmem_shared>>) target_semaphore(%arg12 : memref<!tpu.dma_semaphore, #tpu.memory_space<semaphore_mem>>)
    %dma_wait3A_1147 = arith.constant 0 : i32
    %dma_wait3A_1148 = tpu.memref_slice %arg11[%add3A_1142, %dma_wait3A_1147] : memref<10272x128xf32, #tpu.memory_space<vmem_shared>> -> memref<64x128xf32, #tpu.memory_space<vmem_shared>>
    %dma_wait3A_1149 = arith.constant 0 : i32
    %dma_wait3A_1150 = tpu.memref_slice %arg11[%add3A_1142, %dma_wait3A_1149] : memref<10272x128xf32, #tpu.memory_space<vmem_shared>> -> memref<64x128xf32, #tpu.memory_space<vmem_shared>>
    tpu.wait_dma2 semaphore(%arg12 : memref<!tpu.dma_semaphore, #tpu.memory_space<semaphore_mem>>) src(%arg9 : memref<64x128xf32, #tpu.memory_space<vmem>>) dst(%dma_wait3A_1150 : memref<64x128xf32, #tpu.memory_space<vmem_shared>>)
    %mul3A_1151 = arith.constant 642 : i32
    %mul3A_1152 = arith.muli %arg1, %mul3A_1151 : i32
    %add3A_1153 = arith.constant 384 : i32
    %add3A_1154 = arith.addi %mul3A_1152, %add3A_1153 : i32
    %dma_start3A_1155 = arith.constant 0 : i32
    %dma_start3A_1156 = tpu.memref_slice %arg11[%add3A_1154, %dma_start3A_1155] : memref<10272x128xf32, #tpu.memory_space<vmem_shared>> -> memref<64x128xf32, #tpu.memory_space<vmem_shared>>
    %dma_start3A_1157 = arith.constant 0 : i32
    %dma_start3A_1158 = tpu.memref_slice %arg11[%add3A_1154, %dma_start3A_1157] : memref<10272x128xf32, #tpu.memory_space<vmem_shared>> -> memref<64x128xf32, #tpu.memory_space<vmem_shared>>
    tpu.enqueue_dma source(%arg9 : memref<64x128xf32, #tpu.memory_space<vmem>>) target(%dma_start3A_1158 : memref<64x128xf32, #tpu.memory_space<vmem_shared>>) target_semaphore(%arg12 : memref<!tpu.dma_semaphore, #tpu.memory_space<semaphore_mem>>)
    %dma_wait3A_1159 = arith.constant 0 : i32
    %dma_wait3A_1160 = tpu.memref_slice %arg11[%add3A_1154, %dma_wait3A_1159] : memref<10272x128xf32, #tpu.memory_space<vmem_shared>> -> memref<64x128xf32, #tpu.memory_space<vmem_shared>>
    %dma_wait3A_1161 = arith.constant 0 : i32
    %dma_wait3A_1162 = tpu.memref_slice %arg11[%add3A_1154, %dma_wait3A_1161] : memref<10272x128xf32, #tpu.memory_space<vmem_shared>> -> memref<64x128xf32, #tpu.memory_space<vmem_shared>>
    tpu.wait_dma2 semaphore(%arg12 : memref<!tpu.dma_semaphore, #tpu.memory_space<semaphore_mem>>) src(%arg9 : memref<64x128xf32, #tpu.memory_space<vmem>>) dst(%dma_wait3A_1162 : memref<64x128xf32, #tpu.memory_space<vmem_shared>>)
    %mul3A_1163 = arith.constant 642 : i32
    %mul3A_1164 = arith.muli %arg1, %mul3A_1163 : i32
    %add3A_1165 = arith.constant 448 : i32
    %add3A_1166 = arith.addi %mul3A_1164, %add3A_1165 : i32
    %dma_start3A_1167 = arith.constant 0 : i32
    %dma_start3A_1168 = tpu.memref_slice %arg11[%add3A_1166, %dma_start3A_1167] : memref<10272x128xf32, #tpu.memory_space<vmem_shared>> -> memref<64x128xf32, #tpu.memory_space<vmem_shared>>
    %dma_start3A_1169 = arith.constant 0 : i32
    %dma_start3A_1170 = tpu.memref_slice %arg11[%add3A_1166, %dma_start3A_1169] : memref<10272x128xf32, #tpu.memory_space<vmem_shared>> -> memref<64x128xf32, #tpu.memory_space<vmem_shared>>
    tpu.enqueue_dma source(%arg9 : memref<64x128xf32, #tpu.memory_space<vmem>>) target(%dma_start3A_1170 : memref<64x128xf32, #tpu.memory_space<vmem_shared>>) target_semaphore(%arg12 : memref<!tpu.dma_semaphore, #tpu.memory_space<semaphore_mem>>)
    %dma_wait3A_1171 = arith.constant 0 : i32
    %dma_wait3A_1172 = tpu.memref_slice %arg11[%add3A_1166, %dma_wait3A_1171] : memref<10272x128xf32, #tpu.memory_space<vmem_shared>> -> memref<64x128xf32, #tpu.memory_space<vmem_shared>>
    %dma_wait3A_1173 = arith.constant 0 : i32
    %dma_wait3A_1174 = tpu.memref_slice %arg11[%add3A_1166, %dma_wait3A_1173] : memref<10272x128xf32, #tpu.memory_space<vmem_shared>> -> memref<64x128xf32, #tpu.memory_space<vmem_shared>>
    tpu.wait_dma2 semaphore(%arg12 : memref<!tpu.dma_semaphore, #tpu.memory_space<semaphore_mem>>) src(%arg9 : memref<64x128xf32, #tpu.memory_space<vmem>>) dst(%dma_wait3A_1174 : memref<64x128xf32, #tpu.memory_space<vmem_shared>>)
    %mul3A_1175 = arith.constant 642 : i32
    %mul3A_1176 = arith.muli %arg1, %mul3A_1175 : i32
    %add3A_1177 = arith.constant 512 : i32
    %add3A_1178 = arith.addi %mul3A_1176, %add3A_1177 : i32
    %dma_start3A_1179 = arith.constant 0 : i32
    %dma_start3A_1180 = tpu.memref_slice %arg11[%add3A_1178, %dma_start3A_1179] : memref<10272x128xf32, #tpu.memory_space<vmem_shared>> -> memref<64x128xf32, #tpu.memory_space<vmem_shared>>
    %dma_start3A_1181 = arith.constant 0 : i32
    %dma_start3A_1182 = tpu.memref_slice %arg11[%add3A_1178, %dma_start3A_1181] : memref<10272x128xf32, #tpu.memory_space<vmem_shared>> -> memref<64x128xf32, #tpu.memory_space<vmem_shared>>
    tpu.enqueue_dma source(%arg9 : memref<64x128xf32, #tpu.memory_space<vmem>>) target(%dma_start3A_1182 : memref<64x128xf32, #tpu.memory_space<vmem_shared>>) target_semaphore(%arg12 : memref<!tpu.dma_semaphore, #tpu.memory_space<semaphore_mem>>)
    %dma_wait3A_1183 = arith.constant 0 : i32
    %dma_wait3A_1184 = tpu.memref_slice %arg11[%add3A_1178, %dma_wait3A_1183] : memref<10272x128xf32, #tpu.memory_space<vmem_shared>> -> memref<64x128xf32, #tpu.memory_space<vmem_shared>>
    %dma_wait3A_1185 = arith.constant 0 : i32
    %dma_wait3A_1186 = tpu.memref_slice %arg11[%add3A_1178, %dma_wait3A_1185] : memref<10272x128xf32, #tpu.memory_space<vmem_shared>> -> memref<64x128xf32, #tpu.memory_space<vmem_shared>>
    tpu.wait_dma2 semaphore(%arg12 : memref<!tpu.dma_semaphore, #tpu.memory_space<semaphore_mem>>) src(%arg9 : memref<64x128xf32, #tpu.memory_space<vmem>>) dst(%dma_wait3A_1186 : memref<64x128xf32, #tpu.memory_space<vmem_shared>>)
    %mul3A_1187 = arith.constant 642 : i32
    %mul3A_1188 = arith.muli %arg1, %mul3A_1187 : i32
    %add3A_1189 = arith.constant 576 : i32
    %add3A_1190 = arith.addi %mul3A_1188, %add3A_1189 : i32
    %dma_start3A_1191 = arith.constant 0 : i32
    %dma_start3A_1192 = tpu.memref_slice %arg11[%add3A_1190, %dma_start3A_1191] : memref<10272x128xf32, #tpu.memory_space<vmem_shared>> -> memref<64x128xf32, #tpu.memory_space<vmem_shared>>
    %dma_start3A_1193 = arith.constant 0 : i32
    %dma_start3A_1194 = tpu.memref_slice %arg11[%add3A_1190, %dma_start3A_1193] : memref<10272x128xf32, #tpu.memory_space<vmem_shared>> -> memref<64x128xf32, #tpu.memory_space<vmem_shared>>
    tpu.enqueue_dma source(%arg9 : memref<64x128xf32, #tpu.memory_space<vmem>>) target(%dma_start3A_1194 : memref<64x128xf32, #tpu.memory_space<vmem_shared>>) target_semaphore(%arg12 : memref<!tpu.dma_semaphore, #tpu.memory_space<semaphore_mem>>)
    %dma_wait3A_1195 = arith.constant 0 : i32
    %dma_wait3A_1196 = tpu.memref_slice %arg11[%add3A_1190, %dma_wait3A_1195] : memref<10272x128xf32, #tpu.memory_space<vmem_shared>> -> memref<64x128xf32, #tpu.memory_space<vmem_shared>>
    %dma_wait3A_1197 = arith.constant 0 : i32
    %dma_wait3A_1198 = tpu.memref_slice %arg11[%add3A_1190, %dma_wait3A_1197] : memref<10272x128xf32, #tpu.memory_space<vmem_shared>> -> memref<64x128xf32, #tpu.memory_space<vmem_shared>>
    tpu.wait_dma2 semaphore(%arg12 : memref<!tpu.dma_semaphore, #tpu.memory_space<semaphore_mem>>) src(%arg9 : memref<64x128xf32, #tpu.memory_space<vmem>>) dst(%dma_wait3A_1198 : memref<64x128xf32, #tpu.memory_space<vmem_shared>>)
    %mul3A_1199 = arith.constant 642 : i32
    %mul3A_1200 = arith.muli %arg1, %mul3A_1199 : i32
    %add3A_1201 = arith.constant 640 : i32
    %add3A_1202 = arith.addi %mul3A_1200, %add3A_1201 : i32
    %dma_start3A_1203 = arith.constant 0 : i32
    %dma_start3A_1204 = arith.constant 0 : i32
    %dma_start3A_1205 = tpu.memref_slice %arg9[%dma_start3A_1203, %dma_start3A_1204] : memref<64x128xf32, #tpu.memory_space<vmem>> -> memref<2x128xf32, #tpu.memory_space<vmem>>
    %dma_start3A_1206 = arith.constant 0 : i32
    %dma_start3A_1207 = tpu.memref_slice %arg11[%add3A_1202, %dma_start3A_1206] : memref<10272x128xf32, #tpu.memory_space<vmem_shared>> -> memref<2x128xf32, #tpu.memory_space<vmem_shared>>
    %dma_start3A_1208 = arith.constant 0 : i32
    %dma_start3A_1209 = tpu.memref_slice %arg11[%add3A_1202, %dma_start3A_1208] : memref<10272x128xf32, #tpu.memory_space<vmem_shared>> -> memref<2x128xf32, #tpu.memory_space<vmem_shared>>
    %dma_start3A_1210 = arith.constant 0 : i32
    %dma_start3A_1211 = arith.constant 0 : i32
    %dma_start3A_1212 = tpu.memref_slice %arg9[%dma_start3A_1210, %dma_start3A_1211] : memref<64x128xf32, #tpu.memory_space<vmem>> -> memref<2x128xf32, #tpu.memory_space<vmem>>
    tpu.enqueue_dma source(%dma_start3A_1212 : memref<2x128xf32, #tpu.memory_space<vmem>>) target(%dma_start3A_1209 : memref<2x128xf32, #tpu.memory_space<vmem_shared>>) target_semaphore(%arg12 : memref<!tpu.dma_semaphore, #tpu.memory_space<semaphore_mem>>)
    %dma_wait3A_1213 = arith.constant 0 : i32
    %dma_wait3A_1214 = arith.constant 0 : i32
    %dma_wait3A_1215 = tpu.memref_slice %arg9[%dma_wait3A_1213, %dma_wait3A_1214] : memref<64x128xf32, #tpu.memory_space<vmem>> -> memref<2x128xf32, #tpu.memory_space<vmem>>
    %dma_wait3A_1216 = arith.constant 0 : i32
    %dma_wait3A_1217 = tpu.memref_slice %arg11[%add3A_1202, %dma_wait3A_1216] : memref<10272x128xf32, #tpu.memory_space<vmem_shared>> -> memref<2x128xf32, #tpu.memory_space<vmem_shared>>
    %dma_wait3A_1218 = arith.constant 0 : i32
    %dma_wait3A_1219 = tpu.memref_slice %arg11[%add3A_1202, %dma_wait3A_1218] : memref<10272x128xf32, #tpu.memory_space<vmem_shared>> -> memref<2x128xf32, #tpu.memory_space<vmem_shared>>
    %dma_wait3A_1220 = arith.constant 0 : i32
    %dma_wait3A_1221 = arith.constant 0 : i32
    %dma_wait3A_1222 = tpu.memref_slice %arg9[%dma_wait3A_1220, %dma_wait3A_1221] : memref<64x128xf32, #tpu.memory_space<vmem>> -> memref<2x128xf32, #tpu.memory_space<vmem>>
    tpu.wait_dma2 semaphore(%arg12 : memref<!tpu.dma_semaphore, #tpu.memory_space<semaphore_mem>>) src(%dma_wait3A_1222 : memref<2x128xf32, #tpu.memory_space<vmem>>) dst(%dma_wait3A_1219 : memref<2x128xf32, #tpu.memory_space<vmem_shared>>)
    %barrier3A_1223 = arith.constant 0 : index
    tpu.barrier barrier_id(%barrier3A_1223)
    %dma_start3A_1224 = arith.constant 2 : i32
    %dma_start3A_1225 = arith.constant 0 : i32
    %dma_start3A_1226 = arith.constant 0 : i32
    %dma_start3A_1227 = arith.constant 0 : i32
    %dma_start3A_1228 = tpu.memref_slice %arg3[%dma_start3A_1224, %add3A, %dma_start3A_1225, %dma_start3A_1226, %dma_start3A_1227] : memref<3x32x2x80x64xi32, #tpu.memory_space<hbm>> -> memref<1x1x1x80x64xi32, #tpu.memory_space<hbm>>
    %dma_start3A_1229 = tpu.memref_squeeze %dma_start3A_1228 : memref<1x1x1x80x64xi32, #tpu.memory_space<hbm>> -> memref<80x64xi32, #tpu.memory_space<hbm>>
    %dma_start3A_1230 = arith.constant 0 : i32
    %dma_start3A_1231 = arith.constant 0 : i32
    %dma_start3A_1232 = tpu.memref_slice %arg3[%dma_start3A_1224, %add3A, %dma_start3A_1225, %dma_start3A_1230, %dma_start3A_1231] : memref<3x32x2x80x64xi32, #tpu.memory_space<hbm>> -> memref<1x1x1x80x64xi32, #tpu.memory_space<hbm>>
    %dma_start3A_1233 = tpu.memref_squeeze %dma_start3A_1232 : memref<1x1x1x80x64xi32, #tpu.memory_space<hbm>> -> memref<80x64xi32, #tpu.memory_space<hbm>>
    tpu.enqueue_dma source(%dma_start3A_1233 : memref<80x64xi32, #tpu.memory_space<hbm>>) target(%arg7 : memref<80x64xi32, #tpu.memory_space<vmem>>) target_semaphore(%arg12 : memref<!tpu.dma_semaphore, #tpu.memory_space<semaphore_mem>>)
    %dma_wait3A_1234 = arith.constant 2 : i32
    %dma_wait3A_1235 = arith.constant 0 : i32
    %dma_wait3A_1236 = arith.constant 0 : i32
    %dma_wait3A_1237 = arith.constant 0 : i32
    %dma_wait3A_1238 = tpu.memref_slice %arg3[%dma_wait3A_1234, %add3A, %dma_wait3A_1235, %dma_wait3A_1236, %dma_wait3A_1237] : memref<3x32x2x80x64xi32, #tpu.memory_space<hbm>> -> memref<1x1x1x80x64xi32, #tpu.memory_space<hbm>>
    %dma_wait3A_1239 = tpu.memref_squeeze %dma_wait3A_1238 : memref<1x1x1x80x64xi32, #tpu.memory_space<hbm>> -> memref<80x64xi32, #tpu.memory_space<hbm>>
    %dma_wait3A_1240 = arith.constant 0 : i32
    %dma_wait3A_1241 = arith.constant 0 : i32
    %dma_wait3A_1242 = tpu.memref_slice %arg3[%dma_wait3A_1234, %add3A, %dma_wait3A_1235, %dma_wait3A_1240, %dma_wait3A_1241] : memref<3x32x2x80x64xi32, #tpu.memory_space<hbm>> -> memref<1x1x1x80x64xi32, #tpu.memory_space<hbm>>
    %dma_wait3A_1243 = tpu.memref_squeeze %dma_wait3A_1242 : memref<1x1x1x80x64xi32, #tpu.memory_space<hbm>> -> memref<80x64xi32, #tpu.memory_space<hbm>>
    tpu.wait_dma2 semaphore(%arg12 : memref<!tpu.dma_semaphore, #tpu.memory_space<semaphore_mem>>) src(%dma_wait3A_1243 : memref<80x64xi32, #tpu.memory_space<hbm>>) dst(%arg7 : memref<80x64xi32, #tpu.memory_space<vmem>>)
    %dma_start3A_1244 = arith.constant 2 : i32
    %dma_start3A_1245 = arith.constant 0 : i32
    %dma_start3A_1246 = arith.constant 0 : i32
    %dma_start3A_1247 = arith.constant 0 : i32
    %dma_start3A_1248 = tpu.memref_slice %arg4[%dma_start3A_1244, %add3A, %dma_start3A_1245, %dma_start3A_1246, %dma_start3A_1247] : memref<3x32x2x80x64xi32, #tpu.memory_space<hbm>> -> memref<1x1x1x80x64xi32, #tpu.memory_space<hbm>>
    %dma_start3A_1249 = tpu.memref_squeeze %dma_start3A_1248 : memref<1x1x1x80x64xi32, #tpu.memory_space<hbm>> -> memref<80x64xi32, #tpu.memory_space<hbm>>
    %dma_start3A_1250 = arith.constant 0 : i32
    %dma_start3A_1251 = arith.constant 0 : i32
    %dma_start3A_1252 = tpu.memref_slice %arg4[%dma_start3A_1244, %add3A, %dma_start3A_1245, %dma_start3A_1250, %dma_start3A_1251] : memref<3x32x2x80x64xi32, #tpu.memory_space<hbm>> -> memref<1x1x1x80x64xi32, #tpu.memory_space<hbm>>
    %dma_start3A_1253 = tpu.memref_squeeze %dma_start3A_1252 : memref<1x1x1x80x64xi32, #tpu.memory_space<hbm>> -> memref<80x64xi32, #tpu.memory_space<hbm>>
    tpu.enqueue_dma source(%dma_start3A_1253 : memref<80x64xi32, #tpu.memory_space<hbm>>) target(%arg8 : memref<80x64xi32, #tpu.memory_space<vmem>>) target_semaphore(%arg12 : memref<!tpu.dma_semaphore, #tpu.memory_space<semaphore_mem>>)
    %dma_wait3A_1254 = arith.constant 2 : i32
    %dma_wait3A_1255 = arith.constant 0 : i32
    %dma_wait3A_1256 = arith.constant 0 : i32
    %dma_wait3A_1257 = arith.constant 0 : i32
    %dma_wait3A_1258 = tpu.memref_slice %arg4[%dma_wait3A_1254, %add3A, %dma_wait3A_1255, %dma_wait3A_1256, %dma_wait3A_1257] : memref<3x32x2x80x64xi32, #tpu.memory_space<hbm>> -> memref<1x1x1x80x64xi32, #tpu.memory_space<hbm>>
    %dma_wait3A_1259 = tpu.memref_squeeze %dma_wait3A_1258 : memref<1x1x1x80x64xi32, #tpu.memory_space<hbm>> -> memref<80x64xi32, #tpu.memory_space<hbm>>
    %dma_wait3A_1260 = arith.constant 0 : i32
    %dma_wait3A_1261 = arith.constant 0 : i32
    %dma_wait3A_1262 = tpu.memref_slice %arg4[%dma_wait3A_1254, %add3A, %dma_wait3A_1255, %dma_wait3A_1260, %dma_wait3A_1261] : memref<3x32x2x80x64xi32, #tpu.memory_space<hbm>> -> memref<1x1x1x80x64xi32, #tpu.memory_space<hbm>>
    %dma_wait3A_1263 = tpu.memref_squeeze %dma_wait3A_1262 : memref<1x1x1x80x64xi32, #tpu.memory_space<hbm>> -> memref<80x64xi32, #tpu.memory_space<hbm>>
    tpu.wait_dma2 semaphore(%arg12 : memref<!tpu.dma_semaphore, #tpu.memory_space<semaphore_mem>>) src(%dma_wait3A_1263 : memref<80x64xi32, #tpu.memory_space<hbm>>) dst(%arg8 : memref<80x64xi32, #tpu.memory_space<vmem>>)
    %scan3A_1264 = arith.constant 0 : i32
    %scan3A_1265 = arith.constant 0 : i32
    %scan3A_1266 = arith.constant 40 : i32
    %scan3A_1267 = arith.addi %scan3A_1265, %scan3A_1266 : i32
    %scan3A_1268 = arith.constant 1 : i32
    %scan3A_1269 = scf.for %scan3A_1620 = %scan3A_1265 to %scan3A_1267 step %scan3A_1268 iter_args(%scan3A_1621 = %scan3A_1264) -> (i32)  : i32 {
      %mul3A_1622 = arith.constant 2 : i32
      %mul3A_1623 = arith.muli %scan3A_1620, %mul3A_1622 : i32
      %dma_start3A_1624 = arith.constant 0 : i32
      %dma_start3A_1625 = tpu.memref_slice %arg7[%mul3A_1623, %dma_start3A_1624] : memref<80x64xi32, #tpu.memory_space<vmem>> -> memref<1x64xi32, #tpu.memory_space<vmem>>
      %dma_start3A_1626 = tpu.memref_squeeze %dma_start3A_1625 : memref<1x64xi32, #tpu.memory_space<vmem>> -> memref<64xi32, #tpu.memory_space<vmem>>
      %dma_start3A_1627 = arith.constant 0 : i32
      %dma_start3A_1628 = arith.constant 0 : i32
      %dma_start3A_1629 = tpu.memref_slice %arg2[%dma_start3A_1627, %dma_start3A_1628] : memref<30720x128xf32, #tpu.memory_space<hbm>> -> memref<30720x128xf32, #tpu.memory_space<hbm>>
      tpu.enqueue_indirect_dma source(%dma_start3A_1629 : memref<30720x128xf32, #tpu.memory_space<hbm>>) target(%arg9 : memref<64x128xf32, #tpu.memory_space<vmem>>) offsets(%dma_start3A_1626 : memref<64xi32, #tpu.memory_space<vmem>>) semaphore(%arg13 : memref<!tpu.dma_semaphore, #tpu.memory_space<semaphore_mem>>)
      %add3A_1630 = arith.constant 1 : i32
      %add3A_1631 = arith.addi %mul3A_1623, %add3A_1630 : i32
      %dma_start3A_1632 = arith.constant 0 : i32
      %dma_start3A_1633 = tpu.memref_slice %arg7[%add3A_1631, %dma_start3A_1632] : memref<80x64xi32, #tpu.memory_space<vmem>> -> memref<1x64xi32, #tpu.memory_space<vmem>>
      %dma_start3A_1634 = tpu.memref_squeeze %dma_start3A_1633 : memref<1x64xi32, #tpu.memory_space<vmem>> -> memref<64xi32, #tpu.memory_space<vmem>>
      %dma_start3A_1635 = arith.constant 0 : i32
      %dma_start3A_1636 = arith.constant 0 : i32
      %dma_start3A_1637 = tpu.memref_slice %arg2[%dma_start3A_1635, %dma_start3A_1636] : memref<30720x128xf32, #tpu.memory_space<hbm>> -> memref<30720x128xf32, #tpu.memory_space<hbm>>
      tpu.enqueue_indirect_dma source(%dma_start3A_1637 : memref<30720x128xf32, #tpu.memory_space<hbm>>) target(%arg10 : memref<64x128xf32, #tpu.memory_space<vmem>>) offsets(%dma_start3A_1634 : memref<64xi32, #tpu.memory_space<vmem>>) semaphore(%arg14 : memref<!tpu.dma_semaphore, #tpu.memory_space<semaphore_mem>>)
      %dma_wait3A_1638 = arith.constant 0 : i32
      %dma_wait3A_1639 = tpu.memref_slice %arg7[%mul3A_1623, %dma_wait3A_1638] : memref<80x64xi32, #tpu.memory_space<vmem>> -> memref<1x64xi32, #tpu.memory_space<vmem>>
      %dma_wait3A_1640 = tpu.memref_squeeze %dma_wait3A_1639 : memref<1x64xi32, #tpu.memory_space<vmem>> -> memref<64xi32, #tpu.memory_space<vmem>>
      %dma_wait3A_1641 = arith.constant 0 : i32
      %dma_wait3A_1642 = arith.constant 0 : i32
      %dma_wait3A_1643 = tpu.memref_slice %arg2[%dma_wait3A_1641, %dma_wait3A_1642] : memref<30720x128xf32, #tpu.memory_space<hbm>> -> memref<30720x128xf32, #tpu.memory_space<hbm>>
      tpu.wait_indirect_dma semaphore(%arg13 : memref<!tpu.dma_semaphore, #tpu.memory_space<semaphore_mem>>) src(%dma_wait3A_1643 : memref<30720x128xf32, #tpu.memory_space<hbm>>) dst(%arg9 : memref<64x128xf32, #tpu.memory_space<vmem>>)
      "tpu.region"() ({
        %run_scoped3A = tpu.sem_alloc : memref<!tpu.dma_semaphore, #tpu.memory_space<semaphore_mem>>
        %dma_start3A_1653 = arith.constant 0 : i32
        %dma_start3A_1654 = tpu.memref_slice %arg8[%mul3A_1623, %dma_start3A_1653] : memref<80x64xi32, #tpu.memory_space<vmem>> -> memref<1x64xi32, #tpu.memory_space<vmem>>
        %dma_start3A_1655 = tpu.memref_squeeze %dma_start3A_1654 : memref<1x64xi32, #tpu.memory_space<vmem>> -> memref<64xi32, #tpu.memory_space<vmem>>
        %dma_start3A_1656 = arith.constant 0 : i32
        %dma_start3A_1657 = arith.constant 0 : i32
        %dma_start3A_1658 = tpu.memref_slice %arg11[%dma_start3A_1656, %dma_start3A_1657] : memref<10272x128xf32, #tpu.memory_space<vmem_shared>> -> memref<10272x128xf32, #tpu.memory_space<vmem_shared>>
        tpu.enqueue_indirect_dma source(%arg9 : memref<64x128xf32, #tpu.memory_space<vmem>>) target(%dma_start3A_1658 : memref<10272x128xf32, #tpu.memory_space<vmem_shared>>) offsets(%dma_start3A_1655 : memref<64xi32, #tpu.memory_space<vmem>>) semaphore(%run_scoped3A : memref<!tpu.dma_semaphore, #tpu.memory_space<semaphore_mem>>) {add = true}
        %dma_wait3A_1659 = arith.constant 0 : i32
        %dma_wait3A_1660 = tpu.memref_slice %arg8[%mul3A_1623, %dma_wait3A_1659] : memref<80x64xi32, #tpu.memory_space<vmem>> -> memref<1x64xi32, #tpu.memory_space<vmem>>
        %dma_wait3A_1661 = tpu.memref_squeeze %dma_wait3A_1660 : memref<1x64xi32, #tpu.memory_space<vmem>> -> memref<64xi32, #tpu.memory_space<vmem>>
        %dma_wait3A_1662 = arith.constant 0 : i32
        %dma_wait3A_1663 = arith.constant 0 : i32
        %dma_wait3A_1664 = tpu.memref_slice %arg11[%dma_wait3A_1662, %dma_wait3A_1663] : memref<10272x128xf32, #tpu.memory_space<vmem_shared>> -> memref<10272x128xf32, #tpu.memory_space<vmem_shared>>
        tpu.wait_indirect_dma semaphore(%run_scoped3A : memref<!tpu.dma_semaphore, #tpu.memory_space<semaphore_mem>>) src(%arg9 : memref<64x128xf32, #tpu.memory_space<vmem>>) dst(%dma_wait3A_1664 : memref<10272x128xf32, #tpu.memory_space<vmem_shared>>)
        tpu.yield
      }) : () -> ()
      %dma_wait3A_1644 = arith.constant 0 : i32
      %dma_wait3A_1645 = tpu.memref_slice %arg7[%add3A_1631, %dma_wait3A_1644] : memref<80x64xi32, #tpu.memory_space<vmem>> -> memref<1x64xi32, #tpu.memory_space<vmem>>
      %dma_wait3A_1646 = tpu.memref_squeeze %dma_wait3A_1645 : memref<1x64xi32, #tpu.memory_space<vmem>> -> memref<64xi32, #tpu.memory_space<vmem>>
      %dma_wait3A_1647 = arith.constant 0 : i32
      %dma_wait3A_1648 = arith.constant 0 : i32
      %dma_wait3A_1649 = tpu.memref_slice %arg2[%dma_wait3A_1647, %dma_wait3A_1648] : memref<30720x128xf32, #tpu.memory_space<hbm>> -> memref<30720x128xf32, #tpu.memory_space<hbm>>
      tpu.wait_indirect_dma semaphore(%arg14 : memref<!tpu.dma_semaphore, #tpu.memory_space<semaphore_mem>>) src(%dma_wait3A_1649 : memref<30720x128xf32, #tpu.memory_space<hbm>>) dst(%arg10 : memref<64x128xf32, #tpu.memory_space<vmem>>)
      %add3A_1650 = arith.constant 1 : i32
      %add3A_1651 = arith.addi %mul3A_1623, %add3A_1650 : i32
      "tpu.region"() ({
        %run_scoped3A = tpu.sem_alloc : memref<!tpu.dma_semaphore, #tpu.memory_space<semaphore_mem>>
        %dma_start3A_1653 = arith.constant 0 : i32
        %dma_start3A_1654 = tpu.memref_slice %arg8[%add3A_1651, %dma_start3A_1653] : memref<80x64xi32, #tpu.memory_space<vmem>> -> memref<1x64xi32, #tpu.memory_space<vmem>>
        %dma_start3A_1655 = tpu.memref_squeeze %dma_start3A_1654 : memref<1x64xi32, #tpu.memory_space<vmem>> -> memref<64xi32, #tpu.memory_space<vmem>>
        %dma_start3A_1656 = arith.constant 0 : i32
        %dma_start3A_1657 = arith.constant 0 : i32
        %dma_start3A_1658 = tpu.memref_slice %arg11[%dma_start3A_1656, %dma_start3A_1657] : memref<10272x128xf32, #tpu.memory_space<vmem_shared>> -> memref<10272x128xf32, #tpu.memory_space<vmem_shared>>
        tpu.enqueue_indirect_dma source(%arg10 : memref<64x128xf32, #tpu.memory_space<vmem>>) target(%dma_start3A_1658 : memref<10272x128xf32, #tpu.memory_space<vmem_shared>>) offsets(%dma_start3A_1655 : memref<64xi32, #tpu.memory_space<vmem>>) semaphore(%run_scoped3A : memref<!tpu.dma_semaphore, #tpu.memory_space<semaphore_mem>>) {add = true}
        %dma_wait3A_1659 = arith.constant 0 : i32
        %dma_wait3A_1660 = tpu.memref_slice %arg8[%add3A_1651, %dma_wait3A_1659] : memref<80x64xi32, #tpu.memory_space<vmem>> -> memref<1x64xi32, #tpu.memory_space<vmem>>
        %dma_wait3A_1661 = tpu.memref_squeeze %dma_wait3A_1660 : memref<1x64xi32, #tpu.memory_space<vmem>> -> memref<64xi32, #tpu.memory_space<vmem>>
        %dma_wait3A_1662 = arith.constant 0 : i32
        %dma_wait3A_1663 = arith.constant 0 : i32
        %dma_wait3A_1664 = tpu.memref_slice %arg11[%dma_wait3A_1662, %dma_wait3A_1663] : memref<10272x128xf32, #tpu.memory_space<vmem_shared>> -> memref<10272x128xf32, #tpu.memory_space<vmem_shared>>
        tpu.wait_indirect_dma semaphore(%run_scoped3A : memref<!tpu.dma_semaphore, #tpu.memory_space<semaphore_mem>>) src(%arg10 : memref<64x128xf32, #tpu.memory_space<vmem>>) dst(%dma_wait3A_1664 : memref<10272x128xf32, #tpu.memory_space<vmem_shared>>)
        tpu.yield
      }) : () -> ()
      %scan3A_1652 = arith.constant 0 : i32
      scf.yield %scan3A_1652 : i32
    }
    %scan3A_1270 = arith.constant 40 : i32
    %dma_start3A_1271 = arith.constant 2 : i32
    %dma_start3A_1272 = arith.constant 1 : i32
    %dma_start3A_1273 = arith.constant 0 : i32
    %dma_start3A_1274 = arith.constant 0 : i32
    %dma_start3A_1275 = tpu.memref_slice %arg3[%dma_start3A_1271, %add3A, %dma_start3A_1272, %dma_start3A_1273, %dma_start3A_1274] : memref<3x32x2x80x64xi32, #tpu.memory_space<hbm>> -> memref<1x1x1x80x64xi32, #tpu.memory_space<hbm>>
    %dma_start3A_1276 = tpu.memref_squeeze %dma_start3A_1275 : memref<1x1x1x80x64xi32, #tpu.memory_space<hbm>> -> memref<80x64xi32, #tpu.memory_space<hbm>>
    %dma_start3A_1277 = arith.constant 0 : i32
    %dma_start3A_1278 = arith.constant 0 : i32
    %dma_start3A_1279 = tpu.memref_slice %arg3[%dma_start3A_1271, %add3A, %dma_start3A_1272, %dma_start3A_1277, %dma_start3A_1278] : memref<3x32x2x80x64xi32, #tpu.memory_space<hbm>> -> memref<1x1x1x80x64xi32, #tpu.memory_space<hbm>>
    %dma_start3A_1280 = tpu.memref_squeeze %dma_start3A_1279 : memref<1x1x1x80x64xi32, #tpu.memory_space<hbm>> -> memref<80x64xi32, #tpu.memory_space<hbm>>
    tpu.enqueue_dma source(%dma_start3A_1280 : memref<80x64xi32, #tpu.memory_space<hbm>>) target(%arg7 : memref<80x64xi32, #tpu.memory_space<vmem>>) target_semaphore(%arg12 : memref<!tpu.dma_semaphore, #tpu.memory_space<semaphore_mem>>)
    %dma_wait3A_1281 = arith.constant 2 : i32
    %dma_wait3A_1282 = arith.constant 1 : i32
    %dma_wait3A_1283 = arith.constant 0 : i32
    %dma_wait3A_1284 = arith.constant 0 : i32
    %dma_wait3A_1285 = tpu.memref_slice %arg3[%dma_wait3A_1281, %add3A, %dma_wait3A_1282, %dma_wait3A_1283, %dma_wait3A_1284] : memref<3x32x2x80x64xi32, #tpu.memory_space<hbm>> -> memref<1x1x1x80x64xi32, #tpu.memory_space<hbm>>
    %dma_wait3A_1286 = tpu.memref_squeeze %dma_wait3A_1285 : memref<1x1x1x80x64xi32, #tpu.memory_space<hbm>> -> memref<80x64xi32, #tpu.memory_space<hbm>>
    %dma_wait3A_1287 = arith.constant 0 : i32
    %dma_wait3A_1288 = arith.constant 0 : i32
    %dma_wait3A_1289 = tpu.memref_slice %arg3[%dma_wait3A_1281, %add3A, %dma_wait3A_1282, %dma_wait3A_1287, %dma_wait3A_1288] : memref<3x32x2x80x64xi32, #tpu.memory_space<hbm>> -> memref<1x1x1x80x64xi32, #tpu.memory_space<hbm>>
    %dma_wait3A_1290 = tpu.memref_squeeze %dma_wait3A_1289 : memref<1x1x1x80x64xi32, #tpu.memory_space<hbm>> -> memref<80x64xi32, #tpu.memory_space<hbm>>
    tpu.wait_dma2 semaphore(%arg12 : memref<!tpu.dma_semaphore, #tpu.memory_space<semaphore_mem>>) src(%dma_wait3A_1290 : memref<80x64xi32, #tpu.memory_space<hbm>>) dst(%arg7 : memref<80x64xi32, #tpu.memory_space<vmem>>)
    %dma_start3A_1291 = arith.constant 2 : i32
    %dma_start3A_1292 = arith.constant 1 : i32
    %dma_start3A_1293 = arith.constant 0 : i32
    %dma_start3A_1294 = arith.constant 0 : i32
    %dma_start3A_1295 = tpu.memref_slice %arg4[%dma_start3A_1291, %add3A, %dma_start3A_1292, %dma_start3A_1293, %dma_start3A_1294] : memref<3x32x2x80x64xi32, #tpu.memory_space<hbm>> -> memref<1x1x1x80x64xi32, #tpu.memory_space<hbm>>
    %dma_start3A_1296 = tpu.memref_squeeze %dma_start3A_1295 : memref<1x1x1x80x64xi32, #tpu.memory_space<hbm>> -> memref<80x64xi32, #tpu.memory_space<hbm>>
    %dma_start3A_1297 = arith.constant 0 : i32
    %dma_start3A_1298 = arith.constant 0 : i32
    %dma_start3A_1299 = tpu.memref_slice %arg4[%dma_start3A_1291, %add3A, %dma_start3A_1292, %dma_start3A_1297, %dma_start3A_1298] : memref<3x32x2x80x64xi32, #tpu.memory_space<hbm>> -> memref<1x1x1x80x64xi32, #tpu.memory_space<hbm>>
    %dma_start3A_1300 = tpu.memref_squeeze %dma_start3A_1299 : memref<1x1x1x80x64xi32, #tpu.memory_space<hbm>> -> memref<80x64xi32, #tpu.memory_space<hbm>>
    tpu.enqueue_dma source(%dma_start3A_1300 : memref<80x64xi32, #tpu.memory_space<hbm>>) target(%arg8 : memref<80x64xi32, #tpu.memory_space<vmem>>) target_semaphore(%arg12 : memref<!tpu.dma_semaphore, #tpu.memory_space<semaphore_mem>>)
    %dma_wait3A_1301 = arith.constant 2 : i32
    %dma_wait3A_1302 = arith.constant 1 : i32
    %dma_wait3A_1303 = arith.constant 0 : i32
    %dma_wait3A_1304 = arith.constant 0 : i32
    %dma_wait3A_1305 = tpu.memref_slice %arg4[%dma_wait3A_1301, %add3A, %dma_wait3A_1302, %dma_wait3A_1303, %dma_wait3A_1304] : memref<3x32x2x80x64xi32, #tpu.memory_space<hbm>> -> memref<1x1x1x80x64xi32, #tpu.memory_space<hbm>>
    %dma_wait3A_1306 = tpu.memref_squeeze %dma_wait3A_1305 : memref<1x1x1x80x64xi32, #tpu.memory_space<hbm>> -> memref<80x64xi32, #tpu.memory_space<hbm>>
    %dma_wait3A_1307 = arith.constant 0 : i32
    %dma_wait3A_1308 = arith.constant 0 : i32
    %dma_wait3A_1309 = tpu.memref_slice %arg4[%dma_wait3A_1301, %add3A, %dma_wait3A_1302, %dma_wait3A_1307, %dma_wait3A_1308] : memref<3x32x2x80x64xi32, #tpu.memory_space<hbm>> -> memref<1x1x1x80x64xi32, #tpu.memory_space<hbm>>
    %dma_wait3A_1310 = tpu.memref_squeeze %dma_wait3A_1309 : memref<1x1x1x80x64xi32, #tpu.memory_space<hbm>> -> memref<80x64xi32, #tpu.memory_space<hbm>>
    tpu.wait_dma2 semaphore(%arg12 : memref<!tpu.dma_semaphore, #tpu.memory_space<semaphore_mem>>) src(%dma_wait3A_1310 : memref<80x64xi32, #tpu.memory_space<hbm>>) dst(%arg8 : memref<80x64xi32, #tpu.memory_space<vmem>>)
    %scan3A_1311 = arith.constant 0 : i32
    %scan3A_1312 = arith.constant 0 : i32
    %scan3A_1313 = arith.constant 40 : i32
    %scan3A_1314 = arith.addi %scan3A_1312, %scan3A_1313 : i32
    %scan3A_1315 = arith.constant 1 : i32
    %scan3A_1316 = scf.for %scan3A_1620 = %scan3A_1312 to %scan3A_1314 step %scan3A_1315 iter_args(%scan3A_1621 = %scan3A_1311) -> (i32)  : i32 {
      %mul3A_1622 = arith.constant 2 : i32
      %mul3A_1623 = arith.muli %scan3A_1620, %mul3A_1622 : i32
      %dma_start3A_1624 = arith.constant 0 : i32
      %dma_start3A_1625 = tpu.memref_slice %arg7[%mul3A_1623, %dma_start3A_1624] : memref<80x64xi32, #tpu.memory_space<vmem>> -> memref<1x64xi32, #tpu.memory_space<vmem>>
      %dma_start3A_1626 = tpu.memref_squeeze %dma_start3A_1625 : memref<1x64xi32, #tpu.memory_space<vmem>> -> memref<64xi32, #tpu.memory_space<vmem>>
      %dma_start3A_1627 = arith.constant 0 : i32
      %dma_start3A_1628 = arith.constant 0 : i32
      %dma_start3A_1629 = tpu.memref_slice %arg2[%dma_start3A_1627, %dma_start3A_1628] : memref<30720x128xf32, #tpu.memory_space<hbm>> -> memref<30720x128xf32, #tpu.memory_space<hbm>>
      tpu.enqueue_indirect_dma source(%dma_start3A_1629 : memref<30720x128xf32, #tpu.memory_space<hbm>>) target(%arg9 : memref<64x128xf32, #tpu.memory_space<vmem>>) offsets(%dma_start3A_1626 : memref<64xi32, #tpu.memory_space<vmem>>) semaphore(%arg13 : memref<!tpu.dma_semaphore, #tpu.memory_space<semaphore_mem>>)
      %add3A_1630 = arith.constant 1 : i32
      %add3A_1631 = arith.addi %mul3A_1623, %add3A_1630 : i32
      %dma_start3A_1632 = arith.constant 0 : i32
      %dma_start3A_1633 = tpu.memref_slice %arg7[%add3A_1631, %dma_start3A_1632] : memref<80x64xi32, #tpu.memory_space<vmem>> -> memref<1x64xi32, #tpu.memory_space<vmem>>
      %dma_start3A_1634 = tpu.memref_squeeze %dma_start3A_1633 : memref<1x64xi32, #tpu.memory_space<vmem>> -> memref<64xi32, #tpu.memory_space<vmem>>
      %dma_start3A_1635 = arith.constant 0 : i32
      %dma_start3A_1636 = arith.constant 0 : i32
      %dma_start3A_1637 = tpu.memref_slice %arg2[%dma_start3A_1635, %dma_start3A_1636] : memref<30720x128xf32, #tpu.memory_space<hbm>> -> memref<30720x128xf32, #tpu.memory_space<hbm>>
      tpu.enqueue_indirect_dma source(%dma_start3A_1637 : memref<30720x128xf32, #tpu.memory_space<hbm>>) target(%arg10 : memref<64x128xf32, #tpu.memory_space<vmem>>) offsets(%dma_start3A_1634 : memref<64xi32, #tpu.memory_space<vmem>>) semaphore(%arg14 : memref<!tpu.dma_semaphore, #tpu.memory_space<semaphore_mem>>)
      %dma_wait3A_1638 = arith.constant 0 : i32
      %dma_wait3A_1639 = tpu.memref_slice %arg7[%mul3A_1623, %dma_wait3A_1638] : memref<80x64xi32, #tpu.memory_space<vmem>> -> memref<1x64xi32, #tpu.memory_space<vmem>>
      %dma_wait3A_1640 = tpu.memref_squeeze %dma_wait3A_1639 : memref<1x64xi32, #tpu.memory_space<vmem>> -> memref<64xi32, #tpu.memory_space<vmem>>
      %dma_wait3A_1641 = arith.constant 0 : i32
      %dma_wait3A_1642 = arith.constant 0 : i32
      %dma_wait3A_1643 = tpu.memref_slice %arg2[%dma_wait3A_1641, %dma_wait3A_1642] : memref<30720x128xf32, #tpu.memory_space<hbm>> -> memref<30720x128xf32, #tpu.memory_space<hbm>>
      tpu.wait_indirect_dma semaphore(%arg13 : memref<!tpu.dma_semaphore, #tpu.memory_space<semaphore_mem>>) src(%dma_wait3A_1643 : memref<30720x128xf32, #tpu.memory_space<hbm>>) dst(%arg9 : memref<64x128xf32, #tpu.memory_space<vmem>>)
      "tpu.region"() ({
        %run_scoped3A = tpu.sem_alloc : memref<!tpu.dma_semaphore, #tpu.memory_space<semaphore_mem>>
        %dma_start3A_1653 = arith.constant 0 : i32
        %dma_start3A_1654 = tpu.memref_slice %arg8[%mul3A_1623, %dma_start3A_1653] : memref<80x64xi32, #tpu.memory_space<vmem>> -> memref<1x64xi32, #tpu.memory_space<vmem>>
        %dma_start3A_1655 = tpu.memref_squeeze %dma_start3A_1654 : memref<1x64xi32, #tpu.memory_space<vmem>> -> memref<64xi32, #tpu.memory_space<vmem>>
        %dma_start3A_1656 = arith.constant 0 : i32
        %dma_start3A_1657 = arith.constant 0 : i32
        %dma_start3A_1658 = tpu.memref_slice %arg11[%dma_start3A_1656, %dma_start3A_1657] : memref<10272x128xf32, #tpu.memory_space<vmem_shared>> -> memref<10272x128xf32, #tpu.memory_space<vmem_shared>>
        tpu.enqueue_indirect_dma source(%arg9 : memref<64x128xf32, #tpu.memory_space<vmem>>) target(%dma_start3A_1658 : memref<10272x128xf32, #tpu.memory_space<vmem_shared>>) offsets(%dma_start3A_1655 : memref<64xi32, #tpu.memory_space<vmem>>) semaphore(%run_scoped3A : memref<!tpu.dma_semaphore, #tpu.memory_space<semaphore_mem>>) {add = true}
        %dma_wait3A_1659 = arith.constant 0 : i32
        %dma_wait3A_1660 = tpu.memref_slice %arg8[%mul3A_1623, %dma_wait3A_1659] : memref<80x64xi32, #tpu.memory_space<vmem>> -> memref<1x64xi32, #tpu.memory_space<vmem>>
        %dma_wait3A_1661 = tpu.memref_squeeze %dma_wait3A_1660 : memref<1x64xi32, #tpu.memory_space<vmem>> -> memref<64xi32, #tpu.memory_space<vmem>>
        %dma_wait3A_1662 = arith.constant 0 : i32
        %dma_wait3A_1663 = arith.constant 0 : i32
        %dma_wait3A_1664 = tpu.memref_slice %arg11[%dma_wait3A_1662, %dma_wait3A_1663] : memref<10272x128xf32, #tpu.memory_space<vmem_shared>> -> memref<10272x128xf32, #tpu.memory_space<vmem_shared>>
        tpu.wait_indirect_dma semaphore(%run_scoped3A : memref<!tpu.dma_semaphore, #tpu.memory_space<semaphore_mem>>) src(%arg9 : memref<64x128xf32, #tpu.memory_space<vmem>>) dst(%dma_wait3A_1664 : memref<10272x128xf32, #tpu.memory_space<vmem_shared>>)
        tpu.yield
      }) : () -> ()
      %dma_wait3A_1644 = arith.constant 0 : i32
      %dma_wait3A_1645 = tpu.memref_slice %arg7[%add3A_1631, %dma_wait3A_1644] : memref<80x64xi32, #tpu.memory_space<vmem>> -> memref<1x64xi32, #tpu.memory_space<vmem>>
      %dma_wait3A_1646 = tpu.memref_squeeze %dma_wait3A_1645 : memref<1x64xi32, #tpu.memory_space<vmem>> -> memref<64xi32, #tpu.memory_space<vmem>>
      %dma_wait3A_1647 = arith.constant 0 : i32
      %dma_wait3A_1648 = arith.constant 0 : i32
      %dma_wait3A_1649 = tpu.memref_slice %arg2[%dma_wait3A_1647, %dma_wait3A_1648] : memref<30720x128xf32, #tpu.memory_space<hbm>> -> memref<30720x128xf32, #tpu.memory_space<hbm>>
      tpu.wait_indirect_dma semaphore(%arg14 : memref<!tpu.dma_semaphore, #tpu.memory_space<semaphore_mem>>) src(%dma_wait3A_1649 : memref<30720x128xf32, #tpu.memory_space<hbm>>) dst(%arg10 : memref<64x128xf32, #tpu.memory_space<vmem>>)
      %add3A_1650 = arith.constant 1 : i32
      %add3A_1651 = arith.addi %mul3A_1623, %add3A_1650 : i32
      "tpu.region"() ({
        %run_scoped3A = tpu.sem_alloc : memref<!tpu.dma_semaphore, #tpu.memory_space<semaphore_mem>>
        %dma_start3A_1653 = arith.constant 0 : i32
        %dma_start3A_1654 = tpu.memref_slice %arg8[%add3A_1651, %dma_start3A_1653] : memref<80x64xi32, #tpu.memory_space<vmem>> -> memref<1x64xi32, #tpu.memory_space<vmem>>
        %dma_start3A_1655 = tpu.memref_squeeze %dma_start3A_1654 : memref<1x64xi32, #tpu.memory_space<vmem>> -> memref<64xi32, #tpu.memory_space<vmem>>
        %dma_start3A_1656 = arith.constant 0 : i32
        %dma_start3A_1657 = arith.constant 0 : i32
        %dma_start3A_1658 = tpu.memref_slice %arg11[%dma_start3A_1656, %dma_start3A_1657] : memref<10272x128xf32, #tpu.memory_space<vmem_shared>> -> memref<10272x128xf32, #tpu.memory_space<vmem_shared>>
        tpu.enqueue_indirect_dma source(%arg10 : memref<64x128xf32, #tpu.memory_space<vmem>>) target(%dma_start3A_1658 : memref<10272x128xf32, #tpu.memory_space<vmem_shared>>) offsets(%dma_start3A_1655 : memref<64xi32, #tpu.memory_space<vmem>>) semaphore(%run_scoped3A : memref<!tpu.dma_semaphore, #tpu.memory_space<semaphore_mem>>) {add = true}
        %dma_wait3A_1659 = arith.constant 0 : i32
        %dma_wait3A_1660 = tpu.memref_slice %arg8[%add3A_1651, %dma_wait3A_1659] : memref<80x64xi32, #tpu.memory_space<vmem>> -> memref<1x64xi32, #tpu.memory_space<vmem>>
        %dma_wait3A_1661 = tpu.memref_squeeze %dma_wait3A_1660 : memref<1x64xi32, #tpu.memory_space<vmem>> -> memref<64xi32, #tpu.memory_space<vmem>>
        %dma_wait3A_1662 = arith.constant 0 : i32
        %dma_wait3A_1663 = arith.constant 0 : i32
        %dma_wait3A_1664 = tpu.memref_slice %arg11[%dma_wait3A_1662, %dma_wait3A_1663] : memref<10272x128xf32, #tpu.memory_space<vmem_shared>> -> memref<10272x128xf32, #tpu.memory_space<vmem_shared>>
        tpu.wait_indirect_dma semaphore(%run_scoped3A : memref<!tpu.dma_semaphore, #tpu.memory_space<semaphore_mem>>) src(%arg10 : memref<64x128xf32, #tpu.memory_space<vmem>>) dst(%dma_wait3A_1664 : memref<10272x128xf32, #tpu.memory_space<vmem_shared>>)
        tpu.yield
      }) : () -> ()
      %scan3A_1652 = arith.constant 0 : i32
      scf.yield %scan3A_1652 : i32
    }
    %scan3A_1317 = arith.constant 40 : i32
    %barrier3A_1318 = arith.constant 0 : index
    tpu.barrier barrier_id(%barrier3A_1318)
    %mul3A_1319 = arith.constant 640 : i32
    %mul3A_1320 = arith.muli %arg1, %mul3A_1319 : i32
    %add3A_1321 = arith.constant 0 : i32
    %add3A_1322 = arith.addi %mul3A_1320, %add3A_1321 : i32
    %dma_start3A_1323 = arith.constant 0 : i32
    %dma_start3A_1324 = tpu.memref_slice %arg11[%add3A_1322, %dma_start3A_1323] : memref<10272x128xf32, #tpu.memory_space<vmem_shared>> -> memref<64x128xf32, #tpu.memory_space<vmem_shared>>
    %dma_start3A_1325 = arith.constant 0 : i32
    %dma_start3A_1326 = tpu.memref_slice %arg11[%add3A_1322, %dma_start3A_1325] : memref<10272x128xf32, #tpu.memory_space<vmem_shared>> -> memref<64x128xf32, #tpu.memory_space<vmem_shared>>
    tpu.enqueue_dma source(%dma_start3A_1326 : memref<64x128xf32, #tpu.memory_space<vmem_shared>>) target(%arg9 : memref<64x128xf32, #tpu.memory_space<vmem>>) target_semaphore(%arg12 : memref<!tpu.dma_semaphore, #tpu.memory_space<semaphore_mem>>)
    %dma_wait3A_1327 = arith.constant 0 : i32
    %dma_wait3A_1328 = tpu.memref_slice %arg11[%add3A_1322, %dma_wait3A_1327] : memref<10272x128xf32, #tpu.memory_space<vmem_shared>> -> memref<64x128xf32, #tpu.memory_space<vmem_shared>>
    %dma_wait3A_1329 = arith.constant 0 : i32
    %dma_wait3A_1330 = tpu.memref_slice %arg11[%add3A_1322, %dma_wait3A_1329] : memref<10272x128xf32, #tpu.memory_space<vmem_shared>> -> memref<64x128xf32, #tpu.memory_space<vmem_shared>>
    tpu.wait_dma2 semaphore(%arg12 : memref<!tpu.dma_semaphore, #tpu.memory_space<semaphore_mem>>) src(%dma_wait3A_1330 : memref<64x128xf32, #tpu.memory_space<vmem_shared>>) dst(%arg9 : memref<64x128xf32, #tpu.memory_space<vmem>>)
    %mul3A_1331 = arith.constant 640 : i32
    %mul3A_1332 = arith.muli %arg1, %mul3A_1331 : i32
    %add3A_1333 = arith.constant 0 : i32
    %add3A_1334 = arith.addi %mul3A_1332, %add3A_1333 : i32
    %dma_start3A_1335 = arith.constant 2 : i32
    %dma_start3A_1336 = arith.constant 0 : i32
    %dma_start3A_1337 = tpu.memref_slice %arg6[%arg0, %dma_start3A_1335, %add3A_1334, %dma_start3A_1336] : memref<2x3x10240x128xf32, #tpu.memory_space<hbm>> -> memref<1x1x64x128xf32, #tpu.memory_space<hbm>>
    %dma_start3A_1338 = tpu.memref_squeeze %dma_start3A_1337 : memref<1x1x64x128xf32, #tpu.memory_space<hbm>> -> memref<64x128xf32, #tpu.memory_space<hbm>>
    %dma_start3A_1339 = arith.constant 0 : i32
    %dma_start3A_1340 = tpu.memref_slice %arg6[%arg0, %dma_start3A_1335, %add3A_1334, %dma_start3A_1339] : memref<2x3x10240x128xf32, #tpu.memory_space<hbm>> -> memref<1x1x64x128xf32, #tpu.memory_space<hbm>>
    %dma_start3A_1341 = tpu.memref_squeeze %dma_start3A_1340 : memref<1x1x64x128xf32, #tpu.memory_space<hbm>> -> memref<64x128xf32, #tpu.memory_space<hbm>>
    tpu.enqueue_dma source(%arg9 : memref<64x128xf32, #tpu.memory_space<vmem>>) target(%dma_start3A_1341 : memref<64x128xf32, #tpu.memory_space<hbm>>) target_semaphore(%arg12 : memref<!tpu.dma_semaphore, #tpu.memory_space<semaphore_mem>>)
    %dma_wait3A_1342 = arith.constant 2 : i32
    %dma_wait3A_1343 = arith.constant 0 : i32
    %dma_wait3A_1344 = tpu.memref_slice %arg6[%arg0, %dma_wait3A_1342, %add3A_1334, %dma_wait3A_1343] : memref<2x3x10240x128xf32, #tpu.memory_space<hbm>> -> memref<1x1x64x128xf32, #tpu.memory_space<hbm>>
    %dma_wait3A_1345 = tpu.memref_squeeze %dma_wait3A_1344 : memref<1x1x64x128xf32, #tpu.memory_space<hbm>> -> memref<64x128xf32, #tpu.memory_space<hbm>>
    %dma_wait3A_1346 = arith.constant 0 : i32
    %dma_wait3A_1347 = tpu.memref_slice %arg6[%arg0, %dma_wait3A_1342, %add3A_1334, %dma_wait3A_1346] : memref<2x3x10240x128xf32, #tpu.memory_space<hbm>> -> memref<1x1x64x128xf32, #tpu.memory_space<hbm>>
    %dma_wait3A_1348 = tpu.memref_squeeze %dma_wait3A_1347 : memref<1x1x64x128xf32, #tpu.memory_space<hbm>> -> memref<64x128xf32, #tpu.memory_space<hbm>>
    tpu.wait_dma2 semaphore(%arg12 : memref<!tpu.dma_semaphore, #tpu.memory_space<semaphore_mem>>) src(%arg9 : memref<64x128xf32, #tpu.memory_space<vmem>>) dst(%dma_wait3A_1348 : memref<64x128xf32, #tpu.memory_space<hbm>>)
    %mul3A_1349 = arith.constant 640 : i32
    %mul3A_1350 = arith.muli %arg1, %mul3A_1349 : i32
    %add3A_1351 = arith.constant 64 : i32
    %add3A_1352 = arith.addi %mul3A_1350, %add3A_1351 : i32
    %dma_start3A_1353 = arith.constant 0 : i32
    %dma_start3A_1354 = tpu.memref_slice %arg11[%add3A_1352, %dma_start3A_1353] : memref<10272x128xf32, #tpu.memory_space<vmem_shared>> -> memref<64x128xf32, #tpu.memory_space<vmem_shared>>
    %dma_start3A_1355 = arith.constant 0 : i32
    %dma_start3A_1356 = tpu.memref_slice %arg11[%add3A_1352, %dma_start3A_1355] : memref<10272x128xf32, #tpu.memory_space<vmem_shared>> -> memref<64x128xf32, #tpu.memory_space<vmem_shared>>
    tpu.enqueue_dma source(%dma_start3A_1356 : memref<64x128xf32, #tpu.memory_space<vmem_shared>>) target(%arg9 : memref<64x128xf32, #tpu.memory_space<vmem>>) target_semaphore(%arg12 : memref<!tpu.dma_semaphore, #tpu.memory_space<semaphore_mem>>)
    %dma_wait3A_1357 = arith.constant 0 : i32
    %dma_wait3A_1358 = tpu.memref_slice %arg11[%add3A_1352, %dma_wait3A_1357] : memref<10272x128xf32, #tpu.memory_space<vmem_shared>> -> memref<64x128xf32, #tpu.memory_space<vmem_shared>>
    %dma_wait3A_1359 = arith.constant 0 : i32
    %dma_wait3A_1360 = tpu.memref_slice %arg11[%add3A_1352, %dma_wait3A_1359] : memref<10272x128xf32, #tpu.memory_space<vmem_shared>> -> memref<64x128xf32, #tpu.memory_space<vmem_shared>>
    tpu.wait_dma2 semaphore(%arg12 : memref<!tpu.dma_semaphore, #tpu.memory_space<semaphore_mem>>) src(%dma_wait3A_1360 : memref<64x128xf32, #tpu.memory_space<vmem_shared>>) dst(%arg9 : memref<64x128xf32, #tpu.memory_space<vmem>>)
    %mul3A_1361 = arith.constant 640 : i32
    %mul3A_1362 = arith.muli %arg1, %mul3A_1361 : i32
    %add3A_1363 = arith.constant 64 : i32
    %add3A_1364 = arith.addi %mul3A_1362, %add3A_1363 : i32
    %dma_start3A_1365 = arith.constant 2 : i32
    %dma_start3A_1366 = arith.constant 0 : i32
    %dma_start3A_1367 = tpu.memref_slice %arg6[%arg0, %dma_start3A_1365, %add3A_1364, %dma_start3A_1366] : memref<2x3x10240x128xf32, #tpu.memory_space<hbm>> -> memref<1x1x64x128xf32, #tpu.memory_space<hbm>>
    %dma_start3A_1368 = tpu.memref_squeeze %dma_start3A_1367 : memref<1x1x64x128xf32, #tpu.memory_space<hbm>> -> memref<64x128xf32, #tpu.memory_space<hbm>>
    %dma_start3A_1369 = arith.constant 0 : i32
    %dma_start3A_1370 = tpu.memref_slice %arg6[%arg0, %dma_start3A_1365, %add3A_1364, %dma_start3A_1369] : memref<2x3x10240x128xf32, #tpu.memory_space<hbm>> -> memref<1x1x64x128xf32, #tpu.memory_space<hbm>>
    %dma_start3A_1371 = tpu.memref_squeeze %dma_start3A_1370 : memref<1x1x64x128xf32, #tpu.memory_space<hbm>> -> memref<64x128xf32, #tpu.memory_space<hbm>>
    tpu.enqueue_dma source(%arg9 : memref<64x128xf32, #tpu.memory_space<vmem>>) target(%dma_start3A_1371 : memref<64x128xf32, #tpu.memory_space<hbm>>) target_semaphore(%arg12 : memref<!tpu.dma_semaphore, #tpu.memory_space<semaphore_mem>>)
    %dma_wait3A_1372 = arith.constant 2 : i32
    %dma_wait3A_1373 = arith.constant 0 : i32
    %dma_wait3A_1374 = tpu.memref_slice %arg6[%arg0, %dma_wait3A_1372, %add3A_1364, %dma_wait3A_1373] : memref<2x3x10240x128xf32, #tpu.memory_space<hbm>> -> memref<1x1x64x128xf32, #tpu.memory_space<hbm>>
    %dma_wait3A_1375 = tpu.memref_squeeze %dma_wait3A_1374 : memref<1x1x64x128xf32, #tpu.memory_space<hbm>> -> memref<64x128xf32, #tpu.memory_space<hbm>>
    %dma_wait3A_1376 = arith.constant 0 : i32
    %dma_wait3A_1377 = tpu.memref_slice %arg6[%arg0, %dma_wait3A_1372, %add3A_1364, %dma_wait3A_1376] : memref<2x3x10240x128xf32, #tpu.memory_space<hbm>> -> memref<1x1x64x128xf32, #tpu.memory_space<hbm>>
    %dma_wait3A_1378 = tpu.memref_squeeze %dma_wait3A_1377 : memref<1x1x64x128xf32, #tpu.memory_space<hbm>> -> memref<64x128xf32, #tpu.memory_space<hbm>>
    tpu.wait_dma2 semaphore(%arg12 : memref<!tpu.dma_semaphore, #tpu.memory_space<semaphore_mem>>) src(%arg9 : memref<64x128xf32, #tpu.memory_space<vmem>>) dst(%dma_wait3A_1378 : memref<64x128xf32, #tpu.memory_space<hbm>>)
    %mul3A_1379 = arith.constant 640 : i32
    %mul3A_1380 = arith.muli %arg1, %mul3A_1379 : i32
    %add3A_1381 = arith.constant 128 : i32
    %add3A_1382 = arith.addi %mul3A_1380, %add3A_1381 : i32
    %dma_start3A_1383 = arith.constant 0 : i32
    %dma_start3A_1384 = tpu.memref_slice %arg11[%add3A_1382, %dma_start3A_1383] : memref<10272x128xf32, #tpu.memory_space<vmem_shared>> -> memref<64x128xf32, #tpu.memory_space<vmem_shared>>
    %dma_start3A_1385 = arith.constant 0 : i32
    %dma_start3A_1386 = tpu.memref_slice %arg11[%add3A_1382, %dma_start3A_1385] : memref<10272x128xf32, #tpu.memory_space<vmem_shared>> -> memref<64x128xf32, #tpu.memory_space<vmem_shared>>
    tpu.enqueue_dma source(%dma_start3A_1386 : memref<64x128xf32, #tpu.memory_space<vmem_shared>>) target(%arg9 : memref<64x128xf32, #tpu.memory_space<vmem>>) target_semaphore(%arg12 : memref<!tpu.dma_semaphore, #tpu.memory_space<semaphore_mem>>)
    %dma_wait3A_1387 = arith.constant 0 : i32
    %dma_wait3A_1388 = tpu.memref_slice %arg11[%add3A_1382, %dma_wait3A_1387] : memref<10272x128xf32, #tpu.memory_space<vmem_shared>> -> memref<64x128xf32, #tpu.memory_space<vmem_shared>>
    %dma_wait3A_1389 = arith.constant 0 : i32
    %dma_wait3A_1390 = tpu.memref_slice %arg11[%add3A_1382, %dma_wait3A_1389] : memref<10272x128xf32, #tpu.memory_space<vmem_shared>> -> memref<64x128xf32, #tpu.memory_space<vmem_shared>>
    tpu.wait_dma2 semaphore(%arg12 : memref<!tpu.dma_semaphore, #tpu.memory_space<semaphore_mem>>) src(%dma_wait3A_1390 : memref<64x128xf32, #tpu.memory_space<vmem_shared>>) dst(%arg9 : memref<64x128xf32, #tpu.memory_space<vmem>>)
    %mul3A_1391 = arith.constant 640 : i32
    %mul3A_1392 = arith.muli %arg1, %mul3A_1391 : i32
    %add3A_1393 = arith.constant 128 : i32
    %add3A_1394 = arith.addi %mul3A_1392, %add3A_1393 : i32
    %dma_start3A_1395 = arith.constant 2 : i32
    %dma_start3A_1396 = arith.constant 0 : i32
    %dma_start3A_1397 = tpu.memref_slice %arg6[%arg0, %dma_start3A_1395, %add3A_1394, %dma_start3A_1396] : memref<2x3x10240x128xf32, #tpu.memory_space<hbm>> -> memref<1x1x64x128xf32, #tpu.memory_space<hbm>>
    %dma_start3A_1398 = tpu.memref_squeeze %dma_start3A_1397 : memref<1x1x64x128xf32, #tpu.memory_space<hbm>> -> memref<64x128xf32, #tpu.memory_space<hbm>>
    %dma_start3A_1399 = arith.constant 0 : i32
    %dma_start3A_1400 = tpu.memref_slice %arg6[%arg0, %dma_start3A_1395, %add3A_1394, %dma_start3A_1399] : memref<2x3x10240x128xf32, #tpu.memory_space<hbm>> -> memref<1x1x64x128xf32, #tpu.memory_space<hbm>>
    %dma_start3A_1401 = tpu.memref_squeeze %dma_start3A_1400 : memref<1x1x64x128xf32, #tpu.memory_space<hbm>> -> memref<64x128xf32, #tpu.memory_space<hbm>>
    tpu.enqueue_dma source(%arg9 : memref<64x128xf32, #tpu.memory_space<vmem>>) target(%dma_start3A_1401 : memref<64x128xf32, #tpu.memory_space<hbm>>) target_semaphore(%arg12 : memref<!tpu.dma_semaphore, #tpu.memory_space<semaphore_mem>>)
    %dma_wait3A_1402 = arith.constant 2 : i32
    %dma_wait3A_1403 = arith.constant 0 : i32
    %dma_wait3A_1404 = tpu.memref_slice %arg6[%arg0, %dma_wait3A_1402, %add3A_1394, %dma_wait3A_1403] : memref<2x3x10240x128xf32, #tpu.memory_space<hbm>> -> memref<1x1x64x128xf32, #tpu.memory_space<hbm>>
    %dma_wait3A_1405 = tpu.memref_squeeze %dma_wait3A_1404 : memref<1x1x64x128xf32, #tpu.memory_space<hbm>> -> memref<64x128xf32, #tpu.memory_space<hbm>>
    %dma_wait3A_1406 = arith.constant 0 : i32
    %dma_wait3A_1407 = tpu.memref_slice %arg6[%arg0, %dma_wait3A_1402, %add3A_1394, %dma_wait3A_1406] : memref<2x3x10240x128xf32, #tpu.memory_space<hbm>> -> memref<1x1x64x128xf32, #tpu.memory_space<hbm>>
    %dma_wait3A_1408 = tpu.memref_squeeze %dma_wait3A_1407 : memref<1x1x64x128xf32, #tpu.memory_space<hbm>> -> memref<64x128xf32, #tpu.memory_space<hbm>>
    tpu.wait_dma2 semaphore(%arg12 : memref<!tpu.dma_semaphore, #tpu.memory_space<semaphore_mem>>) src(%arg9 : memref<64x128xf32, #tpu.memory_space<vmem>>) dst(%dma_wait3A_1408 : memref<64x128xf32, #tpu.memory_space<hbm>>)
    %mul3A_1409 = arith.constant 640 : i32
    %mul3A_1410 = arith.muli %arg1, %mul3A_1409 : i32
    %add3A_1411 = arith.constant 192 : i32
    %add3A_1412 = arith.addi %mul3A_1410, %add3A_1411 : i32
    %dma_start3A_1413 = arith.constant 0 : i32
    %dma_start3A_1414 = tpu.memref_slice %arg11[%add3A_1412, %dma_start3A_1413] : memref<10272x128xf32, #tpu.memory_space<vmem_shared>> -> memref<64x128xf32, #tpu.memory_space<vmem_shared>>
    %dma_start3A_1415 = arith.constant 0 : i32
    %dma_start3A_1416 = tpu.memref_slice %arg11[%add3A_1412, %dma_start3A_1415] : memref<10272x128xf32, #tpu.memory_space<vmem_shared>> -> memref<64x128xf32, #tpu.memory_space<vmem_shared>>
    tpu.enqueue_dma source(%dma_start3A_1416 : memref<64x128xf32, #tpu.memory_space<vmem_shared>>) target(%arg9 : memref<64x128xf32, #tpu.memory_space<vmem>>) target_semaphore(%arg12 : memref<!tpu.dma_semaphore, #tpu.memory_space<semaphore_mem>>)
    %dma_wait3A_1417 = arith.constant 0 : i32
    %dma_wait3A_1418 = tpu.memref_slice %arg11[%add3A_1412, %dma_wait3A_1417] : memref<10272x128xf32, #tpu.memory_space<vmem_shared>> -> memref<64x128xf32, #tpu.memory_space<vmem_shared>>
    %dma_wait3A_1419 = arith.constant 0 : i32
    %dma_wait3A_1420 = tpu.memref_slice %arg11[%add3A_1412, %dma_wait3A_1419] : memref<10272x128xf32, #tpu.memory_space<vmem_shared>> -> memref<64x128xf32, #tpu.memory_space<vmem_shared>>
    tpu.wait_dma2 semaphore(%arg12 : memref<!tpu.dma_semaphore, #tpu.memory_space<semaphore_mem>>) src(%dma_wait3A_1420 : memref<64x128xf32, #tpu.memory_space<vmem_shared>>) dst(%arg9 : memref<64x128xf32, #tpu.memory_space<vmem>>)
    %mul3A_1421 = arith.constant 640 : i32
    %mul3A_1422 = arith.muli %arg1, %mul3A_1421 : i32
    %add3A_1423 = arith.constant 192 : i32
    %add3A_1424 = arith.addi %mul3A_1422, %add3A_1423 : i32
    %dma_start3A_1425 = arith.constant 2 : i32
    %dma_start3A_1426 = arith.constant 0 : i32
    %dma_start3A_1427 = tpu.memref_slice %arg6[%arg0, %dma_start3A_1425, %add3A_1424, %dma_start3A_1426] : memref<2x3x10240x128xf32, #tpu.memory_space<hbm>> -> memref<1x1x64x128xf32, #tpu.memory_space<hbm>>
    %dma_start3A_1428 = tpu.memref_squeeze %dma_start3A_1427 : memref<1x1x64x128xf32, #tpu.memory_space<hbm>> -> memref<64x128xf32, #tpu.memory_space<hbm>>
    %dma_start3A_1429 = arith.constant 0 : i32
    %dma_start3A_1430 = tpu.memref_slice %arg6[%arg0, %dma_start3A_1425, %add3A_1424, %dma_start3A_1429] : memref<2x3x10240x128xf32, #tpu.memory_space<hbm>> -> memref<1x1x64x128xf32, #tpu.memory_space<hbm>>
    %dma_start3A_1431 = tpu.memref_squeeze %dma_start3A_1430 : memref<1x1x64x128xf32, #tpu.memory_space<hbm>> -> memref<64x128xf32, #tpu.memory_space<hbm>>
    tpu.enqueue_dma source(%arg9 : memref<64x128xf32, #tpu.memory_space<vmem>>) target(%dma_start3A_1431 : memref<64x128xf32, #tpu.memory_space<hbm>>) target_semaphore(%arg12 : memref<!tpu.dma_semaphore, #tpu.memory_space<semaphore_mem>>)
    %dma_wait3A_1432 = arith.constant 2 : i32
    %dma_wait3A_1433 = arith.constant 0 : i32
    %dma_wait3A_1434 = tpu.memref_slice %arg6[%arg0, %dma_wait3A_1432, %add3A_1424, %dma_wait3A_1433] : memref<2x3x10240x128xf32, #tpu.memory_space<hbm>> -> memref<1x1x64x128xf32, #tpu.memory_space<hbm>>
    %dma_wait3A_1435 = tpu.memref_squeeze %dma_wait3A_1434 : memref<1x1x64x128xf32, #tpu.memory_space<hbm>> -> memref<64x128xf32, #tpu.memory_space<hbm>>
    %dma_wait3A_1436 = arith.constant 0 : i32
    %dma_wait3A_1437 = tpu.memref_slice %arg6[%arg0, %dma_wait3A_1432, %add3A_1424, %dma_wait3A_1436] : memref<2x3x10240x128xf32, #tpu.memory_space<hbm>> -> memref<1x1x64x128xf32, #tpu.memory_space<hbm>>
    %dma_wait3A_1438 = tpu.memref_squeeze %dma_wait3A_1437 : memref<1x1x64x128xf32, #tpu.memory_space<hbm>> -> memref<64x128xf32, #tpu.memory_space<hbm>>
    tpu.wait_dma2 semaphore(%arg12 : memref<!tpu.dma_semaphore, #tpu.memory_space<semaphore_mem>>) src(%arg9 : memref<64x128xf32, #tpu.memory_space<vmem>>) dst(%dma_wait3A_1438 : memref<64x128xf32, #tpu.memory_space<hbm>>)
    %mul3A_1439 = arith.constant 640 : i32
    %mul3A_1440 = arith.muli %arg1, %mul3A_1439 : i32
    %add3A_1441 = arith.constant 256 : i32
    %add3A_1442 = arith.addi %mul3A_1440, %add3A_1441 : i32
    %dma_start3A_1443 = arith.constant 0 : i32
    %dma_start3A_1444 = tpu.memref_slice %arg11[%add3A_1442, %dma_start3A_1443] : memref<10272x128xf32, #tpu.memory_space<vmem_shared>> -> memref<64x128xf32, #tpu.memory_space<vmem_shared>>
    %dma_start3A_1445 = arith.constant 0 : i32
    %dma_start3A_1446 = tpu.memref_slice %arg11[%add3A_1442, %dma_start3A_1445] : memref<10272x128xf32, #tpu.memory_space<vmem_shared>> -> memref<64x128xf32, #tpu.memory_space<vmem_shared>>
    tpu.enqueue_dma source(%dma_start3A_1446 : memref<64x128xf32, #tpu.memory_space<vmem_shared>>) target(%arg9 : memref<64x128xf32, #tpu.memory_space<vmem>>) target_semaphore(%arg12 : memref<!tpu.dma_semaphore, #tpu.memory_space<semaphore_mem>>)
    %dma_wait3A_1447 = arith.constant 0 : i32
    %dma_wait3A_1448 = tpu.memref_slice %arg11[%add3A_1442, %dma_wait3A_1447] : memref<10272x128xf32, #tpu.memory_space<vmem_shared>> -> memref<64x128xf32, #tpu.memory_space<vmem_shared>>
    %dma_wait3A_1449 = arith.constant 0 : i32
    %dma_wait3A_1450 = tpu.memref_slice %arg11[%add3A_1442, %dma_wait3A_1449] : memref<10272x128xf32, #tpu.memory_space<vmem_shared>> -> memref<64x128xf32, #tpu.memory_space<vmem_shared>>
    tpu.wait_dma2 semaphore(%arg12 : memref<!tpu.dma_semaphore, #tpu.memory_space<semaphore_mem>>) src(%dma_wait3A_1450 : memref<64x128xf32, #tpu.memory_space<vmem_shared>>) dst(%arg9 : memref<64x128xf32, #tpu.memory_space<vmem>>)
    %mul3A_1451 = arith.constant 640 : i32
    %mul3A_1452 = arith.muli %arg1, %mul3A_1451 : i32
    %add3A_1453 = arith.constant 256 : i32
    %add3A_1454 = arith.addi %mul3A_1452, %add3A_1453 : i32
    %dma_start3A_1455 = arith.constant 2 : i32
    %dma_start3A_1456 = arith.constant 0 : i32
    %dma_start3A_1457 = tpu.memref_slice %arg6[%arg0, %dma_start3A_1455, %add3A_1454, %dma_start3A_1456] : memref<2x3x10240x128xf32, #tpu.memory_space<hbm>> -> memref<1x1x64x128xf32, #tpu.memory_space<hbm>>
    %dma_start3A_1458 = tpu.memref_squeeze %dma_start3A_1457 : memref<1x1x64x128xf32, #tpu.memory_space<hbm>> -> memref<64x128xf32, #tpu.memory_space<hbm>>
    %dma_start3A_1459 = arith.constant 0 : i32
    %dma_start3A_1460 = tpu.memref_slice %arg6[%arg0, %dma_start3A_1455, %add3A_1454, %dma_start3A_1459] : memref<2x3x10240x128xf32, #tpu.memory_space<hbm>> -> memref<1x1x64x128xf32, #tpu.memory_space<hbm>>
    %dma_start3A_1461 = tpu.memref_squeeze %dma_start3A_1460 : memref<1x1x64x128xf32, #tpu.memory_space<hbm>> -> memref<64x128xf32, #tpu.memory_space<hbm>>
    tpu.enqueue_dma source(%arg9 : memref<64x128xf32, #tpu.memory_space<vmem>>) target(%dma_start3A_1461 : memref<64x128xf32, #tpu.memory_space<hbm>>) target_semaphore(%arg12 : memref<!tpu.dma_semaphore, #tpu.memory_space<semaphore_mem>>)
    %dma_wait3A_1462 = arith.constant 2 : i32
    %dma_wait3A_1463 = arith.constant 0 : i32
    %dma_wait3A_1464 = tpu.memref_slice %arg6[%arg0, %dma_wait3A_1462, %add3A_1454, %dma_wait3A_1463] : memref<2x3x10240x128xf32, #tpu.memory_space<hbm>> -> memref<1x1x64x128xf32, #tpu.memory_space<hbm>>
    %dma_wait3A_1465 = tpu.memref_squeeze %dma_wait3A_1464 : memref<1x1x64x128xf32, #tpu.memory_space<hbm>> -> memref<64x128xf32, #tpu.memory_space<hbm>>
    %dma_wait3A_1466 = arith.constant 0 : i32
    %dma_wait3A_1467 = tpu.memref_slice %arg6[%arg0, %dma_wait3A_1462, %add3A_1454, %dma_wait3A_1466] : memref<2x3x10240x128xf32, #tpu.memory_space<hbm>> -> memref<1x1x64x128xf32, #tpu.memory_space<hbm>>
    %dma_wait3A_1468 = tpu.memref_squeeze %dma_wait3A_1467 : memref<1x1x64x128xf32, #tpu.memory_space<hbm>> -> memref<64x128xf32, #tpu.memory_space<hbm>>
    tpu.wait_dma2 semaphore(%arg12 : memref<!tpu.dma_semaphore, #tpu.memory_space<semaphore_mem>>) src(%arg9 : memref<64x128xf32, #tpu.memory_space<vmem>>) dst(%dma_wait3A_1468 : memref<64x128xf32, #tpu.memory_space<hbm>>)
    %mul3A_1469 = arith.constant 640 : i32
    %mul3A_1470 = arith.muli %arg1, %mul3A_1469 : i32
    %add3A_1471 = arith.constant 320 : i32
    %add3A_1472 = arith.addi %mul3A_1470, %add3A_1471 : i32
    %dma_start3A_1473 = arith.constant 0 : i32
    %dma_start3A_1474 = tpu.memref_slice %arg11[%add3A_1472, %dma_start3A_1473] : memref<10272x128xf32, #tpu.memory_space<vmem_shared>> -> memref<64x128xf32, #tpu.memory_space<vmem_shared>>
    %dma_start3A_1475 = arith.constant 0 : i32
    %dma_start3A_1476 = tpu.memref_slice %arg11[%add3A_1472, %dma_start3A_1475] : memref<10272x128xf32, #tpu.memory_space<vmem_shared>> -> memref<64x128xf32, #tpu.memory_space<vmem_shared>>
    tpu.enqueue_dma source(%dma_start3A_1476 : memref<64x128xf32, #tpu.memory_space<vmem_shared>>) target(%arg9 : memref<64x128xf32, #tpu.memory_space<vmem>>) target_semaphore(%arg12 : memref<!tpu.dma_semaphore, #tpu.memory_space<semaphore_mem>>)
    %dma_wait3A_1477 = arith.constant 0 : i32
    %dma_wait3A_1478 = tpu.memref_slice %arg11[%add3A_1472, %dma_wait3A_1477] : memref<10272x128xf32, #tpu.memory_space<vmem_shared>> -> memref<64x128xf32, #tpu.memory_space<vmem_shared>>
    %dma_wait3A_1479 = arith.constant 0 : i32
    %dma_wait3A_1480 = tpu.memref_slice %arg11[%add3A_1472, %dma_wait3A_1479] : memref<10272x128xf32, #tpu.memory_space<vmem_shared>> -> memref<64x128xf32, #tpu.memory_space<vmem_shared>>
    tpu.wait_dma2 semaphore(%arg12 : memref<!tpu.dma_semaphore, #tpu.memory_space<semaphore_mem>>) src(%dma_wait3A_1480 : memref<64x128xf32, #tpu.memory_space<vmem_shared>>) dst(%arg9 : memref<64x128xf32, #tpu.memory_space<vmem>>)
    %mul3A_1481 = arith.constant 640 : i32
    %mul3A_1482 = arith.muli %arg1, %mul3A_1481 : i32
    %add3A_1483 = arith.constant 320 : i32
    %add3A_1484 = arith.addi %mul3A_1482, %add3A_1483 : i32
    %dma_start3A_1485 = arith.constant 2 : i32
    %dma_start3A_1486 = arith.constant 0 : i32
    %dma_start3A_1487 = tpu.memref_slice %arg6[%arg0, %dma_start3A_1485, %add3A_1484, %dma_start3A_1486] : memref<2x3x10240x128xf32, #tpu.memory_space<hbm>> -> memref<1x1x64x128xf32, #tpu.memory_space<hbm>>
    %dma_start3A_1488 = tpu.memref_squeeze %dma_start3A_1487 : memref<1x1x64x128xf32, #tpu.memory_space<hbm>> -> memref<64x128xf32, #tpu.memory_space<hbm>>
    %dma_start3A_1489 = arith.constant 0 : i32
    %dma_start3A_1490 = tpu.memref_slice %arg6[%arg0, %dma_start3A_1485, %add3A_1484, %dma_start3A_1489] : memref<2x3x10240x128xf32, #tpu.memory_space<hbm>> -> memref<1x1x64x128xf32, #tpu.memory_space<hbm>>
    %dma_start3A_1491 = tpu.memref_squeeze %dma_start3A_1490 : memref<1x1x64x128xf32, #tpu.memory_space<hbm>> -> memref<64x128xf32, #tpu.memory_space<hbm>>
    tpu.enqueue_dma source(%arg9 : memref<64x128xf32, #tpu.memory_space<vmem>>) target(%dma_start3A_1491 : memref<64x128xf32, #tpu.memory_space<hbm>>) target_semaphore(%arg12 : memref<!tpu.dma_semaphore, #tpu.memory_space<semaphore_mem>>)
    %dma_wait3A_1492 = arith.constant 2 : i32
    %dma_wait3A_1493 = arith.constant 0 : i32
    %dma_wait3A_1494 = tpu.memref_slice %arg6[%arg0, %dma_wait3A_1492, %add3A_1484, %dma_wait3A_1493] : memref<2x3x10240x128xf32, #tpu.memory_space<hbm>> -> memref<1x1x64x128xf32, #tpu.memory_space<hbm>>
    %dma_wait3A_1495 = tpu.memref_squeeze %dma_wait3A_1494 : memref<1x1x64x128xf32, #tpu.memory_space<hbm>> -> memref<64x128xf32, #tpu.memory_space<hbm>>
    %dma_wait3A_1496 = arith.constant 0 : i32
    %dma_wait3A_1497 = tpu.memref_slice %arg6[%arg0, %dma_wait3A_1492, %add3A_1484, %dma_wait3A_1496] : memref<2x3x10240x128xf32, #tpu.memory_space<hbm>> -> memref<1x1x64x128xf32, #tpu.memory_space<hbm>>
    %dma_wait3A_1498 = tpu.memref_squeeze %dma_wait3A_1497 : memref<1x1x64x128xf32, #tpu.memory_space<hbm>> -> memref<64x128xf32, #tpu.memory_space<hbm>>
    tpu.wait_dma2 semaphore(%arg12 : memref<!tpu.dma_semaphore, #tpu.memory_space<semaphore_mem>>) src(%arg9 : memref<64x128xf32, #tpu.memory_space<vmem>>) dst(%dma_wait3A_1498 : memref<64x128xf32, #tpu.memory_space<hbm>>)
    %mul3A_1499 = arith.constant 640 : i32
    %mul3A_1500 = arith.muli %arg1, %mul3A_1499 : i32
    %add3A_1501 = arith.constant 384 : i32
    %add3A_1502 = arith.addi %mul3A_1500, %add3A_1501 : i32
    %dma_start3A_1503 = arith.constant 0 : i32
    %dma_start3A_1504 = tpu.memref_slice %arg11[%add3A_1502, %dma_start3A_1503] : memref<10272x128xf32, #tpu.memory_space<vmem_shared>> -> memref<64x128xf32, #tpu.memory_space<vmem_shared>>
    %dma_start3A_1505 = arith.constant 0 : i32
    %dma_start3A_1506 = tpu.memref_slice %arg11[%add3A_1502, %dma_start3A_1505] : memref<10272x128xf32, #tpu.memory_space<vmem_shared>> -> memref<64x128xf32, #tpu.memory_space<vmem_shared>>
    tpu.enqueue_dma source(%dma_start3A_1506 : memref<64x128xf32, #tpu.memory_space<vmem_shared>>) target(%arg9 : memref<64x128xf32, #tpu.memory_space<vmem>>) target_semaphore(%arg12 : memref<!tpu.dma_semaphore, #tpu.memory_space<semaphore_mem>>)
    %dma_wait3A_1507 = arith.constant 0 : i32
    %dma_wait3A_1508 = tpu.memref_slice %arg11[%add3A_1502, %dma_wait3A_1507] : memref<10272x128xf32, #tpu.memory_space<vmem_shared>> -> memref<64x128xf32, #tpu.memory_space<vmem_shared>>
    %dma_wait3A_1509 = arith.constant 0 : i32
    %dma_wait3A_1510 = tpu.memref_slice %arg11[%add3A_1502, %dma_wait3A_1509] : memref<10272x128xf32, #tpu.memory_space<vmem_shared>> -> memref<64x128xf32, #tpu.memory_space<vmem_shared>>
    tpu.wait_dma2 semaphore(%arg12 : memref<!tpu.dma_semaphore, #tpu.memory_space<semaphore_mem>>) src(%dma_wait3A_1510 : memref<64x128xf32, #tpu.memory_space<vmem_shared>>) dst(%arg9 : memref<64x128xf32, #tpu.memory_space<vmem>>)
    %mul3A_1511 = arith.constant 640 : i32
    %mul3A_1512 = arith.muli %arg1, %mul3A_1511 : i32
    %add3A_1513 = arith.constant 384 : i32
    %add3A_1514 = arith.addi %mul3A_1512, %add3A_1513 : i32
    %dma_start3A_1515 = arith.constant 2 : i32
    %dma_start3A_1516 = arith.constant 0 : i32
    %dma_start3A_1517 = tpu.memref_slice %arg6[%arg0, %dma_start3A_1515, %add3A_1514, %dma_start3A_1516] : memref<2x3x10240x128xf32, #tpu.memory_space<hbm>> -> memref<1x1x64x128xf32, #tpu.memory_space<hbm>>
    %dma_start3A_1518 = tpu.memref_squeeze %dma_start3A_1517 : memref<1x1x64x128xf32, #tpu.memory_space<hbm>> -> memref<64x128xf32, #tpu.memory_space<hbm>>
    %dma_start3A_1519 = arith.constant 0 : i32
    %dma_start3A_1520 = tpu.memref_slice %arg6[%arg0, %dma_start3A_1515, %add3A_1514, %dma_start3A_1519] : memref<2x3x10240x128xf32, #tpu.memory_space<hbm>> -> memref<1x1x64x128xf32, #tpu.memory_space<hbm>>
    %dma_start3A_1521 = tpu.memref_squeeze %dma_start3A_1520 : memref<1x1x64x128xf32, #tpu.memory_space<hbm>> -> memref<64x128xf32, #tpu.memory_space<hbm>>
    tpu.enqueue_dma source(%arg9 : memref<64x128xf32, #tpu.memory_space<vmem>>) target(%dma_start3A_1521 : memref<64x128xf32, #tpu.memory_space<hbm>>) target_semaphore(%arg12 : memref<!tpu.dma_semaphore, #tpu.memory_space<semaphore_mem>>)
    %dma_wait3A_1522 = arith.constant 2 : i32
    %dma_wait3A_1523 = arith.constant 0 : i32
    %dma_wait3A_1524 = tpu.memref_slice %arg6[%arg0, %dma_wait3A_1522, %add3A_1514, %dma_wait3A_1523] : memref<2x3x10240x128xf32, #tpu.memory_space<hbm>> -> memref<1x1x64x128xf32, #tpu.memory_space<hbm>>
    %dma_wait3A_1525 = tpu.memref_squeeze %dma_wait3A_1524 : memref<1x1x64x128xf32, #tpu.memory_space<hbm>> -> memref<64x128xf32, #tpu.memory_space<hbm>>
    %dma_wait3A_1526 = arith.constant 0 : i32
    %dma_wait3A_1527 = tpu.memref_slice %arg6[%arg0, %dma_wait3A_1522, %add3A_1514, %dma_wait3A_1526] : memref<2x3x10240x128xf32, #tpu.memory_space<hbm>> -> memref<1x1x64x128xf32, #tpu.memory_space<hbm>>
    %dma_wait3A_1528 = tpu.memref_squeeze %dma_wait3A_1527 : memref<1x1x64x128xf32, #tpu.memory_space<hbm>> -> memref<64x128xf32, #tpu.memory_space<hbm>>
    tpu.wait_dma2 semaphore(%arg12 : memref<!tpu.dma_semaphore, #tpu.memory_space<semaphore_mem>>) src(%arg9 : memref<64x128xf32, #tpu.memory_space<vmem>>) dst(%dma_wait3A_1528 : memref<64x128xf32, #tpu.memory_space<hbm>>)
    %mul3A_1529 = arith.constant 640 : i32
    %mul3A_1530 = arith.muli %arg1, %mul3A_1529 : i32
    %add3A_1531 = arith.constant 448 : i32
    %add3A_1532 = arith.addi %mul3A_1530, %add3A_1531 : i32
    %dma_start3A_1533 = arith.constant 0 : i32
    %dma_start3A_1534 = tpu.memref_slice %arg11[%add3A_1532, %dma_start3A_1533] : memref<10272x128xf32, #tpu.memory_space<vmem_shared>> -> memref<64x128xf32, #tpu.memory_space<vmem_shared>>
    %dma_start3A_1535 = arith.constant 0 : i32
    %dma_start3A_1536 = tpu.memref_slice %arg11[%add3A_1532, %dma_start3A_1535] : memref<10272x128xf32, #tpu.memory_space<vmem_shared>> -> memref<64x128xf32, #tpu.memory_space<vmem_shared>>
    tpu.enqueue_dma source(%dma_start3A_1536 : memref<64x128xf32, #tpu.memory_space<vmem_shared>>) target(%arg9 : memref<64x128xf32, #tpu.memory_space<vmem>>) target_semaphore(%arg12 : memref<!tpu.dma_semaphore, #tpu.memory_space<semaphore_mem>>)
    %dma_wait3A_1537 = arith.constant 0 : i32
    %dma_wait3A_1538 = tpu.memref_slice %arg11[%add3A_1532, %dma_wait3A_1537] : memref<10272x128xf32, #tpu.memory_space<vmem_shared>> -> memref<64x128xf32, #tpu.memory_space<vmem_shared>>
    %dma_wait3A_1539 = arith.constant 0 : i32
    %dma_wait3A_1540 = tpu.memref_slice %arg11[%add3A_1532, %dma_wait3A_1539] : memref<10272x128xf32, #tpu.memory_space<vmem_shared>> -> memref<64x128xf32, #tpu.memory_space<vmem_shared>>
    tpu.wait_dma2 semaphore(%arg12 : memref<!tpu.dma_semaphore, #tpu.memory_space<semaphore_mem>>) src(%dma_wait3A_1540 : memref<64x128xf32, #tpu.memory_space<vmem_shared>>) dst(%arg9 : memref<64x128xf32, #tpu.memory_space<vmem>>)
    %mul3A_1541 = arith.constant 640 : i32
    %mul3A_1542 = arith.muli %arg1, %mul3A_1541 : i32
    %add3A_1543 = arith.constant 448 : i32
    %add3A_1544 = arith.addi %mul3A_1542, %add3A_1543 : i32
    %dma_start3A_1545 = arith.constant 2 : i32
    %dma_start3A_1546 = arith.constant 0 : i32
    %dma_start3A_1547 = tpu.memref_slice %arg6[%arg0, %dma_start3A_1545, %add3A_1544, %dma_start3A_1546] : memref<2x3x10240x128xf32, #tpu.memory_space<hbm>> -> memref<1x1x64x128xf32, #tpu.memory_space<hbm>>
    %dma_start3A_1548 = tpu.memref_squeeze %dma_start3A_1547 : memref<1x1x64x128xf32, #tpu.memory_space<hbm>> -> memref<64x128xf32, #tpu.memory_space<hbm>>
    %dma_start3A_1549 = arith.constant 0 : i32
    %dma_start3A_1550 = tpu.memref_slice %arg6[%arg0, %dma_start3A_1545, %add3A_1544, %dma_start3A_1549] : memref<2x3x10240x128xf32, #tpu.memory_space<hbm>> -> memref<1x1x64x128xf32, #tpu.memory_space<hbm>>
    %dma_start3A_1551 = tpu.memref_squeeze %dma_start3A_1550 : memref<1x1x64x128xf32, #tpu.memory_space<hbm>> -> memref<64x128xf32, #tpu.memory_space<hbm>>
    tpu.enqueue_dma source(%arg9 : memref<64x128xf32, #tpu.memory_space<vmem>>) target(%dma_start3A_1551 : memref<64x128xf32, #tpu.memory_space<hbm>>) target_semaphore(%arg12 : memref<!tpu.dma_semaphore, #tpu.memory_space<semaphore_mem>>)
    %dma_wait3A_1552 = arith.constant 2 : i32
    %dma_wait3A_1553 = arith.constant 0 : i32
    %dma_wait3A_1554 = tpu.memref_slice %arg6[%arg0, %dma_wait3A_1552, %add3A_1544, %dma_wait3A_1553] : memref<2x3x10240x128xf32, #tpu.memory_space<hbm>> -> memref<1x1x64x128xf32, #tpu.memory_space<hbm>>
    %dma_wait3A_1555 = tpu.memref_squeeze %dma_wait3A_1554 : memref<1x1x64x128xf32, #tpu.memory_space<hbm>> -> memref<64x128xf32, #tpu.memory_space<hbm>>
    %dma_wait3A_1556 = arith.constant 0 : i32
    %dma_wait3A_1557 = tpu.memref_slice %arg6[%arg0, %dma_wait3A_1552, %add3A_1544, %dma_wait3A_1556] : memref<2x3x10240x128xf32, #tpu.memory_space<hbm>> -> memref<1x1x64x128xf32, #tpu.memory_space<hbm>>
    %dma_wait3A_1558 = tpu.memref_squeeze %dma_wait3A_1557 : memref<1x1x64x128xf32, #tpu.memory_space<hbm>> -> memref<64x128xf32, #tpu.memory_space<hbm>>
    tpu.wait_dma2 semaphore(%arg12 : memref<!tpu.dma_semaphore, #tpu.memory_space<semaphore_mem>>) src(%arg9 : memref<64x128xf32, #tpu.memory_space<vmem>>) dst(%dma_wait3A_1558 : memref<64x128xf32, #tpu.memory_space<hbm>>)
    %mul3A_1559 = arith.constant 640 : i32
    %mul3A_1560 = arith.muli %arg1, %mul3A_1559 : i32
    %add3A_1561 = arith.constant 512 : i32
    %add3A_1562 = arith.addi %mul3A_1560, %add3A_1561 : i32
    %dma_start3A_1563 = arith.constant 0 : i32
    %dma_start3A_1564 = tpu.memref_slice %arg11[%add3A_1562, %dma_start3A_1563] : memref<10272x128xf32, #tpu.memory_space<vmem_shared>> -> memref<64x128xf32, #tpu.memory_space<vmem_shared>>
    %dma_start3A_1565 = arith.constant 0 : i32
    %dma_start3A_1566 = tpu.memref_slice %arg11[%add3A_1562, %dma_start3A_1565] : memref<10272x128xf32, #tpu.memory_space<vmem_shared>> -> memref<64x128xf32, #tpu.memory_space<vmem_shared>>
    tpu.enqueue_dma source(%dma_start3A_1566 : memref<64x128xf32, #tpu.memory_space<vmem_shared>>) target(%arg9 : memref<64x128xf32, #tpu.memory_space<vmem>>) target_semaphore(%arg12 : memref<!tpu.dma_semaphore, #tpu.memory_space<semaphore_mem>>)
    %dma_wait3A_1567 = arith.constant 0 : i32
    %dma_wait3A_1568 = tpu.memref_slice %arg11[%add3A_1562, %dma_wait3A_1567] : memref<10272x128xf32, #tpu.memory_space<vmem_shared>> -> memref<64x128xf32, #tpu.memory_space<vmem_shared>>
    %dma_wait3A_1569 = arith.constant 0 : i32
    %dma_wait3A_1570 = tpu.memref_slice %arg11[%add3A_1562, %dma_wait3A_1569] : memref<10272x128xf32, #tpu.memory_space<vmem_shared>> -> memref<64x128xf32, #tpu.memory_space<vmem_shared>>
    tpu.wait_dma2 semaphore(%arg12 : memref<!tpu.dma_semaphore, #tpu.memory_space<semaphore_mem>>) src(%dma_wait3A_1570 : memref<64x128xf32, #tpu.memory_space<vmem_shared>>) dst(%arg9 : memref<64x128xf32, #tpu.memory_space<vmem>>)
    %mul3A_1571 = arith.constant 640 : i32
    %mul3A_1572 = arith.muli %arg1, %mul3A_1571 : i32
    %add3A_1573 = arith.constant 512 : i32
    %add3A_1574 = arith.addi %mul3A_1572, %add3A_1573 : i32
    %dma_start3A_1575 = arith.constant 2 : i32
    %dma_start3A_1576 = arith.constant 0 : i32
    %dma_start3A_1577 = tpu.memref_slice %arg6[%arg0, %dma_start3A_1575, %add3A_1574, %dma_start3A_1576] : memref<2x3x10240x128xf32, #tpu.memory_space<hbm>> -> memref<1x1x64x128xf32, #tpu.memory_space<hbm>>
    %dma_start3A_1578 = tpu.memref_squeeze %dma_start3A_1577 : memref<1x1x64x128xf32, #tpu.memory_space<hbm>> -> memref<64x128xf32, #tpu.memory_space<hbm>>
    %dma_start3A_1579 = arith.constant 0 : i32
    %dma_start3A_1580 = tpu.memref_slice %arg6[%arg0, %dma_start3A_1575, %add3A_1574, %dma_start3A_1579] : memref<2x3x10240x128xf32, #tpu.memory_space<hbm>> -> memref<1x1x64x128xf32, #tpu.memory_space<hbm>>
    %dma_start3A_1581 = tpu.memref_squeeze %dma_start3A_1580 : memref<1x1x64x128xf32, #tpu.memory_space<hbm>> -> memref<64x128xf32, #tpu.memory_space<hbm>>
    tpu.enqueue_dma source(%arg9 : memref<64x128xf32, #tpu.memory_space<vmem>>) target(%dma_start3A_1581 : memref<64x128xf32, #tpu.memory_space<hbm>>) target_semaphore(%arg12 : memref<!tpu.dma_semaphore, #tpu.memory_space<semaphore_mem>>)
    %dma_wait3A_1582 = arith.constant 2 : i32
    %dma_wait3A_1583 = arith.constant 0 : i32
    %dma_wait3A_1584 = tpu.memref_slice %arg6[%arg0, %dma_wait3A_1582, %add3A_1574, %dma_wait3A_1583] : memref<2x3x10240x128xf32, #tpu.memory_space<hbm>> -> memref<1x1x64x128xf32, #tpu.memory_space<hbm>>
    %dma_wait3A_1585 = tpu.memref_squeeze %dma_wait3A_1584 : memref<1x1x64x128xf32, #tpu.memory_space<hbm>> -> memref<64x128xf32, #tpu.memory_space<hbm>>
    %dma_wait3A_1586 = arith.constant 0 : i32
    %dma_wait3A_1587 = tpu.memref_slice %arg6[%arg0, %dma_wait3A_1582, %add3A_1574, %dma_wait3A_1586] : memref<2x3x10240x128xf32, #tpu.memory_space<hbm>> -> memref<1x1x64x128xf32, #tpu.memory_space<hbm>>
    %dma_wait3A_1588 = tpu.memref_squeeze %dma_wait3A_1587 : memref<1x1x64x128xf32, #tpu.memory_space<hbm>> -> memref<64x128xf32, #tpu.memory_space<hbm>>
    tpu.wait_dma2 semaphore(%arg12 : memref<!tpu.dma_semaphore, #tpu.memory_space<semaphore_mem>>) src(%arg9 : memref<64x128xf32, #tpu.memory_space<vmem>>) dst(%dma_wait3A_1588 : memref<64x128xf32, #tpu.memory_space<hbm>>)
    %mul3A_1589 = arith.constant 640 : i32
    %mul3A_1590 = arith.muli %arg1, %mul3A_1589 : i32
    %add3A_1591 = arith.constant 576 : i32
    %add3A_1592 = arith.addi %mul3A_1590, %add3A_1591 : i32
    %dma_start3A_1593 = arith.constant 0 : i32
    %dma_start3A_1594 = tpu.memref_slice %arg11[%add3A_1592, %dma_start3A_1593] : memref<10272x128xf32, #tpu.memory_space<vmem_shared>> -> memref<64x128xf32, #tpu.memory_space<vmem_shared>>
    %dma_start3A_1595 = arith.constant 0 : i32
    %dma_start3A_1596 = tpu.memref_slice %arg11[%add3A_1592, %dma_start3A_1595] : memref<10272x128xf32, #tpu.memory_space<vmem_shared>> -> memref<64x128xf32, #tpu.memory_space<vmem_shared>>
    tpu.enqueue_dma source(%dma_start3A_1596 : memref<64x128xf32, #tpu.memory_space<vmem_shared>>) target(%arg9 : memref<64x128xf32, #tpu.memory_space<vmem>>) target_semaphore(%arg12 : memref<!tpu.dma_semaphore, #tpu.memory_space<semaphore_mem>>)
    %dma_wait3A_1597 = arith.constant 0 : i32
    %dma_wait3A_1598 = tpu.memref_slice %arg11[%add3A_1592, %dma_wait3A_1597] : memref<10272x128xf32, #tpu.memory_space<vmem_shared>> -> memref<64x128xf32, #tpu.memory_space<vmem_shared>>
    %dma_wait3A_1599 = arith.constant 0 : i32
    %dma_wait3A_1600 = tpu.memref_slice %arg11[%add3A_1592, %dma_wait3A_1599] : memref<10272x128xf32, #tpu.memory_space<vmem_shared>> -> memref<64x128xf32, #tpu.memory_space<vmem_shared>>
    tpu.wait_dma2 semaphore(%arg12 : memref<!tpu.dma_semaphore, #tpu.memory_space<semaphore_mem>>) src(%dma_wait3A_1600 : memref<64x128xf32, #tpu.memory_space<vmem_shared>>) dst(%arg9 : memref<64x128xf32, #tpu.memory_space<vmem>>)
    %mul3A_1601 = arith.constant 640 : i32
    %mul3A_1602 = arith.muli %arg1, %mul3A_1601 : i32
    %add3A_1603 = arith.constant 576 : i32
    %add3A_1604 = arith.addi %mul3A_1602, %add3A_1603 : i32
    %dma_start3A_1605 = arith.constant 2 : i32
    %dma_start3A_1606 = arith.constant 0 : i32
    %dma_start3A_1607 = tpu.memref_slice %arg6[%arg0, %dma_start3A_1605, %add3A_1604, %dma_start3A_1606] : memref<2x3x10240x128xf32, #tpu.memory_space<hbm>> -> memref<1x1x64x128xf32, #tpu.memory_space<hbm>>
    %dma_start3A_1608 = tpu.memref_squeeze %dma_start3A_1607 : memref<1x1x64x128xf32, #tpu.memory_space<hbm>> -> memref<64x128xf32, #tpu.memory_space<hbm>>
    %dma_start3A_1609 = arith.constant 0 : i32
    %dma_start3A_1610 = tpu.memref_slice %arg6[%arg0, %dma_start3A_1605, %add3A_1604, %dma_start3A_1609] : memref<2x3x10240x128xf32, #tpu.memory_space<hbm>> -> memref<1x1x64x128xf32, #tpu.memory_space<hbm>>
    %dma_start3A_1611 = tpu.memref_squeeze %dma_start3A_1610 : memref<1x1x64x128xf32, #tpu.memory_space<hbm>> -> memref<64x128xf32, #tpu.memory_space<hbm>>
    tpu.enqueue_dma source(%arg9 : memref<64x128xf32, #tpu.memory_space<vmem>>) target(%dma_start3A_1611 : memref<64x128xf32, #tpu.memory_space<hbm>>) target_semaphore(%arg12 : memref<!tpu.dma_semaphore, #tpu.memory_space<semaphore_mem>>)
    %dma_wait3A_1612 = arith.constant 2 : i32
    %dma_wait3A_1613 = arith.constant 0 : i32
    %dma_wait3A_1614 = tpu.memref_slice %arg6[%arg0, %dma_wait3A_1612, %add3A_1604, %dma_wait3A_1613] : memref<2x3x10240x128xf32, #tpu.memory_space<hbm>> -> memref<1x1x64x128xf32, #tpu.memory_space<hbm>>
    %dma_wait3A_1615 = tpu.memref_squeeze %dma_wait3A_1614 : memref<1x1x64x128xf32, #tpu.memory_space<hbm>> -> memref<64x128xf32, #tpu.memory_space<hbm>>
    %dma_wait3A_1616 = arith.constant 0 : i32
    %dma_wait3A_1617 = tpu.memref_slice %arg6[%arg0, %dma_wait3A_1612, %add3A_1604, %dma_wait3A_1616] : memref<2x3x10240x128xf32, #tpu.memory_space<hbm>> -> memref<1x1x64x128xf32, #tpu.memory_space<hbm>>
    %dma_wait3A_1618 = tpu.memref_squeeze %dma_wait3A_1617 : memref<1x1x64x128xf32, #tpu.memory_space<hbm>> -> memref<64x128xf32, #tpu.memory_space<hbm>>
    tpu.wait_dma2 semaphore(%arg12 : memref<!tpu.dma_semaphore, #tpu.memory_space<semaphore_mem>>) src(%arg9 : memref<64x128xf32, #tpu.memory_space<vmem>>) dst(%dma_wait3A_1618 : memref<64x128xf32, #tpu.memory_space<hbm>>)
    %barrier3A_1619 = arith.constant 0 : index
    tpu.barrier barrier_id(%barrier3A_1619)
    return
  }
}

#map = affine_map<(d0, d1) -> (0, 0, 0, 0)>
#map1 = affine_map<(d0, d1) -> (0)>
module attributes {stable_mosaic.version = 14 : i64} {
  func.func @_deg_body(%arg0: i32, %arg1: i32, %arg2: memref<3x32x160x64xi32, #tpu.memory_space<hbm>>, %arg3: memref<656xf32, #tpu.memory_space<hbm>>, %arg4: memref<64xf32, #tpu.memory_space<hbm>>, %arg5: memref<61440xf32, #tpu.memory_space<hbm>>, %arg6: memref<160x64xi32, #tpu.memory_space<vmem>>, %arg7: memref<64xf32, #tpu.memory_space<vmem>>, %arg8: memref<656xf32, #tpu.memory_space<vmem>>, %arg9: memref<640xf32, #tpu.memory_space<vmem>>, %arg10: memref<10496xf32, #tpu.memory_space<vmem_shared>>, %arg11: memref<!tpu.dma_semaphore, #tpu.memory_space<semaphore_mem>>) attributes {dimension_semantics = [#tpu.dimension_semantics<core_parallel>, #tpu.dimension_semantics<subcore_parallel>], iteration_bounds = array<i64: 2, 16>, scalar_prefetch = 0 : i64, scratch_operands = 6 : i64, tpu.core_type = #tpu.core_type<sc_vector_subcore>, window_params = [{transform_indices = #map}, {transform_indices = #map1}, {transform_indices = #map1}, {transform_indices = #map1}]} {
    %mul3A = arith.constant 2 : i32
    %mul3A_0 = arith.muli %arg1, %mul3A : i32
    %add3A = arith.addi %mul3A_0, %arg0 : i32
    tpu.enqueue_dma source(%arg4 : memref<64xf32, #tpu.memory_space<hbm>>) target(%arg7 : memref<64xf32, #tpu.memory_space<vmem>>) target_semaphore(%arg11 : memref<!tpu.dma_semaphore, #tpu.memory_space<semaphore_mem>>)
    tpu.wait_dma2 semaphore(%arg11 : memref<!tpu.dma_semaphore, #tpu.memory_space<semaphore_mem>>) src(%arg4 : memref<64xf32, #tpu.memory_space<hbm>>) dst(%arg7 : memref<64xf32, #tpu.memory_space<vmem>>)
    tpu.enqueue_dma source(%arg3 : memref<656xf32, #tpu.memory_space<hbm>>) target(%arg8 : memref<656xf32, #tpu.memory_space<vmem>>) target_semaphore(%arg11 : memref<!tpu.dma_semaphore, #tpu.memory_space<semaphore_mem>>)
    tpu.wait_dma2 semaphore(%arg11 : memref<!tpu.dma_semaphore, #tpu.memory_space<semaphore_mem>>) src(%arg3 : memref<656xf32, #tpu.memory_space<hbm>>) dst(%arg8 : memref<656xf32, #tpu.memory_space<vmem>>)
    %mul3A_1 = arith.constant 656 : i32
    %mul3A_2 = arith.muli %arg1, %mul3A_1 : i32
    %dma_start3A = tpu.memref_slice %arg10[%mul3A_2] : memref<10496xf32, #tpu.memory_space<vmem_shared>> -> memref<656xf32, #tpu.memory_space<vmem_shared>>
    %dma_start3A_3 = tpu.memref_slice %arg10[%mul3A_2] : memref<10496xf32, #tpu.memory_space<vmem_shared>> -> memref<656xf32, #tpu.memory_space<vmem_shared>>
    tpu.enqueue_dma source(%arg8 : memref<656xf32, #tpu.memory_space<vmem>>) target(%dma_start3A_3 : memref<656xf32, #tpu.memory_space<vmem_shared>>) target_semaphore(%arg11 : memref<!tpu.dma_semaphore, #tpu.memory_space<semaphore_mem>>)
    %dma_wait3A = tpu.memref_slice %arg10[%mul3A_2] : memref<10496xf32, #tpu.memory_space<vmem_shared>> -> memref<656xf32, #tpu.memory_space<vmem_shared>>
    %dma_wait3A_4 = tpu.memref_slice %arg10[%mul3A_2] : memref<10496xf32, #tpu.memory_space<vmem_shared>> -> memref<656xf32, #tpu.memory_space<vmem_shared>>
    tpu.wait_dma2 semaphore(%arg11 : memref<!tpu.dma_semaphore, #tpu.memory_space<semaphore_mem>>) src(%arg8 : memref<656xf32, #tpu.memory_space<vmem>>) dst(%dma_wait3A_4 : memref<656xf32, #tpu.memory_space<vmem_shared>>)
    %dma_start3A_5 = arith.constant 0 : i32
    %dma_start3A_6 = arith.constant 0 : i32
    %dma_start3A_7 = arith.constant 0 : i32
    %dma_start3A_8 = tpu.memref_slice %arg2[%dma_start3A_5, %add3A, %dma_start3A_6, %dma_start3A_7] : memref<3x32x160x64xi32, #tpu.memory_space<hbm>> -> memref<1x1x160x64xi32, #tpu.memory_space<hbm>>
    %dma_start3A_9 = tpu.memref_squeeze %dma_start3A_8 : memref<1x1x160x64xi32, #tpu.memory_space<hbm>> -> memref<160x64xi32, #tpu.memory_space<hbm>>
    %dma_start3A_10 = arith.constant 0 : i32
    %dma_start3A_11 = arith.constant 0 : i32
    %dma_start3A_12 = tpu.memref_slice %arg2[%dma_start3A_5, %add3A, %dma_start3A_10, %dma_start3A_11] : memref<3x32x160x64xi32, #tpu.memory_space<hbm>> -> memref<1x1x160x64xi32, #tpu.memory_space<hbm>>
    %dma_start3A_13 = tpu.memref_squeeze %dma_start3A_12 : memref<1x1x160x64xi32, #tpu.memory_space<hbm>> -> memref<160x64xi32, #tpu.memory_space<hbm>>
    tpu.enqueue_dma source(%dma_start3A_13 : memref<160x64xi32, #tpu.memory_space<hbm>>) target(%arg6 : memref<160x64xi32, #tpu.memory_space<vmem>>) target_semaphore(%arg11 : memref<!tpu.dma_semaphore, #tpu.memory_space<semaphore_mem>>)
    %dma_wait3A_14 = arith.constant 0 : i32
    %dma_wait3A_15 = arith.constant 0 : i32
    %dma_wait3A_16 = arith.constant 0 : i32
    %dma_wait3A_17 = tpu.memref_slice %arg2[%dma_wait3A_14, %add3A, %dma_wait3A_15, %dma_wait3A_16] : memref<3x32x160x64xi32, #tpu.memory_space<hbm>> -> memref<1x1x160x64xi32, #tpu.memory_space<hbm>>
    %dma_wait3A_18 = tpu.memref_squeeze %dma_wait3A_17 : memref<1x1x160x64xi32, #tpu.memory_space<hbm>> -> memref<160x64xi32, #tpu.memory_space<hbm>>
    %dma_wait3A_19 = arith.constant 0 : i32
    %dma_wait3A_20 = arith.constant 0 : i32
    %dma_wait3A_21 = tpu.memref_slice %arg2[%dma_wait3A_14, %add3A, %dma_wait3A_19, %dma_wait3A_20] : memref<3x32x160x64xi32, #tpu.memory_space<hbm>> -> memref<1x1x160x64xi32, #tpu.memory_space<hbm>>
    %dma_wait3A_22 = tpu.memref_squeeze %dma_wait3A_21 : memref<1x1x160x64xi32, #tpu.memory_space<hbm>> -> memref<160x64xi32, #tpu.memory_space<hbm>>
    tpu.wait_dma2 semaphore(%arg11 : memref<!tpu.dma_semaphore, #tpu.memory_space<semaphore_mem>>) src(%dma_wait3A_22 : memref<160x64xi32, #tpu.memory_space<hbm>>) dst(%arg6 : memref<160x64xi32, #tpu.memory_space<vmem>>)
    %barrier3A = arith.constant 0 : index
    tpu.barrier barrier_id(%barrier3A)
    %scan3A = arith.constant 0 : i32
    %scan3A_23 = arith.constant 160 : i32
    %scan3A_24 = arith.addi %scan3A, %scan3A_23 : i32
    %scan3A_25 = arith.constant 1 : i32
    scf.for %scan3A_150 = %scan3A to %scan3A_24 step %scan3A_25  : i32 {
      %mul3A_151 = arith.constant 1 : i32
      %mul3A_152 = arith.muli %scan3A_150, %mul3A_151 : i32
      %add3A_153 = arith.constant 0 : i32
      %add3A_154 = arith.addi %add3A_153, %mul3A_152 : i32
      "tpu.region"() ({
        %run_scoped3A = tpu.sem_alloc : memref<!tpu.dma_semaphore, #tpu.memory_space<semaphore_mem>>
        %dma_start3A_155 = arith.constant 0 : i32
        %dma_start3A_156 = tpu.memref_slice %arg6[%add3A_154, %dma_start3A_155] : memref<160x64xi32, #tpu.memory_space<vmem>> -> memref<1x64xi32, #tpu.memory_space<vmem>>
        %dma_start3A_157 = tpu.memref_squeeze %dma_start3A_156 : memref<1x64xi32, #tpu.memory_space<vmem>> -> memref<64xi32, #tpu.memory_space<vmem>>
        %dma_start3A_158 = arith.constant 0 : i32
        %dma_start3A_159 = tpu.memref_slice %arg10[%dma_start3A_158] : memref<10496xf32, #tpu.memory_space<vmem_shared>> -> memref<10496xf32, #tpu.memory_space<vmem_shared>>
        tpu.enqueue_indirect_dma source(%arg7 : memref<64xf32, #tpu.memory_space<vmem>>) target(%dma_start3A_159 : memref<10496xf32, #tpu.memory_space<vmem_shared>>) offsets(%dma_start3A_157 : memref<64xi32, #tpu.memory_space<vmem>>) semaphore(%run_scoped3A : memref<!tpu.dma_semaphore, #tpu.memory_space<semaphore_mem>>) {add = true}
        %dma_wait3A_160 = arith.constant 0 : i32
        %dma_wait3A_161 = tpu.memref_slice %arg6[%add3A_154, %dma_wait3A_160] : memref<160x64xi32, #tpu.memory_space<vmem>> -> memref<1x64xi32, #tpu.memory_space<vmem>>
        %dma_wait3A_162 = tpu.memref_squeeze %dma_wait3A_161 : memref<1x64xi32, #tpu.memory_space<vmem>> -> memref<64xi32, #tpu.memory_space<vmem>>
        %dma_wait3A_163 = arith.constant 0 : i32
        %dma_wait3A_164 = tpu.memref_slice %arg10[%dma_wait3A_163] : memref<10496xf32, #tpu.memory_space<vmem_shared>> -> memref<10496xf32, #tpu.memory_space<vmem_shared>>
        tpu.wait_indirect_dma semaphore(%run_scoped3A : memref<!tpu.dma_semaphore, #tpu.memory_space<semaphore_mem>>) src(%arg7 : memref<64xf32, #tpu.memory_space<vmem>>) dst(%dma_wait3A_164 : memref<10496xf32, #tpu.memory_space<vmem_shared>>)
        tpu.yield
      }) : () -> ()
    }
    %scan3A_26 = arith.constant 160 : i32
    %barrier3A_27 = arith.constant 0 : index
    tpu.barrier barrier_id(%barrier3A_27)
    %mul3A_28 = arith.constant 640 : i32
    %mul3A_29 = arith.muli %arg1, %mul3A_28 : i32
    %dma_start3A_30 = tpu.memref_slice %arg10[%mul3A_29] : memref<10496xf32, #tpu.memory_space<vmem_shared>> -> memref<640xf32, #tpu.memory_space<vmem_shared>>
    %dma_start3A_31 = tpu.memref_slice %arg10[%mul3A_29] : memref<10496xf32, #tpu.memory_space<vmem_shared>> -> memref<640xf32, #tpu.memory_space<vmem_shared>>
    tpu.enqueue_dma source(%dma_start3A_31 : memref<640xf32, #tpu.memory_space<vmem_shared>>) target(%arg9 : memref<640xf32, #tpu.memory_space<vmem>>) target_semaphore(%arg11 : memref<!tpu.dma_semaphore, #tpu.memory_space<semaphore_mem>>)
    %dma_wait3A_32 = tpu.memref_slice %arg10[%mul3A_29] : memref<10496xf32, #tpu.memory_space<vmem_shared>> -> memref<640xf32, #tpu.memory_space<vmem_shared>>
    %dma_wait3A_33 = tpu.memref_slice %arg10[%mul3A_29] : memref<10496xf32, #tpu.memory_space<vmem_shared>> -> memref<640xf32, #tpu.memory_space<vmem_shared>>
    tpu.wait_dma2 semaphore(%arg11 : memref<!tpu.dma_semaphore, #tpu.memory_space<semaphore_mem>>) src(%dma_wait3A_33 : memref<640xf32, #tpu.memory_space<vmem_shared>>) dst(%arg9 : memref<640xf32, #tpu.memory_space<vmem>>)
    %mul3A_34 = arith.constant 3 : i32
    %mul3A_35 = arith.muli %arg0, %mul3A_34 : i32
    %add3A_36 = arith.constant 0 : i32
    %add3A_37 = arith.addi %mul3A_35, %add3A_36 : i32
    %mul3A_38 = arith.constant 10240 : i32
    %mul3A_39 = arith.muli %add3A_37, %mul3A_38 : i32
    %mul3A_40 = arith.constant 640 : i32
    %mul3A_41 = arith.muli %arg1, %mul3A_40 : i32
    %add3A_42 = arith.addi %mul3A_39, %mul3A_41 : i32
    %dma_start3A_43 = tpu.memref_slice %arg5[%add3A_42] : memref<61440xf32, #tpu.memory_space<hbm>> -> memref<640xf32, #tpu.memory_space<hbm>>
    %dma_start3A_44 = tpu.memref_slice %arg5[%add3A_42] : memref<61440xf32, #tpu.memory_space<hbm>> -> memref<640xf32, #tpu.memory_space<hbm>>
    tpu.enqueue_dma source(%arg9 : memref<640xf32, #tpu.memory_space<vmem>>) target(%dma_start3A_44 : memref<640xf32, #tpu.memory_space<hbm>>) target_semaphore(%arg11 : memref<!tpu.dma_semaphore, #tpu.memory_space<semaphore_mem>>)
    %dma_wait3A_45 = tpu.memref_slice %arg5[%add3A_42] : memref<61440xf32, #tpu.memory_space<hbm>> -> memref<640xf32, #tpu.memory_space<hbm>>
    %dma_wait3A_46 = tpu.memref_slice %arg5[%add3A_42] : memref<61440xf32, #tpu.memory_space<hbm>> -> memref<640xf32, #tpu.memory_space<hbm>>
    tpu.wait_dma2 semaphore(%arg11 : memref<!tpu.dma_semaphore, #tpu.memory_space<semaphore_mem>>) src(%arg9 : memref<640xf32, #tpu.memory_space<vmem>>) dst(%dma_wait3A_46 : memref<640xf32, #tpu.memory_space<hbm>>)
    %barrier3A_47 = arith.constant 0 : index
    tpu.barrier barrier_id(%barrier3A_47)
    %mul3A_48 = arith.constant 656 : i32
    %mul3A_49 = arith.muli %arg1, %mul3A_48 : i32
    %dma_start3A_50 = tpu.memref_slice %arg10[%mul3A_49] : memref<10496xf32, #tpu.memory_space<vmem_shared>> -> memref<656xf32, #tpu.memory_space<vmem_shared>>
    %dma_start3A_51 = tpu.memref_slice %arg10[%mul3A_49] : memref<10496xf32, #tpu.memory_space<vmem_shared>> -> memref<656xf32, #tpu.memory_space<vmem_shared>>
    tpu.enqueue_dma source(%arg8 : memref<656xf32, #tpu.memory_space<vmem>>) target(%dma_start3A_51 : memref<656xf32, #tpu.memory_space<vmem_shared>>) target_semaphore(%arg11 : memref<!tpu.dma_semaphore, #tpu.memory_space<semaphore_mem>>)
    %dma_wait3A_52 = tpu.memref_slice %arg10[%mul3A_49] : memref<10496xf32, #tpu.memory_space<vmem_shared>> -> memref<656xf32, #tpu.memory_space<vmem_shared>>
    %dma_wait3A_53 = tpu.memref_slice %arg10[%mul3A_49] : memref<10496xf32, #tpu.memory_space<vmem_shared>> -> memref<656xf32, #tpu.memory_space<vmem_shared>>
    tpu.wait_dma2 semaphore(%arg11 : memref<!tpu.dma_semaphore, #tpu.memory_space<semaphore_mem>>) src(%arg8 : memref<656xf32, #tpu.memory_space<vmem>>) dst(%dma_wait3A_53 : memref<656xf32, #tpu.memory_space<vmem_shared>>)
    %dma_start3A_54 = arith.constant 1 : i32
    %dma_start3A_55 = arith.constant 0 : i32
    %dma_start3A_56 = arith.constant 0 : i32
    %dma_start3A_57 = tpu.memref_slice %arg2[%dma_start3A_54, %add3A, %dma_start3A_55, %dma_start3A_56] : memref<3x32x160x64xi32, #tpu.memory_space<hbm>> -> memref<1x1x160x64xi32, #tpu.memory_space<hbm>>
    %dma_start3A_58 = tpu.memref_squeeze %dma_start3A_57 : memref<1x1x160x64xi32, #tpu.memory_space<hbm>> -> memref<160x64xi32, #tpu.memory_space<hbm>>
    %dma_start3A_59 = arith.constant 0 : i32
    %dma_start3A_60 = arith.constant 0 : i32
    %dma_start3A_61 = tpu.memref_slice %arg2[%dma_start3A_54, %add3A, %dma_start3A_59, %dma_start3A_60] : memref<3x32x160x64xi32, #tpu.memory_space<hbm>> -> memref<1x1x160x64xi32, #tpu.memory_space<hbm>>
    %dma_start3A_62 = tpu.memref_squeeze %dma_start3A_61 : memref<1x1x160x64xi32, #tpu.memory_space<hbm>> -> memref<160x64xi32, #tpu.memory_space<hbm>>
    tpu.enqueue_dma source(%dma_start3A_62 : memref<160x64xi32, #tpu.memory_space<hbm>>) target(%arg6 : memref<160x64xi32, #tpu.memory_space<vmem>>) target_semaphore(%arg11 : memref<!tpu.dma_semaphore, #tpu.memory_space<semaphore_mem>>)
    %dma_wait3A_63 = arith.constant 1 : i32
    %dma_wait3A_64 = arith.constant 0 : i32
    %dma_wait3A_65 = arith.constant 0 : i32
    %dma_wait3A_66 = tpu.memref_slice %arg2[%dma_wait3A_63, %add3A, %dma_wait3A_64, %dma_wait3A_65] : memref<3x32x160x64xi32, #tpu.memory_space<hbm>> -> memref<1x1x160x64xi32, #tpu.memory_space<hbm>>
    %dma_wait3A_67 = tpu.memref_squeeze %dma_wait3A_66 : memref<1x1x160x64xi32, #tpu.memory_space<hbm>> -> memref<160x64xi32, #tpu.memory_space<hbm>>
    %dma_wait3A_68 = arith.constant 0 : i32
    %dma_wait3A_69 = arith.constant 0 : i32
    %dma_wait3A_70 = tpu.memref_slice %arg2[%dma_wait3A_63, %add3A, %dma_wait3A_68, %dma_wait3A_69] : memref<3x32x160x64xi32, #tpu.memory_space<hbm>> -> memref<1x1x160x64xi32, #tpu.memory_space<hbm>>
    %dma_wait3A_71 = tpu.memref_squeeze %dma_wait3A_70 : memref<1x1x160x64xi32, #tpu.memory_space<hbm>> -> memref<160x64xi32, #tpu.memory_space<hbm>>
    tpu.wait_dma2 semaphore(%arg11 : memref<!tpu.dma_semaphore, #tpu.memory_space<semaphore_mem>>) src(%dma_wait3A_71 : memref<160x64xi32, #tpu.memory_space<hbm>>) dst(%arg6 : memref<160x64xi32, #tpu.memory_space<vmem>>)
    %barrier3A_72 = arith.constant 0 : index
    tpu.barrier barrier_id(%barrier3A_72)
    %scan3A_73 = arith.constant 0 : i32
    %scan3A_74 = arith.constant 160 : i32
    %scan3A_75 = arith.addi %scan3A_73, %scan3A_74 : i32
    %scan3A_76 = arith.constant 1 : i32
    scf.for %scan3A_150 = %scan3A_73 to %scan3A_75 step %scan3A_76  : i32 {
      %mul3A_151 = arith.constant 1 : i32
      %mul3A_152 = arith.muli %scan3A_150, %mul3A_151 : i32
      %add3A_153 = arith.constant 0 : i32
      %add3A_154 = arith.addi %add3A_153, %mul3A_152 : i32
      "tpu.region"() ({
        %run_scoped3A = tpu.sem_alloc : memref<!tpu.dma_semaphore, #tpu.memory_space<semaphore_mem>>
        %dma_start3A_155 = arith.constant 0 : i32
        %dma_start3A_156 = tpu.memref_slice %arg6[%add3A_154, %dma_start3A_155] : memref<160x64xi32, #tpu.memory_space<vmem>> -> memref<1x64xi32, #tpu.memory_space<vmem>>
        %dma_start3A_157 = tpu.memref_squeeze %dma_start3A_156 : memref<1x64xi32, #tpu.memory_space<vmem>> -> memref<64xi32, #tpu.memory_space<vmem>>
        %dma_start3A_158 = arith.constant 0 : i32
        %dma_start3A_159 = tpu.memref_slice %arg10[%dma_start3A_158] : memref<10496xf32, #tpu.memory_space<vmem_shared>> -> memref<10496xf32, #tpu.memory_space<vmem_shared>>
        tpu.enqueue_indirect_dma source(%arg7 : memref<64xf32, #tpu.memory_space<vmem>>) target(%dma_start3A_159 : memref<10496xf32, #tpu.memory_space<vmem_shared>>) offsets(%dma_start3A_157 : memref<64xi32, #tpu.memory_space<vmem>>) semaphore(%run_scoped3A : memref<!tpu.dma_semaphore, #tpu.memory_space<semaphore_mem>>) {add = true}
        %dma_wait3A_160 = arith.constant 0 : i32
        %dma_wait3A_161 = tpu.memref_slice %arg6[%add3A_154, %dma_wait3A_160] : memref<160x64xi32, #tpu.memory_space<vmem>> -> memref<1x64xi32, #tpu.memory_space<vmem>>
        %dma_wait3A_162 = tpu.memref_squeeze %dma_wait3A_161 : memref<1x64xi32, #tpu.memory_space<vmem>> -> memref<64xi32, #tpu.memory_space<vmem>>
        %dma_wait3A_163 = arith.constant 0 : i32
        %dma_wait3A_164 = tpu.memref_slice %arg10[%dma_wait3A_163] : memref<10496xf32, #tpu.memory_space<vmem_shared>> -> memref<10496xf32, #tpu.memory_space<vmem_shared>>
        tpu.wait_indirect_dma semaphore(%run_scoped3A : memref<!tpu.dma_semaphore, #tpu.memory_space<semaphore_mem>>) src(%arg7 : memref<64xf32, #tpu.memory_space<vmem>>) dst(%dma_wait3A_164 : memref<10496xf32, #tpu.memory_space<vmem_shared>>)
        tpu.yield
      }) : () -> ()
    }
    %scan3A_77 = arith.constant 160 : i32
    %barrier3A_78 = arith.constant 0 : index
    tpu.barrier barrier_id(%barrier3A_78)
    %mul3A_79 = arith.constant 640 : i32
    %mul3A_80 = arith.muli %arg1, %mul3A_79 : i32
    %dma_start3A_81 = tpu.memref_slice %arg10[%mul3A_80] : memref<10496xf32, #tpu.memory_space<vmem_shared>> -> memref<640xf32, #tpu.memory_space<vmem_shared>>
    %dma_start3A_82 = tpu.memref_slice %arg10[%mul3A_80] : memref<10496xf32, #tpu.memory_space<vmem_shared>> -> memref<640xf32, #tpu.memory_space<vmem_shared>>
    tpu.enqueue_dma source(%dma_start3A_82 : memref<640xf32, #tpu.memory_space<vmem_shared>>) target(%arg9 : memref<640xf32, #tpu.memory_space<vmem>>) target_semaphore(%arg11 : memref<!tpu.dma_semaphore, #tpu.memory_space<semaphore_mem>>)
    %dma_wait3A_83 = tpu.memref_slice %arg10[%mul3A_80] : memref<10496xf32, #tpu.memory_space<vmem_shared>> -> memref<640xf32, #tpu.memory_space<vmem_shared>>
    %dma_wait3A_84 = tpu.memref_slice %arg10[%mul3A_80] : memref<10496xf32, #tpu.memory_space<vmem_shared>> -> memref<640xf32, #tpu.memory_space<vmem_shared>>
    tpu.wait_dma2 semaphore(%arg11 : memref<!tpu.dma_semaphore, #tpu.memory_space<semaphore_mem>>) src(%dma_wait3A_84 : memref<640xf32, #tpu.memory_space<vmem_shared>>) dst(%arg9 : memref<640xf32, #tpu.memory_space<vmem>>)
    %mul3A_85 = arith.constant 3 : i32
    %mul3A_86 = arith.muli %arg0, %mul3A_85 : i32
    %add3A_87 = arith.constant 1 : i32
    %add3A_88 = arith.addi %mul3A_86, %add3A_87 : i32
    %mul3A_89 = arith.constant 10240 : i32
    %mul3A_90 = arith.muli %add3A_88, %mul3A_89 : i32
    %mul3A_91 = arith.constant 640 : i32
    %mul3A_92 = arith.muli %arg1, %mul3A_91 : i32
    %add3A_93 = arith.addi %mul3A_90, %mul3A_92 : i32
    %dma_start3A_94 = tpu.memref_slice %arg5[%add3A_93] : memref<61440xf32, #tpu.memory_space<hbm>> -> memref<640xf32, #tpu.memory_space<hbm>>
    %dma_start3A_95 = tpu.memref_slice %arg5[%add3A_93] : memref<61440xf32, #tpu.memory_space<hbm>> -> memref<640xf32, #tpu.memory_space<hbm>>
    tpu.enqueue_dma source(%arg9 : memref<640xf32, #tpu.memory_space<vmem>>) target(%dma_start3A_95 : memref<640xf32, #tpu.memory_space<hbm>>) target_semaphore(%arg11 : memref<!tpu.dma_semaphore, #tpu.memory_space<semaphore_mem>>)
    %dma_wait3A_96 = tpu.memref_slice %arg5[%add3A_93] : memref<61440xf32, #tpu.memory_space<hbm>> -> memref<640xf32, #tpu.memory_space<hbm>>
    %dma_wait3A_97 = tpu.memref_slice %arg5[%add3A_93] : memref<61440xf32, #tpu.memory_space<hbm>> -> memref<640xf32, #tpu.memory_space<hbm>>
    tpu.wait_dma2 semaphore(%arg11 : memref<!tpu.dma_semaphore, #tpu.memory_space<semaphore_mem>>) src(%arg9 : memref<640xf32, #tpu.memory_space<vmem>>) dst(%dma_wait3A_97 : memref<640xf32, #tpu.memory_space<hbm>>)
    %barrier3A_98 = arith.constant 0 : index
    tpu.barrier barrier_id(%barrier3A_98)
    %mul3A_99 = arith.constant 656 : i32
    %mul3A_100 = arith.muli %arg1, %mul3A_99 : i32
    %dma_start3A_101 = tpu.memref_slice %arg10[%mul3A_100] : memref<10496xf32, #tpu.memory_space<vmem_shared>> -> memref<656xf32, #tpu.memory_space<vmem_shared>>
    %dma_start3A_102 = tpu.memref_slice %arg10[%mul3A_100] : memref<10496xf32, #tpu.memory_space<vmem_shared>> -> memref<656xf32, #tpu.memory_space<vmem_shared>>
    tpu.enqueue_dma source(%arg8 : memref<656xf32, #tpu.memory_space<vmem>>) target(%dma_start3A_102 : memref<656xf32, #tpu.memory_space<vmem_shared>>) target_semaphore(%arg11 : memref<!tpu.dma_semaphore, #tpu.memory_space<semaphore_mem>>)
    %dma_wait3A_103 = tpu.memref_slice %arg10[%mul3A_100] : memref<10496xf32, #tpu.memory_space<vmem_shared>> -> memref<656xf32, #tpu.memory_space<vmem_shared>>
    %dma_wait3A_104 = tpu.memref_slice %arg10[%mul3A_100] : memref<10496xf32, #tpu.memory_space<vmem_shared>> -> memref<656xf32, #tpu.memory_space<vmem_shared>>
    tpu.wait_dma2 semaphore(%arg11 : memref<!tpu.dma_semaphore, #tpu.memory_space<semaphore_mem>>) src(%arg8 : memref<656xf32, #tpu.memory_space<vmem>>) dst(%dma_wait3A_104 : memref<656xf32, #tpu.memory_space<vmem_shared>>)
    %dma_start3A_105 = arith.constant 2 : i32
    %dma_start3A_106 = arith.constant 0 : i32
    %dma_start3A_107 = arith.constant 0 : i32
    %dma_start3A_108 = tpu.memref_slice %arg2[%dma_start3A_105, %add3A, %dma_start3A_106, %dma_start3A_107] : memref<3x32x160x64xi32, #tpu.memory_space<hbm>> -> memref<1x1x160x64xi32, #tpu.memory_space<hbm>>
    %dma_start3A_109 = tpu.memref_squeeze %dma_start3A_108 : memref<1x1x160x64xi32, #tpu.memory_space<hbm>> -> memref<160x64xi32, #tpu.memory_space<hbm>>
    %dma_start3A_110 = arith.constant 0 : i32
    %dma_start3A_111 = arith.constant 0 : i32
    %dma_start3A_112 = tpu.memref_slice %arg2[%dma_start3A_105, %add3A, %dma_start3A_110, %dma_start3A_111] : memref<3x32x160x64xi32, #tpu.memory_space<hbm>> -> memref<1x1x160x64xi32, #tpu.memory_space<hbm>>
    %dma_start3A_113 = tpu.memref_squeeze %dma_start3A_112 : memref<1x1x160x64xi32, #tpu.memory_space<hbm>> -> memref<160x64xi32, #tpu.memory_space<hbm>>
    tpu.enqueue_dma source(%dma_start3A_113 : memref<160x64xi32, #tpu.memory_space<hbm>>) target(%arg6 : memref<160x64xi32, #tpu.memory_space<vmem>>) target_semaphore(%arg11 : memref<!tpu.dma_semaphore, #tpu.memory_space<semaphore_mem>>)
    %dma_wait3A_114 = arith.constant 2 : i32
    %dma_wait3A_115 = arith.constant 0 : i32
    %dma_wait3A_116 = arith.constant 0 : i32
    %dma_wait3A_117 = tpu.memref_slice %arg2[%dma_wait3A_114, %add3A, %dma_wait3A_115, %dma_wait3A_116] : memref<3x32x160x64xi32, #tpu.memory_space<hbm>> -> memref<1x1x160x64xi32, #tpu.memory_space<hbm>>
    %dma_wait3A_118 = tpu.memref_squeeze %dma_wait3A_117 : memref<1x1x160x64xi32, #tpu.memory_space<hbm>> -> memref<160x64xi32, #tpu.memory_space<hbm>>
    %dma_wait3A_119 = arith.constant 0 : i32
    %dma_wait3A_120 = arith.constant 0 : i32
    %dma_wait3A_121 = tpu.memref_slice %arg2[%dma_wait3A_114, %add3A, %dma_wait3A_119, %dma_wait3A_120] : memref<3x32x160x64xi32, #tpu.memory_space<hbm>> -> memref<1x1x160x64xi32, #tpu.memory_space<hbm>>
    %dma_wait3A_122 = tpu.memref_squeeze %dma_wait3A_121 : memref<1x1x160x64xi32, #tpu.memory_space<hbm>> -> memref<160x64xi32, #tpu.memory_space<hbm>>
    tpu.wait_dma2 semaphore(%arg11 : memref<!tpu.dma_semaphore, #tpu.memory_space<semaphore_mem>>) src(%dma_wait3A_122 : memref<160x64xi32, #tpu.memory_space<hbm>>) dst(%arg6 : memref<160x64xi32, #tpu.memory_space<vmem>>)
    %barrier3A_123 = arith.constant 0 : index
    tpu.barrier barrier_id(%barrier3A_123)
    %scan3A_124 = arith.constant 0 : i32
    %scan3A_125 = arith.constant 160 : i32
    %scan3A_126 = arith.addi %scan3A_124, %scan3A_125 : i32
    %scan3A_127 = arith.constant 1 : i32
    scf.for %scan3A_150 = %scan3A_124 to %scan3A_126 step %scan3A_127  : i32 {
      %mul3A_151 = arith.constant 1 : i32
      %mul3A_152 = arith.muli %scan3A_150, %mul3A_151 : i32
      %add3A_153 = arith.constant 0 : i32
      %add3A_154 = arith.addi %add3A_153, %mul3A_152 : i32
      "tpu.region"() ({
        %run_scoped3A = tpu.sem_alloc : memref<!tpu.dma_semaphore, #tpu.memory_space<semaphore_mem>>
        %dma_start3A_155 = arith.constant 0 : i32
        %dma_start3A_156 = tpu.memref_slice %arg6[%add3A_154, %dma_start3A_155] : memref<160x64xi32, #tpu.memory_space<vmem>> -> memref<1x64xi32, #tpu.memory_space<vmem>>
        %dma_start3A_157 = tpu.memref_squeeze %dma_start3A_156 : memref<1x64xi32, #tpu.memory_space<vmem>> -> memref<64xi32, #tpu.memory_space<vmem>>
        %dma_start3A_158 = arith.constant 0 : i32
        %dma_start3A_159 = tpu.memref_slice %arg10[%dma_start3A_158] : memref<10496xf32, #tpu.memory_space<vmem_shared>> -> memref<10496xf32, #tpu.memory_space<vmem_shared>>
        tpu.enqueue_indirect_dma source(%arg7 : memref<64xf32, #tpu.memory_space<vmem>>) target(%dma_start3A_159 : memref<10496xf32, #tpu.memory_space<vmem_shared>>) offsets(%dma_start3A_157 : memref<64xi32, #tpu.memory_space<vmem>>) semaphore(%run_scoped3A : memref<!tpu.dma_semaphore, #tpu.memory_space<semaphore_mem>>) {add = true}
        %dma_wait3A_160 = arith.constant 0 : i32
        %dma_wait3A_161 = tpu.memref_slice %arg6[%add3A_154, %dma_wait3A_160] : memref<160x64xi32, #tpu.memory_space<vmem>> -> memref<1x64xi32, #tpu.memory_space<vmem>>
        %dma_wait3A_162 = tpu.memref_squeeze %dma_wait3A_161 : memref<1x64xi32, #tpu.memory_space<vmem>> -> memref<64xi32, #tpu.memory_space<vmem>>
        %dma_wait3A_163 = arith.constant 0 : i32
        %dma_wait3A_164 = tpu.memref_slice %arg10[%dma_wait3A_163] : memref<10496xf32, #tpu.memory_space<vmem_shared>> -> memref<10496xf32, #tpu.memory_space<vmem_shared>>
        tpu.wait_indirect_dma semaphore(%run_scoped3A : memref<!tpu.dma_semaphore, #tpu.memory_space<semaphore_mem>>) src(%arg7 : memref<64xf32, #tpu.memory_space<vmem>>) dst(%dma_wait3A_164 : memref<10496xf32, #tpu.memory_space<vmem_shared>>)
        tpu.yield
      }) : () -> ()
    }
    %scan3A_128 = arith.constant 160 : i32
    %barrier3A_129 = arith.constant 0 : index
    tpu.barrier barrier_id(%barrier3A_129)
    %mul3A_130 = arith.constant 640 : i32
    %mul3A_131 = arith.muli %arg1, %mul3A_130 : i32
    %dma_start3A_132 = tpu.memref_slice %arg10[%mul3A_131] : memref<10496xf32, #tpu.memory_space<vmem_shared>> -> memref<640xf32, #tpu.memory_space<vmem_shared>>
    %dma_start3A_133 = tpu.memref_slice %arg10[%mul3A_131] : memref<10496xf32, #tpu.memory_space<vmem_shared>> -> memref<640xf32, #tpu.memory_space<vmem_shared>>
    tpu.enqueue_dma source(%dma_start3A_133 : memref<640xf32, #tpu.memory_space<vmem_shared>>) target(%arg9 : memref<640xf32, #tpu.memory_space<vmem>>) target_semaphore(%arg11 : memref<!tpu.dma_semaphore, #tpu.memory_space<semaphore_mem>>)
    %dma_wait3A_134 = tpu.memref_slice %arg10[%mul3A_131] : memref<10496xf32, #tpu.memory_space<vmem_shared>> -> memref<640xf32, #tpu.memory_space<vmem_shared>>
    %dma_wait3A_135 = tpu.memref_slice %arg10[%mul3A_131] : memref<10496xf32, #tpu.memory_space<vmem_shared>> -> memref<640xf32, #tpu.memory_space<vmem_shared>>
    tpu.wait_dma2 semaphore(%arg11 : memref<!tpu.dma_semaphore, #tpu.memory_space<semaphore_mem>>) src(%dma_wait3A_135 : memref<640xf32, #tpu.memory_space<vmem_shared>>) dst(%arg9 : memref<640xf32, #tpu.memory_space<vmem>>)
    %mul3A_136 = arith.constant 3 : i32
    %mul3A_137 = arith.muli %arg0, %mul3A_136 : i32
    %add3A_138 = arith.constant 2 : i32
    %add3A_139 = arith.addi %mul3A_137, %add3A_138 : i32
    %mul3A_140 = arith.constant 10240 : i32
    %mul3A_141 = arith.muli %add3A_139, %mul3A_140 : i32
    %mul3A_142 = arith.constant 640 : i32
    %mul3A_143 = arith.muli %arg1, %mul3A_142 : i32
    %add3A_144 = arith.addi %mul3A_141, %mul3A_143 : i32
    %dma_start3A_145 = tpu.memref_slice %arg5[%add3A_144] : memref<61440xf32, #tpu.memory_space<hbm>> -> memref<640xf32, #tpu.memory_space<hbm>>
    %dma_start3A_146 = tpu.memref_slice %arg5[%add3A_144] : memref<61440xf32, #tpu.memory_space<hbm>> -> memref<640xf32, #tpu.memory_space<hbm>>
    tpu.enqueue_dma source(%arg9 : memref<640xf32, #tpu.memory_space<vmem>>) target(%dma_start3A_146 : memref<640xf32, #tpu.memory_space<hbm>>) target_semaphore(%arg11 : memref<!tpu.dma_semaphore, #tpu.memory_space<semaphore_mem>>)
    %dma_wait3A_147 = tpu.memref_slice %arg5[%add3A_144] : memref<61440xf32, #tpu.memory_space<hbm>> -> memref<640xf32, #tpu.memory_space<hbm>>
    %dma_wait3A_148 = tpu.memref_slice %arg5[%add3A_144] : memref<61440xf32, #tpu.memory_space<hbm>> -> memref<640xf32, #tpu.memory_space<hbm>>
    tpu.wait_dma2 semaphore(%arg11 : memref<!tpu.dma_semaphore, #tpu.memory_space<semaphore_mem>>) src(%arg9 : memref<640xf32, #tpu.memory_space<vmem>>) dst(%dma_wait3A_148 : memref<640xf32, #tpu.memory_space<hbm>>)
    %barrier3A_149 = arith.constant 0 : index
    tpu.barrier barrier_id(%barrier3A_149)
    return
  }
}

module attributes {stable_mosaic.version = 14 : i64} {
  func.func @_hp_body(%arg0: i32, %arg1: i32, %arg2: memref<1280x128xf32, #tpu.memory_space<vmem>>, %arg3: memref<1x128x128xf32, #tpu.memory_space<vmem>>, %arg4: memref<1x1280x2xf32, #tpu.memory_space<vmem>>, %arg5: memref<1x1280x128xf32, #tpu.memory_space<vmem>>) attributes {dimension_semantics = [#tpu.dimension_semantics<arbitrary>, #tpu.dimension_semantics<arbitrary>], iteration_bounds = array<i64: 3, 8>, scalar_prefetch = 0 : i64, scratch_operands = 0 : i64, tpu.core_type = #tpu.core_type<tc>, window_params = [{transform_indices = @transform_0, window_bounds = array<i64: 1280, 128>}, {transform_indices = @transform_1, window_bounds = array<i64: 1, 128, 128>}, {transform_indices = @transform_2, window_bounds = array<i64: 1, 1280, 2>}, {transform_indices = @transform_3, window_bounds = array<i64: 1, 1280, 128>}]} {
    %get3A = arith.constant 0 : index
    %get3A_0 = arith.constant 0 : index
    %get3A_1 = arith.constant 0 : index
    %get3A_2 = vector.load %arg4[%get3A, %get3A_0, %get3A_1] : memref<1x1280x2xf32, #tpu.memory_space<vmem>>, vector<1x1280x1xf32>
    %get3A_3 = vector.shape_cast %get3A_2 : vector<1x1280x1xf32> to vector<1280xf32>
    %get3A_4 = arith.constant 0 : index
    %get3A_5 = arith.constant 0 : index
    %get3A_6 = arith.constant 1 : index
    %get3A_7 = vector.load %arg4[%get3A_4, %get3A_5, %get3A_6] : memref<1x1280x2xf32, #tpu.memory_space<vmem>>, vector<1x1280x1xf32>
    %get3A_8 = vector.shape_cast %get3A_7 : vector<1x1280x1xf32> to vector<1280xf32>
    %add3A = arith.addf %get3A_3, %get3A_8 : vector<1280xf32>
    %add3A_9 = arith.constant 1.000000e+00 : f32
    %add3A_10 = vector.broadcast %add3A_9 : f32 to vector<1280xf32>
    %add3A_11 = arith.addf %add3A, %add3A_10 : vector<1280xf32>
    %rsqrt3A = math.rsqrt %add3A_11 : vector<1280xf32>
    %get3A_12 = arith.constant 0 : index
    %get3A_13 = arith.constant 0 : index
    %get3A_14 = vector.load %arg2[%get3A_12, %get3A_13] : memref<1280x128xf32, #tpu.memory_space<vmem>>, vector<1280x128xf32>
    %get3A_15 = arith.constant 0 : index
    %get3A_16 = arith.constant 0 : index
    %get3A_17 = arith.constant 0 : index
    %get3A_18 = vector.load %arg3[%get3A_15, %get3A_16, %get3A_17] : memref<1x128x128xf32, #tpu.memory_space<vmem>>, vector<1x128x128xf32>
    %get3A_19 = vector.shape_cast %get3A_18 : vector<1x128x128xf32> to vector<128x128xf32>
    %dot_general3A = arith.constant dense<0.000000e+00> : vector<1280x128xf32>
    %dot_general3A_20 = tpu.matmul %get3A_14, %get3A_19, %dot_general3A {dimension_numbers = #tpu.dot_dimension_numbers<[1], [0], [0], [1], [0, 0, 1, 1], [], []>, transpose_lhs_hint = false} : vector<1280x128xf32>, vector<128x128xf32>, vector<1280x128xf32> -> vector<1280x128xf32>
    %broadcast_in_dim3A = vector.shape_cast %rsqrt3A : vector<1280xf32> to vector<1280x1xf32>
    %mul3A = vector.broadcast %broadcast_in_dim3A : vector<1280x1xf32> to vector<1280x128xf32>
    %mul3A_21 = arith.mulf %dot_general3A_20, %mul3A : vector<1280x128xf32>
    %swap3A = arith.constant 0 : index
    %swap3A_22 = arith.constant 0 : index
    %swap3A_23 = arith.constant 0 : index
    %swap3A_24 = vector.load %arg5[%swap3A, %swap3A_22, %swap3A_23] : memref<1x1280x128xf32, #tpu.memory_space<vmem>>, vector<1x1280x128xf32>
    %swap3A_25 = vector.shape_cast %swap3A_24 : vector<1x1280x128xf32> to vector<1280x128xf32>
    %swap3A_26 = vector.shape_cast %mul3A_21 : vector<1280x128xf32> to vector<1x1280x128xf32>
    tpu.vector_store %arg5[%swap3A, %swap3A_22, %swap3A_23], %swap3A_26 {strides = array<i32>} : memref<1x1280x128xf32, #tpu.memory_space<vmem>>, vector<1x1280x128xf32>,
    return
  }
  func.func @transform_0(%arg0: i32, %arg1: i32) -> (i32, i32) {
    %c0_i32 = arith.constant 0 : i32
    %c0_i32_0 = arith.constant 0 : i32
    return %arg1, %c0_i32 : i32, i32
  }
  func.func @transform_1(%arg0: i32, %arg1: i32) -> (i32, i32, i32) {
    %c0_i32 = arith.constant 0 : i32
    %c0_i32_0 = arith.constant 0 : i32
    %c0_i32_1 = arith.constant 0 : i32
    return %arg0, %c0_i32, %c0_i32_0 : i32, i32, i32
  }
  func.func @transform_2(%arg0: i32, %arg1: i32) -> (i32, i32, i32) {
    %c0_i32 = arith.constant 0 : i32
    %c0_i32_0 = arith.constant 0 : i32
    return %arg0, %arg1, %c0_i32 : i32, i32, i32
  }
  func.func @transform_3(%arg0: i32, %arg1: i32) -> (i32, i32, i32) {
    %c0_i32 = arith.constant 0 : i32
    %c0_i32_0 = arith.constant 0 : i32
    return %arg0, %arg1, %c0_i32 : i32, i32, i32
  }
}

module attributes {stable_mosaic.version = 14 : i64} {
  func.func @_emb_body(%arg0: i32, %arg1: i32, %arg2: memref<2x1x1280x128xf32, #tpu.memory_space<vmem>>, %arg3: memref<1x1280x128xf32, #tpu.memory_space<vmem>>, %arg4: memref<1x1280x2xf32, #tpu.memory_space<vmem>>, %arg5: memref<1x1x128xf32, #tpu.memory_space<vmem>>, %arg6: memref<1x1x1xf32, #tpu.memory_space<vmem>>, %arg7: memref<128x128xf32, #tpu.memory_space<vmem>>, %arg8: memref<1x128xf32, #tpu.memory_space<vmem>>, %arg9: memref<1x1280x128xf32, #tpu.memory_space<vmem>>, %arg10: memref<1x1x128xf32, #tpu.memory_space<vmem>>) attributes {dimension_semantics = [#tpu.dimension_semantics<arbitrary>, #tpu.dimension_semantics<arbitrary>], iteration_bounds = array<i64: 3, 8>, scalar_prefetch = 0 : i64, scratch_operands = 0 : i64, tpu.core_type = #tpu.core_type<tc>, window_params = [{transform_indices = @transform_0, window_bounds = array<i64: 2, 1, 1280, 128>}, {transform_indices = @transform_1, window_bounds = array<i64: 1, 1280, 128>}, {transform_indices = @transform_2, window_bounds = array<i64: 1, 1280, 2>}, {transform_indices = @transform_3, window_bounds = array<i64: 1, 1, 128>}, {transform_indices = @transform_4, window_bounds = array<i64: 1, 1, 1>}, {pipeline_mode = #tpu.pipeline_mode<synchronous>, transform_indices = @transform_5, window_bounds = array<i64: 128, 128>}, {pipeline_mode = #tpu.pipeline_mode<synchronous>, transform_indices = @transform_6, window_bounds = array<i64: 1, 128>}, {transform_indices = @transform_7, window_bounds = array<i64: 1, 1280, 128>}, {transform_indices = @transform_8, window_bounds = array<i64: 1, 1, 128>}]} {
    %get3A = arith.constant 0 : index
    %get3A_0 = arith.constant 0 : index
    %get3A_1 = arith.constant 0 : index
    %get3A_2 = vector.load %arg4[%get3A, %get3A_0, %get3A_1] : memref<1x1280x2xf32, #tpu.memory_space<vmem>>, vector<1x1280x1xf32>
    %get3A_3 = vector.shape_cast %get3A_2 : vector<1x1280x1xf32> to vector<1280xf32>
    %get3A_4 = arith.constant 0 : index
    %get3A_5 = arith.constant 0 : index
    %get3A_6 = arith.constant 1 : index
    %get3A_7 = vector.load %arg4[%get3A_4, %get3A_5, %get3A_6] : memref<1x1280x2xf32, #tpu.memory_space<vmem>>, vector<1x1280x1xf32>
    %get3A_8 = vector.shape_cast %get3A_7 : vector<1x1280x1xf32> to vector<1280xf32>
    %add3A = arith.addf %get3A_3, %get3A_8 : vector<1280xf32>
    %add3A_9 = arith.constant 1.000000e+00 : f32
    %add3A_10 = vector.broadcast %add3A_9 : f32 to vector<1280xf32>
    %add3A_11 = arith.addf %add3A, %add3A_10 : vector<1280xf32>
    %rsqrt3A = math.rsqrt %add3A_11 : vector<1280xf32>
    %get3A_12 = arith.constant 0 : index
    %get3A_13 = arith.constant 0 : index
    %get3A_14 = arith.constant 0 : index
    %get3A_15 = arith.constant 0 : index
    %get3A_16 = vector.load %arg2[%get3A_12, %get3A_13, %get3A_14, %get3A_15] : memref<2x1x1280x128xf32, #tpu.memory_space<vmem>>, vector<1x1x1280x128xf32>
    %get3A_17 = vector.shape_cast %get3A_16 : vector<1x1x1280x128xf32> to vector<1280x128xf32>
    %get3A_18 = arith.constant 1 : index
    %get3A_19 = arith.constant 0 : index
    %get3A_20 = arith.constant 0 : index
    %get3A_21 = arith.constant 0 : index
    %get3A_22 = vector.load %arg2[%get3A_18, %get3A_19, %get3A_20, %get3A_21] : memref<2x1x1280x128xf32, #tpu.memory_space<vmem>>, vector<1x1x1280x128xf32>
    %get3A_23 = vector.shape_cast %get3A_22 : vector<1x1x1280x128xf32> to vector<1280x128xf32>
    %add3A_24 = arith.addf %get3A_17, %get3A_23 : vector<1280x128xf32>
    %get3A_25 = arith.constant 0 : index
    %get3A_26 = arith.constant 0 : index
    %get3A_27 = arith.constant 0 : index
    %get3A_28 = vector.load %arg3[%get3A_25, %get3A_26, %get3A_27] : memref<1x1280x128xf32, #tpu.memory_space<vmem>>, vector<1x1280x128xf32>
    %get3A_29 = vector.shape_cast %get3A_28 : vector<1x1280x128xf32> to vector<1280x128xf32>
    %add3A_30 = arith.addf %add3A_24, %get3A_29 : vector<1280x128xf32>
    %broadcast_in_dim3A = vector.shape_cast %rsqrt3A : vector<1280xf32> to vector<1280x1xf32>
    %mul3A = vector.broadcast %broadcast_in_dim3A : vector<1280x1xf32> to vector<1280x128xf32>
    %mul3A_31 = arith.mulf %add3A_30, %mul3A : vector<1280x128xf32>
    %get3A_32 = arith.constant 0 : index
    %get3A_33 = arith.constant 0 : index
    %get3A_34 = arith.constant 0 : index
    %get3A_35 = vector.load %arg5[%get3A_32, %get3A_33, %get3A_34] : memref<1x1x128xf32, #tpu.memory_space<vmem>>, vector<1x1x128xf32>
    %get3A_36 = vector.shape_cast %get3A_35 : vector<1x1x128xf32> to vector<128xf32>
    %broadcast_in_dim3A_37 = vector.shape_cast %get3A_36 : vector<128xf32> to vector<1x128xf32>
    %add3A_38 = vector.broadcast %broadcast_in_dim3A_37 : vector<1x128xf32> to vector<1280x128xf32>
    %add3A_39 = arith.addf %mul3A_31, %add3A_38 : vector<1280x128xf32>
    %max3A = arith.constant 0.000000e+00 : f32
    %max3A_40 = vector.broadcast %max3A : f32 to vector<1280x128xf32>
    %max3A_41 = arith.maximumf %add3A_39, %max3A_40 : vector<1280x128xf32>
    %get3A_42 = arith.constant 0 : index
    %get3A_43 = arith.constant 0 : index
    %get3A_44 = arith.constant 0 : index
    %get3A_45 = vector.load %arg6[%get3A_42, %get3A_43, %get3A_44] : memref<1x1x1xf32, #tpu.memory_space<vmem>>, vector<1x1x1xf32>
    %get3A_46 = vector.extract %get3A_45[0, 0, 0] : f32 from vector<1x1x1xf32>
    %min3A = arith.constant 0.000000e+00 : f32
    %min3A_47 = vector.broadcast %min3A : f32 to vector<1280x128xf32>
    %min3A_48 = arith.minimumf %add3A_39, %min3A_47 : vector<1280x128xf32>
    %mul3A_49 = vector.broadcast %get3A_46 : f32 to vector<1280x128xf32>
    %mul3A_50 = arith.mulf %mul3A_49, %min3A_48 : vector<1280x128xf32>
    %add3A_51 = arith.addf %max3A_41, %mul3A_50 : vector<1280x128xf32>
    %swap3A = arith.constant 0 : index
    %swap3A_52 = arith.constant 0 : index
    %swap3A_53 = arith.constant 0 : index
    %swap3A_54 = vector.load %arg9[%swap3A, %swap3A_52, %swap3A_53] : memref<1x1280x128xf32, #tpu.memory_space<vmem>>, vector<1x1280x128xf32>
    %swap3A_55 = vector.shape_cast %swap3A_54 : vector<1x1280x128xf32> to vector<1280x128xf32>
    %swap3A_56 = vector.shape_cast %add3A_51 : vector<1280x128xf32> to vector<1x1280x128xf32>
    tpu.vector_store %arg9[%swap3A, %swap3A_52, %swap3A_53], %swap3A_56 {strides = array<i32>} : memref<1x1280x128xf32, #tpu.memory_space<vmem>>, vector<1x1280x128xf32>,
    %get3A_57 = arith.constant 0 : index
    %get3A_58 = arith.constant 0 : index
    %get3A_59 = vector.load %arg7[%get3A_57, %get3A_58] : memref<128x128xf32, #tpu.memory_space<vmem>>, vector<128x128xf32>
    %dot_general3A = arith.constant dense<0.000000e+00> : vector<1280x128xf32>
    %dot_general3A_60 = tpu.matmul %add3A_51, %get3A_59, %dot_general3A {dimension_numbers = #tpu.dot_dimension_numbers<[1], [0], [0], [1], [0, 0, 1, 1], [], []>, transpose_lhs_hint = false} : vector<1280x128xf32>, vector<128x128xf32>, vector<1280x128xf32> -> vector<1280x128xf32>
    %get3A_61 = arith.constant 0 : index
    %get3A_62 = arith.constant 0 : index
    %get3A_63 = vector.load %arg8[%get3A_61, %get3A_62] : memref<1x128xf32, #tpu.memory_space<vmem>>, vector<1x128xf32>
    %get3A_64 = vector.shape_cast %get3A_63 : vector<1x128xf32> to vector<128xf32>
    %broadcast_in_dim3A_65 = vector.shape_cast %get3A_64 : vector<128xf32> to vector<1x128xf32>
    %add3A_66 = vector.broadcast %broadcast_in_dim3A_65 : vector<1x128xf32> to vector<1280x128xf32>
    %add3A_67 = arith.addf %dot_general3A_60, %add3A_66 : vector<1280x128xf32>
    %tanh3A = math.tanh %add3A_67 : vector<1280x128xf32>
    %iota3A = tpu.iota {dimensions = array<i32: 0>} : vector<1280x128xi32>
    %mul3A_68 = arith.constant 1280 : i32
    %mul3A_69 = arith.muli %arg1, %mul3A_68 : i32
    %add3A_70 = vector.broadcast %mul3A_69 : i32 to vector<1280x128xi32>
    %add3A_71 = arith.addi %iota3A, %add3A_70 : vector<1280x128xi32>
    %lt3A = arith.constant 10000 : i32
    %lt3A_72 = vector.broadcast %lt3A : i32 to vector<1280x128xi32>
    %lt3A_73 = arith.cmpi slt, %add3A_71, %lt3A_72 : vector<1280x128xi32>
    %jit3A = arith.constant 0.000000e+00 : f32
    %broadcast_in_dim3A_74 = vector.broadcast %jit3A : f32 to vector<1280x128xf32>
    %select_n3A = arith.select %lt3A_73, %tanh3A, %broadcast_in_dim3A_74 : vector<1280x128xi1>, vector<1280x128xf32>
    %reduce_sum3A = arith.constant dense<0.000000e+00> : vector<128xf32>
    %reduce_sum3A_75 = vector.multi_reduction <add>, %select_n3A, %reduce_sum3A [0] : vector<1280x128xf32> to vector<128xf32>
    %eq3A = arith.constant 0 : i32
    %eq3A_76 = arith.cmpi eq, %arg1, %eq3A : i32
    %convert_element_type3A = arith.extui %eq3A_76 : i1 to i32
    %cond3A = arith.constant 0 : i32
    %cond3A_77 = arith.cmpi ne, %convert_element_type3A, %cond3A : i32
    scf.if %cond3A_77 {
      %swap3A_82 = arith.constant 0 : index
      %swap3A_83 = arith.constant 0 : index
      %swap3A_84 = arith.constant 0 : index
      %swap3A_85 = vector.load %arg10[%swap3A_82, %swap3A_83, %swap3A_84] : memref<1x1x128xf32, #tpu.memory_space<vmem>>, vector<1x1x128xf32>
      %swap3A_86 = vector.shape_cast %swap3A_85 : vector<1x1x128xf32> to vector<128xf32>
      %swap3A_87 = vector.shape_cast %reduce_sum3A_75 : vector<128xf32> to vector<1x1x128xf32>
      tpu.vector_store %arg10[%swap3A_82, %swap3A_83, %swap3A_84], %swap3A_87 {strides = array<i32>} : memref<1x1x128xf32, #tpu.memory_space<vmem>>, vector<1x1x128xf32>,
    } else {
    }
    %ne3A = arith.constant 0 : i32
    %ne3A_78 = arith.cmpi ne, %arg1, %ne3A : i32
    %convert_element_type3A_79 = arith.extui %ne3A_78 : i1 to i32
    %cond3A_80 = arith.constant 0 : i32
    %cond3A_81 = arith.cmpi ne, %convert_element_type3A_79, %cond3A_80 : i32
    scf.if %cond3A_81 {
      %get3A_82 = arith.constant 0 : index
      %get3A_83 = arith.constant 0 : index
      %get3A_84 = arith.constant 0 : index
      %get3A_85 = vector.load %arg10[%get3A_82, %get3A_83, %get3A_84] : memref<1x1x128xf32, #tpu.memory_space<vmem>>, vector<1x1x128xf32>
      %get3A_86 = vector.shape_cast %get3A_85 : vector<1x1x128xf32> to vector<128xf32>
      %add3A_87 = arith.addf %get3A_86, %reduce_sum3A_75 : vector<128xf32>
      %swap3A_88 = arith.constant 0 : index
      %swap3A_89 = arith.constant 0 : index
      %swap3A_90 = arith.constant 0 : index
      %swap3A_91 = vector.load %arg10[%swap3A_88, %swap3A_89, %swap3A_90] : memref<1x1x128xf32, #tpu.memory_space<vmem>>, vector<1x1x128xf32>
      %swap3A_92 = vector.shape_cast %swap3A_91 : vector<1x1x128xf32> to vector<128xf32>
      %swap3A_93 = vector.shape_cast %add3A_87 : vector<128xf32> to vector<1x1x128xf32>
      tpu.vector_store %arg10[%swap3A_88, %swap3A_89, %swap3A_90], %swap3A_93 {strides = array<i32>} : memref<1x1x128xf32, #tpu.memory_space<vmem>>, vector<1x1x128xf32>,
    } else {
    }
    return
  }
  func.func @transform_0(%arg0: i32, %arg1: i32) -> (i32, i32, i32, i32) {
    %c0_i32 = arith.constant 0 : i32
    %c0_i32_0 = arith.constant 0 : i32
    %c0_i32_1 = arith.constant 0 : i32
    return %c0_i32, %arg0, %arg1, %c0_i32_0 : i32, i32, i32, i32
  }
  func.func @transform_1(%arg0: i32, %arg1: i32) -> (i32, i32, i32) {
    %c0_i32 = arith.constant 0 : i32
    %c0_i32_0 = arith.constant 0 : i32
    return %arg0, %arg1, %c0_i32 : i32, i32, i32
  }
  func.func @transform_2(%arg0: i32, %arg1: i32) -> (i32, i32, i32) {
    %c0_i32 = arith.constant 0 : i32
    %c0_i32_0 = arith.constant 0 : i32
    return %arg0, %arg1, %c0_i32 : i32, i32, i32
  }
  func.func @transform_3(%arg0: i32, %arg1: i32) -> (i32, i32, i32) {
    %c0_i32 = arith.constant 0 : i32
    %c0_i32_0 = arith.constant 0 : i32
    %c0_i32_1 = arith.constant 0 : i32
    return %arg0, %c0_i32, %c0_i32_0 : i32, i32, i32
  }
  func.func @transform_4(%arg0: i32, %arg1: i32) -> (i32, i32, i32) {
    %c0_i32 = arith.constant 0 : i32
    %c0_i32_0 = arith.constant 0 : i32
    %c0_i32_1 = arith.constant 0 : i32
    return %arg0, %c0_i32, %c0_i32_0 : i32, i32, i32
  }
  func.func @transform_5(%arg0: i32, %arg1: i32) -> (i32, i32) {
    %c0_i32 = arith.constant 0 : i32
    %c0_i32_0 = arith.constant 0 : i32
    %c0_i32_1 = arith.constant 0 : i32
    return %c0_i32, %c0_i32_0 : i32, i32
  }
  func.func @transform_6(%arg0: i32, %arg1: i32) -> (i32, i32) {
    %c0_i32 = arith.constant 0 : i32
    %c0_i32_0 = arith.constant 0 : i32
    %c0_i32_1 = arith.constant 0 : i32
    return %c0_i32, %c0_i32_0 : i32, i32
  }
  func.func @transform_7(%arg0: i32, %arg1: i32) -> (i32, i32, i32) {
    %c0_i32 = arith.constant 0 : i32
    %c0_i32_0 = arith.constant 0 : i32
    return %arg0, %arg1, %c0_i32 : i32, i32, i32
  }
  func.func @transform_8(%arg0: i32, %arg1: i32) -> (i32, i32, i32) {
    %c0_i32 = arith.constant 0 : i32
    %c0_i32_0 = arith.constant 0 : i32
    %c0_i32_1 = arith.constant 0 : i32
    return %arg0, %c0_i32, %c0_i32_0 : i32, i32, i32
  }
}

module attributes {stable_mosaic.version = 14 : i64} {
  func.func @_comb_body(%arg0: i32, %arg1: memref<3x1280x128xf32, #tpu.memory_space<vmem>>, %arg2: memref<3x1x128xf32, #tpu.memory_space<vmem>>, %arg3: memref<1x128xf32, #tpu.memory_space<vmem>>, %arg4: memref<1280x128xf32, #tpu.memory_space<vmem>>) attributes {dimension_semantics = [#tpu.dimension_semantics<arbitrary>], iteration_bounds = array<i64: 8>, scalar_prefetch = 0 : i64, scratch_operands = 0 : i64, tpu.core_type = #tpu.core_type<tc>, window_params = [{transform_indices = @transform_0, window_bounds = array<i64: 3, 1280, 128>}, {pipeline_mode = #tpu.pipeline_mode<synchronous>, transform_indices = @transform_1, window_bounds = array<i64: 3, 1, 128>}, {pipeline_mode = #tpu.pipeline_mode<synchronous>, transform_indices = @transform_2, window_bounds = array<i64: 1, 128>}, {transform_indices = @transform_3, window_bounds = array<i64: 1280, 128>}]} {
    %get3A = arith.constant 0 : index
    %get3A_0 = arith.constant 0 : index
    %get3A_1 = arith.constant 0 : index
    %get3A_2 = vector.load %arg2[%get3A, %get3A_0, %get3A_1] : memref<3x1x128xf32, #tpu.memory_space<vmem>>, vector<3x1x128xf32>
    %get3A_3 = vector.shape_cast %get3A_2 : vector<3x1x128xf32> to vector<3x128xf32>
    %get3A_4 = arith.constant 0 : index
    %get3A_5 = arith.constant 0 : index
    %get3A_6 = vector.load %arg3[%get3A_4, %get3A_5] : memref<1x128xf32, #tpu.memory_space<vmem>>, vector<1x128xf32>
    %mul3A = vector.broadcast %get3A_6 : vector<1x128xf32> to vector<3x128xf32>
    %mul3A_7 = arith.mulf %get3A_3, %mul3A : vector<3x128xf32>
    %reduce_sum3A = arith.constant dense<0.000000e+00> : vector<3xf32>
    %reduce_sum3A_8 = vector.multi_reduction <add>, %mul3A_7, %reduce_sum3A [1] : vector<3x128xf32> to vector<3xf32>
    %div3A = arith.constant 1.000000e+04 : f32
    %div3A_9 = vector.broadcast %div3A : f32 to vector<3xf32>
    %div3A_10 = arith.divf %reduce_sum3A_8, %div3A_9 : vector<3xf32>
    %reduce_max3A = vector.shape_cast %div3A_10 : vector<3xf32> to vector<1x3xf32>
    %reduce_max3A_11 = arith.constant dense<0xFF800000> : vector<1xf32>
    %reduce_max3A_12 = vector.multi_reduction <maximumf>, %reduce_max3A, %reduce_max3A_11 [1] : vector<1x3xf32> to vector<1xf32>
    %reduce_max3A_13 = vector.shape_cast %reduce_max3A_12 : vector<1xf32> to vector<1x1xf32>
    %reduce_max3A_14 = vector.extract %reduce_max3A_13[0, 0] : f32 from vector<1x1xf32>
    %sub3A = vector.broadcast %reduce_max3A_14 : f32 to vector<3xf32>
    %sub3A_15 = arith.subf %div3A_10, %sub3A : vector<3xf32>
    %exp3A = math.exp %sub3A_15 : vector<3xf32>
    %reduce_sum3A_16 = vector.shape_cast %exp3A : vector<3xf32> to vector<1x3xf32>
    %reduce_sum3A_17 = arith.constant dense<0.000000e+00> : vector<1xf32>
    %reduce_sum3A_18 = vector.multi_reduction <add>, %reduce_sum3A_16, %reduce_sum3A_17 [1] : vector<1x3xf32> to vector<1xf32>
    %reduce_sum3A_19 = vector.shape_cast %reduce_sum3A_18 : vector<1xf32> to vector<1x1xf32>
    %reduce_sum3A_20 = vector.extract %reduce_sum3A_19[0, 0] : f32 from vector<1x1xf32>
    %div3A_21 = vector.broadcast %reduce_sum3A_20 : f32 to vector<3xf32>
    %div3A_22 = arith.divf %exp3A, %div3A_21 : vector<3xf32>
    %slice3A = vector.extract_strided_slice %div3A_22 {offsets = [0], sizes = [1], strides = [1]} : vector<3xf32> to vector<1xf32>
    %squeeze3A = vector.extract %slice3A[0] : f32 from vector<1xf32>
    %get3A_23 = arith.constant 0 : index
    %get3A_24 = arith.constant 0 : index
    %get3A_25 = arith.constant 0 : index
    %get3A_26 = vector.load %arg1[%get3A_23, %get3A_24, %get3A_25] : memref<3x1280x128xf32, #tpu.memory_space<vmem>>, vector<1x1280x128xf32>
    %get3A_27 = vector.shape_cast %get3A_26 : vector<1x1280x128xf32> to vector<1280x128xf32>
    %mul3A_28 = vector.broadcast %squeeze3A : f32 to vector<1280x128xf32>
    %mul3A_29 = arith.mulf %mul3A_28, %get3A_27 : vector<1280x128xf32>
    %slice3A_30 = vector.extract_strided_slice %div3A_22 {offsets = [1], sizes = [1], strides = [1]} : vector<3xf32> to vector<1xf32>
    %squeeze3A_31 = vector.extract %slice3A_30[0] : f32 from vector<1xf32>
    %get3A_32 = arith.constant 1 : index
    %get3A_33 = arith.constant 0 : index
    %get3A_34 = arith.constant 0 : index
    %get3A_35 = vector.load %arg1[%get3A_32, %get3A_33, %get3A_34] : memref<3x1280x128xf32, #tpu.memory_space<vmem>>, vector<1x1280x128xf32>
    %get3A_36 = vector.shape_cast %get3A_35 : vector<1x1280x128xf32> to vector<1280x128xf32>
    %mul3A_37 = vector.broadcast %squeeze3A_31 : f32 to vector<1280x128xf32>
    %mul3A_38 = arith.mulf %mul3A_37, %get3A_36 : vector<1280x128xf32>
    %add3A = arith.addf %mul3A_29, %mul3A_38 : vector<1280x128xf32>
    %slice3A_39 = vector.extract_strided_slice %div3A_22 {offsets = [2], sizes = [1], strides = [1]} : vector<3xf32> to vector<1xf32>
    %squeeze3A_40 = vector.extract %slice3A_39[0] : f32 from vector<1xf32>
    %get3A_41 = arith.constant 2 : index
    %get3A_42 = arith.constant 0 : index
    %get3A_43 = arith.constant 0 : index
    %get3A_44 = vector.load %arg1[%get3A_41, %get3A_42, %get3A_43] : memref<3x1280x128xf32, #tpu.memory_space<vmem>>, vector<1x1280x128xf32>
    %get3A_45 = vector.shape_cast %get3A_44 : vector<1x1280x128xf32> to vector<1280x128xf32>
    %mul3A_46 = vector.broadcast %squeeze3A_40 : f32 to vector<1280x128xf32>
    %mul3A_47 = arith.mulf %mul3A_46, %get3A_45 : vector<1280x128xf32>
    %add3A_48 = arith.addf %add3A, %mul3A_47 : vector<1280x128xf32>
    %swap3A = arith.constant 0 : index
    %swap3A_49 = arith.constant 0 : index
    %swap3A_50 = vector.load %arg4[%swap3A, %swap3A_49] : memref<1280x128xf32, #tpu.memory_space<vmem>>, vector<1280x128xf32>
    tpu.vector_store %arg4[%swap3A, %swap3A_49], %add3A_48 {strides = array<i32>} : memref<1280x128xf32, #tpu.memory_space<vmem>>, vector<1280x128xf32>,
    return
  }
  func.func @transform_0(%arg0: i32) -> (i32, i32, i32) {
    %c0_i32 = arith.constant 0 : i32
    %c0_i32_0 = arith.constant 0 : i32
    %c0_i32_1 = arith.constant 0 : i32
    return %c0_i32, %arg0, %c0_i32_0 : i32, i32, i32
  }
  func.func @transform_1(%arg0: i32) -> (i32, i32, i32) {
    %c0_i32 = arith.constant 0 : i32
    %c0_i32_0 = arith.constant 0 : i32
    %c0_i32_1 = arith.constant 0 : i32
    %c0_i32_2 = arith.constant 0 : i32
    return %c0_i32, %c0_i32_0, %c0_i32_1 : i32, i32, i32
  }
  func.func @transform_2(%arg0: i32) -> (i32, i32) {
    %c0_i32 = arith.constant 0 : i32
    %c0_i32_0 = arith.constant 0 : i32
    %c0_i32_1 = arith.constant 0 : i32
    return %c0_i32, %c0_i32_0 : i32, i32
  }
  func.func @transform_3(%arg0: i32) -> (i32, i32) {
    %c0_i32 = arith.constant 0 : i32
    %c0_i32_0 = arith.constant 0 : i32
    return %arg0, %c0_i32 : i32, i32
  }
}

</mosaic_0001>

<sc_bundles>
// kernel: kernel.10.cloned.1.call-start
scs
__scs_entry_jumppad:
0x0: {  	(pc) =	sbr.rel $0x88, $3  }
0x1: {  	(tag) =	ssettag $0x0;
	lr =	simm.s32 $0x1  }
0x2: {  	[smem:$0x3F99] =	sst lr;
	_ =	strace $0xD0000000  }
0x3: {  	_ = 	snop  }
0x4: {  	_ = 	snop  }
0x5: {  	_ = 	snop  }
0x6: {  	_ = 	snop  }
0x7: {  	_ = 	snop  }
__scs_overlays_trampoline_lowered:
0x8: {  	[smem:$0x3FA8] =	sst s0  }
0x9: {  	[smem:$0x3FA9] =	sst s1  }
0xa: {  	[smem:$0x3FAA] =	sst s2  }
0xb: {  	[smem:$0x3FAB] =	sst s3  }
0xc: {  	[smem:$0x3FAC] =	sst s4  }
0xd: {  	[smem:$0x3FAD] =	sst s5  }
0xe: {  	[smem:$0x3FAE] =	sst s6  }
0xf: {  	[smem:$0x3FAF] =	sst s7  }
0x10: {  	[smem:$0x3FB0] =	sst s8  }
0x11: {  	[smem:$0x3FB1] =	sst s9;
	s0 =	simm.s32 @!p0 $0x0  }
0x12: {  	s1 =	sld [smem:$0x3F97];
	s0 =	simm.s32 @p0 $0x1  }
0x13: {  	[smem:$0x3FB2] =	sst s0;
	s0 =	simm.s32 @!p1 $0x0  }
0x14: {  	s2 =	sld [smem:$0x3F96];
	s0 =	simm.s32 @p1 $0x1  }
0x15: {  	[smem:$0x3FB3] =	sst s0;
	s0 =	simm.s32 @!p2 $0x0  }
0x16: {  	s3 =	sld [smem:$0x3FDB];
	s0 =	simm.s32 @p2 $0x1  }
0x17: {  	s4 =	simm.s32 $0x1BF5;
	[smem:$0x3FB5] =	sst s0  }
0x18: {  	s0 =	sld [smem:$0x3F98];
	_ =	swait.ge [sflag:s4], $0x0  }
0x19: {  	s7 =	sld [smem:$0x3F99]  }
0x1a: {  	s8 =	sadd.s32 $0xFFFFE003, lr  }
0x1b: {  	s9 =	sadd.s32 $0xFFFFFEF7, lr;
	s5 =	simm.s32 $0xFFFFFFFF;
	p2 =	slt.u32 s8, $0xFFFFF086  }
0x1c: {  	p1 =	slt.u32 s9, $0xF7A;
	s5 =	simm.s32 @!p2 $0x0  }
0x1d: {  	s5 =	simm.s32 @p1 $0x1;
	p0 =	seq.s32 s7, s2  }
0x1e: {  	s7 =	smul.u32 @!p0 $0xF7A, s2;
	p2 =	seq.s32 @!p0 s5, $0x0  }
0x1f: {  	s9 =	smul.u32 $0xF7A, s1;
	s8 =	simm.s32 @!p0 $0x1BF5;
	p2 =	por !p2, p0  }
0x20: {  	[sflag:s8] =	ssyncset.s32 @!p0 $0xFFFFF086;
	s6 =	sadd.s32 @!p0 s3, s7;
	s7 =	simm.s32 @!p0 $0x108  }
0x21: {  	s3 =	sadd.s32 s3, s9;
	s6 =	sadd.s32 @!p0 $0x88, s6;
	s7 =	simm.s32 @p2 $0x1082  }
0x22: {  	[simem:s7], [sflag:s8] =	dma.local @!p0 [hbm:s6], $0xF7A  }
0x23: {  	s9 =	sor.u32 $0xD0000000, s2;
	s6 =	simm.s32 $0x108;
	_ =	swait.ge @!p0 [sflag:s8], $0x0  }
0x24: {  	s3 =	sadd.s32 $0x88, s3;
	s6 =	simm.s32 @!p1 $0x1082;
	[sflag:s4] =	ssyncset.s32 $0xFFFFF086  }
0x25: {  	[simem:s6], [sflag:s4] =	dma.local [hbm:s3], $0xF7A  }
0x26: {  	[smem:$0x3F99] =	sst s1;
	(tag) =	ssettag s2;
	_ =	strace s9  }
0x27: {  	s1 =	sld [smem:$0x3FA9]  }
0x28: {  	s2 =	sld [smem:$0x3FAA]  }
0x29: {  	s4 =	sld [smem:$0x3FAC]  }
0x2a: {  	p0 =	seq.s32 s5, $0x0;
	s5 =	sld [smem:$0x3FAD]  }
0x2b: {  	s6 =	sld [smem:$0x3FAE]  }
0x2c: {  	s7 =	sld [smem:$0x3FAF]  }
0x2d: {  	s3 =	simm.s32 $0x108;
	s8 =	sld [smem:$0x3FB0]  }
0x2e: {  	s3 =	simm.s32 @!p0 $0x1082;
	s9 =	sld [smem:$0x3FB1]  }
0x2f: {  	lr =	sadd.s32 s0, s3;
	s0 =	sld [smem:$0x3FA8]  }
0x30: {  	s3 =	sld [smem:$0x3FAB]  }
0x31: {  	[smem:$0x3FB4] =	sst s10  }
0x32: {  	s10 =	sld [smem:$0x3FB2];
	_ =	sdelay $0x3  }
0x33: {  	p0 =	seq.s32 s10, $0x1;
	s10 =	sld [smem:$0x3FB4];
	_ =	sdelay $0x3  }
0x34: {  	[smem:$0x3FB4] =	sst s10  }
0x35: {  	s10 =	sld [smem:$0x3FB3];
	_ =	sdelay $0x3  }
0x36: {  	p1 =	seq.s32 s10, $0x1;
	s10 =	sld [smem:$0x3FB4];
	_ =	sdelay $0x3  }
0x37: {  	[smem:$0x3FB4] =	sst s10  }
0x38: {  	s10 =	sld [smem:$0x3FB5]  }
0x39: {  	_ = 	snop;
	(pc) =	sbr.ind lr, $3  }
0x3a: {  	_ = 	snop  }
0x3b: {  	_ = 	snop  }
0x3c: {  	p2 =	seq.s32 s10, $0x1;
	s10 =	sld [smem:$0x3FB4]  }
0x3d: {  	_ =	shalt  }
0x3e: {  	_ =	shalt  }
0x3f: {  	_ =	shalt  }
0x40: {  	_ =	shalt  }
0x41: {  	_ =	shalt  }
0x42: {  	_ =	shalt  }
0x43: {  	_ =	shalt  }
0x44: {  	_ =	shalt  }
0x45: {  	_ =	shalt  }
0x46: {  	_ =	shalt  }
0x47: {  	_ =	shalt  }
0x48: {  	_ =	shalt  }
0x49: {  	_ =	shalt  }
0x4a: {  	_ =	shalt  }
0x4b: {  	_ =	shalt  }
0x4c: {  	_ =	shalt  }
0x4d: {  	_ =	shalt  }
0x4e: {  	_ =	shalt  }
0x4f: {  	_ =	shalt  }
0x50: {  	_ =	shalt  }
0x51: {  	_ =	shalt  }
0x52: {  	_ =	shalt  }
0x53: {  	_ =	shalt  }
0x54: {  	_ =	shalt  }
0x55: {  	_ =	shalt  }
0x56: {  	_ =	shalt  }
0x57: {  	_ =	shalt  }
0x58: {  	_ =	shalt  }
0x59: {  	_ =	shalt  }
0x5a: {  	_ =	shalt  }
0x5b: {  	_ =	shalt  }
0x5c: {  	_ =	shalt  }
0x5d: {  	_ =	shalt  }
0x5e: {  	_ =	shalt  }
0x5f: {  	_ =	shalt  }
0x60: {  	_ =	shalt  }
0x61: {  	_ =	shalt  }
0x62: {  	_ =	shalt  }
0x63: {  	_ =	shalt  }
0x64: {  	_ =	shalt  }
0x65: {  	_ =	shalt  }
0x66: {  	_ =	shalt  }
0x67: {  	_ =	shalt  }
0x68: {  	_ =	shalt  }
0x69: {  	_ =	shalt  }
0x6a: {  	_ =	shalt  }
0x6b: {  	_ =	shalt  }
0x6c: {  	_ =	shalt  }
0x6d: {  	_ =	shalt  }
0x6e: {  	_ =	shalt  }
0x6f: {  	_ =	shalt  }
0x70: {  	_ =	shalt  }
0x71: {  	_ =	shalt  }
0x72: {  	_ =	shalt  }
0x73: {  	_ =	shalt  }
0x74: {  	_ =	shalt  }
0x75: {  	_ =	shalt  }
0x76: {  	_ =	shalt  }
0x77: {  	_ =	shalt  }
0x78: {  	_ =	shalt  }
0x79: {  	_ =	shalt  }
0x7a: {  	_ =	shalt  }
0x7b: {  	_ =	shalt  }
0x7c: {  	_ =	shalt  }
0x7d: {  	_ =	shalt  }
0x7e: {  	_ =	shalt  }
0x7f: {  	_ =	shalt  }
0x80: {  	_ =	shalt  }
0x81: {  	_ =	shalt  }
0x82: {  	_ =	shalt  }
0x83: {  	_ =	shalt  }
0x84: {  	_ =	shalt  }
0x85: {  	_ =	shalt  }
0x86: {  	_ =	shalt  }
0x87: {  	_ =	shalt  }
.Lfunc_end0:
.L_simem_size_0:
called_computation.1_lowered:
.L_overlay_start_0:
0x88: {  	s2 =	sld [smem:$0x3FD9]  }
0x89: {  	s3 =	sld [smem:$0x3FFE];
	_ =	sdelay $0x1  }
0x8a: {  	s1 =	srdreg.scid  }
0x8b: {  	s0 =	sand.u32 $0x1, s1  }
0x8c: {  	s17 =	sshll.u32 s0, $0xA;
	s2 =	sadd.s32 s3, s2  }
0x8d: {  	s2 =	sadd.s32 s2, s17  }
0x8e: {  	[smem:$0x3FC0] =	sst s2  }
0x8f: {  	_ = 	snop  }
0x90: {  	s2 =	sld [smem:$0x3FD0];
	(tm) =	ssettm $0x1  }
0x91: {  	s18 =	sld [smem:$0x3FFB];
	_ =	sdelay $0x3  }
0x92: {  	_ =	strace s18  }
0x93: {  	s3 =	sld [smem:$0x3FFC];
	_ =	sdelay $0x3  }
0x94: {  	_ =	strace s3  }
0x95: {  	s3 =	sld [smem:$0x3FFD];
	_ =	sdelay $0x3  }
0x96: {  	_ =	strace s3  }
0x97: {  	_ =	strace $0x8FFFFFFF  }
0x98: {  	s19 =	sld [smem:$0x3FDB];
	_ =	sdelay $0x1  }
0x99: {  	s4 =	simm.s32 $_scs_section_size  }
0x9a: {  	s5 =	simm.s32 $_size__tile_overlayer_lowered;
	s6 =	simm.s32 $_tile_overlayer_lowered  }
0x9b: {  	s22 =	simm.s32 $0x1BFF;
	s21 =	sshll.u32 s6, $0x1;
	s3 =	sadd.s32 s4, s19  }
0x9c: {  	s7 =	simm.s32 $0x0;
	s20 =	sshll.u32 s5, $0x1;
	s5 =	sadd.s32 s21, s3  }
0x9d: {  	[timem:s7], [sflag:s22] =	dma.local [hbm:s5], s20  }
0x9e: {  	_ =	swait.ge [sflag:s22], s20  }
0x9f: {  	s4 =	ssub.s32 $0x0, s20;
	[sflag:s22] =	ssyncset.done $0x0  }
0xa0: {  	[sflag:s22] =	ssyncadd.s32 s4;
	_ =	sdelay $0x1  }
0xa1: {  	s23 =	simm.s32 $0x1B8B  }
0xa2: {  	_ =	swait.ge [sflag:s23], $0x1  }
0xa3: {  	[sflag:s23] =	ssyncset.done $0x0  }
0xa4: {  	s25 =	simm.s32 $0x1B8E;
	s24 =	sld [smem:$0x3FFE];
	[sflag:s23] =	ssyncadd.s32 $0xFFFFFFFF  }
0xa5: {  	s26 =	simm.s32 $execute0_lowered;
	[smem:$0x3FD2] =	sst s25  }
0xa6: {  	s5 =	sshll.u32 s26, $0x1;
	_ =	strace $0x80000049;
	[dreg:$0x1] =	wrdreg $0xFFFFFFFF  }
0xa7: {  	s28 =	simm.s32 $_size_execute0_lowered;
	s3 =	sadd.s32 s3, s5;
	[dreg:$0x0] =	wrdreg $0x0  }
0xa8: {  	s5 =	sshll.u32 s28, $0x1;
	[dreg:$0x2] =	wrdreg s3  }
0xa9: {  	[dreg:$0x3] =	wrdreg s5  }
0xaa: {  	[dreg:$0x4] =	wrdreg $0xC0  }
0xab: {  	_ =	task [dreg:s7], $0x5FFFF  }
0xac: {  	[dreg:$0x1] =	wrdreg $0xFFFFFFFF  }
0xad: {  	[dreg:$0x0] =	wrdreg $0x60  }
0xae: {  	[dreg:$0x2] =	wrdreg s24  }
0xaf: {  	[dreg:$0x3] =	wrdreg s2  }
0xb0: {  	[dreg:$0x4] =	wrdreg $0x90000  }
0xb1: {  	[dreg:$0x5] =	wrdreg $0x9  }
0xb2: {  	_ =	task.clear_ibuf [dreg:s7], $0x6FFFF;
	_ =	strace $0x90000049  }
0xb3: {  	s29 =	simm.s32 $0x9;
	_ =	strace $0x8000004B  }
0xb4: {  	_ =	swait.ge [sflag:s29], $0x1  }
0xb5: {  	[sflag:s29] =	ssyncadd.s32 $0xFFFFFFFF  }
0xb6: {  	_ =	strace $0x9000004B  }
0xb7: {  	_ =	sfence  }
0xb8: {  	s30 =	sld [smem:$0x0];
	_ =	sdelay $0x2  }
0xb9: {  	s31 =	sshll.u32 s1, $0xD;
	s1 =	sshrl.u32 s1, $0x2  }
0xba: {  	s3 =	sand.u32 $0x4000, s31;
	s1 =	sadd.s32 s1, s30  }
0xbb: {  	s0 =	sor.u32 s3, s0;
	s1 =	sshll.u32 s1, $0x11  }
0xbc: {  	s0 =	sor.u32 s1, s0  }
0xbd: {  	s0 =	sadd.s32 $0x8F2B, s0  }
0xbe: {  	[sflag:s0] =	ssyncadd.remote.s32 $0x1  }
0xbf: {  	_ =	sfence.sel $0xFFFF  }
0xc0: {  	[dreg:$0x0] =	wrdreg $0xFFFFFFFF;
	(pc) =	sbr.abs _section_cstart, $3  }
0xc1: {  	[dreg:$0x1] =	wrdreg $0xFFFFFFFF  }
0xc2: {  	_ =	task.clear_ibuf [dreg:s7], $0x2FFFF;
	_ =	strace $0x9FFFFFFF  }
0xc3: {  	(tm) =	ssettm $0x7FFFFFFF  }
tec
execute0_lowered:
.L_overlay_start_1:
0x0: {  	(tag) =	ssettag $0x1  }
0x1: {  	s1 =	srdreg.scid  }
0x2: {  	s0 =	rddreg [dreg:$0x0];
	s19 =	stileid.u32;
	s2 =	sand.u32 $0x1, s1  }
0x3: {  	s1 =	simm.s32 $0x0;
	s4 =	sshll.u32 s19, $0x1;
	s8 =	smul.u32 $0x14000, s19  }
0x4: {  	s3 =	sadd.s32 $0x7A000, s0;
	s10 =	sadd.s32 $0x1A6000, s0;
	s7 =	smul.u32 $0x3C0000, s2  }
0x5: {  	s5 =	ssub.s32 $0x2, s2;
	s2 =	sor.u32 s2, s4;
	[smem:$0x7FF] =	sst s1  }
0x6: {  	s15 =	sshrl.u32 s5, $0x1;
	s6 =	smul.u32 $0x5000, s2;
	s21 =	sadd.s32 $0x6000, s8  }
0x7: {  	s23 =	sadd.s32 $0x8000, s8;
	s24 =	sadd.s32 $0xA000, s8;
	s14 =	sadd.s32 $0xC000, s8  }
0x8: {  	s9 =	sadd.s32 s8, s7;
	s2 =	ssub.s32 s5, s15;
	s5 =	sadd.s32 $0x4000, s8  }
0x9: {  	s13 =	sadd.s32 s7, s21;
	s22 =	sadd.s32 s7, s23;
	s15 =	sadd.s32 s7, s24  }
0xa: {  	s16 =	sshrl.u32 s9, $0x3;
	s9 =	sshrl.u32 s6, $0x3;
	s12 =	sadd.s32 s7, s5  }
0xb: {  	s20 =	sshrl.u32 s13, $0x3;
	s25 =	sshrl.u32 s15, $0x3;
	s15 =	sadd.s32 $0xE000, s8  }
0xc: {  	s4 =	sadd.s32 s10, s16;
	s18 =	sshrl.u32 s12, $0x3;
	s30 =	sadd.s32 s10, s20  }
0xd: {  	s12 =	sshrl.u32 s22, $0x3;
	s16 =	sadd.s32 s7, s14;
	s6 =	sadd.s32 s7, s15  }
0xe: {  	[dreg:$0x4] =	wrdreg s4;
	s4 =	sor.u32 $0x2000, s8;
	s31 =	sadd.s32 s10, s18  }
0xf: {  	s20 =	sadd.s32 s10, s12;
	s26 =	sshrl.u32 s16, $0x3;
	s11 =	sadd.s32 s7, s4  }
0x10: {  	s18 =	sadd.s32 s10, s25;
	s16 =	sadd.s32 $0x10000, s8;
	s11 =	sshrl.u32 s11, $0x3  }
0x11: {  	s25 =	sadd.s32 $0x12000, s8;
	s12 =	sshrl.u32 s6, $0x3;
	s17 =	sadd.s32 s10, s11  }
0x12: {  	s13 =	sadd.s32 s10, s26;
	[dreg:$0x5] =	wrdreg s17;
	s17 =	sadd.s32 s7, s16  }
0x13: {  	s11 =	sadd.s32 s10, s12;
	s7 =	sadd.s32 s7, s25;
	s8 =	sshrl.u32 s17, $0x3  }
0x14: {  	s7 =	sshrl.u32 s7, $0x3;
	s17 =	sadd.s32 $0x500, s9;
	s6 =	sadd.s32 s10, s8  }
0x15: {  	s8 =	sadd.s32 s10, s7;
	s10 =	sadd.s32 $0x3E000, s0;
	s22 =	sadd.s32 s3, s17  }
0x16: {  	s26 =	sadd.s32 $0x14000, s9;
	[dreg:$0xe] =	wrdreg s22;
	s7 =	sadd.s32 s10, s17  }
0x17: {  	s22 =	sadd.s32 s3, s26;
	[dreg:$0xf] =	wrdreg s7  }
0x18: {  	s12 =	sadd.s32 $0x14500, s9;
	[dreg:$0x10] =	wrdreg s22;
	s7 =	sadd.s32 s10, s26  }
0x19: {  	s26 =	sadd.s32 s3, s12;
	[dreg:$0x11] =	wrdreg s7  }
0x1a: {  	s17 =	sadd.s32 $0x28000, s9;
	s12 =	sadd.s32 s10, s12;
	[dreg:$0x12] =	wrdreg s26  }
0x1b: {  	s22 =	sadd.s32 s3, s17;
	[dreg:$0x13] =	wrdreg s12  }
0x1c: {  	[dreg:$0x14] =	wrdreg s22  }
0x1d: {  	s7 =	sadd.s32 s10, s17;
	s22 =	rddreg [dreg:$0x2]  }
0x1e: {  	s26 =	sadd.s32 s3, s9;
	[dreg:$0x15] =	wrdreg s7  }
0x1f: {  	s17 =	sadd.s32 s10, s9;
	s9 =	sadd.s32 $0x28500, s9;
	[dreg:$0x16] =	wrdreg s26  }
0x20: {  	[dreg:$0x17] =	wrdreg s17;
	s3 =	sadd.s32 s3, s9  }
0x21: {  	s9 =	sadd.s32 s10, s9;
	[dreg:$0x18] =	wrdreg s3  }
0x22: {  	[dreg:$0x19] =	wrdreg s9;
	s3 =	sadd.s32 s5, s22  }
0x23: {  	s5 =	sadd.s32 s23, s22;
	_ =	strace $0x8000004A;
	[dreg:$0x1c] =	wrdreg s3  }
0x24: {  	s9 =	smax.u32 s2, $0x1;
	[dreg:$0x1e] =	wrdreg s5  }
0x25: {  	[smem:$0x7E9] =	sst s9  }
0x26: {  	[dreg:$0x6] =	wrdreg s31  }
0x27: {  	[dreg:$0x7] =	wrdreg s30  }
0x28: {  	[dreg:$0x8] =	wrdreg s20  }
0x29: {  	[dreg:$0x9] =	wrdreg s18  }
0x2a: {  	[dreg:$0xa] =	wrdreg s13  }
0x2b: {  	s26 =	smul.u32 $0x50000, s19;
	[dreg:$0xb] =	wrdreg s11  }
0x2c: {  	s7 =	smul.u32 $0x50400, s19;
	[dreg:$0xc] =	wrdreg s6  }
0x2d: {  	s17 =	sshrl.u32 s26, $0x2;
	s26 =	sadd.s32 s4, s22;
	[dreg:$0xd] =	wrdreg s8  }
0x2e: {  	s4 =	sadd.s32 s21, s22;
	[dreg:$0x1b] =	wrdreg s26  }
0x2f: {  	s10 =	sshrl.u32 s7, $0x2;
	s7 =	sadd.s32 s24, s22;
	[dreg:$0x1d] =	wrdreg s4  }
0x30: {  	[dreg:$0x1f] =	wrdreg s7  }
0x31: {  	s28 =	sadd.s32 $0x12E000, s0;
	s14 =	sadd.s32 s14, s22;
	s7 =	rddreg [dreg:$0x4]  }
0x32: {  	s15 =	sadd.s32 s15, s22;
	s19 =	sadd.s32 s17, s22;
	s9 =	rddreg [dreg:$0x5]  }
0x33: {  	s29 =	sadd.s32 s10, s22;
	[dreg:$0x1a] =	wrdreg s19;
	s10 =	sadd.s32 $0x28000, s7  }
0x34: {  	s16 =	sadd.s32 s16, s22;
	s12 =	sadd.s32 $0x28000, s9;
	[smem:$0x7EA] =	sst s10  }
0x35: {  	s17 =	sadd.s32 s25, s22;
	s7 =	sadd.s32 $0x50000, s7;
	[smem:$0x7EB] =	sst s12  }
0x36: {  	s21 =	sadd.s32 $0x2000, s29;
	s10 =	sadd.s32 $0x28000, s31;
	[smem:$0x7F4] =	sst s7  }
0x37: {  	s23 =	sadd.s32 $0x4000, s29;
	s12 =	sadd.s32 $0x28000, s30;
	[smem:$0x7EC] =	sst s10  }
0x38: {  	s24 =	sadd.s32 $0x6000, s29;
	s7 =	sadd.s32 $0x50000, s30;
	[smem:$0x7ED] =	sst s12  }
0x39: {  	s25 =	sadd.s32 $0x8000, s29;
	s10 =	sadd.s32 $0x28000, s20;
	[smem:$0x7F7] =	sst s7  }
0x3a: {  	s26 =	sadd.s32 $0xA000, s29;
	s12 =	sadd.s32 $0x28000, s18;
	[smem:$0x7EE] =	sst s10  }
0x3b: {  	s2 =	sadd.s32 $0xC000, s29;
	[smem:$0x7EF] =	sst s12;
	s10 =	sadd.s32 $0x28000, s13  }
0x3c: {  	s3 =	sadd.s32 $0xE000, s29;
	s12 =	sadd.s32 $0x28000, s11;
	[smem:$0x7F0] =	sst s10  }
0x3d: {  	s4 =	sadd.s32 $0x10000, s29;
	[smem:$0x7F1] =	sst s12;
	s10 =	sadd.s32 $0x28000, s6  }
0x3e: {  	s5 =	sadd.s32 $0x12000, s29;
	s12 =	sadd.s32 $0x28000, s8;
	[smem:$0x7F2] =	sst s10  }
0x3f: {  	s19 =	sadd.s32 $0x14000, s29;
	[smem:$0x7F3] =	sst s12;
	s10 =	sadd.s32 $0x50000, s9  }
0x40: {  	s30 =	simm.s32 $0x3;
	s12 =	sadd.s32 $0x50000, s31;
	[smem:$0x7F5] =	sst s10  }
0x41: {  	s7 =	simm.s32 $0x40;
	s9 =	sadd.s32 $0x50000, s20;
	[smem:$0x7F6] =	sst s12  }
0x42: {  	s20 =	sadd.s32 $0x50000, s8;
	s8 =	simm.s32 $0x7000;
	[smem:$0x7F8] =	sst s9  }
0x43: {  	s31 =	simm.s32 $0x0;
	s10 =	sadd.s32 $0x50000, s18;
	[smem:$0x7FD] =	sst s20  }
0x44: {  	s12 =	sadd.s32 $0x50000, s13;
	s13 =	sadd.s32 $0x50000, s11;
	[smem:$0x7F9] =	sst s10  }
0x45: {  	s18 =	sadd.s32 $0x50000, s6;
	s9 =	simm.s32 $0x1;
	[smem:$0x7FA] =	sst s12  }
0x46: {  	s11 =	simm.s32 $0x2800;
	s6 =	simm.s32 $0x2;
	[smem:$0x7FB] =	sst s13  }
0x47: {  	[smem:$0x7FC] =	sst s18;
	s10 =	simm.s32 $0x5000;
	s18 =	simm.s32 $0x4  }
.LBB2_1:
0x48: {  	s0 =	rddreg [dreg:$0x1]  }
0x49: {  	[tilespmem:s10], [sflag:$0x1] =	stream.linear.gather [hbm4b:s0+s1], $0x2000, $0x38;
	[tilespmem:$0x1D100] =	vst v63  }
0x4a: {  	_ =	swait.ge [sflag:s9], $0x2000  }
0x4b: {  	[sflag:s9] =	ssyncset.done $0x0  }
0x4c: {  	[sflag:s9] =	ssyncadd.s32 $0xFFFFE000  }
0x4d: {  	[spmem:s29] =	stream.linear.scatter [tilespmem:s10], [sflag:$0x1], $0x2000, $0x38;
	[tilespmem:$0x1D100] =	vst v63  }
0x4e: {  	_ =	swait.ge [sflag:s9], $0x2000  }
0x4f: {  	[sflag:s9] =	ssyncset.done $0x0  }
0x50: {  	[sflag:s9] =	ssyncadd.s32 $0xFFFFE000  }
0x51: {  	[spmem:s21] =	stream.linear.scatter [tilespmem:s10], [sflag:$0x1], $0x2000, $0x38;
	[tilespmem:$0x1D100] =	vst v63  }
0x52: {  	_ =	swait.ge [sflag:s9], $0x2000  }
0x53: {  	[sflag:s9] =	ssyncset.done $0x0  }
0x54: {  	[sflag:s9] =	ssyncadd.s32 $0xFFFFE000  }
0x55: {  	[spmem:s23] =	stream.linear.scatter [tilespmem:s10], [sflag:$0x1], $0x2000, $0x38;
	[tilespmem:$0x1D100] =	vst v63  }
0x56: {  	_ =	swait.ge [sflag:s9], $0x2000  }
0x57: {  	[sflag:s9] =	ssyncset.done $0x0  }
0x58: {  	[sflag:s9] =	ssyncadd.s32 $0xFFFFE000  }
0x59: {  	[spmem:s24] =	stream.linear.scatter [tilespmem:s10], [sflag:$0x1], $0x2000, $0x38;
	[tilespmem:$0x1D100] =	vst v63  }
0x5a: {  	_ =	swait.ge [sflag:s9], $0x2000  }
0x5b: {  	[sflag:s9] =	ssyncset.done $0x0  }
0x5c: {  	[sflag:s9] =	ssyncadd.s32 $0xFFFFE000  }
0x5d: {  	[spmem:s25] =	stream.linear.scatter [tilespmem:s10], [sflag:$0x1], $0x2000, $0x38;
	[tilespmem:$0x1D100] =	vst v63  }
0x5e: {  	_ =	swait.ge [sflag:s9], $0x2000  }
0x5f: {  	[sflag:s9] =	ssyncset.done $0x0  }
0x60: {  	[sflag:s9] =	ssyncadd.s32 $0xFFFFE000  }
0x61: {  	[spmem:s26] =	stream.linear.scatter [tilespmem:s10], [sflag:$0x1], $0x2000, $0x38;
	[tilespmem:$0x1D100] =	vst v63  }
0x62: {  	_ =	swait.ge [sflag:s9], $0x2000  }
0x63: {  	[sflag:s9] =	ssyncset.done $0x0  }
0x64: {  	[sflag:s9] =	ssyncadd.s32 $0xFFFFE000  }
0x65: {  	[spmem:s2] =	stream.linear.scatter [tilespmem:s10], [sflag:$0x1], $0x2000, $0x38;
	[tilespmem:$0x1D100] =	vst v63  }
0x66: {  	_ =	swait.ge [sflag:s9], $0x2000  }
0x67: {  	[sflag:s9] =	ssyncset.done $0x0  }
0x68: {  	[sflag:s9] =	ssyncadd.s32 $0xFFFFE000  }
0x69: {  	[spmem:s3] =	stream.linear.scatter [tilespmem:s10], [sflag:$0x1], $0x2000, $0x38;
	[tilespmem:$0x1D100] =	vst v63  }
0x6a: {  	_ =	swait.ge [sflag:s9], $0x2000  }
0x6b: {  	[sflag:s9] =	ssyncset.done $0x0  }
0x6c: {  	[sflag:s9] =	ssyncadd.s32 $0xFFFFE000  }
0x6d: {  	[spmem:s4] =	stream.linear.scatter [tilespmem:s10], [sflag:$0x1], $0x2000, $0x38;
	[tilespmem:$0x1D100] =	vst v63  }
0x6e: {  	_ =	swait.ge [sflag:s9], $0x2000  }
0x6f: {  	[sflag:s9] =	ssyncset.done $0x0  }
0x70: {  	[sflag:s9] =	ssyncadd.s32 $0xFFFFE000  }
0x71: {  	[spmem:s5] =	stream.linear.scatter [tilespmem:s10], [sflag:$0x1], $0x2000, $0x38;
	[tilespmem:$0x1D100] =	vst v63  }
0x72: {  	_ =	swait.ge [sflag:s9], $0x2000  }
0x73: {  	[sflag:s9] =	ssyncset.done $0x0  }
0x74: {  	[sflag:s9] =	ssyncadd.s32 $0xFFFFE000  }
0x75: {  	[spmem:s19] =	stream.linear.scatter [tilespmem:s10], [sflag:$0x1], $0x100, $0x38;
	[tilespmem:$0x1D100] =	vst v63  }
0x76: {  	_ =	swait.ge [sflag:s9], $0x100  }
0x77: {  	[sflag:s9] =	ssyncset.done $0x0  }
0x78: {  	[sflag:s9] =	ssyncadd.s32 $0xFFFFFF00  }
0x79: {  	[bflag:$0x0] =	sbarrier.arrive $0xFFFF  }
0x7a: {  	s12 =	rddreg [dreg:$0x16]  }
0x7b: {  	[tilespmem:s1], [sflag:$0x1] =	stream.linear.gather [hbm4b:s12+s1], $0x2800, $0x38;
	[tilespmem:$0x1D100] =	vst v63  }
0x7c: {  	_ =	swait.ge [sflag:s9], $0x2800  }
0x7d: {  	[sflag:s9] =	ssyncset.done $0x0  }
0x7e: {  	s13 =	rddreg [dreg:$0x17];
	[sflag:s9] =	ssyncadd.s32 $0xFFFFD800  }
0x7f: {  	[tilespmem:s11], [sflag:$0x1] =	stream.linear.gather [hbm4b:s13+s1], $0x2800, $0x38;
	[tilespmem:$0x1D100] =	vst v63  }
0x80: {  	_ =	swait.ge [sflag:s9], $0x2800  }
0x81: {  	[sflag:s9] =	ssyncset.done $0x0  }
0x82: {  	s20 =	simm.s32 $0x0;
	[sflag:s9] =	ssyncadd.s32 $0xFFFFD800  }
0x83: {  	[tilespmem:s10], [sflag:$0x2] =	stream.indirect.gather [hbm4b:s28+s7], $0x80, s20, s7, $0xb8;
	[tilespmem:$0x1D100] =	vst v63  }
0x84: {  	s12 =	simm.s32 $0x80  }
0x85: {  	[tilespmem:s8], [sflag:$0x3] =	stream.indirect.gather [hbm4b:s28+s7], $0x80, s12, s7, $0xb8;
	[tilespmem:$0x1D100] =	vst v63  }
0x86: {  	_ =	swait.ge [sflag:s6], $0x2000  }
0x87: {  	[sflag:s6] =	ssyncset.done $0x0  }
0x88: {  	s13 =	simm.s32 $0x2800;
	[sflag:s6] =	ssyncadd.s32 $0xFFFFE000  }
0x89: {  	[spmem:s22] =	stream.indirect.scatter.add.f32 [tilespmem:s10], [sflag:$0x4], $0x80, s13, s7, $0xb8;
	[tilespmem:$0x1D100] =	vst v63  }
0x8a: {  	_ =	swait.ge [sflag:s18], $0x2000  }
0x8b: {  	[sflag:s18] =	ssyncset.done $0x0  }
0x8c: {  	[sflag:s18] =	ssyncadd.s32 $0xFFFFE000  }
0x8d: {  	_ =	swait.ge [sflag:s30], $0x2000  }
0x8e: {  	[sflag:s30] =	ssyncset.done $0x0  }
0x8f: {  	s20 =	simm.s32 $0x2880;
	[sflag:s30] =	ssyncadd.s32 $0xFFFFE000  }
0x90: {  	[spmem:s22] =	stream.indirect.scatter.add.f32 [tilespmem:s8], [sflag:$0x4], $0x80, s20, s7, $0xb8;
	[tilespmem:$0x1D100] =	vst v63  }
0x91: {  	_ =	swait.ge [sflag:s18], $0x2000  }
0x92: {  	s0 =	simm.s32 $0x800;
	s20 =	simm.s32 $0x400;
	[sflag:s18] =	ssyncset.done $0x0  }
.LBB2_2:
0x93: {  	s12 =	sshra.s32 s20, $0x2  }
0x94: {  	[sflag:s18] =	ssyncadd.s32 $0xFFFFE000;
	s20 =	smov.u32 s0;
	s13 =	sadd.s32 $0x400, s0  }
0x95: {  	[tilespmem:s10], [sflag:$0x2] =	stream.indirect.gather [hbm4b:s28+s7], $0x80, s12, s7, $0xb8;
	[tilespmem:$0x1D100] =	vst v63  }
0x96: {  	p0 =	sne.s32 s0, $0x9C00;
	s0 =	sadd.s32 $0x80, s12  }
0x97: {  	[tilespmem:s8], [sflag:$0x3] =	stream.indirect.gather [hbm4b:s28+s7], $0x80, s0, s7, $0xb8;
	[tilespmem:$0x1D100] =	vst v63  }
0x98: {  	_ =	swait.ge [sflag:s6], $0x2000  }
0x99: {  	[sflag:s6] =	ssyncset.done $0x0  }
0x9a: {  	s0 =	sadd.s32 $0x2800, s12;
	[sflag:s6] =	ssyncadd.s32 $0xFFFFE000  }
0x9b: {  	[spmem:s22] =	stream.indirect.scatter.add.f32 [tilespmem:s10], [sflag:$0x4], $0x80, s0, s7, $0xb8;
	[tilespmem:$0x1D100] =	vst v63  }
0x9c: {  	_ =	swait.ge [sflag:s18], $0x2000  }
0x9d: {  	[sflag:s18] =	ssyncset.done $0x0  }
0x9e: {  	[sflag:s18] =	ssyncadd.s32 $0xFFFFE000  }
0x9f: {  	_ =	swait.ge [sflag:s30], $0x2000  }
.Ltmp0:
0xa0: {  	[sflag:s30] =	ssyncset.done $0x0;
	(pc) =	sbr.rel @p0 .LBB2_2-.Ltmp0, $4  }
0xa1: {  	s0 =	sadd.s32 $0x2880, s12;
	[sflag:s30] =	ssyncadd.s32 $0xFFFFE000  }
0xa2: {  	[spmem:s22] =	stream.indirect.scatter.add.f32 [tilespmem:s8], [sflag:$0x4], $0x80, s0, s7, $0xb8;
	[tilespmem:$0x1D100] =	vst v63  }
0xa3: {  	_ =	swait.ge [sflag:s18], $0x2000  }
0xa4: {  	s0 =	smov.u32 s13;
	[sflag:s18] =	ssyncset.done $0x0  }
0xa5: {  	s0 =	sshra.s32 s20, $0x2;
	[sflag:s18] =	ssyncadd.s32 $0xFFFFE000  }
0xa6: {  	[tilespmem:s10], [sflag:$0x2] =	stream.indirect.gather [hbm4b:s28+s7], $0x80, s0, s7, $0xb8;
	[tilespmem:$0x1D100] =	vst v63  }
0xa7: {  	s12 =	sadd.s32 $0x80, s0  }
0xa8: {  	[tilespmem:s8], [sflag:$0x3] =	stream.indirect.gather [hbm4b:s28+s7], $0x80, s12, s7, $0xb8;
	[tilespmem:$0x1D100] =	vst v63  }
0xa9: {  	_ =	swait.ge [sflag:s6], $0x2000  }
0xaa: {  	[sflag:s6] =	ssyncset.done $0x0  }
0xab: {  	s13 =	sadd.s32 $0x2800, s0;
	[sflag:s6] =	ssyncadd.s32 $0xFFFFE000  }
0xac: {  	[spmem:s22] =	stream.indirect.scatter.add.f32 [tilespmem:s10], [sflag:$0x4], $0x80, s13, s7, $0xb8;
	[tilespmem:$0x1D100] =	vst v63  }
0xad: {  	_ =	swait.ge [sflag:s18], $0x2000  }
0xae: {  	[sflag:s18] =	ssyncset.done $0x0  }
0xaf: {  	[sflag:s18] =	ssyncadd.s32 $0xFFFFE000  }
0xb0: {  	_ =	swait.ge [sflag:s30], $0x2000  }
0xb1: {  	[sflag:s30] =	ssyncset.done $0x0  }
0xb2: {  	s0 =	sadd.s32 $0x2880, s0;
	[sflag:s30] =	ssyncadd.s32 $0xFFFFE000  }
0xb3: {  	[spmem:s22] =	stream.indirect.scatter.add.f32 [tilespmem:s8], [sflag:$0x4], $0x80, s0, s7, $0xb8;
	[tilespmem:$0x1D100] =	vst v63  }
0xb4: {  	_ =	swait.ge [sflag:s18], $0x2000  }
0xb5: {  	[sflag:s18] =	ssyncset.done $0x0  }
0xb6: {  	s0 =	simm.s32 $0x0;
	s20 =	rddreg [dreg:$0xe];
	[sflag:s18] =	ssyncadd.s32 $0xFFFFE000  }
0xb7: {  	[tilespmem:s0], [sflag:$0x1] =	stream.linear.gather [hbm4b:s20+s0], $0x2800, $0x38;
	[tilespmem:$0x1D100] =	vst v63  }
0xb8: {  	_ =	swait.ge [sflag:s9], $0x2800  }
0xb9: {  	[sflag:s9] =	ssyncset.done $0x0  }
0xba: {  	s13 =	rddreg [dreg:$0xf];
	[sflag:s9] =	ssyncadd.s32 $0xFFFFD800  }
0xbb: {  	[tilespmem:s11], [sflag:$0x1] =	stream.linear.gather [hbm4b:s13+s0], $0x2800, $0x38;
	[tilespmem:$0x1D100] =	vst v63  }
0xbc: {  	_ =	swait.ge [sflag:s9], $0x2800  }
0xbd: {  	[sflag:s9] =	ssyncset.done $0x0  }
0xbe: {  	s20 =	simm.s32 $0x0;
	[sflag:s9] =	ssyncadd.s32 $0xFFFFD800  }
0xbf: {  	[tilespmem:s10], [sflag:$0x2] =	stream.indirect.gather [hbm4b:s28+s7], $0x80, s20, s7, $0xb8;
	[tilespmem:$0x1D100] =	vst v63  }
0xc0: {  	s12 =	simm.s32 $0x80  }
0xc1: {  	[tilespmem:s8], [sflag:$0x3] =	stream.indirect.gather [hbm4b:s28+s7], $0x80, s12, s7, $0xb8;
	[tilespmem:$0x1D100] =	vst v63  }
0xc2: {  	_ =	swait.ge [sflag:s6], $0x2000  }
0xc3: {  	[sflag:s6] =	ssyncset.done $0x0  }
0xc4: {  	s13 =	simm.s32 $0x2800;
	[sflag:s6] =	ssyncadd.s32 $0xFFFFE000  }
0xc5: {  	[spmem:s22] =	stream.indirect.scatter.add.f32 [tilespmem:s10], [sflag:$0x4], $0x80, s13, s7, $0xb8;
	[tilespmem:$0x1D100] =	vst v63  }
0xc6: {  	_ =	swait.ge [sflag:s18], $0x2000  }
0xc7: {  	[sflag:s18] =	ssyncset.done $0x0  }
0xc8: {  	[sflag:s18] =	ssyncadd.s32 $0xFFFFE000  }
0xc9: {  	_ =	swait.ge [sflag:s30], $0x2000  }
0xca: {  	[sflag:s30] =	ssyncset.done $0x0  }
0xcb: {  	s20 =	simm.s32 $0x2880;
	[sflag:s30] =	ssyncadd.s32 $0xFFFFE000  }
0xcc: {  	[spmem:s22] =	stream.indirect.scatter.add.f32 [tilespmem:s8], [sflag:$0x4], $0x80, s20, s7, $0xb8;
	[tilespmem:$0x1D100] =	vst v63  }
0xcd: {  	_ =	swait.ge [sflag:s18], $0x2000  }
0xce: {  	s0 =	simm.s32 $0x800;
	s20 =	simm.s32 $0x400;
	[sflag:s18] =	ssyncset.done $0x0  }
.LBB2_4:
0xcf: {  	s12 =	sshra.s32 s20, $0x2  }
0xd0: {  	[sflag:s18] =	ssyncadd.s32 $0xFFFFE000;
	s20 =	smov.u32 s0;
	s13 =	sadd.s32 $0x400, s0  }
0xd1: {  	[tilespmem:s10], [sflag:$0x2] =	stream.indirect.gather [hbm4b:s28+s7], $0x80, s12, s7, $0xb8;
	[tilespmem:$0x1D100] =	vst v63  }
0xd2: {  	p0 =	sne.s32 s0, $0x9C00;
	s0 =	sadd.s32 $0x80, s12  }
0xd3: {  	[tilespmem:s8], [sflag:$0x3] =	stream.indirect.gather [hbm4b:s28+s7], $0x80, s0, s7, $0xb8;
	[tilespmem:$0x1D100] =	vst v63  }
0xd4: {  	_ =	swait.ge [sflag:s6], $0x2000  }
0xd5: {  	[sflag:s6] =	ssyncset.done $0x0  }
0xd6: {  	s0 =	sadd.s32 $0x2800, s12;
	[sflag:s6] =	ssyncadd.s32 $0xFFFFE000  }
0xd7: {  	[spmem:s22] =	stream.indirect.scatter.add.f32 [tilespmem:s10], [sflag:$0x4], $0x80, s0, s7, $0xb8;
	[tilespmem:$0x1D100] =	vst v63  }
0xd8: {  	_ =	swait.ge [sflag:s18], $0x2000  }
0xd9: {  	[sflag:s18] =	ssyncset.done $0x0  }
0xda: {  	[sflag:s18] =	ssyncadd.s32 $0xFFFFE000  }
0xdb: {  	_ =	swait.ge [sflag:s30], $0x2000  }
.Ltmp1:
0xdc: {  	[sflag:s30] =	ssyncset.done $0x0;
	(pc) =	sbr.rel @p0 .LBB2_4-.Ltmp1, $4  }
0xdd: {  	s0 =	sadd.s32 $0x2880, s12;
	[sflag:s30] =	ssyncadd.s32 $0xFFFFE000  }
0xde: {  	[spmem:s22] =	stream.indirect.scatter.add.f32 [tilespmem:s8], [sflag:$0x4], $0x80, s0, s7, $0xb8;
	[tilespmem:$0x1D100] =	vst v63  }
0xdf: {  	_ =	swait.ge [sflag:s18], $0x2000  }
0xe0: {  	s0 =	smov.u32 s13;
	[sflag:s18] =	ssyncset.done $0x0  }
0xe1: {  	s0 =	sshra.s32 s20, $0x2;
	[sflag:s18] =	ssyncadd.s32 $0xFFFFE000  }
0xe2: {  	[tilespmem:s10], [sflag:$0x2] =	stream.indirect.gather [hbm4b:s28+s7], $0x80, s0, s7, $0xb8;
	[tilespmem:$0x1D100] =	vst v63  }
0xe3: {  	s12 =	sadd.s32 $0x80, s0  }
0xe4: {  	[tilespmem:s8], [sflag:$0x3] =	stream.indirect.gather [hbm4b:s28+s7], $0x80, s12, s7, $0xb8;
	[tilespmem:$0x1D100] =	vst v63  }
0xe5: {  	_ =	swait.ge [sflag:s6], $0x2000  }
0xe6: {  	[sflag:s6] =	ssyncset.done $0x0  }
0xe7: {  	s13 =	sadd.s32 $0x2800, s0;
	[sflag:s6] =	ssyncadd.s32 $0xFFFFE000  }
0xe8: {  	[spmem:s22] =	stream.indirect.scatter.add.f32 [tilespmem:s10], [sflag:$0x4], $0x80, s13, s7, $0xb8;
	[tilespmem:$0x1D100] =	vst v63  }
0xe9: {  	_ =	swait.ge [sflag:s18], $0x2000  }
0xea: {  	[sflag:s18] =	ssyncset.done $0x0  }
0xeb: {  	[sflag:s18] =	ssyncadd.s32 $0xFFFFE000  }
0xec: {  	_ =	swait.ge [sflag:s30], $0x2000  }
0xed: {  	[sflag:s30] =	ssyncset.done $0x0  }
0xee: {  	s0 =	sadd.s32 $0x2880, s0;
	[sflag:s30] =	ssyncadd.s32 $0xFFFFE000  }
0xef: {  	[spmem:s22] =	stream.indirect.scatter.add.f32 [tilespmem:s8], [sflag:$0x4], $0x80, s0, s7, $0xb8;
	[tilespmem:$0x1D100] =	vst v63  }
0xf0: {  	_ =	swait.ge [sflag:s18], $0x2000  }
0xf1: {  	[sflag:s18] =	ssyncset.done $0x0  }
0xf2: {  	[sflag:s18] =	ssyncadd.s32 $0xFFFFE000  }
0xf3: {  	[bflag:$0x0] =	sbarrier.arrive $0xFFFF  }
0xf4: {  	s20 =	rddreg [dreg:$0x1a]  }
0xf5: {  	[tilespmem:s10], [sflag:$0x1] =	stream.linear.gather [spmem:s20], $0x2000, $0x38;
	[tilespmem:$0x1D100] =	vst v63  }
0xf6: {  	_ =	swait.ge [sflag:s9], $0x2000  }
0xf7: {  	[sflag:s9] =	ssyncset.done $0x0  }
0xf8: {  	s20 =	simm.s32 $0x0;
	s12 =	rddreg [dreg:$0x4];
	[sflag:s9] =	ssyncadd.s32 $0xFFFFE000  }
0xf9: {  	[hbm4b:s12+s20] =	stream.linear.scatter [tilespmem:s10], [sflag:$0x1], $0x2000, $0x38;
	[tilespmem:$0x1D100] =	vst v63  }
0xfa: {  	_ =	swait.ge [sflag:s9], $0x2000  }
0xfb: {  	[sflag:s9] =	ssyncset.done $0x0  }
0xfc: {  	s13 =	rddreg [dreg:$0x1b];
	[sflag:s9] =	ssyncadd.s32 $0xFFFFE000  }
0xfd: {  	[tilespmem:s10], [sflag:$0x1] =	stream.linear.gather [spmem:s13], $0x2000, $0x38;
	[tilespmem:$0x1D100] =	vst v63  }
0xfe: {  	_ =	swait.ge [sflag:s9], $0x2000  }
0xff: {  	[sflag:s9] =	ssyncset.done $0x0  }
0x100: {  	s12 =	rddreg [dreg:$0x5];
	[sflag:s9] =	ssyncadd.s32 $0xFFFFE000  }
0x101: {  	[hbm4b:s12+s20] =	stream.linear.scatter [tilespmem:s10], [sflag:$0x1], $0x2000, $0x38;
	[tilespmem:$0x1D100] =	vst v63  }
0x102: {  	_ =	swait.ge [sflag:s9], $0x2000  }
0x103: {  	[sflag:s9] =	ssyncset.done $0x0  }
0x104: {  	s13 =	rddreg [dreg:$0x1c];
	[sflag:s9] =	ssyncadd.s32 $0xFFFFE000  }
0x105: {  	[tilespmem:s10], [sflag:$0x1] =	stream.linear.gather [spmem:s13], $0x2000, $0x38;
	[tilespmem:$0x1D100] =	vst v63  }
0x106: {  	_ =	swait.ge [sflag:s9], $0x2000  }
0x107: {  	[sflag:s9] =	ssyncset.done $0x0  }
0x108: {  	s12 =	rddreg [dreg:$0x6];
	[sflag:s9] =	ssyncadd.s32 $0xFFFFE000  }
0x109: {  	[hbm4b:s12+s20] =	stream.linear.scatter [tilespmem:s10], [sflag:$0x1], $0x2000, $0x38;
	[tilespmem:$0x1D100] =	vst v63  }
0x10a: {  	_ =	swait.ge [sflag:s9], $0x2000  }
0x10b: {  	[sflag:s9] =	ssyncset.done $0x0  }
0x10c: {  	s13 =	rddreg [dreg:$0x1d];
	[sflag:s9] =	ssyncadd.s32 $0xFFFFE000  }
0x10d: {  	[tilespmem:s10], [sflag:$0x1] =	stream.linear.gather [spmem:s13], $0x2000, $0x38;
	[tilespmem:$0x1D100] =	vst v63  }
0x10e: {  	_ =	swait.ge [sflag:s9], $0x2000  }
0x10f: {  	[sflag:s9] =	ssyncset.done $0x0  }
0x110: {  	s12 =	rddreg [dreg:$0x7];
	[sflag:s9] =	ssyncadd.s32 $0xFFFFE000  }
0x111: {  	[hbm4b:s12+s20] =	stream.linear.scatter [tilespmem:s10], [sflag:$0x1], $0x2000, $0x38;
	[tilespmem:$0x1D100] =	vst v63  }
0x112: {  	_ =	swait.ge [sflag:s9], $0x2000  }
0x113: {  	[sflag:s9] =	ssyncset.done $0x0  }
0x114: {  	s13 =	rddreg [dreg:$0x1e];
	[sflag:s9] =	ssyncadd.s32 $0xFFFFE000  }
0x115: {  	[tilespmem:s10], [sflag:$0x1] =	stream.linear.gather [spmem:s13], $0x2000, $0x38;
	[tilespmem:$0x1D100] =	vst v63  }
0x116: {  	_ =	swait.ge [sflag:s9], $0x2000  }
0x117: {  	[sflag:s9] =	ssyncset.done $0x0  }
0x118: {  	s12 =	rddreg [dreg:$0x8];
	[sflag:s9] =	ssyncadd.s32 $0xFFFFE000  }
0x119: {  	[hbm4b:s12+s20] =	stream.linear.scatter [tilespmem:s10], [sflag:$0x1], $0x2000, $0x38;
	[tilespmem:$0x1D100] =	vst v63  }
0x11a: {  	_ =	swait.ge [sflag:s9], $0x2000  }
0x11b: {  	[sflag:s9] =	ssyncset.done $0x0  }
0x11c: {  	s13 =	rddreg [dreg:$0x1f];
	[sflag:s9] =	ssyncadd.s32 $0xFFFFE000  }
0x11d: {  	[tilespmem:s10], [sflag:$0x1] =	stream.linear.gather [spmem:s13], $0x2000, $0x38;
	[tilespmem:$0x1D100] =	vst v63  }
0x11e: {  	_ =	swait.ge [sflag:s9], $0x2000  }
0x11f: {  	[sflag:s9] =	ssyncset.done $0x0  }
0x120: {  	s12 =	rddreg [dreg:$0x9];
	[sflag:s9] =	ssyncadd.s32 $0xFFFFE000  }
0x121: {  	[hbm4b:s12+s20] =	stream.linear.scatter [tilespmem:s10], [sflag:$0x1], $0x2000, $0x38;
	[tilespmem:$0x1D100] =	vst v63  }
0x122: {  	_ =	swait.ge [sflag:s9], $0x2000  }
0x123: {  	[sflag:s9] =	ssyncset.done $0x0  }
0x124: {  	[sflag:s9] =	ssyncadd.s32 $0xFFFFE000  }
0x125: {  	[tilespmem:s10], [sflag:$0x1] =	stream.linear.gather [spmem:s14], $0x2000, $0x38;
	[tilespmem:$0x1D100] =	vst v63  }
0x126: {  	_ =	swait.ge [sflag:s9], $0x2000  }
0x127: {  	[sflag:s9] =	ssyncset.done $0x0  }
0x128: {  	s13 =	rddreg [dreg:$0xa];
	[sflag:s9] =	ssyncadd.s32 $0xFFFFE000  }
0x129: {  	[hbm4b:s13+s20] =	stream.linear.scatter [tilespmem:s10], [sflag:$0x1], $0x2000, $0x38;
	[tilespmem:$0x1D100] =	vst v63  }
0x12a: {  	_ =	swait.ge [sflag:s9], $0x2000  }
0x12b: {  	[sflag:s9] =	ssyncset.done $0x0  }
0x12c: {  	[sflag:s9] =	ssyncadd.s32 $0xFFFFE000  }
0x12d: {  	[tilespmem:s10], [sflag:$0x1] =	stream.linear.gather [spmem:s15], $0x2000, $0x38;
	[tilespmem:$0x1D100] =	vst v63  }
0x12e: {  	_ =	swait.ge [sflag:s9], $0x2000  }
0x12f: {  	[sflag:s9] =	ssyncset.done $0x0  }
0x130: {  	s12 =	rddreg [dreg:$0xb];
	[sflag:s9] =	ssyncadd.s32 $0xFFFFE000  }
0x131: {  	[hbm4b:s12+s20] =	stream.linear.scatter [tilespmem:s10], [sflag:$0x1], $0x2000, $0x38;
	[tilespmem:$0x1D100] =	vst v63  }
0x132: {  	_ =	swait.ge [sflag:s9], $0x2000  }
0x133: {  	[sflag:s9] =	ssyncset.done $0x0  }
0x134: {  	[sflag:s9] =	ssyncadd.s32 $0xFFFFE000  }
0x135: {  	[tilespmem:s10], [sflag:$0x1] =	stream.linear.gather [spmem:s16], $0x2000, $0x38;
	[tilespmem:$0x1D100] =	vst v63  }
0x136: {  	_ =	swait.ge [sflag:s9], $0x2000  }
0x137: {  	[sflag:s9] =	ssyncset.done $0x0  }
0x138: {  	s13 =	rddreg [dreg:$0xc];
	[sflag:s9] =	ssyncadd.s32 $0xFFFFE000  }
0x139: {  	[hbm4b:s13+s20] =	stream.linear.scatter [tilespmem:s10], [sflag:$0x1], $0x2000, $0x38;
	[tilespmem:$0x1D100] =	vst v63  }
0x13a: {  	_ =	swait.ge [sflag:s9], $0x2000  }
0x13b: {  	[sflag:s9] =	ssyncset.done $0x0  }
0x13c: {  	[sflag:s9] =	ssyncadd.s32 $0xFFFFE000  }
0x13d: {  	[tilespmem:s10], [sflag:$0x1] =	stream.linear.gather [spmem:s17], $0x2000, $0x38;
	[tilespmem:$0x1D100] =	vst v63  }
0x13e: {  	_ =	swait.ge [sflag:s9], $0x2000  }
0x13f: {  	[sflag:s9] =	ssyncset.done $0x0  }
0x140: {  	s12 =	rddreg [dreg:$0xd];
	[sflag:s9] =	ssyncadd.s32 $0xFFFFE000  }
0x141: {  	[hbm4b:s12+s20] =	stream.linear.scatter [tilespmem:s10], [sflag:$0x1], $0x2000, $0x38;
	[tilespmem:$0x1D100] =	vst v63  }
0x142: {  	_ =	swait.ge [sflag:s9], $0x2000  }
0x143: {  	[sflag:s9] =	ssyncset.done $0x0  }
0x144: {  	[sflag:s9] =	ssyncadd.s32 $0xFFFFE000  }
0x145: {  	[bflag:$0x0] =	sbarrier.arrive $0xFFFF  }
0x146: {  	s13 =	rddreg [dreg:$0x1]  }
0x147: {  	[tilespmem:s10], [sflag:$0x1] =	stream.linear.gather [hbm4b:s13+s20], $0x2000, $0x38;
	[tilespmem:$0x1D100] =	vst v63  }
0x148: {  	_ =	swait.ge [sflag:s9], $0x2000  }
0x149: {  	[sflag:s9] =	ssyncset.done $0x0  }
0x14a: {  	[sflag:s9] =	ssyncadd.s32 $0xFFFFE000  }
0x14b: {  	[spmem:s29] =	stream.linear.scatter [tilespmem:s10], [sflag:$0x1], $0x2000, $0x38;
	[tilespmem:$0x1D100] =	vst v63  }
0x14c: {  	_ =	swait.ge [sflag:s9], $0x2000  }
0x14d: {  	[sflag:s9] =	ssyncset.done $0x0  }
0x14e: {  	[sflag:s9] =	ssyncadd.s32 $0xFFFFE000  }
0x14f: {  	[spmem:s21] =	stream.linear.scatter [tilespmem:s10], [sflag:$0x1], $0x2000, $0x38;
	[tilespmem:$0x1D100] =	vst v63  }
0x150: {  	_ =	swait.ge [sflag:s9], $0x2000  }
0x151: {  	[sflag:s9] =	ssyncset.done $0x0  }
0x152: {  	[sflag:s9] =	ssyncadd.s32 $0xFFFFE000  }
0x153: {  	[spmem:s23] =	stream.linear.scatter [tilespmem:s10], [sflag:$0x1], $0x2000, $0x38;
	[tilespmem:$0x1D100] =	vst v63  }
0x154: {  	_ =	swait.ge [sflag:s9], $0x2000  }
0x155: {  	[sflag:s9] =	ssyncset.done $0x0  }
0x156: {  	[sflag:s9] =	ssyncadd.s32 $0xFFFFE000  }
0x157: {  	[spmem:s24] =	stream.linear.scatter [tilespmem:s10], [sflag:$0x1], $0x2000, $0x38;
	[tilespmem:$0x1D100] =	vst v63  }
0x158: {  	_ =	swait.ge [sflag:s9], $0x2000  }
0x159: {  	[sflag:s9] =	ssyncset.done $0x0  }
0x15a: {  	[sflag:s9] =	ssyncadd.s32 $0xFFFFE000  }
0x15b: {  	[spmem:s25] =	stream.linear.scatter [tilespmem:s10], [sflag:$0x1], $0x2000, $0x38;
	[tilespmem:$0x1D100] =	vst v63  }
0x15c: {  	_ =	swait.ge [sflag:s9], $0x2000  }
0x15d: {  	[sflag:s9] =	ssyncset.done $0x0  }
0x15e: {  	[sflag:s9] =	ssyncadd.s32 $0xFFFFE000  }
0x15f: {  	[spmem:s26] =	stream.linear.scatter [tilespmem:s10], [sflag:$0x1], $0x2000, $0x38;
	[tilespmem:$0x1D100] =	vst v63  }
0x160: {  	_ =	swait.ge [sflag:s9], $0x2000  }
0x161: {  	[sflag:s9] =	ssyncset.done $0x0  }
0x162: {  	[sflag:s9] =	ssyncadd.s32 $0xFFFFE000  }
0x163: {  	[spmem:s2] =	stream.linear.scatter [tilespmem:s10], [sflag:$0x1], $0x2000, $0x38;
	[tilespmem:$0x1D100] =	vst v63  }
0x164: {  	_ =	swait.ge [sflag:s9], $0x2000  }
0x165: {  	[sflag:s9] =	ssyncset.done $0x0  }
0x166: {  	[sflag:s9] =	ssyncadd.s32 $0xFFFFE000  }
0x167: {  	[spmem:s3] =	stream.linear.scatter [tilespmem:s10], [sflag:$0x1], $0x2000, $0x38;
	[tilespmem:$0x1D100] =	vst v63  }
0x168: {  	_ =	swait.ge [sflag:s9], $0x2000  }
0x169: {  	[sflag:s9] =	ssyncset.done $0x0  }
0x16a: {  	[sflag:s9] =	ssyncadd.s32 $0xFFFFE000  }
0x16b: {  	[spmem:s4] =	stream.linear.scatter [tilespmem:s10], [sflag:$0x1], $0x2000, $0x38;
	[tilespmem:$0x1D100] =	vst v63  }
0x16c: {  	_ =	swait.ge [sflag:s9], $0x2000  }
0x16d: {  	[sflag:s9] =	ssyncset.done $0x0  }
0x16e: {  	[sflag:s9] =	ssyncadd.s32 $0xFFFFE000  }
0x16f: {  	[spmem:s5] =	stream.linear.scatter [tilespmem:s10], [sflag:$0x1], $0x2000, $0x38;
	[tilespmem:$0x1D100] =	vst v63  }
0x170: {  	_ =	swait.ge [sflag:s9], $0x2000  }
0x171: {  	[sflag:s9] =	ssyncset.done $0x0  }
0x172: {  	[sflag:s9] =	ssyncadd.s32 $0xFFFFE000  }
0x173: {  	[spmem:s19] =	stream.linear.scatter [tilespmem:s10], [sflag:$0x1], $0x100, $0x38;
	[tilespmem:$0x1D100] =	vst v63  }
0x174: {  	_ =	swait.ge [sflag:s9], $0x100  }
0x175: {  	[sflag:s9] =	ssyncset.done $0x0  }
0x176: {  	[sflag:s9] =	ssyncadd.s32 $0xFFFFFF00  }
0x177: {  	[bflag:$0x0] =	sbarrier.arrive $0xFFFF  }
0x178: {  	s12 =	rddreg [dreg:$0x10]  }
0x179: {  	[tilespmem:s20], [sflag:$0x1] =	stream.linear.gather [hbm4b:s12+s20], $0x2800, $0x38;
	[tilespmem:$0x1D100] =	vst v63  }
0x17a: {  	_ =	swait.ge [sflag:s9], $0x2800  }
0x17b: {  	[sflag:s9] =	ssyncset.done $0x0  }
0x17c: {  	s13 =	rddreg [dreg:$0x11];
	[sflag:s9] =	ssyncadd.s32 $0xFFFFD800  }
0x17d: {  	[tilespmem:s11], [sflag:$0x1] =	stream.linear.gather [hbm4b:s13+s20], $0x2800, $0x38;
	[tilespmem:$0x1D100] =	vst v63  }
0x17e: {  	_ =	swait.ge [sflag:s9], $0x2800  }
0x17f: {  	[sflag:s9] =	ssyncset.done $0x0  }
0x180: {  	s20 =	simm.s32 $0x0;
	[sflag:s9] =	ssyncadd.s32 $0xFFFFD800  }
0x181: {  	[tilespmem:s10], [sflag:$0x2] =	stream.indirect.gather [hbm4b:s28+s7], $0x80, s20, s7, $0xb8;
	[tilespmem:$0x1D100] =	vst v63  }
0x182: {  	s12 =	simm.s32 $0x80  }
0x183: {  	[tilespmem:s8], [sflag:$0x3] =	stream.indirect.gather [hbm4b:s28+s7], $0x80, s12, s7, $0xb8;
	[tilespmem:$0x1D100] =	vst v63  }
0x184: {  	_ =	swait.ge [sflag:s6], $0x2000  }
0x185: {  	[sflag:s6] =	ssyncset.done $0x0  }
0x186: {  	s13 =	simm.s32 $0x2800;
	[sflag:s6] =	ssyncadd.s32 $0xFFFFE000  }
0x187: {  	[spmem:s22] =	stream.indirect.scatter.add.f32 [tilespmem:s10], [sflag:$0x4], $0x80, s13, s7, $0xb8;
	[tilespmem:$0x1D100] =	vst v63  }
0x188: {  	_ =	swait.ge [sflag:s18], $0x2000  }
0x189: {  	[sflag:s18] =	ssyncset.done $0x0  }
0x18a: {  	[sflag:s18] =	ssyncadd.s32 $0xFFFFE000  }
0x18b: {  	_ =	swait.ge [sflag:s30], $0x2000  }
0x18c: {  	[sflag:s30] =	ssyncset.done $0x0  }
0x18d: {  	s20 =	simm.s32 $0x2880;
	[sflag:s30] =	ssyncadd.s32 $0xFFFFE000  }
0x18e: {  	[spmem:s22] =	stream.indirect.scatter.add.f32 [tilespmem:s8], [sflag:$0x4], $0x80, s20, s7, $0xb8;
	[tilespmem:$0x1D100] =	vst v63  }
0x18f: {  	_ =	swait.ge [sflag:s18], $0x2000  }
0x190: {  	s0 =	simm.s32 $0x800;
	s20 =	simm.s32 $0x400;
	[sflag:s18] =	ssyncset.done $0x0  }
.LBB2_6:
0x191: {  	s12 =	sshra.s32 s20, $0x2  }
0x192: {  	[sflag:s18] =	ssyncadd.s32 $0xFFFFE000;
	s20 =	smov.u32 s0;
	s13 =	sadd.s32 $0x400, s0  }
0x193: {  	[tilespmem:s10], [sflag:$0x2] =	stream.indirect.gather [hbm4b:s28+s7], $0x80, s12, s7, $0xb8;
	[tilespmem:$0x1D100] =	vst v63  }
0x194: {  	p0 =	sne.s32 s0, $0x9C00;
	s0 =	sadd.s32 $0x80, s12  }
0x195: {  	[tilespmem:s8], [sflag:$0x3] =	stream.indirect.gather [hbm4b:s28+s7], $0x80, s0, s7, $0xb8;
	[tilespmem:$0x1D100] =	vst v63  }
0x196: {  	_ =	swait.ge [sflag:s6], $0x2000  }
0x197: {  	[sflag:s6] =	ssyncset.done $0x0  }
0x198: {  	s0 =	sadd.s32 $0x2800, s12;
	[sflag:s6] =	ssyncadd.s32 $0xFFFFE000  }
0x199: {  	[spmem:s22] =	stream.indirect.scatter.add.f32 [tilespmem:s10], [sflag:$0x4], $0x80, s0, s7, $0xb8;
	[tilespmem:$0x1D100] =	vst v63  }
0x19a: {  	_ =	swait.ge [sflag:s18], $0x2000  }
0x19b: {  	[sflag:s18] =	ssyncset.done $0x0  }
0x19c: {  	[sflag:s18] =	ssyncadd.s32 $0xFFFFE000  }
0x19d: {  	_ =	swait.ge [sflag:s30], $0x2000  }
.Ltmp2:
0x19e: {  	[sflag:s30] =	ssyncset.done $0x0;
	(pc) =	sbr.rel @p0 .LBB2_6-.Ltmp2, $4  }
0x19f: {  	s0 =	sadd.s32 $0x2880, s12;
	[sflag:s30] =	ssyncadd.s32 $0xFFFFE000  }
0x1a0: {  	[spmem:s22] =	stream.indirect.scatter.add.f32 [tilespmem:s8], [sflag:$0x4], $0x80, s0, s7, $0xb8;
	[tilespmem:$0x1D100] =	vst v63  }
0x1a1: {  	_ =	swait.ge [sflag:s18], $0x2000  }
0x1a2: {  	s0 =	smov.u32 s13;
	[sflag:s18] =	ssyncset.done $0x0  }
0x1a3: {  	s0 =	sshra.s32 s20, $0x2;
	[sflag:s18] =	ssyncadd.s32 $0xFFFFE000  }
0x1a4: {  	[tilespmem:s10], [sflag:$0x2] =	stream.indirect.gather [hbm4b:s28+s7], $0x80, s0, s7, $0xb8;
	[tilespmem:$0x1D100] =	vst v63  }
0x1a5: {  	s12 =	sadd.s32 $0x80, s0  }
0x1a6: {  	[tilespmem:s8], [sflag:$0x3] =	stream.indirect.gather [hbm4b:s28+s7], $0x80, s12, s7, $0xb8;
	[tilespmem:$0x1D100] =	vst v63  }
0x1a7: {  	_ =	swait.ge [sflag:s6], $0x2000  }
0x1a8: {  	[sflag:s6] =	ssyncset.done $0x0  }
0x1a9: {  	s13 =	sadd.s32 $0x2800, s0;
	[sflag:s6] =	ssyncadd.s32 $0xFFFFE000  }
0x1aa: {  	[spmem:s22] =	stream.indirect.scatter.add.f32 [tilespmem:s10], [sflag:$0x4], $0x80, s13, s7, $0xb8;
	[tilespmem:$0x1D100] =	vst v63  }
0x1ab: {  	_ =	swait.ge [sflag:s18], $0x2000  }
0x1ac: {  	[sflag:s18] =	ssyncset.done $0x0  }
0x1ad: {  	[sflag:s18] =	ssyncadd.s32 $0xFFFFE000  }
0x1ae: {  	_ =	swait.ge [sflag:s30], $0x2000  }
0x1af: {  	[sflag:s30] =	ssyncset.done $0x0  }
0x1b0: {  	s0 =	sadd.s32 $0x2880, s0;
	[sflag:s30] =	ssyncadd.s32 $0xFFFFE000  }
0x1b1: {  	[spmem:s22] =	stream.indirect.scatter.add.f32 [tilespmem:s8], [sflag:$0x4], $0x80, s0, s7, $0xb8;
	[tilespmem:$0x1D100] =	vst v63  }
0x1b2: {  	_ =	swait.ge [sflag:s18], $0x2000  }
0x1b3: {  	[sflag:s18] =	ssyncset.done $0x0  }
0x1b4: {  	s0 =	simm.s32 $0x0;
	s20 =	rddreg [dreg:$0x12];
	[sflag:s18] =	ssyncadd.s32 $0xFFFFE000  }
0x1b5: {  	[tilespmem:s0], [sflag:$0x1] =	stream.linear.gather [hbm4b:s20+s0], $0x2800, $0x38;
	[tilespmem:$0x1D100] =	vst v63  }
0x1b6: {  	_ =	swait.ge [sflag:s9], $0x2800  }
0x1b7: {  	[sflag:s9] =	ssyncset.done $0x0  }
0x1b8: {  	s13 =	rddreg [dreg:$0x13];
	[sflag:s9] =	ssyncadd.s32 $0xFFFFD800  }
0x1b9: {  	[tilespmem:s11], [sflag:$0x1] =	stream.linear.gather [hbm4b:s13+s0], $0x2800, $0x38;
	[tilespmem:$0x1D100] =	vst v63  }
0x1ba: {  	_ =	swait.ge [sflag:s9], $0x2800  }
0x1bb: {  	[sflag:s9] =	ssyncset.done $0x0  }
0x1bc: {  	s20 =	simm.s32 $0x0;
	[sflag:s9] =	ssyncadd.s32 $0xFFFFD800  }
0x1bd: {  	[tilespmem:s10], [sflag:$0x2] =	stream.indirect.gather [hbm4b:s28+s7], $0x80, s20, s7, $0xb8;
	[tilespmem:$0x1D100] =	vst v63  }
0x1be: {  	s12 =	simm.s32 $0x80  }
0x1bf: {  	[tilespmem:s8], [sflag:$0x3] =	stream.indirect.gather [hbm4b:s28+s7], $0x80, s12, s7, $0xb8;
	[tilespmem:$0x1D100] =	vst v63  }
0x1c0: {  	_ =	swait.ge [sflag:s6], $0x2000  }
0x1c1: {  	[sflag:s6] =	ssyncset.done $0x0  }
0x1c2: {  	s13 =	simm.s32 $0x2800;
	[sflag:s6] =	ssyncadd.s32 $0xFFFFE000  }
0x1c3: {  	[spmem:s22] =	stream.indirect.scatter.add.f32 [tilespmem:s10], [sflag:$0x4], $0x80, s13, s7, $0xb8;
	[tilespmem:$0x1D100] =	vst v63  }
0x1c4: {  	_ =	swait.ge [sflag:s18], $0x2000  }
0x1c5: {  	[sflag:s18] =	ssyncset.done $0x0  }
0x1c6: {  	[sflag:s18] =	ssyncadd.s32 $0xFFFFE000  }
0x1c7: {  	_ =	swait.ge [sflag:s30], $0x2000  }
0x1c8: {  	[sflag:s30] =	ssyncset.done $0x0  }
0x1c9: {  	s20 =	simm.s32 $0x2880;
	[sflag:s30] =	ssyncadd.s32 $0xFFFFE000  }
0x1ca: {  	[spmem:s22] =	stream.indirect.scatter.add.f32 [tilespmem:s8], [sflag:$0x4], $0x80, s20, s7, $0xb8;
	[tilespmem:$0x1D100] =	vst v63  }
0x1cb: {  	_ =	swait.ge [sflag:s18], $0x2000  }
0x1cc: {  	s0 =	simm.s32 $0x800;
	s20 =	simm.s32 $0x400;
	[sflag:s18] =	ssyncset.done $0x0  }
.LBB2_8:
0x1cd: {  	s12 =	sshra.s32 s20, $0x2  }
0x1ce: {  	[sflag:s18] =	ssyncadd.s32 $0xFFFFE000;
	s20 =	smov.u32 s0;
	s13 =	sadd.s32 $0x400, s0  }
0x1cf: {  	[tilespmem:s10], [sflag:$0x2] =	stream.indirect.gather [hbm4b:s28+s7], $0x80, s12, s7, $0xb8;
	[tilespmem:$0x1D100] =	vst v63  }
0x1d0: {  	p0 =	sne.s32 s0, $0x9C00;
	s0 =	sadd.s32 $0x80, s12  }
0x1d1: {  	[tilespmem:s8], [sflag:$0x3] =	stream.indirect.gather [hbm4b:s28+s7], $0x80, s0, s7, $0xb8;
	[tilespmem:$0x1D100] =	vst v63  }
0x1d2: {  	_ =	swait.ge [sflag:s6], $0x2000  }
0x1d3: {  	[sflag:s6] =	ssyncset.done $0x0  }
0x1d4: {  	s0 =	sadd.s32 $0x2800, s12;
	[sflag:s6] =	ssyncadd.s32 $0xFFFFE000  }
0x1d5: {  	[spmem:s22] =	stream.indirect.scatter.add.f32 [tilespmem:s10], [sflag:$0x4], $0x80, s0, s7, $0xb8;
	[tilespmem:$0x1D100] =	vst v63  }
0x1d6: {  	_ =	swait.ge [sflag:s18], $0x2000  }
0x1d7: {  	[sflag:s18] =	ssyncset.done $0x0  }
0x1d8: {  	[sflag:s18] =	ssyncadd.s32 $0xFFFFE000  }
0x1d9: {  	_ =	swait.ge [sflag:s30], $0x2000  }
.Ltmp3:
0x1da: {  	[sflag:s30] =	ssyncset.done $0x0;
	(pc) =	sbr.rel @p0 .LBB2_8-.Ltmp3, $4  }
0x1db: {  	s0 =	sadd.s32 $0x2880, s12;
	[sflag:s30] =	ssyncadd.s32 $0xFFFFE000  }
0x1dc: {  	[spmem:s22] =	stream.indirect.scatter.add.f32 [tilespmem:s8], [sflag:$0x4], $0x80, s0, s7, $0xb8;
	[tilespmem:$0x1D100] =	vst v63  }
0x1dd: {  	_ =	swait.ge [sflag:s18], $0x2000  }
0x1de: {  	s0 =	smov.u32 s13;
	[sflag:s18] =	ssyncset.done $0x0  }
0x1df: {  	s0 =	sshra.s32 s20, $0x2;
	[sflag:s18] =	ssyncadd.s32 $0xFFFFE000  }
0x1e0: {  	[tilespmem:s10], [sflag:$0x2] =	stream.indirect.gather [hbm4b:s28+s7], $0x80, s0, s7, $0xb8;
	[tilespmem:$0x1D100] =	vst v63  }
0x1e1: {  	s12 =	sadd.s32 $0x80, s0  }
0x1e2: {  	[tilespmem:s8], [sflag:$0x3] =	stream.indirect.gather [hbm4b:s28+s7], $0x80, s12, s7, $0xb8;
	[tilespmem:$0x1D100] =	vst v63  }
0x1e3: {  	_ =	swait.ge [sflag:s6], $0x2000  }
0x1e4: {  	[sflag:s6] =	ssyncset.done $0x0  }
0x1e5: {  	s13 =	sadd.s32 $0x2800, s0;
	[sflag:s6] =	ssyncadd.s32 $0xFFFFE000  }
0x1e6: {  	[spmem:s22] =	stream.indirect.scatter.add.f32 [tilespmem:s10], [sflag:$0x4], $0x80, s13, s7, $0xb8;
	[tilespmem:$0x1D100] =	vst v63  }
0x1e7: {  	_ =	swait.ge [sflag:s18], $0x2000  }
0x1e8: {  	[sflag:s18] =	ssyncset.done $0x0  }
0x1e9: {  	[sflag:s18] =	ssyncadd.s32 $0xFFFFE000  }
0x1ea: {  	_ =	swait.ge [sflag:s30], $0x2000  }
0x1eb: {  	[sflag:s30] =	ssyncset.done $0x0  }
0x1ec: {  	s0 =	sadd.s32 $0x2880, s0;
	[sflag:s30] =	ssyncadd.s32 $0xFFFFE000  }
0x1ed: {  	[spmem:s22] =	stream.indirect.scatter.add.f32 [tilespmem:s8], [sflag:$0x4], $0x80, s0, s7, $0xb8;
	[tilespmem:$0x1D100] =	vst v63  }
0x1ee: {  	_ =	swait.ge [sflag:s18], $0x2000  }
0x1ef: {  	[sflag:s18] =	ssyncset.done $0x0  }
0x1f0: {  	[sflag:s18] =	ssyncadd.s32 $0xFFFFE000  }
0x1f1: {  	[bflag:$0x0] =	sbarrier.arrive $0xFFFF  }
0x1f2: {  	s20 =	rddreg [dreg:$0x1a]  }
0x1f3: {  	[tilespmem:s10], [sflag:$0x1] =	stream.linear.gather [spmem:s20], $0x2000, $0x38;
	[tilespmem:$0x1D100] =	vst v63  }
0x1f4: {  	_ =	swait.ge [sflag:s9], $0x2000  }
0x1f5: {  	s12 =	sld [smem:$0x7EA]  }
0x1f6: {  	[sflag:s9] =	ssyncset.done $0x0  }
0x1f7: {  	s20 =	simm.s32 $0x0;
	[sflag:s9] =	ssyncadd.s32 $0xFFFFE000  }
0x1f8: {  	[hbm4b:s12+s20] =	stream.linear.scatter [tilespmem:s10], [sflag:$0x1], $0x2000, $0x38;
	[tilespmem:$0x1D100] =	vst v63  }
0x1f9: {  	_ =	swait.ge [sflag:s9], $0x2000  }
0x1fa: {  	[sflag:s9] =	ssyncset.done $0x0  }
0x1fb: {  	s13 =	rddreg [dreg:$0x1b];
	[sflag:s9] =	ssyncadd.s32 $0xFFFFE000  }
0x1fc: {  	[tilespmem:s10], [sflag:$0x1] =	stream.linear.gather [spmem:s13], $0x2000, $0x38;
	[tilespmem:$0x1D100] =	vst v63  }
0x1fd: {  	_ =	swait.ge [sflag:s9], $0x2000  }
0x1fe: {  	s12 =	sld [smem:$0x7EB]  }
0x1ff: {  	[sflag:s9] =	ssyncset.done $0x0  }
0x200: {  	[sflag:s9] =	ssyncadd.s32 $0xFFFFE000  }
0x201: {  	[hbm4b:s12+s20] =	stream.linear.scatter [tilespmem:s10], [sflag:$0x1], $0x2000, $0x38;
	[tilespmem:$0x1D100] =	vst v63  }
0x202: {  	_ =	swait.ge [sflag:s9], $0x2000  }
0x203: {  	[sflag:s9] =	ssyncset.done $0x0  }
0x204: {  	s13 =	rddreg [dreg:$0x1c];
	[sflag:s9] =	ssyncadd.s32 $0xFFFFE000  }
0x205: {  	[tilespmem:s10], [sflag:$0x1] =	stream.linear.gather [spmem:s13], $0x2000, $0x38;
	[tilespmem:$0x1D100] =	vst v63  }
0x206: {  	_ =	swait.ge [sflag:s9], $0x2000  }
0x207: {  	s12 =	sld [smem:$0x7EC]  }
0x208: {  	[sflag:s9] =	ssyncset.done $0x0  }
0x209: {  	[sflag:s9] =	ssyncadd.s32 $0xFFFFE000  }
0x20a: {  	[hbm4b:s12+s20] =	stream.linear.scatter [tilespmem:s10], [sflag:$0x1], $0x2000, $0x38;
	[tilespmem:$0x1D100] =	vst v63  }
0x20b: {  	_ =	swait.ge [sflag:s9], $0x2000  }
0x20c: {  	[sflag:s9] =	ssyncset.done $0x0  }
0x20d: {  	s13 =	rddreg [dreg:$0x1d];
	[sflag:s9] =	ssyncadd.s32 $0xFFFFE000  }
0x20e: {  	[tilespmem:s10], [sflag:$0x1] =	stream.linear.gather [spmem:s13], $0x2000, $0x38;
	[tilespmem:$0x1D100] =	vst v63  }
0x20f: {  	_ =	swait.ge [sflag:s9], $0x2000  }
0x210: {  	s12 =	sld [smem:$0x7ED]  }
0x211: {  	[sflag:s9] =	ssyncset.done $0x0  }
0x212: {  	[sflag:s9] =	ssyncadd.s32 $0xFFFFE000  }
0x213: {  	[hbm4b:s12+s20] =	stream.linear.scatter [tilespmem:s10], [sflag:$0x1], $0x2000, $0x38;
	[tilespmem:$0x1D100] =	vst v63  }
0x214: {  	_ =	swait.ge [sflag:s9], $0x2000  }
0x215: {  	[sflag:s9] =	ssyncset.done $0x0  }
0x216: {  	s13 =	rddreg [dreg:$0x1e];
	[sflag:s9] =	ssyncadd.s32 $0xFFFFE000  }
0x217: {  	[tilespmem:s10], [sflag:$0x1] =	stream.linear.gather [spmem:s13], $0x2000, $0x38;
	[tilespmem:$0x1D100] =	vst v63  }
0x218: {  	_ =	swait.ge [sflag:s9], $0x2000  }
0x219: {  	s12 =	sld [smem:$0x7EE]  }
0x21a: {  	[sflag:s9] =	ssyncset.done $0x0  }
0x21b: {  	[sflag:s9] =	ssyncadd.s32 $0xFFFFE000  }
0x21c: {  	[hbm4b:s12+s20] =	stream.linear.scatter [tilespmem:s10], [sflag:$0x1], $0x2000, $0x38;
	[tilespmem:$0x1D100] =	vst v63  }
0x21d: {  	_ =	swait.ge [sflag:s9], $0x2000  }
0x21e: {  	[sflag:s9] =	ssyncset.done $0x0  }
0x21f: {  	s13 =	rddreg [dreg:$0x1f];
	[sflag:s9] =	ssyncadd.s32 $0xFFFFE000  }
0x220: {  	[tilespmem:s10], [sflag:$0x1] =	stream.linear.gather [spmem:s13], $0x2000, $0x38;
	[tilespmem:$0x1D100] =	vst v63  }
0x221: {  	_ =	swait.ge [sflag:s9], $0x2000  }
0x222: {  	s12 =	sld [smem:$0x7EF]  }
0x223: {  	[sflag:s9] =	ssyncset.done $0x0  }
0x224: {  	[sflag:s9] =	ssyncadd.s32 $0xFFFFE000  }
0x225: {  	[hbm4b:s12+s20] =	stream.linear.scatter [tilespmem:s10], [sflag:$0x1], $0x2000, $0x38;
	[tilespmem:$0x1D100] =	vst v63  }
0x226: {  	_ =	swait.ge [sflag:s9], $0x2000  }
0x227: {  	[sflag:s9] =	ssyncset.done $0x0  }
0x228: {  	[sflag:s9] =	ssyncadd.s32 $0xFFFFE000  }
0x229: {  	[tilespmem:s10], [sflag:$0x1] =	stream.linear.gather [spmem:s14], $0x2000, $0x38;
	[tilespmem:$0x1D100] =	vst v63  }
0x22a: {  	_ =	swait.ge [sflag:s9], $0x2000  }
0x22b: {  	s13 =	sld [smem:$0x7F0]  }
0x22c: {  	[sflag:s9] =	ssyncset.done $0x0  }
0x22d: {  	[sflag:s9] =	ssyncadd.s32 $0xFFFFE000  }
0x22e: {  	[hbm4b:s13+s20] =	stream.linear.scatter [tilespmem:s10], [sflag:$0x1], $0x2000, $0x38;
	[tilespmem:$0x1D100] =	vst v63  }
0x22f: {  	_ =	swait.ge [sflag:s9], $0x2000  }
0x230: {  	[sflag:s9] =	ssyncset.done $0x0  }
0x231: {  	[sflag:s9] =	ssyncadd.s32 $0xFFFFE000  }
0x232: {  	[tilespmem:s10], [sflag:$0x1] =	stream.linear.gather [spmem:s15], $0x2000, $0x38;
	[tilespmem:$0x1D100] =	vst v63  }
0x233: {  	_ =	swait.ge [sflag:s9], $0x2000  }
0x234: {  	s12 =	sld [smem:$0x7F1]  }
0x235: {  	[sflag:s9] =	ssyncset.done $0x0  }
0x236: {  	[sflag:s9] =	ssyncadd.s32 $0xFFFFE000  }
0x237: {  	[hbm4b:s12+s20] =	stream.linear.scatter [tilespmem:s10], [sflag:$0x1], $0x2000, $0x38;
	[tilespmem:$0x1D100] =	vst v63  }
0x238: {  	_ =	swait.ge [sflag:s9], $0x2000  }
0x239: {  	[sflag:s9] =	ssyncset.done $0x0  }
0x23a: {  	[sflag:s9] =	ssyncadd.s32 $0xFFFFE000  }
0x23b: {  	[tilespmem:s10], [sflag:$0x1] =	stream.linear.gather [spmem:s16], $0x2000, $0x38;
	[tilespmem:$0x1D100] =	vst v63  }
0x23c: {  	_ =	swait.ge [sflag:s9], $0x2000  }
0x23d: {  	s13 =	sld [smem:$0x7F2]  }
0x23e: {  	[sflag:s9] =	ssyncset.done $0x0  }
0x23f: {  	[sflag:s9] =	ssyncadd.s32 $0xFFFFE000  }
0x240: {  	[hbm4b:s13+s20] =	stream.linear.scatter [tilespmem:s10], [sflag:$0x1], $0x2000, $0x38;
	[tilespmem:$0x1D100] =	vst v63  }
0x241: {  	_ =	swait.ge [sflag:s9], $0x2000  }
0x242: {  	[sflag:s9] =	ssyncset.done $0x0  }
0x243: {  	[sflag:s9] =	ssyncadd.s32 $0xFFFFE000  }
0x244: {  	[tilespmem:s10], [sflag:$0x1] =	stream.linear.gather [spmem:s17], $0x2000, $0x38;
	[tilespmem:$0x1D100] =	vst v63  }
0x245: {  	_ =	swait.ge [sflag:s9], $0x2000  }
0x246: {  	s12 =	sld [smem:$0x7F3]  }
0x247: {  	[sflag:s9] =	ssyncset.done $0x0  }
0x248: {  	[sflag:s9] =	ssyncadd.s32 $0xFFFFE000  }
0x249: {  	[hbm4b:s12+s20] =	stream.linear.scatter [tilespmem:s10], [sflag:$0x1], $0x2000, $0x38;
	[tilespmem:$0x1D100] =	vst v63  }
0x24a: {  	_ =	swait.ge [sflag:s9], $0x2000  }
0x24b: {  	[sflag:s9] =	ssyncset.done $0x0  }
0x24c: {  	[sflag:s9] =	ssyncadd.s32 $0xFFFFE000  }
0x24d: {  	[bflag:$0x0] =	sbarrier.arrive $0xFFFF  }
0x24e: {  	s13 =	rddreg [dreg:$0x1]  }
0x24f: {  	[tilespmem:s10], [sflag:$0x1] =	stream.linear.gather [hbm4b:s13+s20], $0x2000, $0x38;
	[tilespmem:$0x1D100] =	vst v63  }
0x250: {  	_ =	swait.ge [sflag:s9], $0x2000  }
0x251: {  	[sflag:s9] =	ssyncset.done $0x0  }
0x252: {  	[sflag:s9] =	ssyncadd.s32 $0xFFFFE000  }
0x253: {  	[spmem:s29] =	stream.linear.scatter [tilespmem:s10], [sflag:$0x1], $0x2000, $0x38;
	[tilespmem:$0x1D100] =	vst v63  }
0x254: {  	_ =	swait.ge [sflag:s9], $0x2000  }
0x255: {  	[sflag:s9] =	ssyncset.done $0x0  }
0x256: {  	[sflag:s9] =	ssyncadd.s32 $0xFFFFE000  }
0x257: {  	[spmem:s21] =	stream.linear.scatter [tilespmem:s10], [sflag:$0x1], $0x2000, $0x38;
	[tilespmem:$0x1D100] =	vst v63  }
0x258: {  	_ =	swait.ge [sflag:s9], $0x2000  }
0x259: {  	[sflag:s9] =	ssyncset.done $0x0  }
0x25a: {  	[sflag:s9] =	ssyncadd.s32 $0xFFFFE000  }
0x25b: {  	[spmem:s23] =	stream.linear.scatter [tilespmem:s10], [sflag:$0x1], $0x2000, $0x38;
	[tilespmem:$0x1D100] =	vst v63  }
0x25c: {  	_ =	swait.ge [sflag:s9], $0x2000  }
0x25d: {  	[sflag:s9] =	ssyncset.done $0x0  }
0x25e: {  	[sflag:s9] =	ssyncadd.s32 $0xFFFFE000  }
0x25f: {  	[spmem:s24] =	stream.linear.scatter [tilespmem:s10], [sflag:$0x1], $0x2000, $0x38;
	[tilespmem:$0x1D100] =	vst v63  }
0x260: {  	_ =	swait.ge [sflag:s9], $0x2000  }
0x261: {  	[sflag:s9] =	ssyncset.done $0x0  }
0x262: {  	[sflag:s9] =	ssyncadd.s32 $0xFFFFE000  }
0x263: {  	[spmem:s25] =	stream.linear.scatter [tilespmem:s10], [sflag:$0x1], $0x2000, $0x38;
	[tilespmem:$0x1D100] =	vst v63  }
0x264: {  	_ =	swait.ge [sflag:s9], $0x2000  }
0x265: {  	[sflag:s9] =	ssyncset.done $0x0  }
0x266: {  	[sflag:s9] =	ssyncadd.s32 $0xFFFFE000  }
0x267: {  	[spmem:s26] =	stream.linear.scatter [tilespmem:s10], [sflag:$0x1], $0x2000, $0x38;
	[tilespmem:$0x1D100] =	vst v63  }
0x268: {  	_ =	swait.ge [sflag:s9], $0x2000  }
0x269: {  	[sflag:s9] =	ssyncset.done $0x0  }
0x26a: {  	[sflag:s9] =	ssyncadd.s32 $0xFFFFE000  }
0x26b: {  	[spmem:s2] =	stream.linear.scatter [tilespmem:s10], [sflag:$0x1], $0x2000, $0x38;
	[tilespmem:$0x1D100] =	vst v63  }
0x26c: {  	_ =	swait.ge [sflag:s9], $0x2000  }
0x26d: {  	[sflag:s9] =	ssyncset.done $0x0  }
0x26e: {  	[sflag:s9] =	ssyncadd.s32 $0xFFFFE000  }
0x26f: {  	[spmem:s3] =	stream.linear.scatter [tilespmem:s10], [sflag:$0x1], $0x2000, $0x38;
	[tilespmem:$0x1D100] =	vst v63  }
0x270: {  	_ =	swait.ge [sflag:s9], $0x2000  }
0x271: {  	[sflag:s9] =	ssyncset.done $0x0  }
0x272: {  	[sflag:s9] =	ssyncadd.s32 $0xFFFFE000  }
0x273: {  	[spmem:s4] =	stream.linear.scatter [tilespmem:s10], [sflag:$0x1], $0x2000, $0x38;
	[tilespmem:$0x1D100] =	vst v63  }
0x274: {  	_ =	swait.ge [sflag:s9], $0x2000  }
0x275: {  	[sflag:s9] =	ssyncset.done $0x0  }
0x276: {  	[sflag:s9] =	ssyncadd.s32 $0xFFFFE000  }
0x277: {  	[spmem:s5] =	stream.linear.scatter [tilespmem:s10], [sflag:$0x1], $0x2000, $0x38;
	[tilespmem:$0x1D100] =	vst v63  }
0x278: {  	_ =	swait.ge [sflag:s9], $0x2000  }
0x279: {  	[sflag:s9] =	ssyncset.done $0x0  }
0x27a: {  	[sflag:s9] =	ssyncadd.s32 $0xFFFFE000  }
0x27b: {  	[spmem:s19] =	stream.linear.scatter [tilespmem:s10], [sflag:$0x1], $0x100, $0x38;
	[tilespmem:$0x1D100] =	vst v63  }
0x27c: {  	_ =	swait.ge [sflag:s9], $0x100  }
0x27d: {  	[sflag:s9] =	ssyncset.done $0x0  }
0x27e: {  	[sflag:s9] =	ssyncadd.s32 $0xFFFFFF00  }
0x27f: {  	[bflag:$0x0] =	sbarrier.arrive $0xFFFF  }
0x280: {  	s12 =	rddreg [dreg:$0x14]  }
0x281: {  	[tilespmem:s20], [sflag:$0x1] =	stream.linear.gather [hbm4b:s12+s20], $0x2800, $0x38;
	[tilespmem:$0x1D100] =	vst v63  }
0x282: {  	_ =	swait.ge [sflag:s9], $0x2800  }
0x283: {  	[sflag:s9] =	ssyncset.done $0x0  }
0x284: {  	s13 =	rddreg [dreg:$0x15];
	[sflag:s9] =	ssyncadd.s32 $0xFFFFD800  }
0x285: {  	[tilespmem:s11], [sflag:$0x1] =	stream.linear.gather [hbm4b:s13+s20], $0x2800, $0x38;
	[tilespmem:$0x1D100] =	vst v63  }
0x286: {  	_ =	swait.ge [sflag:s9], $0x2800  }
0x287: {  	[sflag:s9] =	ssyncset.done $0x0  }
0x288: {  	s20 =	simm.s32 $0x0;
	[sflag:s9] =	ssyncadd.s32 $0xFFFFD800  }
0x289: {  	[tilespmem:s10], [sflag:$0x2] =	stream.indirect.gather [hbm4b:s28+s7], $0x80, s20, s7, $0xb8;
	[tilespmem:$0x1D100] =	vst v63  }
0x28a: {  	s12 =	simm.s32 $0x80  }
0x28b: {  	[tilespmem:s8], [sflag:$0x3] =	stream.indirect.gather [hbm4b:s28+s7], $0x80, s12, s7, $0xb8;
	[tilespmem:$0x1D100] =	vst v63  }
0x28c: {  	_ =	swait.ge [sflag:s6], $0x2000  }
0x28d: {  	[sflag:s6] =	ssyncset.done $0x0  }
0x28e: {  	s13 =	simm.s32 $0x2800;
	[sflag:s6] =	ssyncadd.s32 $0xFFFFE000  }
0x28f: {  	[spmem:s22] =	stream.indirect.scatter.add.f32 [tilespmem:s10], [sflag:$0x4], $0x80, s13, s7, $0xb8;
	[tilespmem:$0x1D100] =	vst v63  }
0x290: {  	_ =	swait.ge [sflag:s18], $0x2000  }
0x291: {  	[sflag:s18] =	ssyncset.done $0x0  }
0x292: {  	[sflag:s18] =	ssyncadd.s32 $0xFFFFE000  }
0x293: {  	_ =	swait.ge [sflag:s30], $0x2000  }
0x294: {  	[sflag:s30] =	ssyncset.done $0x0  }
0x295: {  	s20 =	simm.s32 $0x2880;
	[sflag:s30] =	ssyncadd.s32 $0xFFFFE000  }
0x296: {  	[spmem:s22] =	stream.indirect.scatter.add.f32 [tilespmem:s8], [sflag:$0x4], $0x80, s20, s7, $0xb8;
	[tilespmem:$0x1D100] =	vst v63  }
0x297: {  	_ =	swait.ge [sflag:s18], $0x2000  }
0x298: {  	s0 =	simm.s32 $0x800;
	s20 =	simm.s32 $0x400;
	[sflag:s18] =	ssyncset.done $0x0  }
.LBB2_10:
0x299: {  	s12 =	sshra.s32 s20, $0x2  }
0x29a: {  	[sflag:s18] =	ssyncadd.s32 $0xFFFFE000;
	s20 =	smov.u32 s0;
	s13 =	sadd.s32 $0x400, s0  }
0x29b: {  	[tilespmem:s10], [sflag:$0x2] =	stream.indirect.gather [hbm4b:s28+s7], $0x80, s12, s7, $0xb8;
	[tilespmem:$0x1D100] =	vst v63  }
0x29c: {  	p0 =	sne.s32 s0, $0x9C00;
	s0 =	sadd.s32 $0x80, s12  }
0x29d: {  	[tilespmem:s8], [sflag:$0x3] =	stream.indirect.gather [hbm4b:s28+s7], $0x80, s0, s7, $0xb8;
	[tilespmem:$0x1D100] =	vst v63  }
0x29e: {  	_ =	swait.ge [sflag:s6], $0x2000  }
0x29f: {  	[sflag:s6] =	ssyncset.done $0x0  }
0x2a0: {  	s0 =	sadd.s32 $0x2800, s12;
	[sflag:s6] =	ssyncadd.s32 $0xFFFFE000  }
0x2a1: {  	[spmem:s22] =	stream.indirect.scatter.add.f32 [tilespmem:s10], [sflag:$0x4], $0x80, s0, s7, $0xb8;
	[tilespmem:$0x1D100] =	vst v63  }
0x2a2: {  	_ =	swait.ge [sflag:s18], $0x2000  }
0x2a3: {  	[sflag:s18] =	ssyncset.done $0x0  }
0x2a4: {  	[sflag:s18] =	ssyncadd.s32 $0xFFFFE000  }
0x2a5: {  	_ =	swait.ge [sflag:s30], $0x2000  }
.Ltmp4:
0x2a6: {  	[sflag:s30] =	ssyncset.done $0x0;
	(pc) =	sbr.rel @p0 .LBB2_10-.Ltmp4, $4  }
0x2a7: {  	s0 =	sadd.s32 $0x2880, s12;
	[sflag:s30] =	ssyncadd.s32 $0xFFFFE000  }
0x2a8: {  	[spmem:s22] =	stream.indirect.scatter.add.f32 [tilespmem:s8], [sflag:$0x4], $0x80, s0, s7, $0xb8;
	[tilespmem:$0x1D100] =	vst v63  }
0x2a9: {  	_ =	swait.ge [sflag:s18], $0x2000  }
0x2aa: {  	s0 =	smov.u32 s13;
	[sflag:s18] =	ssyncset.done $0x0  }
0x2ab: {  	s0 =	sshra.s32 s20, $0x2;
	[sflag:s18] =	ssyncadd.s32 $0xFFFFE000  }
0x2ac: {  	[tilespmem:s10], [sflag:$0x2] =	stream.indirect.gather [hbm4b:s28+s7], $0x80, s0, s7, $0xb8;
	[tilespmem:$0x1D100] =	vst v63  }
0x2ad: {  	s12 =	sadd.s32 $0x80, s0  }
0x2ae: {  	[tilespmem:s8], [sflag:$0x3] =	stream.indirect.gather [hbm4b:s28+s7], $0x80, s12, s7, $0xb8;
	[tilespmem:$0x1D100] =	vst v63  }
0x2af: {  	_ =	swait.ge [sflag:s6], $0x2000  }
0x2b0: {  	[sflag:s6] =	ssyncset.done $0x0  }
0x2b1: {  	s13 =	sadd.s32 $0x2800, s0;
	[sflag:s6] =	ssyncadd.s32 $0xFFFFE000  }
0x2b2: {  	[spmem:s22] =	stream.indirect.scatter.add.f32 [tilespmem:s10], [sflag:$0x4], $0x80, s13, s7, $0xb8;
	[tilespmem:$0x1D100] =	vst v63  }
0x2b3: {  	_ =	swait.ge [sflag:s18], $0x2000  }
0x2b4: {  	[sflag:s18] =	ssyncset.done $0x0  }
0x2b5: {  	[sflag:s18] =	ssyncadd.s32 $0xFFFFE000  }
0x2b6: {  	_ =	swait.ge [sflag:s30], $0x2000  }
0x2b7: {  	[sflag:s30] =	ssyncset.done $0x0  }
0x2b8: {  	s0 =	sadd.s32 $0x2880, s0;
	[sflag:s30] =	ssyncadd.s32 $0xFFFFE000  }
0x2b9: {  	[spmem:s22] =	stream.indirect.scatter.add.f32 [tilespmem:s8], [sflag:$0x4], $0x80, s0, s7, $0xb8;
	[tilespmem:$0x1D100] =	vst v63  }
0x2ba: {  	_ =	swait.ge [sflag:s18], $0x2000  }
0x2bb: {  	[sflag:s18] =	ssyncset.done $0x0  }
0x2bc: {  	s0 =	simm.s32 $0x0;
	s20 =	rddreg [dreg:$0x18];
	[sflag:s18] =	ssyncadd.s32 $0xFFFFE000  }
0x2bd: {  	[tilespmem:s0], [sflag:$0x1] =	stream.linear.gather [hbm4b:s20+s0], $0x2800, $0x38;
	[tilespmem:$0x1D100] =	vst v63  }
0x2be: {  	_ =	swait.ge [sflag:s9], $0x2800  }
0x2bf: {  	[sflag:s9] =	ssyncset.done $0x0  }
0x2c0: {  	s13 =	rddreg [dreg:$0x19];
	[sflag:s9] =	ssyncadd.s32 $0xFFFFD800  }
0x2c1: {  	[tilespmem:s11], [sflag:$0x1] =	stream.linear.gather [hbm4b:s13+s0], $0x2800, $0x38;
	[tilespmem:$0x1D100] =	vst v63  }
0x2c2: {  	_ =	swait.ge [sflag:s9], $0x2800  }
0x2c3: {  	[sflag:s9] =	ssyncset.done $0x0  }
0x2c4: {  	s20 =	simm.s32 $0x0;
	[sflag:s9] =	ssyncadd.s32 $0xFFFFD800  }
0x2c5: {  	[tilespmem:s10], [sflag:$0x2] =	stream.indirect.gather [hbm4b:s28+s7], $0x80, s20, s7, $0xb8;
	[tilespmem:$0x1D100] =	vst v63  }
0x2c6: {  	s12 =	simm.s32 $0x80  }
0x2c7: {  	[tilespmem:s8], [sflag:$0x3] =	stream.indirect.gather [hbm4b:s28+s7], $0x80, s12, s7, $0xb8;
	[tilespmem:$0x1D100] =	vst v63  }
0x2c8: {  	_ =	swait.ge [sflag:s6], $0x2000  }
0x2c9: {  	[sflag:s6] =	ssyncset.done $0x0  }
0x2ca: {  	s13 =	simm.s32 $0x2800;
	[sflag:s6] =	ssyncadd.s32 $0xFFFFE000  }
0x2cb: {  	[spmem:s22] =	stream.indirect.scatter.add.f32 [tilespmem:s10], [sflag:$0x4], $0x80, s13, s7, $0xb8;
	[tilespmem:$0x1D100] =	vst v63  }
0x2cc: {  	_ =	swait.ge [sflag:s18], $0x2000  }
0x2cd: {  	[sflag:s18] =	ssyncset.done $0x0  }
0x2ce: {  	[sflag:s18] =	ssyncadd.s32 $0xFFFFE000  }
0x2cf: {  	_ =	swait.ge [sflag:s30], $0x2000  }
0x2d0: {  	[sflag:s30] =	ssyncset.done $0x0  }
0x2d1: {  	s20 =	simm.s32 $0x2880;
	[sflag:s30] =	ssyncadd.s32 $0xFFFFE000  }
0x2d2: {  	[spmem:s22] =	stream.indirect.scatter.add.f32 [tilespmem:s8], [sflag:$0x4], $0x80, s20, s7, $0xb8;
	[tilespmem:$0x1D100] =	vst v63  }
0x2d3: {  	_ =	swait.ge [sflag:s18], $0x2000  }
0x2d4: {  	s0 =	simm.s32 $0x800;
	s20 =	simm.s32 $0x400;
	[sflag:s18] =	ssyncset.done $0x0  }
.LBB2_12:
0x2d5: {  	s12 =	sshra.s32 s20, $0x2  }
0x2d6: {  	[sflag:s18] =	ssyncadd.s32 $0xFFFFE000;
	s20 =	smov.u32 s0;
	s13 =	sadd.s32 $0x400, s0  }
0x2d7: {  	[tilespmem:s10], [sflag:$0x2] =	stream.indirect.gather [hbm4b:s28+s7], $0x80, s12, s7, $0xb8;
	[tilespmem:$0x1D100] =	vst v63  }
0x2d8: {  	p0 =	sne.s32 s0, $0x9C00;
	s0 =	sadd.s32 $0x80, s12  }
0x2d9: {  	[tilespmem:s8], [sflag:$0x3] =	stream.indirect.gather [hbm4b:s28+s7], $0x80, s0, s7, $0xb8;
	[tilespmem:$0x1D100] =	vst v63  }
0x2da: {  	_ =	swait.ge [sflag:s6], $0x2000  }
0x2db: {  	[sflag:s6] =	ssyncset.done $0x0  }
0x2dc: {  	s0 =	sadd.s32 $0x2800, s12;
	[sflag:s6] =	ssyncadd.s32 $0xFFFFE000  }
0x2dd: {  	[spmem:s22] =	stream.indirect.scatter.add.f32 [tilespmem:s10], [sflag:$0x4], $0x80, s0, s7, $0xb8;
	[tilespmem:$0x1D100] =	vst v63  }
0x2de: {  	_ =	swait.ge [sflag:s18], $0x2000  }
0x2df: {  	[sflag:s18] =	ssyncset.done $0x0  }
0x2e0: {  	[sflag:s18] =	ssyncadd.s32 $0xFFFFE000  }
0x2e1: {  	_ =	swait.ge [sflag:s30], $0x2000  }
.Ltmp5:
0x2e2: {  	[sflag:s30] =	ssyncset.done $0x0;
	(pc) =	sbr.rel @p0 .LBB2_12-.Ltmp5, $4  }
0x2e3: {  	s0 =	sadd.s32 $0x2880, s12;
	[sflag:s30] =	ssyncadd.s32 $0xFFFFE000  }
0x2e4: {  	[spmem:s22] =	stream.indirect.scatter.add.f32 [tilespmem:s8], [sflag:$0x4], $0x80, s0, s7, $0xb8;
	[tilespmem:$0x1D100] =	vst v63  }
0x2e5: {  	_ =	swait.ge [sflag:s18], $0x2000  }
0x2e6: {  	s0 =	smov.u32 s13;
	[sflag:s18] =	ssyncset.done $0x0  }
0x2e7: {  	s0 =	sshra.s32 s20, $0x2;
	[sflag:s18] =	ssyncadd.s32 $0xFFFFE000  }
0x2e8: {  	[tilespmem:s10], [sflag:$0x2] =	stream.indirect.gather [hbm4b:s28+s7], $0x80, s0, s7, $0xb8;
	[tilespmem:$0x1D100] =	vst v63  }
0x2e9: {  	s12 =	sadd.s32 $0x80, s0  }
0x2ea: {  	[tilespmem:s8], [sflag:$0x3] =	stream.indirect.gather [hbm4b:s28+s7], $0x80, s12, s7, $0xb8;
	[tilespmem:$0x1D100] =	vst v63  }
0x2eb: {  	_ =	swait.ge [sflag:s6], $0x2000  }
0x2ec: {  	[sflag:s6] =	ssyncset.done $0x0  }
0x2ed: {  	s20 =	sadd.s32 $0x2800, s0;
	[sflag:s6] =	ssyncadd.s32 $0xFFFFE000  }
0x2ee: {  	[spmem:s22] =	stream.indirect.scatter.add.f32 [tilespmem:s10], [sflag:$0x4], $0x80, s20, s7, $0xb8;
	[tilespmem:$0x1D100] =	vst v63  }
0x2ef: {  	_ =	swait.ge [sflag:s18], $0x2000  }
0x2f0: {  	[sflag:s18] =	ssyncset.done $0x0  }
0x2f1: {  	[sflag:s18] =	ssyncadd.s32 $0xFFFFE000  }
0x2f2: {  	_ =	swait.ge [sflag:s30], $0x2000  }
0x2f3: {  	[sflag:s30] =	ssyncset.done $0x0  }
0x2f4: {  	s0 =	sadd.s32 $0x2880, s0;
	[sflag:s30] =	ssyncadd.s32 $0xFFFFE000  }
0x2f5: {  	[spmem:s22] =	stream.indirect.scatter.add.f32 [tilespmem:s8], [sflag:$0x4], $0x80, s0, s7, $0xb8;
	[tilespmem:$0x1D100] =	vst v63  }
0x2f6: {  	_ =	swait.ge [sflag:s18], $0x2000  }
0x2f7: {  	[sflag:s18] =	ssyncset.done $0x0  }
0x2f8: {  	[sflag:s18] =	ssyncadd.s32 $0xFFFFE000  }
0x2f9: {  	[bflag:$0x0] =	sbarrier.arrive $0xFFFF  }
0x2fa: {  	s13 =	rddreg [dreg:$0x1a]  }
0x2fb: {  	[tilespmem:s10], [sflag:$0x1] =	stream.linear.gather [spmem:s13], $0x2000, $0x38;
	[tilespmem:$0x1D100] =	vst v63  }
0x2fc: {  	_ =	swait.ge [sflag:s9], $0x2000  }
0x2fd: {  	s20 =	sld [smem:$0x7F4]  }
0x2fe: {  	[sflag:s9] =	ssyncset.done $0x0  }
0x2ff: {  	[sflag:s9] =	ssyncadd.s32 $0xFFFFE000  }
0x300: {  	[hbm4b:s20+s1] =	stream.linear.scatter [tilespmem:s10], [sflag:$0x1], $0x2000, $0x38;
	[tilespmem:$0x1D100] =	vst v63  }
0x301: {  	_ =	swait.ge [sflag:s9], $0x2000  }
0x302: {  	[sflag:s9] =	ssyncset.done $0x0  }
0x303: {  	s12 =	rddreg [dreg:$0x1b];
	[sflag:s9] =	ssyncadd.s32 $0xFFFFE000  }
0x304: {  	[tilespmem:s10], [sflag:$0x1] =	stream.linear.gather [spmem:s12], $0x2000, $0x38;
	[tilespmem:$0x1D100] =	vst v63  }
0x305: {  	_ =	swait.ge [sflag:s9], $0x2000  }
0x306: {  	s13 =	sld [smem:$0x7F5]  }
0x307: {  	[sflag:s9] =	ssyncset.done $0x0  }
0x308: {  	[sflag:s9] =	ssyncadd.s32 $0xFFFFE000  }
0x309: {  	[hbm4b:s13+s1] =	stream.linear.scatter [tilespmem:s10], [sflag:$0x1], $0x2000, $0x38;
	[tilespmem:$0x1D100] =	vst v63  }
0x30a: {  	_ =	swait.ge [sflag:s9], $0x2000  }
0x30b: {  	[sflag:s9] =	ssyncset.done $0x0  }
0x30c: {  	s20 =	rddreg [dreg:$0x1c];
	[sflag:s9] =	ssyncadd.s32 $0xFFFFE000  }
0x30d: {  	[tilespmem:s10], [sflag:$0x1] =	stream.linear.gather [spmem:s20], $0x2000, $0x38;
	[tilespmem:$0x1D100] =	vst v63  }
0x30e: {  	_ =	swait.ge [sflag:s9], $0x2000  }
0x30f: {  	s12 =	sld [smem:$0x7F6]  }
0x310: {  	[sflag:s9] =	ssyncset.done $0x0  }
0x311: {  	[sflag:s9] =	ssyncadd.s32 $0xFFFFE000  }
0x312: {  	[hbm4b:s12+s1] =	stream.linear.scatter [tilespmem:s10], [sflag:$0x1], $0x2000, $0x38;
	[tilespmem:$0x1D100] =	vst v63  }
0x313: {  	_ =	swait.ge [sflag:s9], $0x2000  }
0x314: {  	[sflag:s9] =	ssyncset.done $0x0  }
0x315: {  	s13 =	rddreg [dreg:$0x1d];
	[sflag:s9] =	ssyncadd.s32 $0xFFFFE000  }
0x316: {  	[tilespmem:s10], [sflag:$0x1] =	stream.linear.gather [spmem:s13], $0x2000, $0x38;
	[tilespmem:$0x1D100] =	vst v63  }
0x317: {  	_ =	swait.ge [sflag:s9], $0x2000  }
0x318: {  	s20 =	sld [smem:$0x7F7]  }
0x319: {  	[sflag:s9] =	ssyncset.done $0x0  }
0x31a: {  	[sflag:s9] =	ssyncadd.s32 $0xFFFFE000  }
0x31b: {  	[hbm4b:s20+s1] =	stream.linear.scatter [tilespmem:s10], [sflag:$0x1], $0x2000, $0x38;
	[tilespmem:$0x1D100] =	vst v63  }
0x31c: {  	_ =	swait.ge [sflag:s9], $0x2000  }
0x31d: {  	[sflag:s9] =	ssyncset.done $0x0  }
0x31e: {  	s12 =	rddreg [dreg:$0x1e];
	[sflag:s9] =	ssyncadd.s32 $0xFFFFE000  }
0x31f: {  	[tilespmem:s10], [sflag:$0x1] =	stream.linear.gather [spmem:s12], $0x2000, $0x38;
	[tilespmem:$0x1D100] =	vst v63  }
0x320: {  	_ =	swait.ge [sflag:s9], $0x2000  }
0x321: {  	s13 =	sld [smem:$0x7F8]  }
0x322: {  	[sflag:s9] =	ssyncset.done $0x0  }
0x323: {  	[sflag:s9] =	ssyncadd.s32 $0xFFFFE000  }
0x324: {  	[hbm4b:s13+s1] =	stream.linear.scatter [tilespmem:s10], [sflag:$0x1], $0x2000, $0x38;
	[tilespmem:$0x1D100] =	vst v63  }
0x325: {  	_ =	swait.ge [sflag:s9], $0x2000  }
0x326: {  	[sflag:s9] =	ssyncset.done $0x0  }
0x327: {  	s20 =	rddreg [dreg:$0x1f];
	[sflag:s9] =	ssyncadd.s32 $0xFFFFE000  }
0x328: {  	[tilespmem:s10], [sflag:$0x1] =	stream.linear.gather [spmem:s20], $0x2000, $0x38;
	[tilespmem:$0x1D100] =	vst v63  }
0x329: {  	_ =	swait.ge [sflag:s9], $0x2000  }
0x32a: {  	s12 =	sld [smem:$0x7F9]  }
0x32b: {  	[sflag:s9] =	ssyncset.done $0x0  }
0x32c: {  	[sflag:s9] =	ssyncadd.s32 $0xFFFFE000  }
0x32d: {  	[hbm4b:s12+s1] =	stream.linear.scatter [tilespmem:s10], [sflag:$0x1], $0x2000, $0x38;
	[tilespmem:$0x1D100] =	vst v63  }
0x32e: {  	_ =	swait.ge [sflag:s9], $0x2000  }
0x32f: {  	[sflag:s9] =	ssyncset.done $0x0  }
0x330: {  	[sflag:s9] =	ssyncadd.s32 $0xFFFFE000  }
0x331: {  	[tilespmem:s10], [sflag:$0x1] =	stream.linear.gather [spmem:s14], $0x2000, $0x38;
	[tilespmem:$0x1D100] =	vst v63  }
0x332: {  	_ =	swait.ge [sflag:s9], $0x2000  }
0x333: {  	s13 =	sld [smem:$0x7FA]  }
0x334: {  	[sflag:s9] =	ssyncset.done $0x0  }
0x335: {  	[sflag:s9] =	ssyncadd.s32 $0xFFFFE000  }
0x336: {  	[hbm4b:s13+s1] =	stream.linear.scatter [tilespmem:s10], [sflag:$0x1], $0x2000, $0x38;
	[tilespmem:$0x1D100] =	vst v63  }
0x337: {  	_ =	swait.ge [sflag:s9], $0x2000  }
0x338: {  	[sflag:s9] =	ssyncset.done $0x0  }
0x339: {  	[sflag:s9] =	ssyncadd.s32 $0xFFFFE000  }
0x33a: {  	[tilespmem:s10], [sflag:$0x1] =	stream.linear.gather [spmem:s15], $0x2000, $0x38;
	[tilespmem:$0x1D100] =	vst v63  }
0x33b: {  	_ =	swait.ge [sflag:s9], $0x2000  }
0x33c: {  	s20 =	sld [smem:$0x7FB]  }
0x33d: {  	[sflag:s9] =	ssyncset.done $0x0  }
0x33e: {  	[sflag:s9] =	ssyncadd.s32 $0xFFFFE000  }
0x33f: {  	[hbm4b:s20+s1] =	stream.linear.scatter [tilespmem:s10], [sflag:$0x1], $0x2000, $0x38;
	[tilespmem:$0x1D100] =	vst v63  }
0x340: {  	_ =	swait.ge [sflag:s9], $0x2000  }
0x341: {  	[sflag:s9] =	ssyncset.done $0x0  }
0x342: {  	[sflag:s9] =	ssyncadd.s32 $0xFFFFE000  }
0x343: {  	[tilespmem:s10], [sflag:$0x1] =	stream.linear.gather [spmem:s16], $0x2000, $0x38;
	[tilespmem:$0x1D100] =	vst v63  }
0x344: {  	_ =	swait.ge [sflag:s9], $0x2000  }
0x345: {  	s12 =	sld [smem:$0x7FC]  }
0x346: {  	[sflag:s9] =	ssyncset.done $0x0  }
0x347: {  	[sflag:s9] =	ssyncadd.s32 $0xFFFFE000  }
0x348: {  	[hbm4b:s12+s1] =	stream.linear.scatter [tilespmem:s10], [sflag:$0x1], $0x2000, $0x38;
	[tilespmem:$0x1D100] =	vst v63  }
0x349: {  	_ =	swait.ge [sflag:s9], $0x2000  }
0x34a: {  	[sflag:s9] =	ssyncset.done $0x0  }
0x34b: {  	[sflag:s9] =	ssyncadd.s32 $0xFFFFE000  }
0x34c: {  	[tilespmem:s10], [sflag:$0x1] =	stream.linear.gather [spmem:s17], $0x2000, $0x38;
	[tilespmem:$0x1D100] =	vst v63  }
0x34d: {  	_ =	swait.ge [sflag:s9], $0x2000  }
0x34e: {  	s13 =	sld [smem:$0x7FD]  }
0x34f: {  	[sflag:s9] =	ssyncset.done $0x0  }
0x350: {  	[sflag:s9] =	ssyncadd.s32 $0xFFFFE000  }
0x351: {  	[hbm4b:s13+s1] =	stream.linear.scatter [tilespmem:s10], [sflag:$0x1], $0x2000, $0x38;
	[tilespmem:$0x1D100] =	vst v63  }
0x352: {  	_ =	swait.ge [sflag:s9], $0x2000  }
0x353: {  	s20 =	sld [smem:$0x7E9];
	_ =	sdelay $0x1  }
0x354: {  	s31 =	sadd.s32 $0x1, s31  }
0x355: {  	p0 =	sne.s32 s31, s20  }
.Ltmp6:
0x356: {  	_ = 	snop;
	(pc) =	sbr.rel @p0 .LBB2_1-.Ltmp6, $3  }
0x357: {  	[sflag:s9] =	ssyncset.done $0x0  }
0x358: {  	[sflag:s9] =	ssyncadd.s32 $0xFFFFE000  }
0x359: {  	[bflag:$0x0] =	sbarrier.arrive $0xFFFF;
	_ =	sdelay $0x1  }
0x35a: {  	_ =	sfence.sel $0x180000  }
0x35b: {  	[bflag:$0x0] =	sbarrier.arrive $0xFFFF  }
0x35c: {  	_ =	strace $0x9000004A  }
0x35d: {  	s0 =	stileid.u32;
	[bflag:$0x2] =	sbarrier.arrive $0xFFFF  }
0x35e: {  	p0 =	sne.s32 s0, $0x0;
	s0 =	rddreg [dreg:$0x3]  }
0x35f: {  	s0 =	sadd.s32 @!p0 $0x100000, s0  }
0x360: {  	[sflag:s0] =	ssyncadd.tile.s32 @!p0 $0x1;
	_ =	shalt  }
.Lfunc_end2:
_tile_overlayer_lowered:
.L_overlay_start_2:
0x361: {  	(tag) =	ssettag $0x2  }
0x362: {  	s0 =	rddreg [dreg:$0x0];
	s2 =	stileid.u32  }
0x363: {  	s1 =	rddreg [dreg:$0x1];
	p0 =	sne.s32 s2, $0x0  }
0x364: {  	s3 =	rddreg [dreg:$0x2];
	[bflag:$0x3] =	sbarrier.arrive $0xFFFF;
	s2 =	simm.s32 @!p0 $0x1C04  }
0x365: {  	[timem:s3], [sflag:s2] =	dma.local @!p0 [hbm:s0], s1  }
0x366: {  	s0 =	simm.s32 @!p0 $0x4  }
0x367: {  	_ =	swait.ge @!p0 [sflag:s0], s1  }
0x368: {  	s1 =	ssub.s32 @!p0 $0x0, s1;
	[sflag:s0] =	ssyncset.done @!p0 $0x0  }
0x369: {  	[sflag:s0] =	ssyncadd.s32 @!p0 s1  }
0x36a: {  	[bflag:$0x3] =	sbarrier.arrive $0xFFFF  }
0x36b: {  	_ =	shalt  }

// kernel: kernel.7.cloned.1.call-start
scs
__scs_entry_jumppad:
0x0: {  	(pc) =	sbr.rel $0x88, $3  }
0x1: {  	(tag) =	ssettag $0x0;
	lr =	simm.s32 $0x1  }
0x2: {  	[smem:$0x3F99] =	sst lr;
	_ =	strace $0xD0000000  }
0x3: {  	_ = 	snop  }
0x4: {  	_ = 	snop  }
0x5: {  	_ = 	snop  }
0x6: {  	_ = 	snop  }
0x7: {  	_ = 	snop  }
__scs_overlays_trampoline_lowered:
0x8: {  	[smem:$0x3FA8] =	sst s0  }
0x9: {  	[smem:$0x3FA9] =	sst s1  }
0xa: {  	[smem:$0x3FAA] =	sst s2  }
0xb: {  	[smem:$0x3FAB] =	sst s3  }
0xc: {  	[smem:$0x3FAC] =	sst s4  }
0xd: {  	[smem:$0x3FAD] =	sst s5  }
0xe: {  	[smem:$0x3FAE] =	sst s6  }
0xf: {  	[smem:$0x3FAF] =	sst s7  }
0x10: {  	[smem:$0x3FB0] =	sst s8  }
0x11: {  	[smem:$0x3FB1] =	sst s9;
	s0 =	simm.s32 @!p0 $0x0  }
0x12: {  	s1 =	sld [smem:$0x3F97];
	s0 =	simm.s32 @p0 $0x1  }
0x13: {  	[smem:$0x3FB2] =	sst s0;
	s0 =	simm.s32 @!p1 $0x0  }
0x14: {  	s2 =	sld [smem:$0x3F96];
	s0 =	simm.s32 @p1 $0x1  }
0x15: {  	[smem:$0x3FB3] =	sst s0;
	s0 =	simm.s32 @!p2 $0x0  }
0x16: {  	s3 =	sld [smem:$0x3FDB];
	s0 =	simm.s32 @p2 $0x1  }
0x17: {  	s4 =	simm.s32 $0x1BF5;
	[smem:$0x3FB5] =	sst s0  }
0x18: {  	s0 =	sld [smem:$0x3F98];
	_ =	swait.ge [sflag:s4], $0x0  }
0x19: {  	s7 =	sld [smem:$0x3F99]  }
0x1a: {  	s8 =	sadd.s32 $0xFFFFE003, lr  }
0x1b: {  	s9 =	sadd.s32 $0xFFFFFEF7, lr;
	s5 =	simm.s32 $0xFFFFFFFF;
	p2 =	slt.u32 s8, $0xFFFFF086  }
0x1c: {  	p1 =	slt.u32 s9, $0xF7A;
	s5 =	simm.s32 @!p2 $0x0  }
0x1d: {  	s5 =	simm.s32 @p1 $0x1;
	p0 =	seq.s32 s7, s2  }
0x1e: {  	s7 =	smul.u32 @!p0 $0xF7A, s2;
	p2 =	seq.s32 @!p0 s5, $0x0  }
0x1f: {  	s9 =	smul.u32 $0xF7A, s1;
	s8 =	simm.s32 @!p0 $0x1BF5;
	p2 =	por !p2, p0  }
0x20: {  	[sflag:s8] =	ssyncset.s32 @!p0 $0xFFFFF086;
	s6 =	sadd.s32 @!p0 s3, s7;
	s7 =	simm.s32 @!p0 $0x108  }
0x21: {  	s3 =	sadd.s32 s3, s9;
	s6 =	sadd.s32 @!p0 $0x88, s6;
	s7 =	simm.s32 @p2 $0x1082  }
0x22: {  	[simem:s7], [sflag:s8] =	dma.local @!p0 [hbm:s6], $0xF7A  }
0x23: {  	s9 =	sor.u32 $0xD0000000, s2;
	s6 =	simm.s32 $0x108;
	_ =	swait.ge @!p0 [sflag:s8], $0x0  }
0x24: {  	s3 =	sadd.s32 $0x88, s3;
	s6 =	simm.s32 @!p1 $0x1082;
	[sflag:s4] =	ssyncset.s32 $0xFFFFF086  }
0x25: {  	[simem:s6], [sflag:s4] =	dma.local [hbm:s3], $0xF7A  }
0x26: {  	[smem:$0x3F99] =	sst s1;
	(tag) =	ssettag s2;
	_ =	strace s9  }
0x27: {  	s1 =	sld [smem:$0x3FA9]  }
0x28: {  	s2 =	sld [smem:$0x3FAA]  }
0x29: {  	s4 =	sld [smem:$0x3FAC]  }
0x2a: {  	p0 =	seq.s32 s5, $0x0;
	s5 =	sld [smem:$0x3FAD]  }
0x2b: {  	s6 =	sld [smem:$0x3FAE]  }
0x2c: {  	s7 =	sld [smem:$0x3FAF]  }
0x2d: {  	s3 =	simm.s32 $0x108;
	s8 =	sld [smem:$0x3FB0]  }
0x2e: {  	s3 =	simm.s32 @!p0 $0x1082;
	s9 =	sld [smem:$0x3FB1]  }
0x2f: {  	lr =	sadd.s32 s0, s3;
	s0 =	sld [smem:$0x3FA8]  }
0x30: {  	s3 =	sld [smem:$0x3FAB]  }
0x31: {  	[smem:$0x3FB4] =	sst s10  }
0x32: {  	s10 =	sld [smem:$0x3FB2];
	_ =	sdelay $0x3  }
0x33: {  	p0 =	seq.s32 s10, $0x1;
	s10 =	sld [smem:$0x3FB4];
	_ =	sdelay $0x3  }
0x34: {  	[smem:$0x3FB4] =	sst s10  }
0x35: {  	s10 =	sld [smem:$0x3FB3];
	_ =	sdelay $0x3  }
0x36: {  	p1 =	seq.s32 s10, $0x1;
	s10 =	sld [smem:$0x3FB4];
	_ =	sdelay $0x3  }
0x37: {  	[smem:$0x3FB4] =	sst s10  }
0x38: {  	s10 =	sld [smem:$0x3FB5]  }
0x39: {  	_ = 	snop;
	(pc) =	sbr.ind lr, $3  }
0x3a: {  	_ = 	snop  }
0x3b: {  	_ = 	snop  }
0x3c: {  	p2 =	seq.s32 s10, $0x1;
	s10 =	sld [smem:$0x3FB4]  }
0x3d: {  	_ =	shalt  }
0x3e: {  	_ =	shalt  }
0x3f: {  	_ =	shalt  }
0x40: {  	_ =	shalt  }
0x41: {  	_ =	shalt  }
0x42: {  	_ =	shalt  }
0x43: {  	_ =	shalt  }
0x44: {  	_ =	shalt  }
0x45: {  	_ =	shalt  }
0x46: {  	_ =	shalt  }
0x47: {  	_ =	shalt  }
0x48: {  	_ =	shalt  }
0x49: {  	_ =	shalt  }
0x4a: {  	_ =	shalt  }
0x4b: {  	_ =	shalt  }
0x4c: {  	_ =	shalt  }
0x4d: {  	_ =	shalt  }
0x4e: {  	_ =	shalt  }
0x4f: {  	_ =	shalt  }
0x50: {  	_ =	shalt  }
0x51: {  	_ =	shalt  }
0x52: {  	_ =	shalt  }
0x53: {  	_ =	shalt  }
0x54: {  	_ =	shalt  }
0x55: {  	_ =	shalt  }
0x56: {  	_ =	shalt  }
0x57: {  	_ =	shalt  }
0x58: {  	_ =	shalt  }
0x59: {  	_ =	shalt  }
0x5a: {  	_ =	shalt  }
0x5b: {  	_ =	shalt  }
0x5c: {  	_ =	shalt  }
0x5d: {  	_ =	shalt  }
0x5e: {  	_ =	shalt  }
0x5f: {  	_ =	shalt  }
0x60: {  	_ =	shalt  }
0x61: {  	_ =	shalt  }
0x62: {  	_ =	shalt  }
0x63: {  	_ =	shalt  }
0x64: {  	_ =	shalt  }
0x65: {  	_ =	shalt  }
0x66: {  	_ =	shalt  }
0x67: {  	_ =	shalt  }
0x68: {  	_ =	shalt  }
0x69: {  	_ =	shalt  }
0x6a: {  	_ =	shalt  }
0x6b: {  	_ =	shalt  }
0x6c: {  	_ =	shalt  }
0x6d: {  	_ =	shalt  }
0x6e: {  	_ =	shalt  }
0x6f: {  	_ =	shalt  }
0x70: {  	_ =	shalt  }
0x71: {  	_ =	shalt  }
0x72: {  	_ =	shalt  }
0x73: {  	_ =	shalt  }
0x74: {  	_ =	shalt  }
0x75: {  	_ =	shalt  }
0x76: {  	_ =	shalt  }
0x77: {  	_ =	shalt  }
0x78: {  	_ =	shalt  }
0x79: {  	_ =	shalt  }
0x7a: {  	_ =	shalt  }
0x7b: {  	_ =	shalt  }
0x7c: {  	_ =	shalt  }
0x7d: {  	_ =	shalt  }
0x7e: {  	_ =	shalt  }
0x7f: {  	_ =	shalt  }
0x80: {  	_ =	shalt  }
0x81: {  	_ =	shalt  }
0x82: {  	_ =	shalt  }
0x83: {  	_ =	shalt  }
0x84: {  	_ =	shalt  }
0x85: {  	_ =	shalt  }
0x86: {  	_ =	shalt  }
0x87: {  	_ =	shalt  }
.Lfunc_end0:
.L_simem_size_0:
called_computation_lowered:
.L_overlay_start_0:
0x88: {  	s2 =	sld [smem:$0x3FD9]  }
0x89: {  	s3 =	sld [smem:$0x3FFE];
	_ =	sdelay $0x1  }
0x8a: {  	s1 =	srdreg.scid  }
0x8b: {  	s0 =	sand.u32 $0x1, s1  }
0x8c: {  	s17 =	sshll.u32 s0, $0xA;
	s2 =	sadd.s32 s3, s2  }
0x8d: {  	s2 =	sadd.s32 s2, s17  }
0x8e: {  	[smem:$0x3FC0] =	sst s2  }
0x8f: {  	_ = 	snop  }
0x90: {  	s2 =	sld [smem:$0x3FD0];
	(tm) =	ssettm $0x1  }
0x91: {  	s18 =	sld [smem:$0x3FFB];
	_ =	sdelay $0x3  }
0x92: {  	_ =	strace s18  }
0x93: {  	s3 =	sld [smem:$0x3FFC];
	_ =	sdelay $0x3  }
0x94: {  	_ =	strace s3  }
0x95: {  	s3 =	sld [smem:$0x3FFD];
	_ =	sdelay $0x3  }
0x96: {  	_ =	strace s3  }
0x97: {  	_ =	strace $0x8FFFFFFF  }
0x98: {  	s19 =	sld [smem:$0x3FDB];
	_ =	sdelay $0x1  }
0x99: {  	s4 =	simm.s32 $_scs_section_size  }
0x9a: {  	s5 =	simm.s32 $_size__tile_overlayer_lowered;
	s6 =	simm.s32 $_tile_overlayer_lowered  }
0x9b: {  	s22 =	simm.s32 $0x1BFF;
	s21 =	sshll.u32 s6, $0x1;
	s3 =	sadd.s32 s4, s19  }
0x9c: {  	s7 =	simm.s32 $0x0;
	s20 =	sshll.u32 s5, $0x1;
	s5 =	sadd.s32 s21, s3  }
0x9d: {  	[timem:s7], [sflag:s22] =	dma.local [hbm:s5], s20  }
0x9e: {  	_ =	swait.ge [sflag:s22], s20  }
0x9f: {  	s4 =	ssub.s32 $0x0, s20;
	[sflag:s22] =	ssyncset.done $0x0  }
0xa0: {  	[sflag:s22] =	ssyncadd.s32 s4;
	_ =	sdelay $0x1  }
0xa1: {  	s23 =	simm.s32 $0x1B8B  }
0xa2: {  	_ =	swait.ge [sflag:s23], $0x1  }
0xa3: {  	[sflag:s23] =	ssyncset.done $0x0  }
0xa4: {  	s25 =	simm.s32 $0x1B8E;
	s24 =	sld [smem:$0x3FFE];
	[sflag:s23] =	ssyncadd.s32 $0xFFFFFFFF  }
0xa5: {  	s26 =	simm.s32 $execute0_lowered;
	[smem:$0x3FD2] =	sst s25  }
0xa6: {  	s5 =	sshll.u32 s26, $0x1;
	_ =	strace $0x80000046;
	[dreg:$0x1] =	wrdreg $0xFFFFFFFF  }
0xa7: {  	s28 =	simm.s32 $_size_execute0_lowered;
	s3 =	sadd.s32 s3, s5;
	[dreg:$0x0] =	wrdreg $0x0  }
0xa8: {  	s5 =	sshll.u32 s28, $0x1;
	[dreg:$0x2] =	wrdreg s3  }
0xa9: {  	[dreg:$0x3] =	wrdreg s5  }
0xaa: {  	[dreg:$0x4] =	wrdreg $0xC0  }
0xab: {  	_ =	task [dreg:s7], $0x5FFFF  }
0xac: {  	[dreg:$0x1] =	wrdreg $0xFFFFFFFF  }
0xad: {  	[dreg:$0x0] =	wrdreg $0x60  }
0xae: {  	[dreg:$0x2] =	wrdreg s24  }
0xaf: {  	[dreg:$0x3] =	wrdreg s2  }
0xb0: {  	[dreg:$0x4] =	wrdreg $0x56000  }
0xb1: {  	[dreg:$0x5] =	wrdreg $0x9  }
0xb2: {  	_ =	task.clear_ibuf [dreg:s7], $0x6FFFF;
	_ =	strace $0x90000046  }
0xb3: {  	s29 =	simm.s32 $0x9;
	_ =	strace $0x80000048  }
0xb4: {  	_ =	swait.ge [sflag:s29], $0x1  }
0xb5: {  	[sflag:s29] =	ssyncadd.s32 $0xFFFFFFFF  }
0xb6: {  	_ =	strace $0x90000048  }
0xb7: {  	_ =	sfence  }
0xb8: {  	s30 =	sld [smem:$0x0];
	_ =	sdelay $0x2  }
0xb9: {  	s31 =	sshll.u32 s1, $0xD;
	s1 =	sshrl.u32 s1, $0x2  }
0xba: {  	s3 =	sand.u32 $0x4000, s31;
	s1 =	sadd.s32 s1, s30  }
0xbb: {  	s0 =	sor.u32 s3, s0;
	s1 =	sshll.u32 s1, $0x11  }
0xbc: {  	s0 =	sor.u32 s1, s0  }
0xbd: {  	s0 =	sadd.s32 $0x8F2B, s0  }
0xbe: {  	[sflag:s0] =	ssyncadd.remote.s32 $0x1  }
0xbf: {  	_ =	sfence.sel $0xFFFF  }
0xc0: {  	[dreg:$0x0] =	wrdreg $0xFFFFFFFF;
	(pc) =	sbr.abs _section_cstart, $3  }
0xc1: {  	[dreg:$0x1] =	wrdreg $0xFFFFFFFF  }
0xc2: {  	_ =	task.clear_ibuf [dreg:s7], $0x2FFFF;
	_ =	strace $0x9FFFFFFF  }
0xc3: {  	(tm) =	ssettm $0x7FFFFFFF  }
tec
execute0_lowered:
.L_overlay_start_1:
0x0: {  	(tag) =	ssettag $0x1  }
0x1: {  	s5 =	rddreg [dreg:$0x0]  }
0x2: {  	s1 =	srdreg.scid;
	s9 =	rddreg [dreg:$0x1]  }
0x3: {  	s0 =	stileid.u32;
	s2 =	rddreg [dreg:$0x2];
	s3 =	simm.s32 $0x0  }
0x4: {  	s15 =	simm.s32 $0x5000;
	s16 =	simm.s32 $0x1;
	s17 =	simm.s32 $0x5080  }
0x5: {  	s18 =	simm.s32 $0x40;
	s19 =	simm.s32 $0x2;
	s20 =	simm.s32 $0x5380  }
0x6: {  	s21 =	simm.s32 $0x0;
	s6 =	sand.u32 $0x1, s1;
	s7 =	smul.u32 $0xA40, s0  }
0x7: {  	s31 =	sshll.u32 s0, $0x1;
	[smem:$0x7FF] =	sst s3;
	s8 =	smul.u32 $0x280, s0  }
0x8: {  	s1 =	sor.u32 s6, s31;
	s10 =	smul.u32 $0x7800, s6;
	s6 =	ssub.s32 $0x2, s6  }
0x9: {  	s4 =	smul.u32 $0x5000, s1;
	s1 =	rddreg [dreg:$0x3];
	_ =	strace $0x80000047  }
0xa: {  	s11 =	sshrl.u32 s6, $0x1;
	s7 =	sshrl.u32 s7, $0x2;
	s10 =	sadd.s32 s8, s10  }
0xb: {  	s14 =	ssub.s32 s6, s11;
	s6 =	sadd.s32 s7, s2;
	s8 =	sadd.s32 s8, s2  }
0xc: {  	s4 =	sshrl.u32 s4, $0x3;
	s10 =	sshrl.u32 s10, $0x3;
	s14 =	smax.u32 s14, $0x1  }
0xd: {  	s12 =	sadd.s32 s4, s5;
	s4 =	sadd.s32 $0x3DC00, s5;
	s5 =	sadd.s32 $0x3DE00, s5  }
0xe: {  	s9 =	sadd.s32 s9, s10;
	s7 =	sadd.s32 $0x1C00, s12;
	s10 =	sadd.s32 $0x15C00, s12  }
0xf: {  	s11 =	sadd.s32 $0x500, s9;
	s12 =	sadd.s32 $0x29C00, s12;
	s13 =	sadd.s32 $0xA00, s9  }
.LBB2_1:
0x10: {  	[tilespmem:s15], [sflag:$0x1] =	stream.linear.gather [hbm4b:s5+s3], $0x80, $0x38;
	[tilespmem:$0x5890] =	vst v63  }
0x11: {  	_ =	swait.ge [sflag:s16], $0x80  }
0x12: {  	[sflag:s16] =	ssyncset.done $0x0  }
0x13: {  	[sflag:s16] =	ssyncadd.s32 $0xFFFFFF80  }
0x14: {  	[tilespmem:s17], [sflag:$0x1] =	stream.linear.gather [hbm4b:s4+s3], $0x300, $0x38;
	[tilespmem:$0x5890] =	vst v63  }
0x15: {  	_ =	swait.ge [sflag:s16], $0x300  }
0x16: {  	[sflag:s16] =	ssyncset.done $0x0  }
0x17: {  	[sflag:s16] =	ssyncadd.s32 $0xFFFFFD00  }
0x18: {  	[spmem:s6] =	stream.linear.scatter [tilespmem:s17], [sflag:$0x1], $0x290, $0x38;
	[tilespmem:$0x5890] =	vst v63  }
0x19: {  	_ =	swait.ge [sflag:s16], $0x290  }
0x1a: {  	[sflag:s16] =	ssyncset.done $0x0  }
0x1b: {  	[sflag:s16] =	ssyncadd.s32 $0xFFFFFD70  }
0x1c: {  	[tilespmem:s3], [sflag:$0x1] =	stream.linear.gather [hbm4b:s7+s3], $0x5000, $0x38;
	[tilespmem:$0x5890] =	vst v63  }
0x1d: {  	_ =	swait.ge [sflag:s16], $0x5000  }
0x1e: {  	[sflag:s16] =	ssyncset.done $0x0  }
0x1f: {  	[sflag:s16] =	ssyncadd.s32 $0xFFFFB000  }
0x20: {  	s22 =	simm.s32 $0x0;
	[bflag:$0x0] =	sbarrier.arrive $0xFFFF  }
0x21: {  	[spmem:s2] =	stream.indirect.scatter.add.f32 [tilespmem:s15], [sflag:$0x2], $0x1, s22, s18, $0xb8;
	[tilespmem:$0x5890] =	vst v63  }
0x22: {  	_ =	swait.ge [sflag:s19], $0x40  }
0x23: {  	s22 =	simm.s32 $0x200;
	[sflag:s19] =	ssyncset.done $0x0  }
.LBB2_2:
0x24: {  	s23 =	sshra.s32 s22, $0x2;
	[sflag:s19] =	ssyncadd.s32 $0xFFFFFFC0;
	p0 =	sne.s32 s22, $0x13E00  }
0x25: {  	[spmem:s2] =	stream.indirect.scatter.add.f32 [tilespmem:s15], [sflag:$0x2], $0x1, s23, s18, $0xb8;
	[tilespmem:$0x5890] =	vst v63  }
.Ltmp0:
0x26: {  	_ = 	snop;
	(pc) =	sbr.rel @p0 .LBB2_2-.Ltmp0, $4  }
0x27: {  	_ = 	snop  }
0x28: {  	s22 =	sadd.s32 $0x200, s22  }
0x29: {  	_ =	swait.ge [sflag:s19], $0x40  }
0x2a: {  	[sflag:s19] =	ssyncset.done $0x0  }
0x2b: {  	[sflag:s19] =	ssyncadd.s32 $0xFFFFFFC0  }
0x2c: {  	[bflag:$0x0] =	sbarrier.arrive $0xFFFF  }
0x2d: {  	[tilespmem:s20], [sflag:$0x1] =	stream.linear.gather [spmem:s8], $0x280, $0x38;
	[tilespmem:$0x5890] =	vst v63  }
0x2e: {  	_ =	swait.ge [sflag:s16], $0x280  }
0x2f: {  	[sflag:s16] =	ssyncset.done $0x0  }
0x30: {  	s22 =	simm.s32 $0x0;
	[sflag:s16] =	ssyncadd.s32 $0xFFFFFD80  }
0x31: {  	[hbm4b:s9+s22] =	stream.linear.scatter [tilespmem:s20], [sflag:$0x1], $0x280, $0x38;
	[tilespmem:$0x5890] =	vst v63  }
0x32: {  	_ =	swait.ge [sflag:s16], $0x280  }
0x33: {  	[sflag:s16] =	ssyncset.done $0x0  }
0x34: {  	[sflag:s16] =	ssyncadd.s32 $0xFFFFFD80  }
0x35: {  	[bflag:$0x0] =	sbarrier.arrive $0xFFFF  }
0x36: {  	[spmem:s6] =	stream.linear.scatter [tilespmem:s17], [sflag:$0x1], $0x290, $0x38;
	[tilespmem:$0x5890] =	vst v63  }
0x37: {  	_ =	swait.ge [sflag:s16], $0x290  }
0x38: {  	[sflag:s16] =	ssyncset.done $0x0  }
0x39: {  	[sflag:s16] =	ssyncadd.s32 $0xFFFFFD70  }
0x3a: {  	[tilespmem:s22], [sflag:$0x1] =	stream.linear.gather [hbm4b:s10+s22], $0x5000, $0x38;
	[tilespmem:$0x5890] =	vst v63  }
0x3b: {  	_ =	swait.ge [sflag:s16], $0x5000  }
0x3c: {  	[sflag:s16] =	ssyncset.done $0x0  }
0x3d: {  	[sflag:s16] =	ssyncadd.s32 $0xFFFFB000  }
0x3e: {  	s31 =	simm.s32 $0x0;
	[bflag:$0x0] =	sbarrier.arrive $0xFFFF  }
0x3f: {  	[spmem:s2] =	stream.indirect.scatter.add.f32 [tilespmem:s15], [sflag:$0x2], $0x1, s31, s18, $0xb8;
	[tilespmem:$0x5890] =	vst v63  }
0x40: {  	_ =	swait.ge [sflag:s19], $0x40  }
0x41: {  	s22 =	simm.s32 $0x200;
	[sflag:s19] =	ssyncset.done $0x0  }
.LBB2_4:
0x42: {  	s23 =	sshra.s32 s22, $0x2;
	[sflag:s19] =	ssyncadd.s32 $0xFFFFFFC0;
	p0 =	sne.s32 s22, $0x13E00  }
0x43: {  	[spmem:s2] =	stream.indirect.scatter.add.f32 [tilespmem:s15], [sflag:$0x2], $0x1, s23, s18, $0xb8;
	[tilespmem:$0x5890] =	vst v63  }
.Ltmp1:
0x44: {  	_ = 	snop;
	(pc) =	sbr.rel @p0 .LBB2_4-.Ltmp1, $4  }
0x45: {  	_ = 	snop  }
0x46: {  	s22 =	sadd.s32 $0x200, s22  }
0x47: {  	_ =	swait.ge [sflag:s19], $0x40  }
0x48: {  	[sflag:s19] =	ssyncset.done $0x0  }
0x49: {  	[sflag:s19] =	ssyncadd.s32 $0xFFFFFFC0  }
0x4a: {  	[bflag:$0x0] =	sbarrier.arrive $0xFFFF  }
0x4b: {  	[tilespmem:s20], [sflag:$0x1] =	stream.linear.gather [spmem:s8], $0x280, $0x38;
	[tilespmem:$0x5890] =	vst v63  }
0x4c: {  	_ =	swait.ge [sflag:s16], $0x280  }
0x4d: {  	[sflag:s16] =	ssyncset.done $0x0  }
0x4e: {  	s22 =	simm.s32 $0x0;
	[sflag:s16] =	ssyncadd.s32 $0xFFFFFD80  }
0x4f: {  	[hbm4b:s11+s22] =	stream.linear.scatter [tilespmem:s20], [sflag:$0x1], $0x280, $0x38;
	[tilespmem:$0x5890] =	vst v63  }
0x50: {  	_ =	swait.ge [sflag:s16], $0x280  }
0x51: {  	[sflag:s16] =	ssyncset.done $0x0  }
0x52: {  	[sflag:s16] =	ssyncadd.s32 $0xFFFFFD80  }
0x53: {  	[bflag:$0x0] =	sbarrier.arrive $0xFFFF  }
0x54: {  	[spmem:s6] =	stream.linear.scatter [tilespmem:s17], [sflag:$0x1], $0x290, $0x38;
	[tilespmem:$0x5890] =	vst v63  }
0x55: {  	_ =	swait.ge [sflag:s16], $0x290  }
0x56: {  	[sflag:s16] =	ssyncset.done $0x0  }
0x57: {  	[sflag:s16] =	ssyncadd.s32 $0xFFFFFD70  }
0x58: {  	[tilespmem:s22], [sflag:$0x1] =	stream.linear.gather [hbm4b:s12+s22], $0x5000, $0x38;
	[tilespmem:$0x5890] =	vst v63  }
0x59: {  	_ =	swait.ge [sflag:s16], $0x5000  }
0x5a: {  	[sflag:s16] =	ssyncset.done $0x0  }
0x5b: {  	[sflag:s16] =	ssyncadd.s32 $0xFFFFB000  }
0x5c: {  	s31 =	simm.s32 $0x0;
	[bflag:$0x0] =	sbarrier.arrive $0xFFFF  }
0x5d: {  	[spmem:s2] =	stream.indirect.scatter.add.f32 [tilespmem:s15], [sflag:$0x2], $0x1, s31, s18, $0xb8;
	[tilespmem:$0x5890] =	vst v63  }
0x5e: {  	_ =	swait.ge [sflag:s19], $0x40  }
0x5f: {  	s22 =	simm.s32 $0x200;
	[sflag:s19] =	ssyncset.done $0x0  }
.LBB2_6:
0x60: {  	s23 =	sshra.s32 s22, $0x2;
	[sflag:s19] =	ssyncadd.s32 $0xFFFFFFC0;
	p0 =	sne.s32 s22, $0x13E00  }
0x61: {  	[spmem:s2] =	stream.indirect.scatter.add.f32 [tilespmem:s15], [sflag:$0x2], $0x1, s23, s18, $0xb8;
	[tilespmem:$0x5890] =	vst v63  }
.Ltmp2:
0x62: {  	_ = 	snop;
	(pc) =	sbr.rel @p0 .LBB2_6-.Ltmp2, $4  }
0x63: {  	_ = 	snop  }
0x64: {  	s22 =	sadd.s32 $0x200, s22  }
0x65: {  	_ =	swait.ge [sflag:s19], $0x40  }
0x66: {  	[sflag:s19] =	ssyncset.done $0x0  }
0x67: {  	[sflag:s19] =	ssyncadd.s32 $0xFFFFFFC0  }
0x68: {  	[bflag:$0x0] =	sbarrier.arrive $0xFFFF  }
0x69: {  	[tilespmem:s20], [sflag:$0x1] =	stream.linear.gather [spmem:s8], $0x280, $0x38;
	[tilespmem:$0x5890] =	vst v63  }
0x6a: {  	_ =	swait.ge [sflag:s16], $0x280  }
0x6b: {  	s21 =	sadd.s32 $0x1, s21;
	[sflag:s16] =	ssyncset.done $0x0  }
0x6c: {  	p0 =	sne.s32 s21, s14;
	[sflag:s16] =	ssyncadd.s32 $0xFFFFFD80  }
0x6d: {  	[hbm4b:s13+s3] =	stream.linear.scatter [tilespmem:s20], [sflag:$0x1], $0x280, $0x38;
	[tilespmem:$0x5890] =	vst v63  }
.Ltmp3:
0x6e: {  	_ =	swait.ge [sflag:s16], $0x280;
	(pc) =	sbr.rel @p0 .LBB2_1-.Ltmp3, $3  }
0x6f: {  	[sflag:s16] =	ssyncset.done $0x0  }
0x70: {  	[sflag:s16] =	ssyncadd.s32 $0xFFFFFD80  }
0x71: {  	[bflag:$0x0] =	sbarrier.arrive $0xFFFF;
	_ =	sdelay $0x1  }
0x72: {  	_ =	sfence.sel $0x180000  }
0x73: {  	[bflag:$0x0] =	sbarrier.arrive $0xFFFF  }
0x74: {  	p0 =	sne.s32 s0, $0x0;
	_ =	strace $0x90000047  }
0x75: {  	s0 =	sadd.s32 @!p0 $0x100000, s1;
	[bflag:$0x2] =	sbarrier.arrive $0xFFFF  }
0x76: {  	[sflag:s0] =	ssyncadd.tile.s32 @!p0 $0x1;
	_ =	shalt  }
.Lfunc_end2:
_tile_overlayer_lowered:
.L_overlay_start_2:
0x77: {  	(tag) =	ssettag $0x2  }
0x78: {  	s0 =	rddreg [dreg:$0x0];
	s2 =	stileid.u32  }
0x79: {  	s1 =	rddreg [dreg:$0x1];
	p0 =	sne.s32 s2, $0x0  }
0x7a: {  	s3 =	rddreg [dreg:$0x2];
	[bflag:$0x3] =	sbarrier.arrive $0xFFFF;
	s2 =	simm.s32 @!p0 $0x1C02  }
0x7b: {  	[timem:s3], [sflag:s2] =	dma.local @!p0 [hbm:s0], s1  }
0x7c: {  	s0 =	simm.s32 @!p0 $0x2  }
0x7d: {  	_ =	swait.ge @!p0 [sflag:s0], s1  }
0x7e: {  	s1 =	ssub.s32 @!p0 $0x0, s1;
	[sflag:s0] =	ssyncset.done @!p0 $0x0  }
0x7f: {  	[sflag:s0] =	ssyncadd.s32 @!p0 s1  }
0x80: {  	[bflag:$0x3] =	sbarrier.arrive $0xFFFF  }
0x81: {  	_ =	shalt  }

</sc_bundles>
